<compile_context>
chip_gen: v7x
topology: tpu7x:2x2x1
jax: 0.10.2.dev20260603
libtpu: 0.0.44.dev20260713+nightly
codegen_flags: <defaults>
</compile_context>

<pallas_src>
import jax
import jax.numpy as jnp
from jax import lax
from jax.experimental import pallas as pl
from jax.experimental.pallas import tpu as pltpu
from jax.experimental.pallas import tpu_sc as plsc

BATCH = 4096
SEQ = 200
EMBED_DIM = 64
NUM_CLASS = 4
VOCAB = 1000000
GW = 8

GBLK = 4096
VPAD = 245 * GBLK
VS = 92 * GBLK
VT = VPAD - VS

NUM_WORKERS = 32
ROWS_PER_W = BATCH // NUM_WORKERS
SPLIT = (96, 104)
NBUF = 8

MV_PER_W = VS // NUM_WORKERS
MBLK = 512
NMBLK = MV_PER_W // MBLK

TV_PER_W = VT // NUM_WORKERS
TCH = 2176
NTCH = TV_PER_W // TCH


def _g_body(w_ref, tT_ref, o_ref):
  o_ref[...] = lax.dot_general(w_ref[...], tT_ref[...],
                               (((1,), (0,)), ((), ())),
                               preferred_element_type=jnp.float32)


@jax.jit
def _class_table(table, W):
  return pl.pallas_call(
      _g_body,
      grid=(VT // GBLK,),
      in_specs=[
          pl.BlockSpec((NUM_CLASS, EMBED_DIM), lambda i: (0, 0)),
          pl.BlockSpec((EMBED_DIM, GBLK), lambda i: (0, i + VS // GBLK)),
      ],
      out_specs=pl.BlockSpec((NUM_CLASS, GBLK), lambda i: (0, i)),
      out_shape=jax.ShapeDtypeStruct((NUM_CLASS, VT), jnp.float32),
  )(W, table.T)


def _sc_matmul_kernel(tT_hbm, w_hbm, flat_hbm, wv, buf0, buf1, out_v,
                      isems):
  wid = lax.axis_index("s") * 2 + lax.axis_index("c")
  v0 = wid * MV_PER_W
  lane = lax.iota(jnp.int32, 16)
  lane8 = lane * GW
  bufs = (buf0, buf1)

  pltpu.sync_copy(w_hbm, wv)

  def issue(blk, s):
    pltpu.async_copy(tT_hbm.at[:, pl.ds(v0 + blk * MBLK, MBLK)], bufs[s],
                     isems.at[s])

  def drain(s):
    pltpu.make_async_copy(tT_hbm.at[:, pl.ds(0, MBLK)], bufs[s],
                          isems.at[s]).wait()

  def compute(blk, s):
    buf_v = bufs[s]
    for sub in range(MBLK // 128):
      def dbody(d, accs, sub=sub, buf_v=buf_v):
        wc = [plsc.load_gather(wv, [jnp.full((16,), 0, jnp.int32) + (c * 64)
                                    + d]) for c in range(NUM_CLASS)]
        out = list(accs)
        for g in range(8):
          x = buf_v[d, pl.ds(sub * 128 + g * 16, 16)]
          for c in range(NUM_CLASS):
            out[g * 4 + c] = out[g * 4 + c] + x * wc[c]
        return tuple(out)

      zero = jnp.zeros((16,), jnp.float32)
      accs = lax.fori_loop(0, EMBED_DIM, dbody, (zero,) * 32)
      for g in range(8):
        base = (sub * 128 + g * 16) * GW
        for c in range(NUM_CLASS):
          plsc.store_scatter(out_v, [lane8 + (base + c)], accs[g * 4 + c])

    pltpu.sync_copy(out_v,
                    flat_hbm.at[pl.ds((v0 + blk * MBLK) * GW, MBLK * GW)])

  issue(0, 0)

  @pl.loop(1, NMBLK, step=2)
  def _pair(k0):
    for j in range(2):
      blk = k0 - 1 + j
      s = j
      @pl.when(blk + 1 < NMBLK)
      def _(blk=blk, s=s):
        issue(blk + 1, 1 - s)
      drain(s)
      compute(blk, s)

  drain(0)
  compute(NMBLK - 1, 0)


@jax.jit
def _sc_class_table(table, W):
  mesh = plsc.VectorSubcoreMesh(core_axis_name="c", subcore_axis_name="s")
  f = pl.kernel(
      _sc_matmul_kernel,
      out_type=jax.ShapeDtypeStruct((VS * GW,), jnp.float32),
      mesh=mesh,
      compiler_params=pltpu.CompilerParams(use_tc_tiling_on_sc=True,
                                           needs_layout_passes=False),
      scratch_types=[
          pltpu.VMEM((NUM_CLASS * EMBED_DIM,), jnp.float32),
          pltpu.VMEM((EMBED_DIM, MBLK), jnp.float32),
          pltpu.VMEM((EMBED_DIM, MBLK), jnp.float32),
          pltpu.VMEM((MBLK * GW,), jnp.float32),
          pltpu.SemaphoreType.DMA((2,)),
      ],
  )
  return f(table.T, W.reshape(NUM_CLASS * EMBED_DIM))


NCP = 8
CPCH = VS * GW // NUM_WORKERS // NCP


def _transpose_kernel(gt_hbm, flata_hbm, flat_hbm, buf0, buf1, out0, out1,
                      cp0, cp1, isems, osems, csems, wsems):
  wid = lax.axis_index("s") * 2 + lax.axis_index("c")
  v0 = wid * TV_PER_W
  lane = lax.iota(jnp.int32, 16)
  lane8 = lane * GW
  bufs, outs, cps = (buf0, buf1), (out0, out1), (cp0, cp1)

  def cp_base(k):
    return (wid * NCP + k) * CPCH

  def issue_in(k):
    pltpu.async_copy(gt_hbm.at[:, pl.ds(v0 + k * TCH, TCH)], bufs[k % 2],
                     isems.at[k % 2])

  def wait_in(k):
    pltpu.make_async_copy(gt_hbm.at[:, pl.ds(0, TCH)], bufs[k % 2],
                          isems.at[k % 2]).wait()

  def wait_out(k):
    pltpu.make_async_copy(flata_hbm.at[pl.ds(0, TCH * GW)], outs[k % 2],
                          osems.at[k % 2]).wait()

  def issue_cp_read(k):
    pltpu.async_copy(flata_hbm.at[pl.ds(cp_base(k), CPCH)], cps[k % 2],
                     csems.at[k % 2])

  def wait_cp_read(k):
    pltpu.make_async_copy(flata_hbm.at[pl.ds(0, CPCH)], cps[k % 2],
                          csems.at[k % 2]).wait()

  def wait_cp_write(k):
    pltpu.make_async_copy(flata_hbm.at[pl.ds(0, CPCH)], cps[k % 2],
                          wsems.at[k % 2]).wait()

  issue_in(0)
  issue_cp_read(0)
  issue_in(1)
  issue_cp_read(1)

  for k in range(NTCH):
    wait_in(k)
    if k >= 2:
      wait_out(k)

    out_v = outs[k % 2]

    @pl.loop(0, TCH // 16)
    def _group(g, k=k, out_v=out_v):
      for c in range(NUM_CLASS):
        x = bufs[k % 2][c, pl.ds(g * 16, 16)]
        plsc.store_scatter(out_v, [lane8 + (g * 128 + c)], x)

    pltpu.async_copy(out_v,
                     flat_hbm.at[pl.ds((VS + v0 + k * TCH) * GW, TCH * GW)],
                     osems.at[k % 2])
    if k + 2 < NTCH:
      issue_in(k + 2)

  for k in range(NCP):
    wait_cp_read(k)
    pltpu.async_copy(cps[k % 2], flat_hbm.at[pl.ds(cp_base(k), CPCH)],
                     wsems.at[k % 2])
    if k + 2 < NCP:
      wait_cp_write(k)
      issue_cp_read(k + 2)

  for k in (NCP - 2, NCP - 1):
    wait_cp_write(k)
  for k in (NTCH - 2, NTCH - 1):
    wait_out(k)


@jax.jit
def _flat_class_table(g_t, flat_a):
  mesh = plsc.VectorSubcoreMesh(core_axis_name="c", subcore_axis_name="s")
  f = pl.kernel(
      _transpose_kernel,
      out_type=jax.ShapeDtypeStruct((VPAD * GW,), jnp.float32),
      mesh=mesh,
      compiler_params=pltpu.CompilerParams(use_tc_tiling_on_sc=True,
                                           needs_layout_passes=False),
      scratch_types=[
          pltpu.VMEM((NUM_CLASS, TCH), jnp.float32),
          pltpu.VMEM((NUM_CLASS, TCH), jnp.float32),
          pltpu.VMEM((TCH * GW,), jnp.float32),
          pltpu.VMEM((TCH * GW,), jnp.float32),
          pltpu.VMEM((CPCH,), jnp.float32),
          pltpu.VMEM((CPCH,), jnp.float32),
          pltpu.SemaphoreType.DMA((2,)),
          pltpu.SemaphoreType.DMA((2,)),
          pltpu.SemaphoreType.DMA((2,)),
          pltpu.SemaphoreType.DMA((2,)),
      ],
  )
  return f(g_t, flat_a)


def _make_pooling_kernel():
  def _pooling_kernel(text_hbm, g_hbm, pooled_hbm, idx_v, pooled_v, sems,
                      *rows_bufs):
    wid = lax.axis_index("s") * 2 + lax.axis_index("c")
    base = wid * ROWS_PER_W

    pltpu.sync_copy(text_hbm.at[pl.ds(base * SEQ, ROWS_PER_W * SEQ)], idx_v)

    def issue(row, slot):
      off = 0
      for n in SPLIT:
        pltpu.async_copy(g_hbm.at[idx_v.at[pl.ds(row * SEQ + off, n)]],
                         rows_bufs[slot].at[pl.ds(off, n)], sems.at[slot])
        off += n

    def drain(slot):
      pltpu.make_async_copy(g_hbm.at[pl.ds(0, SEQ)], rows_bufs[slot],
                            sems.at[slot]).wait()

    for s in range(NBUF):
      issue(s, s)

    lane = lax.iota(jnp.int32, 16)
    qrow = lax.shift_right_logical(lane, 2)
    qcol = lax.bitwise_and(lane, 3)

    @pl.loop(0, ROWS_PER_W, step=NBUF)
    def _rows(i0):
      for s in range(NBUF):
        i = i0 + s
        drain(s)

        def body(u, acc, s=s):
          x = plsc.load_gather(rows_bufs[s], [u * 4 + qrow, qcol])
          return acc + x

        acc = lax.fori_loop(0, SEQ // 4, body,
                            jnp.zeros((16,), jnp.float32), unroll=10)
        pooled_v[i] = acc

        @pl.when(i + NBUF < ROWS_PER_W)
        def _():
          issue(i + NBUF, s)

    pltpu.sync_copy(pooled_v, pooled_hbm.at[pl.ds(base, ROWS_PER_W)])

  return _pooling_kernel


@jax.jit
def _pooled_sum(text, g_flat):
  mesh = plsc.VectorSubcoreMesh(core_axis_name="c", subcore_axis_name="s")
  f = pl.kernel(
      _make_pooling_kernel(),
      out_type=jax.ShapeDtypeStruct((BATCH, 16), jnp.float32),
      mesh=mesh,
      compiler_params=pltpu.CompilerParams(use_tc_tiling_on_sc=False,
                                           needs_layout_passes=False),
      scratch_types=[
          pltpu.VMEM((ROWS_PER_W * SEQ,), jnp.int32),
          pltpu.VMEM((ROWS_PER_W, 16), jnp.float32),
          pltpu.SemaphoreType.DMA((NBUF,)),
      ] + [
          pltpu.VMEM((SEQ, GW), jnp.float32) for _ in range(NBUF)
      ],
  )
  return f(text.reshape(BATCH * SEQ), g_flat.reshape(VPAD, GW))


def _linear_body(p_ref, m_ref, b_ref, o_ref):
  o_ref[...] = jnp.dot(p_ref[...], m_ref[...],
                       preferred_element_type=jnp.float32) * (1.0 / SEQ) \
      + b_ref[...]


@jax.jit
def _linear(pooled16, b):
  fold = jnp.tile(jnp.eye(NUM_CLASS, dtype=jnp.float32), (4, 1))
  return pl.pallas_call(
      _linear_body,
      out_shape=jax.ShapeDtypeStruct((BATCH, NUM_CLASS), jnp.float32),
  )(pooled16, fold, b.reshape(1, NUM_CLASS))


def kernel(text, lengths, table, W, b):
  del lengths
  flat_a = _sc_class_table(table, W)
  g_t = _class_table(table, W)
  flat = _flat_class_table(g_t, flat_a)
  pooled16 = _pooled_sum(text, flat)
  return _linear(pooled16, b)

# --- scband reference (transcript-rebuilt; emitter-appended) ---
"""Pipeline reference for scband-text-classifier-52819507806800 (READ-ONLY COPY).

The authoritative reference and input builder live on the scoring server;
editing this copy changes nothing except your own understanding.
"""

import jax, jax.numpy as jnp
import numpy as np

VOCAB = 1000000
EMBED_DIM = 64
NUM_CLASS = 4
BATCH = 4096
SEQ = 200

def setup_inputs(seed: int = 0) -> dict:
    key = jax.random.key(seed)
    k1, k2, k3, k4 = jax.random.split(key, 4)
    text = jax.random.randint(k1, (BATCH, SEQ), 0, VOCAB, dtype=jnp.int64 if jax.config.jax_enable_x64 else jnp.int32)
    lengths = jax.random.randint(k2, (BATCH,), 0, SEQ, dtype=jnp.int64 if jax.config.jax_enable_x64 else jnp.int32)
    table = jax.random.normal(k3, (VOCAB, EMBED_DIM), dtype=jnp.float32) * 0.02
    W = jax.random.normal(k4, (NUM_CLASS, EMBED_DIM), dtype=jnp.float32) * (1.0 / np.sqrt(EMBED_DIM))
    b = jnp.zeros((NUM_CLASS,), dtype=jnp.float32)
    return {"text": text, "lengths": lengths, "table": table, "W": W, "b": b}

def reference(text, lengths, table, W, b):
    # embedding lookup (gather) -> [B, L, D]
    embedded = jnp.take(table, text, axis=0)
    # mean over sequence dim (note: original module ignores `lengths`)
    pooled = embedded.mean(axis=1)
    # linear layer: torch nn.Linear stores weight as [num_class, embed_dim]
    out = pooled @ W.T + b
    return out

if __name__ == "__main__":
    import jax
    _d = setup_inputs()
    print(jax.jit(kernel)(*tuple(_d.values())))

</pallas_src>

<mosaic_0001>
#map = affine_map<(d0, d1) -> (0, 0)>
#map1 = affine_map<(d0, d1) -> (0)>
module attributes {stable_mosaic.version = 14 : i64} {
  func.func @_sc_matmul_kernel(%arg0: i32, %arg1: i32, %arg2: memref<64x1000000xf32, #tpu.memory_space<hbm>>, %arg3: memref<256xf32, #tpu.memory_space<hbm>>, %arg4: memref<3014656xf32, #tpu.memory_space<hbm>>, %arg5: memref<256xf32, #tpu.memory_space<vmem>>, %arg6: memref<64x512xf32, #tpu.memory_space<vmem>>, %arg7: memref<64x512xf32, #tpu.memory_space<vmem>>, %arg8: memref<4096xf32, #tpu.memory_space<vmem>>, %arg9: memref<2x!tpu.dma_semaphore, #tpu.memory_space<semaphore_mem>>) attributes {dimension_semantics = [#tpu.dimension_semantics<core_parallel>, #tpu.dimension_semantics<subcore_parallel>], iteration_bounds = array<i64: 2, 16>, scalar_prefetch = 0 : i64, scratch_operands = 5 : i64, tpu.core_type = #tpu.core_type<sc_vector_subcore>, window_params = [{transform_indices = #map}, {transform_indices = #map1}, {transform_indices = #map1}]} {
    %mul3A = arith.constant 2 : i32
    %mul3A_0 = arith.muli %arg1, %mul3A : i32
    %add3A = arith.addi %mul3A_0, %arg0 : i32
    %mul3A_1 = arith.constant 11776 : i32
    %mul3A_2 = arith.muli %add3A, %mul3A_1 : i32
    %iota3A = tpu.iota {dimensions = array<i32: 0>} : vector<16xi32>
    %mul3A_3 = arith.constant 8 : i32
    %mul3A_4 = vector.broadcast %mul3A_3 : i32 to vector<16xi32>
    %mul3A_5 = arith.muli %iota3A, %mul3A_4 : vector<16xi32>
    "tpu.region"() ({
      %run_scoped3A = tpu.sem_alloc : memref<!tpu.dma_semaphore, #tpu.memory_space<semaphore_mem>>
      tpu.enqueue_dma source(%arg3 : memref<256xf32, #tpu.memory_space<hbm>>) target(%arg5 : memref<256xf32, #tpu.memory_space<vmem>>) target_semaphore(%run_scoped3A : memref<!tpu.dma_semaphore, #tpu.memory_space<semaphore_mem>>)
      tpu.wait_dma2 semaphore(%run_scoped3A : memref<!tpu.dma_semaphore, #tpu.memory_space<semaphore_mem>>) src(%arg3 : memref<256xf32, #tpu.memory_space<hbm>>) dst(%arg5 : memref<256xf32, #tpu.memory_space<vmem>>)
      tpu.yield
    }) : () -> ()
    %add3A_6 = arith.constant 0 : i32
    %add3A_7 = arith.addi %mul3A_2, %add3A_6 : i32
    %dma_start3A = arith.constant 0 : i32
    %dma_start3A_8 = arith.constant 0 : i32
    %dma_start3A_9 = tpu.memref_slice %arg2[%dma_start3A_8, %add3A_7] : memref<64x1000000xf32, #tpu.memory_space<hbm>> -> memref<64x512xf32, #tpu.memory_space<hbm>>
    %dma_start3A_10 = tpu.memref_slice %arg9[%dma_start3A] : memref<2x!tpu.dma_semaphore, #tpu.memory_space<semaphore_mem>> -> memref<1x!tpu.dma_semaphore, #tpu.memory_space<semaphore_mem>>
    %dma_start3A_11 = tpu.memref_squeeze %dma_start3A_10 : memref<1x!tpu.dma_semaphore, #tpu.memory_space<semaphore_mem>> -> memref<!tpu.dma_semaphore, #tpu.memory_space<semaphore_mem>>
    %dma_start3A_12 = arith.constant 0 : i32
    %dma_start3A_13 = tpu.memref_slice %arg2[%dma_start3A_12, %add3A_7] : memref<64x1000000xf32, #tpu.memory_space<hbm>> -> memref<64x512xf32, #tpu.memory_space<hbm>>
    tpu.enqueue_dma source(%dma_start3A_13 : memref<64x512xf32, #tpu.memory_space<hbm>>) target(%arg6 : memref<64x512xf32, #tpu.memory_space<vmem>>) target_semaphore(%dma_start3A_11 : memref<!tpu.dma_semaphore, #tpu.memory_space<semaphore_mem>>)
    %scan3A = arith.constant 0 : i32
    %scan3A_14 = arith.constant 11 : i32
    %scan3A_15 = arith.addi %scan3A, %scan3A_14 : i32
    %scan3A_16 = arith.constant 1 : i32
    scf.for %scan3A_445 = %scan3A to %scan3A_15 step %scan3A_16  : i32 {
      %mul3A_446 = arith.constant 2 : i32
      %mul3A_447 = arith.muli %scan3A_445, %mul3A_446 : i32
      %add3A_448 = arith.constant 1 : i32
      %add3A_449 = arith.addi %add3A_448, %mul3A_447 : i32
      %sub3A = arith.constant 1 : i32
      %sub3A_450 = arith.subi %add3A_449, %sub3A : i32
      %add3A_451 = arith.constant 0 : i32
      %add3A_452 = arith.addi %sub3A_450, %add3A_451 : i32
      %add3A_453 = arith.constant 1 : i32
      %add3A_454 = arith.addi %add3A_452, %add3A_453 : i32
      %lt3A = arith.constant 23 : i32
      %lt3A_455 = arith.cmpi slt, %add3A_454, %lt3A : i32
      %convert_element_type3A = arith.extui %lt3A_455 : i1 to i32
      %cond3A = arith.constant 0 : i32
      %cond3A_456 = arith.cmpi ne, %convert_element_type3A, %cond3A : i32
      scf.if %cond3A_456 {
        %add3A_1328 = arith.constant 1 : i32
        %add3A_1329 = arith.addi %add3A_452, %add3A_1328 : i32
        %mul3A_1330 = arith.constant 512 : i32
        %mul3A_1331 = arith.muli %add3A_1329, %mul3A_1330 : i32
        %add3A_1332 = arith.addi %mul3A_2, %mul3A_1331 : i32
        %dma_start3A_1333 = arith.constant 1 : i32
        %dma_start3A_1334 = arith.constant 0 : i32
        %dma_start3A_1335 = tpu.memref_slice %arg2[%dma_start3A_1334, %add3A_1332] : memref<64x1000000xf32, #tpu.memory_space<hbm>> -> memref<64x512xf32, #tpu.memory_space<hbm>>
        %dma_start3A_1336 = tpu.memref_slice %arg9[%dma_start3A_1333] : memref<2x!tpu.dma_semaphore, #tpu.memory_space<semaphore_mem>> -> memref<1x!tpu.dma_semaphore, #tpu.memory_space<semaphore_mem>>
        %dma_start3A_1337 = tpu.memref_squeeze %dma_start3A_1336 : memref<1x!tpu.dma_semaphore, #tpu.memory_space<semaphore_mem>> -> memref<!tpu.dma_semaphore, #tpu.memory_space<semaphore_mem>>
        %dma_start3A_1338 = arith.constant 0 : i32
        %dma_start3A_1339 = tpu.memref_slice %arg2[%dma_start3A_1338, %add3A_1332] : memref<64x1000000xf32, #tpu.memory_space<hbm>> -> memref<64x512xf32, #tpu.memory_space<hbm>>
        tpu.enqueue_dma source(%dma_start3A_1339 : memref<64x512xf32, #tpu.memory_space<hbm>>) target(%arg7 : memref<64x512xf32, #tpu.memory_space<vmem>>) target_semaphore(%dma_start3A_1337 : memref<!tpu.dma_semaphore, #tpu.memory_space<semaphore_mem>>)
      } else {
      }
      %dma_wait3A_457 = arith.constant 0 : i32
      %dma_wait3A_458 = arith.constant 0 : i32
      %dma_wait3A_459 = arith.constant 0 : i32
      %dma_wait3A_460 = tpu.memref_slice %arg2[%dma_wait3A_458, %dma_wait3A_459] : memref<64x1000000xf32, #tpu.memory_space<hbm>> -> memref<64x512xf32, #tpu.memory_space<hbm>>
      %dma_wait3A_461 = tpu.memref_slice %arg9[%dma_wait3A_457] : memref<2x!tpu.dma_semaphore, #tpu.memory_space<semaphore_mem>> -> memref<1x!tpu.dma_semaphore, #tpu.memory_space<semaphore_mem>>
      %dma_wait3A_462 = tpu.memref_squeeze %dma_wait3A_461 : memref<1x!tpu.dma_semaphore, #tpu.memory_space<semaphore_mem>> -> memref<!tpu.dma_semaphore, #tpu.memory_space<semaphore_mem>>
      %dma_wait3A_463 = arith.constant 0 : i32
      %dma_wait3A_464 = arith.constant 0 : i32
      %dma_wait3A_465 = tpu.memref_slice %arg2[%dma_wait3A_463, %dma_wait3A_464] : memref<64x1000000xf32, #tpu.memory_space<hbm>> -> memref<64x512xf32, #tpu.memory_space<hbm>>
      tpu.wait_dma2 semaphore(%dma_wait3A_462 : memref<!tpu.dma_semaphore, #tpu.memory_space<semaphore_mem>>) src(%dma_wait3A_465 : memref<64x512xf32, #tpu.memory_space<hbm>>) dst(%arg6 : memref<64x512xf32, #tpu.memory_space<vmem>>)
      %broadcast_in_dim3A_466 = arith.constant 0.000000e+00 : f32
      %broadcast_in_dim3A_467 = vector.broadcast %broadcast_in_dim3A_466 : f32 to vector<16xf32>
      %scan3A_468 = arith.constant 0 : i32
      %scan3A_469 = arith.constant 64 : i32
      %scan3A_470 = arith.addi %scan3A_468, %scan3A_469 : i32
      %scan3A_471 = arith.constant 1 : i32
      %scan3A_472:32 = scf.for %scan3A_1328 = %scan3A_468 to %scan3A_470 step %scan3A_471 iter_args(%scan3A_1329 = %broadcast_in_dim3A_467, %scan3A_1330 = %broadcast_in_dim3A_467, %scan3A_1331 = %broadcast_in_dim3A_467, %scan3A_1332 = %broadcast_in_dim3A_467, %scan3A_1333 = %broadcast_in_dim3A_467, %scan3A_1334 = %broadcast_in_dim3A_467, %scan3A_1335 = %broadcast_in_dim3A_467, %scan3A_1336 = %broadcast_in_dim3A_467, %scan3A_1337 = %broadcast_in_dim3A_467, %scan3A_1338 = %broadcast_in_dim3A_467, %scan3A_1339 = %broadcast_in_dim3A_467, %scan3A_1340 = %broadcast_in_dim3A_467, %scan3A_1341 = %broadcast_in_dim3A_467, %scan3A_1342 = %broadcast_in_dim3A_467, %scan3A_1343 = %broadcast_in_dim3A_467, %scan3A_1344 = %broadcast_in_dim3A_467, %scan3A_1345 = %broadcast_in_dim3A_467, %scan3A_1346 = %broadcast_in_dim3A_467, %scan3A_1347 = %broadcast_in_dim3A_467, %scan3A_1348 = %broadcast_in_dim3A_467, %scan3A_1349 = %broadcast_in_dim3A_467, %scan3A_1350 = %broadcast_in_dim3A_467, %scan3A_1351 = %broadcast_in_dim3A_467, %scan3A_1352 = %broadcast_in_dim3A_467, %scan3A_1353 = %broadcast_in_dim3A_467, %scan3A_1354 = %broadcast_in_dim3A_467, %scan3A_1355 = %broadcast_in_dim3A_467, %scan3A_1356 = %broadcast_in_dim3A_467, %scan3A_1357 = %broadcast_in_dim3A_467, %scan3A_1358 = %broadcast_in_dim3A_467, %scan3A_1359 = %broadcast_in_dim3A_467, %scan3A_1360 = %broadcast_in_dim3A_467) -> (vector<16xf32>, vector<16xf32>, vector<16xf32>, vector<16xf32>, vector<16xf32>, vector<16xf32>, vector<16xf32>, vector<16xf32>, vector<16xf32>, vector<16xf32>, vector<16xf32>, vector<16xf32>, vector<16xf32>, vector<16xf32>, vector<16xf32>, vector<16xf32>, vector<16xf32>, vector<16xf32>, vector<16xf32>, vector<16xf32>, vector<16xf32>, vector<16xf32>, vector<16xf32>, vector<16xf32>, vector<16xf32>, vector<16xf32>, vector<16xf32>, vector<16xf32>, vector<16xf32>, vector<16xf32>, vector<16xf32>, vector<16xf32>)  : i32 {
        %broadcast_in_dim3A_1361 = arith.constant 0 : i32
        %broadcast_in_dim3A_1362 = vector.broadcast %broadcast_in_dim3A_1361 : i32 to vector<16xi32>
        %add3A_1363 = arith.constant 0 : i32
        %add3A_1364 = vector.broadcast %add3A_1363 : i32 to vector<16xi32>
        %add3A_1365 = arith.addi %broadcast_in_dim3A_1362, %add3A_1364 : vector<16xi32>
        %add3A_1366 = vector.broadcast %scan3A_1328 : i32 to vector<16xi32>
        %add3A_1367 = arith.addi %add3A_1365, %add3A_1366 : vector<16xi32>
        %gather3A = tpu.vector_load_idx %arg5[%add3A_1367] : memref<256xf32, #tpu.memory_space<vmem>>[vector<16xi32>], vector<16xf32>,
        %broadcast_in_dim3A_1368 = arith.constant 0 : i32
        %broadcast_in_dim3A_1369 = vector.broadcast %broadcast_in_dim3A_1368 : i32 to vector<16xi32>
        %add3A_1370 = arith.constant 64 : i32
        %add3A_1371 = vector.broadcast %add3A_1370 : i32 to vector<16xi32>
        %add3A_1372 = arith.addi %broadcast_in_dim3A_1369, %add3A_1371 : vector<16xi32>
        %add3A_1373 = vector.broadcast %scan3A_1328 : i32 to vector<16xi32>
        %add3A_1374 = arith.addi %add3A_1372, %add3A_1373 : vector<16xi32>
        %gather3A_1375 = tpu.vector_load_idx %arg5[%add3A_1374] : memref<256xf32, #tpu.memory_space<vmem>>[vector<16xi32>], vector<16xf32>,
        %broadcast_in_dim3A_1376 = arith.constant 0 : i32
        %broadcast_in_dim3A_1377 = vector.broadcast %broadcast_in_dim3A_1376 : i32 to vector<16xi32>
        %add3A_1378 = arith.constant 128 : i32
        %add3A_1379 = vector.broadcast %add3A_1378 : i32 to vector<16xi32>
        %add3A_1380 = arith.addi %broadcast_in_dim3A_1377, %add3A_1379 : vector<16xi32>
        %add3A_1381 = vector.broadcast %scan3A_1328 : i32 to vector<16xi32>
        %add3A_1382 = arith.addi %add3A_1380, %add3A_1381 : vector<16xi32>
        %gather3A_1383 = tpu.vector_load_idx %arg5[%add3A_1382] : memref<256xf32, #tpu.memory_space<vmem>>[vector<16xi32>], vector<16xf32>,
        %broadcast_in_dim3A_1384 = arith.constant 0 : i32
        %broadcast_in_dim3A_1385 = vector.broadcast %broadcast_in_dim3A_1384 : i32 to vector<16xi32>
        %add3A_1386 = arith.constant 192 : i32
        %add3A_1387 = vector.broadcast %add3A_1386 : i32 to vector<16xi32>
        %add3A_1388 = arith.addi %broadcast_in_dim3A_1385, %add3A_1387 : vector<16xi32>
        %add3A_1389 = vector.broadcast %scan3A_1328 : i32 to vector<16xi32>
        %add3A_1390 = arith.addi %add3A_1388, %add3A_1389 : vector<16xi32>
        %gather3A_1391 = tpu.vector_load_idx %arg5[%add3A_1390] : memref<256xf32, #tpu.memory_space<vmem>>[vector<16xi32>], vector<16xf32>,
        %get3A = arith.index_cast %scan3A_1328 : i32 to index
        %get3A_1392 = arith.constant 0 : index
        %get3A_1393 = tpu.vector_load %arg6[%get3A, %get3A_1392] {strides = array<i32>} : memref<64x512xf32, #tpu.memory_space<vmem>>, vector<16xf32>,
        %mul3A_1394 = arith.mulf %get3A_1393, %gather3A : vector<16xf32>
        %add3A_1395 = arith.addf %scan3A_1329, %mul3A_1394 : vector<16xf32>
        %mul3A_1396 = arith.mulf %get3A_1393, %gather3A_1375 : vector<16xf32>
        %add3A_1397 = arith.addf %scan3A_1330, %mul3A_1396 : vector<16xf32>
        %mul3A_1398 = arith.mulf %get3A_1393, %gather3A_1383 : vector<16xf32>
        %add3A_1399 = arith.addf %scan3A_1331, %mul3A_1398 : vector<16xf32>
        %mul3A_1400 = arith.mulf %get3A_1393, %gather3A_1391 : vector<16xf32>
        %add3A_1401 = arith.addf %scan3A_1332, %mul3A_1400 : vector<16xf32>
        %get3A_1402 = arith.index_cast %scan3A_1328 : i32 to index
        %get3A_1403 = arith.constant 16 : index
        %get3A_1404 = tpu.vector_load %arg6[%get3A_1402, %get3A_1403] {strides = array<i32>} : memref<64x512xf32, #tpu.memory_space<vmem>>, vector<16xf32>,
        %mul3A_1405 = arith.mulf %get3A_1404, %gather3A : vector<16xf32>
        %add3A_1406 = arith.addf %scan3A_1333, %mul3A_1405 : vector<16xf32>
        %mul3A_1407 = arith.mulf %get3A_1404, %gather3A_1375 : vector<16xf32>
        %add3A_1408 = arith.addf %scan3A_1334, %mul3A_1407 : vector<16xf32>
        %mul3A_1409 = arith.mulf %get3A_1404, %gather3A_1383 : vector<16xf32>
        %add3A_1410 = arith.addf %scan3A_1335, %mul3A_1409 : vector<16xf32>
        %mul3A_1411 = arith.mulf %get3A_1404, %gather3A_1391 : vector<16xf32>
        %add3A_1412 = arith.addf %scan3A_1336, %mul3A_1411 : vector<16xf32>
        %get3A_1413 = arith.index_cast %scan3A_1328 : i32 to index
        %get3A_1414 = arith.constant 32 : index
        %get3A_1415 = tpu.vector_load %arg6[%get3A_1413, %get3A_1414] {strides = array<i32>} : memref<64x512xf32, #tpu.memory_space<vmem>>, vector<16xf32>,
        %mul3A_1416 = arith.mulf %get3A_1415, %gather3A : vector<16xf32>
        %add3A_1417 = arith.addf %scan3A_1337, %mul3A_1416 : vector<16xf32>
        %mul3A_1418 = arith.mulf %get3A_1415, %gather3A_1375 : vector<16xf32>
        %add3A_1419 = arith.addf %scan3A_1338, %mul3A_1418 : vector<16xf32>
        %mul3A_1420 = arith.mulf %get3A_1415, %gather3A_1383 : vector<16xf32>
        %add3A_1421 = arith.addf %scan3A_1339, %mul3A_1420 : vector<16xf32>
        %mul3A_1422 = arith.mulf %get3A_1415, %gather3A_1391 : vector<16xf32>
        %add3A_1423 = arith.addf %scan3A_1340, %mul3A_1422 : vector<16xf32>
        %get3A_1424 = arith.index_cast %scan3A_1328 : i32 to index
        %get3A_1425 = arith.constant 48 : index
        %get3A_1426 = tpu.vector_load %arg6[%get3A_1424, %get3A_1425] {strides = array<i32>} : memref<64x512xf32, #tpu.memory_space<vmem>>, vector<16xf32>,
        %mul3A_1427 = arith.mulf %get3A_1426, %gather3A : vector<16xf32>
        %add3A_1428 = arith.addf %scan3A_1341, %mul3A_1427 : vector<16xf32>
        %mul3A_1429 = arith.mulf %get3A_1426, %gather3A_1375 : vector<16xf32>
        %add3A_1430 = arith.addf %scan3A_1342, %mul3A_1429 : vector<16xf32>
        %mul3A_1431 = arith.mulf %get3A_1426, %gather3A_1383 : vector<16xf32>
        %add3A_1432 = arith.addf %scan3A_1343, %mul3A_1431 : vector<16xf32>
        %mul3A_1433 = arith.mulf %get3A_1426, %gather3A_1391 : vector<16xf32>
        %add3A_1434 = arith.addf %scan3A_1344, %mul3A_1433 : vector<16xf32>
        %get3A_1435 = arith.index_cast %scan3A_1328 : i32 to index
        %get3A_1436 = arith.constant 64 : index
        %get3A_1437 = tpu.vector_load %arg6[%get3A_1435, %get3A_1436] {strides = array<i32>} : memref<64x512xf32, #tpu.memory_space<vmem>>, vector<16xf32>,
        %mul3A_1438 = arith.mulf %get3A_1437, %gather3A : vector<16xf32>
        %add3A_1439 = arith.addf %scan3A_1345, %mul3A_1438 : vector<16xf32>
        %mul3A_1440 = arith.mulf %get3A_1437, %gather3A_1375 : vector<16xf32>
        %add3A_1441 = arith.addf %scan3A_1346, %mul3A_1440 : vector<16xf32>
        %mul3A_1442 = arith.mulf %get3A_1437, %gather3A_1383 : vector<16xf32>
        %add3A_1443 = arith.addf %scan3A_1347, %mul3A_1442 : vector<16xf32>
        %mul3A_1444 = arith.mulf %get3A_1437, %gather3A_1391 : vector<16xf32>
        %add3A_1445 = arith.addf %scan3A_1348, %mul3A_1444 : vector<16xf32>
        %get3A_1446 = arith.index_cast %scan3A_1328 : i32 to index
        %get3A_1447 = arith.constant 80 : index
        %get3A_1448 = tpu.vector_load %arg6[%get3A_1446, %get3A_1447] {strides = array<i32>} : memref<64x512xf32, #tpu.memory_space<vmem>>, vector<16xf32>,
        %mul3A_1449 = arith.mulf %get3A_1448, %gather3A : vector<16xf32>
        %add3A_1450 = arith.addf %scan3A_1349, %mul3A_1449 : vector<16xf32>
        %mul3A_1451 = arith.mulf %get3A_1448, %gather3A_1375 : vector<16xf32>
        %add3A_1452 = arith.addf %scan3A_1350, %mul3A_1451 : vector<16xf32>
        %mul3A_1453 = arith.mulf %get3A_1448, %gather3A_1383 : vector<16xf32>
        %add3A_1454 = arith.addf %scan3A_1351, %mul3A_1453 : vector<16xf32>
        %mul3A_1455 = arith.mulf %get3A_1448, %gather3A_1391 : vector<16xf32>
        %add3A_1456 = arith.addf %scan3A_1352, %mul3A_1455 : vector<16xf32>
        %get3A_1457 = arith.index_cast %scan3A_1328 : i32 to index
        %get3A_1458 = arith.constant 96 : index
        %get3A_1459 = tpu.vector_load %arg6[%get3A_1457, %get3A_1458] {strides = array<i32>} : memref<64x512xf32, #tpu.memory_space<vmem>>, vector<16xf32>,
        %mul3A_1460 = arith.mulf %get3A_1459, %gather3A : vector<16xf32>
        %add3A_1461 = arith.addf %scan3A_1353, %mul3A_1460 : vector<16xf32>
        %mul3A_1462 = arith.mulf %get3A_1459, %gather3A_1375 : vector<16xf32>
        %add3A_1463 = arith.addf %scan3A_1354, %mul3A_1462 : vector<16xf32>
        %mul3A_1464 = arith.mulf %get3A_1459, %gather3A_1383 : vector<16xf32>
        %add3A_1465 = arith.addf %scan3A_1355, %mul3A_1464 : vector<16xf32>
        %mul3A_1466 = arith.mulf %get3A_1459, %gather3A_1391 : vector<16xf32>
        %add3A_1467 = arith.addf %scan3A_1356, %mul3A_1466 : vector<16xf32>
        %get3A_1468 = arith.index_cast %scan3A_1328 : i32 to index
        %get3A_1469 = arith.constant 112 : index
        %get3A_1470 = tpu.vector_load %arg6[%get3A_1468, %get3A_1469] {strides = array<i32>} : memref<64x512xf32, #tpu.memory_space<vmem>>, vector<16xf32>,
        %mul3A_1471 = arith.mulf %get3A_1470, %gather3A : vector<16xf32>
        %add3A_1472 = arith.addf %scan3A_1357, %mul3A_1471 : vector<16xf32>
        %mul3A_1473 = arith.mulf %get3A_1470, %gather3A_1375 : vector<16xf32>
        %add3A_1474 = arith.addf %scan3A_1358, %mul3A_1473 : vector<16xf32>
        %mul3A_1475 = arith.mulf %get3A_1470, %gather3A_1383 : vector<16xf32>
        %add3A_1476 = arith.addf %scan3A_1359, %mul3A_1475 : vector<16xf32>
        %mul3A_1477 = arith.mulf %get3A_1470, %gather3A_1391 : vector<16xf32>
        %add3A_1478 = arith.addf %scan3A_1360, %mul3A_1477 : vector<16xf32>
        scf.yield %add3A_1395, %add3A_1397, %add3A_1399, %add3A_1401, %add3A_1406, %add3A_1408, %add3A_1410, %add3A_1412, %add3A_1417, %add3A_1419, %add3A_1421, %add3A_1423, %add3A_1428, %add3A_1430, %add3A_1432, %add3A_1434, %add3A_1439, %add3A_1441, %add3A_1443, %add3A_1445, %add3A_1450, %add3A_1452, %add3A_1454, %add3A_1456, %add3A_1461, %add3A_1463, %add3A_1465, %add3A_1467, %add3A_1472, %add3A_1474, %add3A_1476, %add3A_1478 : vector<16xf32>, vector<16xf32>, vector<16xf32>, vector<16xf32>, vector<16xf32>, vector<16xf32>, vector<16xf32>, vector<16xf32>, vector<16xf32>, vector<16xf32>, vector<16xf32>, vector<16xf32>, vector<16xf32>, vector<16xf32>, vector<16xf32>, vector<16xf32>, vector<16xf32>, vector<16xf32>, vector<16xf32>, vector<16xf32>, vector<16xf32>, vector<16xf32>, vector<16xf32>, vector<16xf32>, vector<16xf32>, vector<16xf32>, vector<16xf32>, vector<16xf32>, vector<16xf32>, vector<16xf32>, vector<16xf32>, vector<16xf32>
      }
      %scan3A_473 = arith.constant 64 : i32
      %add3A_474 = arith.constant 0 : i32
      %add3A_475 = vector.broadcast %add3A_474 : i32 to vector<16xi32>
      %add3A_476 = arith.addi %mul3A_5, %add3A_475 : vector<16xi32>
      tpu.vector_store_idx %arg8[%add3A_476], %scan3A_472#0 : memref<4096xf32, #tpu.memory_space<vmem>>[vector<16xi32>], vector<16xf32>,
      %add3A_477 = arith.constant 1 : i32
      %add3A_478 = vector.broadcast %add3A_477 : i32 to vector<16xi32>
      %add3A_479 = arith.addi %mul3A_5, %add3A_478 : vector<16xi32>
      tpu.vector_store_idx %arg8[%add3A_479], %scan3A_472#1 : memref<4096xf32, #tpu.memory_space<vmem>>[vector<16xi32>], vector<16xf32>,
      %add3A_480 = arith.constant 2 : i32
      %add3A_481 = vector.broadcast %add3A_480 : i32 to vector<16xi32>
      %add3A_482 = arith.addi %mul3A_5, %add3A_481 : vector<16xi32>
      tpu.vector_store_idx %arg8[%add3A_482], %scan3A_472#2 : memref<4096xf32, #tpu.memory_space<vmem>>[vector<16xi32>], vector<16xf32>,
      %add3A_483 = arith.constant 3 : i32
      %add3A_484 = vector.broadcast %add3A_483 : i32 to vector<16xi32>
      %add3A_485 = arith.addi %mul3A_5, %add3A_484 : vector<16xi32>
      tpu.vector_store_idx %arg8[%add3A_485], %scan3A_472#3 : memref<4096xf32, #tpu.memory_space<vmem>>[vector<16xi32>], vector<16xf32>,
      %add3A_486 = arith.constant 128 : i32
      %add3A_487 = vector.broadcast %add3A_486 : i32 to vector<16xi32>
      %add3A_488 = arith.addi %mul3A_5, %add3A_487 : vector<16xi32>
      tpu.vector_store_idx %arg8[%add3A_488], %scan3A_472#4 : memref<4096xf32, #tpu.memory_space<vmem>>[vector<16xi32>], vector<16xf32>,
      %add3A_489 = arith.constant 129 : i32
      %add3A_490 = vector.broadcast %add3A_489 : i32 to vector<16xi32>
      %add3A_491 = arith.addi %mul3A_5, %add3A_490 : vector<16xi32>
      tpu.vector_store_idx %arg8[%add3A_491], %scan3A_472#5 : memref<4096xf32, #tpu.memory_space<vmem>>[vector<16xi32>], vector<16xf32>,
      %add3A_492 = arith.constant 130 : i32
      %add3A_493 = vector.broadcast %add3A_492 : i32 to vector<16xi32>
      %add3A_494 = arith.addi %mul3A_5, %add3A_493 : vector<16xi32>
      tpu.vector_store_idx %arg8[%add3A_494], %scan3A_472#6 : memref<4096xf32, #tpu.memory_space<vmem>>[vector<16xi32>], vector<16xf32>,
      %add3A_495 = arith.constant 131 : i32
      %add3A_496 = vector.broadcast %add3A_495 : i32 to vector<16xi32>
      %add3A_497 = arith.addi %mul3A_5, %add3A_496 : vector<16xi32>
      tpu.vector_store_idx %arg8[%add3A_497], %scan3A_472#7 : memref<4096xf32, #tpu.memory_space<vmem>>[vector<16xi32>], vector<16xf32>,
      %add3A_498 = arith.constant 256 : i32
      %add3A_499 = vector.broadcast %add3A_498 : i32 to vector<16xi32>
      %add3A_500 = arith.addi %mul3A_5, %add3A_499 : vector<16xi32>
      tpu.vector_store_idx %arg8[%add3A_500], %scan3A_472#8 : memref<4096xf32, #tpu.memory_space<vmem>>[vector<16xi32>], vector<16xf32>,
      %add3A_501 = arith.constant 257 : i32
      %add3A_502 = vector.broadcast %add3A_501 : i32 to vector<16xi32>
      %add3A_503 = arith.addi %mul3A_5, %add3A_502 : vector<16xi32>
      tpu.vector_store_idx %arg8[%add3A_503], %scan3A_472#9 : memref<4096xf32, #tpu.memory_space<vmem>>[vector<16xi32>], vector<16xf32>,
      %add3A_504 = arith.constant 258 : i32
      %add3A_505 = vector.broadcast %add3A_504 : i32 to vector<16xi32>
      %add3A_506 = arith.addi %mul3A_5, %add3A_505 : vector<16xi32>
      tpu.vector_store_idx %arg8[%add3A_506], %scan3A_472#10 : memref<4096xf32, #tpu.memory_space<vmem>>[vector<16xi32>], vector<16xf32>,
      %add3A_507 = arith.constant 259 : i32
      %add3A_508 = vector.broadcast %add3A_507 : i32 to vector<16xi32>
      %add3A_509 = arith.addi %mul3A_5, %add3A_508 : vector<16xi32>
      tpu.vector_store_idx %arg8[%add3A_509], %scan3A_472#11 : memref<4096xf32, #tpu.memory_space<vmem>>[vector<16xi32>], vector<16xf32>,
      %add3A_510 = arith.constant 384 : i32
      %add3A_511 = vector.broadcast %add3A_510 : i32 to vector<16xi32>
      %add3A_512 = arith.addi %mul3A_5, %add3A_511 : vector<16xi32>
      tpu.vector_store_idx %arg8[%add3A_512], %scan3A_472#12 : memref<4096xf32, #tpu.memory_space<vmem>>[vector<16xi32>], vector<16xf32>,
      %add3A_513 = arith.constant 385 : i32
      %add3A_514 = vector.broadcast %add3A_513 : i32 to vector<16xi32>
      %add3A_515 = arith.addi %mul3A_5, %add3A_514 : vector<16xi32>
      tpu.vector_store_idx %arg8[%add3A_515], %scan3A_472#13 : memref<4096xf32, #tpu.memory_space<vmem>>[vector<16xi32>], vector<16xf32>,
      %add3A_516 = arith.constant 386 : i32
      %add3A_517 = vector.broadcast %add3A_516 : i32 to vector<16xi32>
      %add3A_518 = arith.addi %mul3A_5, %add3A_517 : vector<16xi32>
      tpu.vector_store_idx %arg8[%add3A_518], %scan3A_472#14 : memref<4096xf32, #tpu.memory_space<vmem>>[vector<16xi32>], vector<16xf32>,
      %add3A_519 = arith.constant 387 : i32
      %add3A_520 = vector.broadcast %add3A_519 : i32 to vector<16xi32>
      %add3A_521 = arith.addi %mul3A_5, %add3A_520 : vector<16xi32>
      tpu.vector_store_idx %arg8[%add3A_521], %scan3A_472#15 : memref<4096xf32, #tpu.memory_space<vmem>>[vector<16xi32>], vector<16xf32>,
      %add3A_522 = arith.constant 512 : i32
      %add3A_523 = vector.broadcast %add3A_522 : i32 to vector<16xi32>
      %add3A_524 = arith.addi %mul3A_5, %add3A_523 : vector<16xi32>
      tpu.vector_store_idx %arg8[%add3A_524], %scan3A_472#16 : memref<4096xf32, #tpu.memory_space<vmem>>[vector<16xi32>], vector<16xf32>,
      %add3A_525 = arith.constant 513 : i32
      %add3A_526 = vector.broadcast %add3A_525 : i32 to vector<16xi32>
      %add3A_527 = arith.addi %mul3A_5, %add3A_526 : vector<16xi32>
      tpu.vector_store_idx %arg8[%add3A_527], %scan3A_472#17 : memref<4096xf32, #tpu.memory_space<vmem>>[vector<16xi32>], vector<16xf32>,
      %add3A_528 = arith.constant 514 : i32
      %add3A_529 = vector.broadcast %add3A_528 : i32 to vector<16xi32>
      %add3A_530 = arith.addi %mul3A_5, %add3A_529 : vector<16xi32>
      tpu.vector_store_idx %arg8[%add3A_530], %scan3A_472#18 : memref<4096xf32, #tpu.memory_space<vmem>>[vector<16xi32>], vector<16xf32>,
      %add3A_531 = arith.constant 515 : i32
      %add3A_532 = vector.broadcast %add3A_531 : i32 to vector<16xi32>
      %add3A_533 = arith.addi %mul3A_5, %add3A_532 : vector<16xi32>
      tpu.vector_store_idx %arg8[%add3A_533], %scan3A_472#19 : memref<4096xf32, #tpu.memory_space<vmem>>[vector<16xi32>], vector<16xf32>,
      %add3A_534 = arith.constant 640 : i32
      %add3A_535 = vector.broadcast %add3A_534 : i32 to vector<16xi32>
      %add3A_536 = arith.addi %mul3A_5, %add3A_535 : vector<16xi32>
      tpu.vector_store_idx %arg8[%add3A_536], %scan3A_472#20 : memref<4096xf32, #tpu.memory_space<vmem>>[vector<16xi32>], vector<16xf32>,
      %add3A_537 = arith.constant 641 : i32
      %add3A_538 = vector.broadcast %add3A_537 : i32 to vector<16xi32>
      %add3A_539 = arith.addi %mul3A_5, %add3A_538 : vector<16xi32>
      tpu.vector_store_idx %arg8[%add3A_539], %scan3A_472#21 : memref<4096xf32, #tpu.memory_space<vmem>>[vector<16xi32>], vector<16xf32>,
      %add3A_540 = arith.constant 642 : i32
      %add3A_541 = vector.broadcast %add3A_540 : i32 to vector<16xi32>
      %add3A_542 = arith.addi %mul3A_5, %add3A_541 : vector<16xi32>
      tpu.vector_store_idx %arg8[%add3A_542], %scan3A_472#22 : memref<4096xf32, #tpu.memory_space<vmem>>[vector<16xi32>], vector<16xf32>,
      %add3A_543 = arith.constant 643 : i32
      %add3A_544 = vector.broadcast %add3A_543 : i32 to vector<16xi32>
      %add3A_545 = arith.addi %mul3A_5, %add3A_544 : vector<16xi32>
      tpu.vector_store_idx %arg8[%add3A_545], %scan3A_472#23 : memref<4096xf32, #tpu.memory_space<vmem>>[vector<16xi32>], vector<16xf32>,
      %add3A_546 = arith.constant 768 : i32
      %add3A_547 = vector.broadcast %add3A_546 : i32 to vector<16xi32>
      %add3A_548 = arith.addi %mul3A_5, %add3A_547 : vector<16xi32>
      tpu.vector_store_idx %arg8[%add3A_548], %scan3A_472#24 : memref<4096xf32, #tpu.memory_space<vmem>>[vector<16xi32>], vector<16xf32>,
      %add3A_549 = arith.constant 769 : i32
      %add3A_550 = vector.broadcast %add3A_549 : i32 to vector<16xi32>
      %add3A_551 = arith.addi %mul3A_5, %add3A_550 : vector<16xi32>
      tpu.vector_store_idx %arg8[%add3A_551], %scan3A_472#25 : memref<4096xf32, #tpu.memory_space<vmem>>[vector<16xi32>], vector<16xf32>,
      %add3A_552 = arith.constant 770 : i32
      %add3A_553 = vector.broadcast %add3A_552 : i32 to vector<16xi32>
      %add3A_554 = arith.addi %mul3A_5, %add3A_553 : vector<16xi32>
      tpu.vector_store_idx %arg8[%add3A_554], %scan3A_472#26 : memref<4096xf32, #tpu.memory_space<vmem>>[vector<16xi32>], vector<16xf32>,
      %add3A_555 = arith.constant 771 : i32
      %add3A_556 = vector.broadcast %add3A_555 : i32 to vector<16xi32>
      %add3A_557 = arith.addi %mul3A_5, %add3A_556 : vector<16xi32>
      tpu.vector_store_idx %arg8[%add3A_557], %scan3A_472#27 : memref<4096xf32, #tpu.memory_space<vmem>>[vector<16xi32>], vector<16xf32>,
      %add3A_558 = arith.constant 896 : i32
      %add3A_559 = vector.broadcast %add3A_558 : i32 to vector<16xi32>
      %add3A_560 = arith.addi %mul3A_5, %add3A_559 : vector<16xi32>
      tpu.vector_store_idx %arg8[%add3A_560], %scan3A_472#28 : memref<4096xf32, #tpu.memory_space<vmem>>[vector<16xi32>], vector<16xf32>,
      %add3A_561 = arith.constant 897 : i32
      %add3A_562 = vector.broadcast %add3A_561 : i32 to vector<16xi32>
      %add3A_563 = arith.addi %mul3A_5, %add3A_562 : vector<16xi32>
      tpu.vector_store_idx %arg8[%add3A_563], %scan3A_472#29 : memref<4096xf32, #tpu.memory_space<vmem>>[vector<16xi32>], vector<16xf32>,
      %add3A_564 = arith.constant 898 : i32
      %add3A_565 = vector.broadcast %add3A_564 : i32 to vector<16xi32>
      %add3A_566 = arith.addi %mul3A_5, %add3A_565 : vector<16xi32>
      tpu.vector_store_idx %arg8[%add3A_566], %scan3A_472#30 : memref<4096xf32, #tpu.memory_space<vmem>>[vector<16xi32>], vector<16xf32>,
      %add3A_567 = arith.constant 899 : i32
      %add3A_568 = vector.broadcast %add3A_567 : i32 to vector<16xi32>
      %add3A_569 = arith.addi %mul3A_5, %add3A_568 : vector<16xi32>
      tpu.vector_store_idx %arg8[%add3A_569], %scan3A_472#31 : memref<4096xf32, #tpu.memory_space<vmem>>[vector<16xi32>], vector<16xf32>,
      %broadcast_in_dim3A_570 = arith.constant 0.000000e+00 : f32
      %broadcast_in_dim3A_571 = vector.broadcast %broadcast_in_dim3A_570 : f32 to vector<16xf32>
      %scan3A_572 = arith.constant 0 : i32
      %scan3A_573 = arith.constant 64 : i32
      %scan3A_574 = arith.addi %scan3A_572, %scan3A_573 : i32
      %scan3A_575 = arith.constant 1 : i32
      %scan3A_576:32 = scf.for %scan3A_1328 = %scan3A_572 to %scan3A_574 step %scan3A_575 iter_args(%scan3A_1329 = %broadcast_in_dim3A_571, %scan3A_1330 = %broadcast_in_dim3A_571, %scan3A_1331 = %broadcast_in_dim3A_571, %scan3A_1332 = %broadcast_in_dim3A_571, %scan3A_1333 = %broadcast_in_dim3A_571, %scan3A_1334 = %broadcast_in_dim3A_571, %scan3A_1335 = %broadcast_in_dim3A_571, %scan3A_1336 = %broadcast_in_dim3A_571, %scan3A_1337 = %broadcast_in_dim3A_571, %scan3A_1338 = %broadcast_in_dim3A_571, %scan3A_1339 = %broadcast_in_dim3A_571, %scan3A_1340 = %broadcast_in_dim3A_571, %scan3A_1341 = %broadcast_in_dim3A_571, %scan3A_1342 = %broadcast_in_dim3A_571, %scan3A_1343 = %broadcast_in_dim3A_571, %scan3A_1344 = %broadcast_in_dim3A_571, %scan3A_1345 = %broadcast_in_dim3A_571, %scan3A_1346 = %broadcast_in_dim3A_571, %scan3A_1347 = %broadcast_in_dim3A_571, %scan3A_1348 = %broadcast_in_dim3A_571, %scan3A_1349 = %broadcast_in_dim3A_571, %scan3A_1350 = %broadcast_in_dim3A_571, %scan3A_1351 = %broadcast_in_dim3A_571, %scan3A_1352 = %broadcast_in_dim3A_571, %scan3A_1353 = %broadcast_in_dim3A_571, %scan3A_1354 = %broadcast_in_dim3A_571, %scan3A_1355 = %broadcast_in_dim3A_571, %scan3A_1356 = %broadcast_in_dim3A_571, %scan3A_1357 = %broadcast_in_dim3A_571, %scan3A_1358 = %broadcast_in_dim3A_571, %scan3A_1359 = %broadcast_in_dim3A_571, %scan3A_1360 = %broadcast_in_dim3A_571) -> (vector<16xf32>, vector<16xf32>, vector<16xf32>, vector<16xf32>, vector<16xf32>, vector<16xf32>, vector<16xf32>, vector<16xf32>, vector<16xf32>, vector<16xf32>, vector<16xf32>, vector<16xf32>, vector<16xf32>, vector<16xf32>, vector<16xf32>, vector<16xf32>, vector<16xf32>, vector<16xf32>, vector<16xf32>, vector<16xf32>, vector<16xf32>, vector<16xf32>, vector<16xf32>, vector<16xf32>, vector<16xf32>, vector<16xf32>, vector<16xf32>, vector<16xf32>, vector<16xf32>, vector<16xf32>, vector<16xf32>, vector<16xf32>)  : i32 {
        %broadcast_in_dim3A_1361 = arith.constant 0 : i32
        %broadcast_in_dim3A_1362 = vector.broadcast %broadcast_in_dim3A_1361 : i32 to vector<16xi32>
        %add3A_1363 = arith.constant 0 : i32
        %add3A_1364 = vector.broadcast %add3A_1363 : i32 to vector<16xi32>
        %add3A_1365 = arith.addi %broadcast_in_dim3A_1362, %add3A_1364 : vector<16xi32>
        %add3A_1366 = vector.broadcast %scan3A_1328 : i32 to vector<16xi32>
        %add3A_1367 = arith.addi %add3A_1365, %add3A_1366 : vector<16xi32>
        %gather3A = tpu.vector_load_idx %arg5[%add3A_1367] : memref<256xf32, #tpu.memory_space<vmem>>[vector<16xi32>], vector<16xf32>,
        %broadcast_in_dim3A_1368 = arith.constant 0 : i32
        %broadcast_in_dim3A_1369 = vector.broadcast %broadcast_in_dim3A_1368 : i32 to vector<16xi32>
        %add3A_1370 = arith.constant 64 : i32
        %add3A_1371 = vector.broadcast %add3A_1370 : i32 to vector<16xi32>
        %add3A_1372 = arith.addi %broadcast_in_dim3A_1369, %add3A_1371 : vector<16xi32>
        %add3A_1373 = vector.broadcast %scan3A_1328 : i32 to vector<16xi32>
        %add3A_1374 = arith.addi %add3A_1372, %add3A_1373 : vector<16xi32>
        %gather3A_1375 = tpu.vector_load_idx %arg5[%add3A_1374] : memref<256xf32, #tpu.memory_space<vmem>>[vector<16xi32>], vector<16xf32>,
        %broadcast_in_dim3A_1376 = arith.constant 0 : i32
        %broadcast_in_dim3A_1377 = vector.broadcast %broadcast_in_dim3A_1376 : i32 to vector<16xi32>
        %add3A_1378 = arith.constant 128 : i32
        %add3A_1379 = vector.broadcast %add3A_1378 : i32 to vector<16xi32>
        %add3A_1380 = arith.addi %broadcast_in_dim3A_1377, %add3A_1379 : vector<16xi32>
        %add3A_1381 = vector.broadcast %scan3A_1328 : i32 to vector<16xi32>
        %add3A_1382 = arith.addi %add3A_1380, %add3A_1381 : vector<16xi32>
        %gather3A_1383 = tpu.vector_load_idx %arg5[%add3A_1382] : memref<256xf32, #tpu.memory_space<vmem>>[vector<16xi32>], vector<16xf32>,
        %broadcast_in_dim3A_1384 = arith.constant 0 : i32
        %broadcast_in_dim3A_1385 = vector.broadcast %broadcast_in_dim3A_1384 : i32 to vector<16xi32>
        %add3A_1386 = arith.constant 192 : i32
        %add3A_1387 = vector.broadcast %add3A_1386 : i32 to vector<16xi32>
        %add3A_1388 = arith.addi %broadcast_in_dim3A_1385, %add3A_1387 : vector<16xi32>
        %add3A_1389 = vector.broadcast %scan3A_1328 : i32 to vector<16xi32>
        %add3A_1390 = arith.addi %add3A_1388, %add3A_1389 : vector<16xi32>
        %gather3A_1391 = tpu.vector_load_idx %arg5[%add3A_1390] : memref<256xf32, #tpu.memory_space<vmem>>[vector<16xi32>], vector<16xf32>,
        %get3A = arith.index_cast %scan3A_1328 : i32 to index
        %get3A_1392 = arith.constant 128 : index
        %get3A_1393 = tpu.vector_load %arg6[%get3A, %get3A_1392] {strides = array<i32>} : memref<64x512xf32, #tpu.memory_space<vmem>>, vector<16xf32>,
        %mul3A_1394 = arith.mulf %get3A_1393, %gather3A : vector<16xf32>
        %add3A_1395 = arith.addf %scan3A_1329, %mul3A_1394 : vector<16xf32>
        %mul3A_1396 = arith.mulf %get3A_1393, %gather3A_1375 : vector<16xf32>
        %add3A_1397 = arith.addf %scan3A_1330, %mul3A_1396 : vector<16xf32>
        %mul3A_1398 = arith.mulf %get3A_1393, %gather3A_1383 : vector<16xf32>
        %add3A_1399 = arith.addf %scan3A_1331, %mul3A_1398 : vector<16xf32>
        %mul3A_1400 = arith.mulf %get3A_1393, %gather3A_1391 : vector<16xf32>
        %add3A_1401 = arith.addf %scan3A_1332, %mul3A_1400 : vector<16xf32>
        %get3A_1402 = arith.index_cast %scan3A_1328 : i32 to index
        %get3A_1403 = arith.constant 144 : index
        %get3A_1404 = tpu.vector_load %arg6[%get3A_1402, %get3A_1403] {strides = array<i32>} : memref<64x512xf32, #tpu.memory_space<vmem>>, vector<16xf32>,
        %mul3A_1405 = arith.mulf %get3A_1404, %gather3A : vector<16xf32>
        %add3A_1406 = arith.addf %scan3A_1333, %mul3A_1405 : vector<16xf32>
        %mul3A_1407 = arith.mulf %get3A_1404, %gather3A_1375 : vector<16xf32>
        %add3A_1408 = arith.addf %scan3A_1334, %mul3A_1407 : vector<16xf32>
        %mul3A_1409 = arith.mulf %get3A_1404, %gather3A_1383 : vector<16xf32>
        %add3A_1410 = arith.addf %scan3A_1335, %mul3A_1409 : vector<16xf32>
        %mul3A_1411 = arith.mulf %get3A_1404, %gather3A_1391 : vector<16xf32>
        %add3A_1412 = arith.addf %scan3A_1336, %mul3A_1411 : vector<16xf32>
        %get3A_1413 = arith.index_cast %scan3A_1328 : i32 to index
        %get3A_1414 = arith.constant 160 : index
        %get3A_1415 = tpu.vector_load %arg6[%get3A_1413, %get3A_1414] {strides = array<i32>} : memref<64x512xf32, #tpu.memory_space<vmem>>, vector<16xf32>,
        %mul3A_1416 = arith.mulf %get3A_1415, %gather3A : vector<16xf32>
        %add3A_1417 = arith.addf %scan3A_1337, %mul3A_1416 : vector<16xf32>
        %mul3A_1418 = arith.mulf %get3A_1415, %gather3A_1375 : vector<16xf32>
        %add3A_1419 = arith.addf %scan3A_1338, %mul3A_1418 : vector<16xf32>
        %mul3A_1420 = arith.mulf %get3A_1415, %gather3A_1383 : vector<16xf32>
        %add3A_1421 = arith.addf %scan3A_1339, %mul3A_1420 : vector<16xf32>
        %mul3A_1422 = arith.mulf %get3A_1415, %gather3A_1391 : vector<16xf32>
        %add3A_1423 = arith.addf %scan3A_1340, %mul3A_1422 : vector<16xf32>
        %get3A_1424 = arith.index_cast %scan3A_1328 : i32 to index
        %get3A_1425 = arith.constant 176 : index
        %get3A_1426 = tpu.vector_load %arg6[%get3A_1424, %get3A_1425] {strides = array<i32>} : memref<64x512xf32, #tpu.memory_space<vmem>>, vector<16xf32>,
        %mul3A_1427 = arith.mulf %get3A_1426, %gather3A : vector<16xf32>
        %add3A_1428 = arith.addf %scan3A_1341, %mul3A_1427 : vector<16xf32>
        %mul3A_1429 = arith.mulf %get3A_1426, %gather3A_1375 : vector<16xf32>
        %add3A_1430 = arith.addf %scan3A_1342, %mul3A_1429 : vector<16xf32>
        %mul3A_1431 = arith.mulf %get3A_1426, %gather3A_1383 : vector<16xf32>
        %add3A_1432 = arith.addf %scan3A_1343, %mul3A_1431 : vector<16xf32>
        %mul3A_1433 = arith.mulf %get3A_1426, %gather3A_1391 : vector<16xf32>
        %add3A_1434 = arith.addf %scan3A_1344, %mul3A_1433 : vector<16xf32>
        %get3A_1435 = arith.index_cast %scan3A_1328 : i32 to index
        %get3A_1436 = arith.constant 192 : index
        %get3A_1437 = tpu.vector_load %arg6[%get3A_1435, %get3A_1436] {strides = array<i32>} : memref<64x512xf32, #tpu.memory_space<vmem>>, vector<16xf32>,
        %mul3A_1438 = arith.mulf %get3A_1437, %gather3A : vector<16xf32>
        %add3A_1439 = arith.addf %scan3A_1345, %mul3A_1438 : vector<16xf32>
        %mul3A_1440 = arith.mulf %get3A_1437, %gather3A_1375 : vector<16xf32>
        %add3A_1441 = arith.addf %scan3A_1346, %mul3A_1440 : vector<16xf32>
        %mul3A_1442 = arith.mulf %get3A_1437, %gather3A_1383 : vector<16xf32>
        %add3A_1443 = arith.addf %scan3A_1347, %mul3A_1442 : vector<16xf32>
        %mul3A_1444 = arith.mulf %get3A_1437, %gather3A_1391 : vector<16xf32>
        %add3A_1445 = arith.addf %scan3A_1348, %mul3A_1444 : vector<16xf32>
        %get3A_1446 = arith.index_cast %scan3A_1328 : i32 to index
        %get3A_1447 = arith.constant 208 : index
        %get3A_1448 = tpu.vector_load %arg6[%get3A_1446, %get3A_1447] {strides = array<i32>} : memref<64x512xf32, #tpu.memory_space<vmem>>, vector<16xf32>,
        %mul3A_1449 = arith.mulf %get3A_1448, %gather3A : vector<16xf32>
        %add3A_1450 = arith.addf %scan3A_1349, %mul3A_1449 : vector<16xf32>
        %mul3A_1451 = arith.mulf %get3A_1448, %gather3A_1375 : vector<16xf32>
        %add3A_1452 = arith.addf %scan3A_1350, %mul3A_1451 : vector<16xf32>
        %mul3A_1453 = arith.mulf %get3A_1448, %gather3A_1383 : vector<16xf32>
        %add3A_1454 = arith.addf %scan3A_1351, %mul3A_1453 : vector<16xf32>
        %mul3A_1455 = arith.mulf %get3A_1448, %gather3A_1391 : vector<16xf32>
        %add3A_1456 = arith.addf %scan3A_1352, %mul3A_1455 : vector<16xf32>
        %get3A_1457 = arith.index_cast %scan3A_1328 : i32 to index
        %get3A_1458 = arith.constant 224 : index
        %get3A_1459 = tpu.vector_load %arg6[%get3A_1457, %get3A_1458] {strides = array<i32>} : memref<64x512xf32, #tpu.memory_space<vmem>>, vector<16xf32>,
        %mul3A_1460 = arith.mulf %get3A_1459, %gather3A : vector<16xf32>
        %add3A_1461 = arith.addf %scan3A_1353, %mul3A_1460 : vector<16xf32>
        %mul3A_1462 = arith.mulf %get3A_1459, %gather3A_1375 : vector<16xf32>
        %add3A_1463 = arith.addf %scan3A_1354, %mul3A_1462 : vector<16xf32>
        %mul3A_1464 = arith.mulf %get3A_1459, %gather3A_1383 : vector<16xf32>
        %add3A_1465 = arith.addf %scan3A_1355, %mul3A_1464 : vector<16xf32>
        %mul3A_1466 = arith.mulf %get3A_1459, %gather3A_1391 : vector<16xf32>
        %add3A_1467 = arith.addf %scan3A_1356, %mul3A_1466 : vector<16xf32>
        %get3A_1468 = arith.index_cast %scan3A_1328 : i32 to index
        %get3A_1469 = arith.constant 240 : index
        %get3A_1470 = tpu.vector_load %arg6[%get3A_1468, %get3A_1469] {strides = array<i32>} : memref<64x512xf32, #tpu.memory_space<vmem>>, vector<16xf32>,
        %mul3A_1471 = arith.mulf %get3A_1470, %gather3A : vector<16xf32>
        %add3A_1472 = arith.addf %scan3A_1357, %mul3A_1471 : vector<16xf32>
        %mul3A_1473 = arith.mulf %get3A_1470, %gather3A_1375 : vector<16xf32>
        %add3A_1474 = arith.addf %scan3A_1358, %mul3A_1473 : vector<16xf32>
        %mul3A_1475 = arith.mulf %get3A_1470, %gather3A_1383 : vector<16xf32>
        %add3A_1476 = arith.addf %scan3A_1359, %mul3A_1475 : vector<16xf32>
        %mul3A_1477 = arith.mulf %get3A_1470, %gather3A_1391 : vector<16xf32>
        %add3A_1478 = arith.addf %scan3A_1360, %mul3A_1477 : vector<16xf32>
        scf.yield %add3A_1395, %add3A_1397, %add3A_1399, %add3A_1401, %add3A_1406, %add3A_1408, %add3A_1410, %add3A_1412, %add3A_1417, %add3A_1419, %add3A_1421, %add3A_1423, %add3A_1428, %add3A_1430, %add3A_1432, %add3A_1434, %add3A_1439, %add3A_1441, %add3A_1443, %add3A_1445, %add3A_1450, %add3A_1452, %add3A_1454, %add3A_1456, %add3A_1461, %add3A_1463, %add3A_1465, %add3A_1467, %add3A_1472, %add3A_1474, %add3A_1476, %add3A_1478 : vector<16xf32>, vector<16xf32>, vector<16xf32>, vector<16xf32>, vector<16xf32>, vector<16xf32>, vector<16xf32>, vector<16xf32>, vector<16xf32>, vector<16xf32>, vector<16xf32>, vector<16xf32>, vector<16xf32>, vector<16xf32>, vector<16xf32>, vector<16xf32>, vector<16xf32>, vector<16xf32>, vector<16xf32>, vector<16xf32>, vector<16xf32>, vector<16xf32>, vector<16xf32>, vector<16xf32>, vector<16xf32>, vector<16xf32>, vector<16xf32>, vector<16xf32>, vector<16xf32>, vector<16xf32>, vector<16xf32>, vector<16xf32>
      }
      %scan3A_577 = arith.constant 64 : i32
      %add3A_578 = arith.constant 1024 : i32
      %add3A_579 = vector.broadcast %add3A_578 : i32 to vector<16xi32>
      %add3A_580 = arith.addi %mul3A_5, %add3A_579 : vector<16xi32>
      tpu.vector_store_idx %arg8[%add3A_580], %scan3A_576#0 : memref<4096xf32, #tpu.memory_space<vmem>>[vector<16xi32>], vector<16xf32>,
      %add3A_581 = arith.constant 1025 : i32
      %add3A_582 = vector.broadcast %add3A_581 : i32 to vector<16xi32>
      %add3A_583 = arith.addi %mul3A_5, %add3A_582 : vector<16xi32>
      tpu.vector_store_idx %arg8[%add3A_583], %scan3A_576#1 : memref<4096xf32, #tpu.memory_space<vmem>>[vector<16xi32>], vector<16xf32>,
      %add3A_584 = arith.constant 1026 : i32
      %add3A_585 = vector.broadcast %add3A_584 : i32 to vector<16xi32>
      %add3A_586 = arith.addi %mul3A_5, %add3A_585 : vector<16xi32>
      tpu.vector_store_idx %arg8[%add3A_586], %scan3A_576#2 : memref<4096xf32, #tpu.memory_space<vmem>>[vector<16xi32>], vector<16xf32>,
      %add3A_587 = arith.constant 1027 : i32
      %add3A_588 = vector.broadcast %add3A_587 : i32 to vector<16xi32>
      %add3A_589 = arith.addi %mul3A_5, %add3A_588 : vector<16xi32>
      tpu.vector_store_idx %arg8[%add3A_589], %scan3A_576#3 : memref<4096xf32, #tpu.memory_space<vmem>>[vector<16xi32>], vector<16xf32>,
      %add3A_590 = arith.constant 1152 : i32
      %add3A_591 = vector.broadcast %add3A_590 : i32 to vector<16xi32>
      %add3A_592 = arith.addi %mul3A_5, %add3A_591 : vector<16xi32>
      tpu.vector_store_idx %arg8[%add3A_592], %scan3A_576#4 : memref<4096xf32, #tpu.memory_space<vmem>>[vector<16xi32>], vector<16xf32>,
      %add3A_593 = arith.constant 1153 : i32
      %add3A_594 = vector.broadcast %add3A_593 : i32 to vector<16xi32>
      %add3A_595 = arith.addi %mul3A_5, %add3A_594 : vector<16xi32>
      tpu.vector_store_idx %arg8[%add3A_595], %scan3A_576#5 : memref<4096xf32, #tpu.memory_space<vmem>>[vector<16xi32>], vector<16xf32>,
      %add3A_596 = arith.constant 1154 : i32
      %add3A_597 = vector.broadcast %add3A_596 : i32 to vector<16xi32>
      %add3A_598 = arith.addi %mul3A_5, %add3A_597 : vector<16xi32>
      tpu.vector_store_idx %arg8[%add3A_598], %scan3A_576#6 : memref<4096xf32, #tpu.memory_space<vmem>>[vector<16xi32>], vector<16xf32>,
      %add3A_599 = arith.constant 1155 : i32
      %add3A_600 = vector.broadcast %add3A_599 : i32 to vector<16xi32>
      %add3A_601 = arith.addi %mul3A_5, %add3A_600 : vector<16xi32>
      tpu.vector_store_idx %arg8[%add3A_601], %scan3A_576#7 : memref<4096xf32, #tpu.memory_space<vmem>>[vector<16xi32>], vector<16xf32>,
      %add3A_602 = arith.constant 1280 : i32
      %add3A_603 = vector.broadcast %add3A_602 : i32 to vector<16xi32>
      %add3A_604 = arith.addi %mul3A_5, %add3A_603 : vector<16xi32>
      tpu.vector_store_idx %arg8[%add3A_604], %scan3A_576#8 : memref<4096xf32, #tpu.memory_space<vmem>>[vector<16xi32>], vector<16xf32>,
      %add3A_605 = arith.constant 1281 : i32
      %add3A_606 = vector.broadcast %add3A_605 : i32 to vector<16xi32>
      %add3A_607 = arith.addi %mul3A_5, %add3A_606 : vector<16xi32>
      tpu.vector_store_idx %arg8[%add3A_607], %scan3A_576#9 : memref<4096xf32, #tpu.memory_space<vmem>>[vector<16xi32>], vector<16xf32>,
      %add3A_608 = arith.constant 1282 : i32
      %add3A_609 = vector.broadcast %add3A_608 : i32 to vector<16xi32>
      %add3A_610 = arith.addi %mul3A_5, %add3A_609 : vector<16xi32>
      tpu.vector_store_idx %arg8[%add3A_610], %scan3A_576#10 : memref<4096xf32, #tpu.memory_space<vmem>>[vector<16xi32>], vector<16xf32>,
      %add3A_611 = arith.constant 1283 : i32
      %add3A_612 = vector.broadcast %add3A_611 : i32 to vector<16xi32>
      %add3A_613 = arith.addi %mul3A_5, %add3A_612 : vector<16xi32>
      tpu.vector_store_idx %arg8[%add3A_613], %scan3A_576#11 : memref<4096xf32, #tpu.memory_space<vmem>>[vector<16xi32>], vector<16xf32>,
      %add3A_614 = arith.constant 1408 : i32
      %add3A_615 = vector.broadcast %add3A_614 : i32 to vector<16xi32>
      %add3A_616 = arith.addi %mul3A_5, %add3A_615 : vector<16xi32>
      tpu.vector_store_idx %arg8[%add3A_616], %scan3A_576#12 : memref<4096xf32, #tpu.memory_space<vmem>>[vector<16xi32>], vector<16xf32>,
      %add3A_617 = arith.constant 1409 : i32
      %add3A_618 = vector.broadcast %add3A_617 : i32 to vector<16xi32>
      %add3A_619 = arith.addi %mul3A_5, %add3A_618 : vector<16xi32>
      tpu.vector_store_idx %arg8[%add3A_619], %scan3A_576#13 : memref<4096xf32, #tpu.memory_space<vmem>>[vector<16xi32>], vector<16xf32>,
      %add3A_620 = arith.constant 1410 : i32
      %add3A_621 = vector.broadcast %add3A_620 : i32 to vector<16xi32>
      %add3A_622 = arith.addi %mul3A_5, %add3A_621 : vector<16xi32>
      tpu.vector_store_idx %arg8[%add3A_622], %scan3A_576#14 : memref<4096xf32, #tpu.memory_space<vmem>>[vector<16xi32>], vector<16xf32>,
      %add3A_623 = arith.constant 1411 : i32
      %add3A_624 = vector.broadcast %add3A_623 : i32 to vector<16xi32>
      %add3A_625 = arith.addi %mul3A_5, %add3A_624 : vector<16xi32>
      tpu.vector_store_idx %arg8[%add3A_625], %scan3A_576#15 : memref<4096xf32, #tpu.memory_space<vmem>>[vector<16xi32>], vector<16xf32>,
      %add3A_626 = arith.constant 1536 : i32
      %add3A_627 = vector.broadcast %add3A_626 : i32 to vector<16xi32>
      %add3A_628 = arith.addi %mul3A_5, %add3A_627 : vector<16xi32>
      tpu.vector_store_idx %arg8[%add3A_628], %scan3A_576#16 : memref<4096xf32, #tpu.memory_space<vmem>>[vector<16xi32>], vector<16xf32>,
      %add3A_629 = arith.constant 1537 : i32
      %add3A_630 = vector.broadcast %add3A_629 : i32 to vector<16xi32>
      %add3A_631 = arith.addi %mul3A_5, %add3A_630 : vector<16xi32>
      tpu.vector_store_idx %arg8[%add3A_631], %scan3A_576#17 : memref<4096xf32, #tpu.memory_space<vmem>>[vector<16xi32>], vector<16xf32>,
      %add3A_632 = arith.constant 1538 : i32
      %add3A_633 = vector.broadcast %add3A_632 : i32 to vector<16xi32>
      %add3A_634 = arith.addi %mul3A_5, %add3A_633 : vector<16xi32>
      tpu.vector_store_idx %arg8[%add3A_634], %scan3A_576#18 : memref<4096xf32, #tpu.memory_space<vmem>>[vector<16xi32>], vector<16xf32>,
      %add3A_635 = arith.constant 1539 : i32
      %add3A_636 = vector.broadcast %add3A_635 : i32 to vector<16xi32>
      %add3A_637 = arith.addi %mul3A_5, %add3A_636 : vector<16xi32>
      tpu.vector_store_idx %arg8[%add3A_637], %scan3A_576#19 : memref<4096xf32, #tpu.memory_space<vmem>>[vector<16xi32>], vector<16xf32>,
      %add3A_638 = arith.constant 1664 : i32
      %add3A_639 = vector.broadcast %add3A_638 : i32 to vector<16xi32>
      %add3A_640 = arith.addi %mul3A_5, %add3A_639 : vector<16xi32>
      tpu.vector_store_idx %arg8[%add3A_640], %scan3A_576#20 : memref<4096xf32, #tpu.memory_space<vmem>>[vector<16xi32>], vector<16xf32>,
      %add3A_641 = arith.constant 1665 : i32
      %add3A_642 = vector.broadcast %add3A_641 : i32 to vector<16xi32>
      %add3A_643 = arith.addi %mul3A_5, %add3A_642 : vector<16xi32>
      tpu.vector_store_idx %arg8[%add3A_643], %scan3A_576#21 : memref<4096xf32, #tpu.memory_space<vmem>>[vector<16xi32>], vector<16xf32>,
      %add3A_644 = arith.constant 1666 : i32
      %add3A_645 = vector.broadcast %add3A_644 : i32 to vector<16xi32>
      %add3A_646 = arith.addi %mul3A_5, %add3A_645 : vector<16xi32>
      tpu.vector_store_idx %arg8[%add3A_646], %scan3A_576#22 : memref<4096xf32, #tpu.memory_space<vmem>>[vector<16xi32>], vector<16xf32>,
      %add3A_647 = arith.constant 1667 : i32
      %add3A_648 = vector.broadcast %add3A_647 : i32 to vector<16xi32>
      %add3A_649 = arith.addi %mul3A_5, %add3A_648 : vector<16xi32>
      tpu.vector_store_idx %arg8[%add3A_649], %scan3A_576#23 : memref<4096xf32, #tpu.memory_space<vmem>>[vector<16xi32>], vector<16xf32>,
      %add3A_650 = arith.constant 1792 : i32
      %add3A_651 = vector.broadcast %add3A_650 : i32 to vector<16xi32>
      %add3A_652 = arith.addi %mul3A_5, %add3A_651 : vector<16xi32>
      tpu.vector_store_idx %arg8[%add3A_652], %scan3A_576#24 : memref<4096xf32, #tpu.memory_space<vmem>>[vector<16xi32>], vector<16xf32>,
      %add3A_653 = arith.constant 1793 : i32
      %add3A_654 = vector.broadcast %add3A_653 : i32 to vector<16xi32>
      %add3A_655 = arith.addi %mul3A_5, %add3A_654 : vector<16xi32>
      tpu.vector_store_idx %arg8[%add3A_655], %scan3A_576#25 : memref<4096xf32, #tpu.memory_space<vmem>>[vector<16xi32>], vector<16xf32>,
      %add3A_656 = arith.constant 1794 : i32
      %add3A_657 = vector.broadcast %add3A_656 : i32 to vector<16xi32>
      %add3A_658 = arith.addi %mul3A_5, %add3A_657 : vector<16xi32>
      tpu.vector_store_idx %arg8[%add3A_658], %scan3A_576#26 : memref<4096xf32, #tpu.memory_space<vmem>>[vector<16xi32>], vector<16xf32>,
      %add3A_659 = arith.constant 1795 : i32
      %add3A_660 = vector.broadcast %add3A_659 : i32 to vector<16xi32>
      %add3A_661 = arith.addi %mul3A_5, %add3A_660 : vector<16xi32>
      tpu.vector_store_idx %arg8[%add3A_661], %scan3A_576#27 : memref<4096xf32, #tpu.memory_space<vmem>>[vector<16xi32>], vector<16xf32>,
      %add3A_662 = arith.constant 1920 : i32
      %add3A_663 = vector.broadcast %add3A_662 : i32 to vector<16xi32>
      %add3A_664 = arith.addi %mul3A_5, %add3A_663 : vector<16xi32>
      tpu.vector_store_idx %arg8[%add3A_664], %scan3A_576#28 : memref<4096xf32, #tpu.memory_space<vmem>>[vector<16xi32>], vector<16xf32>,
      %add3A_665 = arith.constant 1921 : i32
      %add3A_666 = vector.broadcast %add3A_665 : i32 to vector<16xi32>
      %add3A_667 = arith.addi %mul3A_5, %add3A_666 : vector<16xi32>
      tpu.vector_store_idx %arg8[%add3A_667], %scan3A_576#29 : memref<4096xf32, #tpu.memory_space<vmem>>[vector<16xi32>], vector<16xf32>,
      %add3A_668 = arith.constant 1922 : i32
      %add3A_669 = vector.broadcast %add3A_668 : i32 to vector<16xi32>
      %add3A_670 = arith.addi %mul3A_5, %add3A_669 : vector<16xi32>
      tpu.vector_store_idx %arg8[%add3A_670], %scan3A_576#30 : memref<4096xf32, #tpu.memory_space<vmem>>[vector<16xi32>], vector<16xf32>,
      %add3A_671 = arith.constant 1923 : i32
      %add3A_672 = vector.broadcast %add3A_671 : i32 to vector<16xi32>
      %add3A_673 = arith.addi %mul3A_5, %add3A_672 : vector<16xi32>
      tpu.vector_store_idx %arg8[%add3A_673], %scan3A_576#31 : memref<4096xf32, #tpu.memory_space<vmem>>[vector<16xi32>], vector<16xf32>,
      %broadcast_in_dim3A_674 = arith.constant 0.000000e+00 : f32
      %broadcast_in_dim3A_675 = vector.broadcast %broadcast_in_dim3A_674 : f32 to vector<16xf32>
      %scan3A_676 = arith.constant 0 : i32
      %scan3A_677 = arith.constant 64 : i32
      %scan3A_678 = arith.addi %scan3A_676, %scan3A_677 : i32
      %scan3A_679 = arith.constant 1 : i32
      %scan3A_680:32 = scf.for %scan3A_1328 = %scan3A_676 to %scan3A_678 step %scan3A_679 iter_args(%scan3A_1329 = %broadcast_in_dim3A_675, %scan3A_1330 = %broadcast_in_dim3A_675, %scan3A_1331 = %broadcast_in_dim3A_675, %scan3A_1332 = %broadcast_in_dim3A_675, %scan3A_1333 = %broadcast_in_dim3A_675, %scan3A_1334 = %broadcast_in_dim3A_675, %scan3A_1335 = %broadcast_in_dim3A_675, %scan3A_1336 = %broadcast_in_dim3A_675, %scan3A_1337 = %broadcast_in_dim3A_675, %scan3A_1338 = %broadcast_in_dim3A_675, %scan3A_1339 = %broadcast_in_dim3A_675, %scan3A_1340 = %broadcast_in_dim3A_675, %scan3A_1341 = %broadcast_in_dim3A_675, %scan3A_1342 = %broadcast_in_dim3A_675, %scan3A_1343 = %broadcast_in_dim3A_675, %scan3A_1344 = %broadcast_in_dim3A_675, %scan3A_1345 = %broadcast_in_dim3A_675, %scan3A_1346 = %broadcast_in_dim3A_675, %scan3A_1347 = %broadcast_in_dim3A_675, %scan3A_1348 = %broadcast_in_dim3A_675, %scan3A_1349 = %broadcast_in_dim3A_675, %scan3A_1350 = %broadcast_in_dim3A_675, %scan3A_1351 = %broadcast_in_dim3A_675, %scan3A_1352 = %broadcast_in_dim3A_675, %scan3A_1353 = %broadcast_in_dim3A_675, %scan3A_1354 = %broadcast_in_dim3A_675, %scan3A_1355 = %broadcast_in_dim3A_675, %scan3A_1356 = %broadcast_in_dim3A_675, %scan3A_1357 = %broadcast_in_dim3A_675, %scan3A_1358 = %broadcast_in_dim3A_675, %scan3A_1359 = %broadcast_in_dim3A_675, %scan3A_1360 = %broadcast_in_dim3A_675) -> (vector<16xf32>, vector<16xf32>, vector<16xf32>, vector<16xf32>, vector<16xf32>, vector<16xf32>, vector<16xf32>, vector<16xf32>, vector<16xf32>, vector<16xf32>, vector<16xf32>, vector<16xf32>, vector<16xf32>, vector<16xf32>, vector<16xf32>, vector<16xf32>, vector<16xf32>, vector<16xf32>, vector<16xf32>, vector<16xf32>, vector<16xf32>, vector<16xf32>, vector<16xf32>, vector<16xf32>, vector<16xf32>, vector<16xf32>, vector<16xf32>, vector<16xf32>, vector<16xf32>, vector<16xf32>, vector<16xf32>, vector<16xf32>)  : i32 {
        %broadcast_in_dim3A_1361 = arith.constant 0 : i32
        %broadcast_in_dim3A_1362 = vector.broadcast %broadcast_in_dim3A_1361 : i32 to vector<16xi32>
        %add3A_1363 = arith.constant 0 : i32
        %add3A_1364 = vector.broadcast %add3A_1363 : i32 to vector<16xi32>
        %add3A_1365 = arith.addi %broadcast_in_dim3A_1362, %add3A_1364 : vector<16xi32>
        %add3A_1366 = vector.broadcast %scan3A_1328 : i32 to vector<16xi32>
        %add3A_1367 = arith.addi %add3A_1365, %add3A_1366 : vector<16xi32>
        %gather3A = tpu.vector_load_idx %arg5[%add3A_1367] : memref<256xf32, #tpu.memory_space<vmem>>[vector<16xi32>], vector<16xf32>,
        %broadcast_in_dim3A_1368 = arith.constant 0 : i32
        %broadcast_in_dim3A_1369 = vector.broadcast %broadcast_in_dim3A_1368 : i32 to vector<16xi32>
        %add3A_1370 = arith.constant 64 : i32
        %add3A_1371 = vector.broadcast %add3A_1370 : i32 to vector<16xi32>
        %add3A_1372 = arith.addi %broadcast_in_dim3A_1369, %add3A_1371 : vector<16xi32>
        %add3A_1373 = vector.broadcast %scan3A_1328 : i32 to vector<16xi32>
        %add3A_1374 = arith.addi %add3A_1372, %add3A_1373 : vector<16xi32>
        %gather3A_1375 = tpu.vector_load_idx %arg5[%add3A_1374] : memref<256xf32, #tpu.memory_space<vmem>>[vector<16xi32>], vector<16xf32>,
        %broadcast_in_dim3A_1376 = arith.constant 0 : i32
        %broadcast_in_dim3A_1377 = vector.broadcast %broadcast_in_dim3A_1376 : i32 to vector<16xi32>
        %add3A_1378 = arith.constant 128 : i32
        %add3A_1379 = vector.broadcast %add3A_1378 : i32 to vector<16xi32>
        %add3A_1380 = arith.addi %broadcast_in_dim3A_1377, %add3A_1379 : vector<16xi32>
        %add3A_1381 = vector.broadcast %scan3A_1328 : i32 to vector<16xi32>
        %add3A_1382 = arith.addi %add3A_1380, %add3A_1381 : vector<16xi32>
        %gather3A_1383 = tpu.vector_load_idx %arg5[%add3A_1382] : memref<256xf32, #tpu.memory_space<vmem>>[vector<16xi32>], vector<16xf32>,
        %broadcast_in_dim3A_1384 = arith.constant 0 : i32
        %broadcast_in_dim3A_1385 = vector.broadcast %broadcast_in_dim3A_1384 : i32 to vector<16xi32>
        %add3A_1386 = arith.constant 192 : i32
        %add3A_1387 = vector.broadcast %add3A_1386 : i32 to vector<16xi32>
        %add3A_1388 = arith.addi %broadcast_in_dim3A_1385, %add3A_1387 : vector<16xi32>
        %add3A_1389 = vector.broadcast %scan3A_1328 : i32 to vector<16xi32>
        %add3A_1390 = arith.addi %add3A_1388, %add3A_1389 : vector<16xi32>
        %gather3A_1391 = tpu.vector_load_idx %arg5[%add3A_1390] : memref<256xf32, #tpu.memory_space<vmem>>[vector<16xi32>], vector<16xf32>,
        %get3A = arith.index_cast %scan3A_1328 : i32 to index
        %get3A_1392 = arith.constant 256 : index
        %get3A_1393 = tpu.vector_load %arg6[%get3A, %get3A_1392] {strides = array<i32>} : memref<64x512xf32, #tpu.memory_space<vmem>>, vector<16xf32>,
        %mul3A_1394 = arith.mulf %get3A_1393, %gather3A : vector<16xf32>
        %add3A_1395 = arith.addf %scan3A_1329, %mul3A_1394 : vector<16xf32>
        %mul3A_1396 = arith.mulf %get3A_1393, %gather3A_1375 : vector<16xf32>
        %add3A_1397 = arith.addf %scan3A_1330, %mul3A_1396 : vector<16xf32>
        %mul3A_1398 = arith.mulf %get3A_1393, %gather3A_1383 : vector<16xf32>
        %add3A_1399 = arith.addf %scan3A_1331, %mul3A_1398 : vector<16xf32>
        %mul3A_1400 = arith.mulf %get3A_1393, %gather3A_1391 : vector<16xf32>
        %add3A_1401 = arith.addf %scan3A_1332, %mul3A_1400 : vector<16xf32>
        %get3A_1402 = arith.index_cast %scan3A_1328 : i32 to index
        %get3A_1403 = arith.constant 272 : index
        %get3A_1404 = tpu.vector_load %arg6[%get3A_1402, %get3A_1403] {strides = array<i32>} : memref<64x512xf32, #tpu.memory_space<vmem>>, vector<16xf32>,
        %mul3A_1405 = arith.mulf %get3A_1404, %gather3A : vector<16xf32>
        %add3A_1406 = arith.addf %scan3A_1333, %mul3A_1405 : vector<16xf32>
        %mul3A_1407 = arith.mulf %get3A_1404, %gather3A_1375 : vector<16xf32>
        %add3A_1408 = arith.addf %scan3A_1334, %mul3A_1407 : vector<16xf32>
        %mul3A_1409 = arith.mulf %get3A_1404, %gather3A_1383 : vector<16xf32>
        %add3A_1410 = arith.addf %scan3A_1335, %mul3A_1409 : vector<16xf32>
        %mul3A_1411 = arith.mulf %get3A_1404, %gather3A_1391 : vector<16xf32>
        %add3A_1412 = arith.addf %scan3A_1336, %mul3A_1411 : vector<16xf32>
        %get3A_1413 = arith.index_cast %scan3A_1328 : i32 to index
        %get3A_1414 = arith.constant 288 : index
        %get3A_1415 = tpu.vector_load %arg6[%get3A_1413, %get3A_1414] {strides = array<i32>} : memref<64x512xf32, #tpu.memory_space<vmem>>, vector<16xf32>,
        %mul3A_1416 = arith.mulf %get3A_1415, %gather3A : vector<16xf32>
        %add3A_1417 = arith.addf %scan3A_1337, %mul3A_1416 : vector<16xf32>
        %mul3A_1418 = arith.mulf %get3A_1415, %gather3A_1375 : vector<16xf32>
        %add3A_1419 = arith.addf %scan3A_1338, %mul3A_1418 : vector<16xf32>
        %mul3A_1420 = arith.mulf %get3A_1415, %gather3A_1383 : vector<16xf32>
        %add3A_1421 = arith.addf %scan3A_1339, %mul3A_1420 : vector<16xf32>
        %mul3A_1422 = arith.mulf %get3A_1415, %gather3A_1391 : vector<16xf32>
        %add3A_1423 = arith.addf %scan3A_1340, %mul3A_1422 : vector<16xf32>
        %get3A_1424 = arith.index_cast %scan3A_1328 : i32 to index
        %get3A_1425 = arith.constant 304 : index
        %get3A_1426 = tpu.vector_load %arg6[%get3A_1424, %get3A_1425] {strides = array<i32>} : memref<64x512xf32, #tpu.memory_space<vmem>>, vector<16xf32>,
        %mul3A_1427 = arith.mulf %get3A_1426, %gather3A : vector<16xf32>
        %add3A_1428 = arith.addf %scan3A_1341, %mul3A_1427 : vector<16xf32>
        %mul3A_1429 = arith.mulf %get3A_1426, %gather3A_1375 : vector<16xf32>
        %add3A_1430 = arith.addf %scan3A_1342, %mul3A_1429 : vector<16xf32>
        %mul3A_1431 = arith.mulf %get3A_1426, %gather3A_1383 : vector<16xf32>
        %add3A_1432 = arith.addf %scan3A_1343, %mul3A_1431 : vector<16xf32>
        %mul3A_1433 = arith.mulf %get3A_1426, %gather3A_1391 : vector<16xf32>
        %add3A_1434 = arith.addf %scan3A_1344, %mul3A_1433 : vector<16xf32>
        %get3A_1435 = arith.index_cast %scan3A_1328 : i32 to index
        %get3A_1436 = arith.constant 320 : index
        %get3A_1437 = tpu.vector_load %arg6[%get3A_1435, %get3A_1436] {strides = array<i32>} : memref<64x512xf32, #tpu.memory_space<vmem>>, vector<16xf32>,
        %mul3A_1438 = arith.mulf %get3A_1437, %gather3A : vector<16xf32>
        %add3A_1439 = arith.addf %scan3A_1345, %mul3A_1438 : vector<16xf32>
        %mul3A_1440 = arith.mulf %get3A_1437, %gather3A_1375 : vector<16xf32>
        %add3A_1441 = arith.addf %scan3A_1346, %mul3A_1440 : vector<16xf32>
        %mul3A_1442 = arith.mulf %get3A_1437, %gather3A_1383 : vector<16xf32>
        %add3A_1443 = arith.addf %scan3A_1347, %mul3A_1442 : vector<16xf32>
        %mul3A_1444 = arith.mulf %get3A_1437, %gather3A_1391 : vector<16xf32>
        %add3A_1445 = arith.addf %scan3A_1348, %mul3A_1444 : vector<16xf32>
        %get3A_1446 = arith.index_cast %scan3A_1328 : i32 to index
        %get3A_1447 = arith.constant 336 : index
        %get3A_1448 = tpu.vector_load %arg6[%get3A_1446, %get3A_1447] {strides = array<i32>} : memref<64x512xf32, #tpu.memory_space<vmem>>, vector<16xf32>,
        %mul3A_1449 = arith.mulf %get3A_1448, %gather3A : vector<16xf32>
        %add3A_1450 = arith.addf %scan3A_1349, %mul3A_1449 : vector<16xf32>
        %mul3A_1451 = arith.mulf %get3A_1448, %gather3A_1375 : vector<16xf32>
        %add3A_1452 = arith.addf %scan3A_1350, %mul3A_1451 : vector<16xf32>
        %mul3A_1453 = arith.mulf %get3A_1448, %gather3A_1383 : vector<16xf32>
        %add3A_1454 = arith.addf %scan3A_1351, %mul3A_1453 : vector<16xf32>
        %mul3A_1455 = arith.mulf %get3A_1448, %gather3A_1391 : vector<16xf32>
        %add3A_1456 = arith.addf %scan3A_1352, %mul3A_1455 : vector<16xf32>
        %get3A_1457 = arith.index_cast %scan3A_1328 : i32 to index
        %get3A_1458 = arith.constant 352 : index
        %get3A_1459 = tpu.vector_load %arg6[%get3A_1457, %get3A_1458] {strides = array<i32>} : memref<64x512xf32, #tpu.memory_space<vmem>>, vector<16xf32>,
        %mul3A_1460 = arith.mulf %get3A_1459, %gather3A : vector<16xf32>
        %add3A_1461 = arith.addf %scan3A_1353, %mul3A_1460 : vector<16xf32>
        %mul3A_1462 = arith.mulf %get3A_1459, %gather3A_1375 : vector<16xf32>
        %add3A_1463 = arith.addf %scan3A_1354, %mul3A_1462 : vector<16xf32>
        %mul3A_1464 = arith.mulf %get3A_1459, %gather3A_1383 : vector<16xf32>
        %add3A_1465 = arith.addf %scan3A_1355, %mul3A_1464 : vector<16xf32>
        %mul3A_1466 = arith.mulf %get3A_1459, %gather3A_1391 : vector<16xf32>
        %add3A_1467 = arith.addf %scan3A_1356, %mul3A_1466 : vector<16xf32>
        %get3A_1468 = arith.index_cast %scan3A_1328 : i32 to index
        %get3A_1469 = arith.constant 368 : index
        %get3A_1470 = tpu.vector_load %arg6[%get3A_1468, %get3A_1469] {strides = array<i32>} : memref<64x512xf32, #tpu.memory_space<vmem>>, vector<16xf32>,
        %mul3A_1471 = arith.mulf %get3A_1470, %gather3A : vector<16xf32>
        %add3A_1472 = arith.addf %scan3A_1357, %mul3A_1471 : vector<16xf32>
        %mul3A_1473 = arith.mulf %get3A_1470, %gather3A_1375 : vector<16xf32>
        %add3A_1474 = arith.addf %scan3A_1358, %mul3A_1473 : vector<16xf32>
        %mul3A_1475 = arith.mulf %get3A_1470, %gather3A_1383 : vector<16xf32>
        %add3A_1476 = arith.addf %scan3A_1359, %mul3A_1475 : vector<16xf32>
        %mul3A_1477 = arith.mulf %get3A_1470, %gather3A_1391 : vector<16xf32>
        %add3A_1478 = arith.addf %scan3A_1360, %mul3A_1477 : vector<16xf32>
        scf.yield %add3A_1395, %add3A_1397, %add3A_1399, %add3A_1401, %add3A_1406, %add3A_1408, %add3A_1410, %add3A_1412, %add3A_1417, %add3A_1419, %add3A_1421, %add3A_1423, %add3A_1428, %add3A_1430, %add3A_1432, %add3A_1434, %add3A_1439, %add3A_1441, %add3A_1443, %add3A_1445, %add3A_1450, %add3A_1452, %add3A_1454, %add3A_1456, %add3A_1461, %add3A_1463, %add3A_1465, %add3A_1467, %add3A_1472, %add3A_1474, %add3A_1476, %add3A_1478 : vector<16xf32>, vector<16xf32>, vector<16xf32>, vector<16xf32>, vector<16xf32>, vector<16xf32>, vector<16xf32>, vector<16xf32>, vector<16xf32>, vector<16xf32>, vector<16xf32>, vector<16xf32>, vector<16xf32>, vector<16xf32>, vector<16xf32>, vector<16xf32>, vector<16xf32>, vector<16xf32>, vector<16xf32>, vector<16xf32>, vector<16xf32>, vector<16xf32>, vector<16xf32>, vector<16xf32>, vector<16xf32>, vector<16xf32>, vector<16xf32>, vector<16xf32>, vector<16xf32>, vector<16xf32>, vector<16xf32>, vector<16xf32>
      }
      %scan3A_681 = arith.constant 64 : i32
      %add3A_682 = arith.constant 2048 : i32
      %add3A_683 = vector.broadcast %add3A_682 : i32 to vector<16xi32>
      %add3A_684 = arith.addi %mul3A_5, %add3A_683 : vector<16xi32>
      tpu.vector_store_idx %arg8[%add3A_684], %scan3A_680#0 : memref<4096xf32, #tpu.memory_space<vmem>>[vector<16xi32>], vector<16xf32>,
      %add3A_685 = arith.constant 2049 : i32
      %add3A_686 = vector.broadcast %add3A_685 : i32 to vector<16xi32>
      %add3A_687 = arith.addi %mul3A_5, %add3A_686 : vector<16xi32>
      tpu.vector_store_idx %arg8[%add3A_687], %scan3A_680#1 : memref<4096xf32, #tpu.memory_space<vmem>>[vector<16xi32>], vector<16xf32>,
      %add3A_688 = arith.constant 2050 : i32
      %add3A_689 = vector.broadcast %add3A_688 : i32 to vector<16xi32>
      %add3A_690 = arith.addi %mul3A_5, %add3A_689 : vector<16xi32>
      tpu.vector_store_idx %arg8[%add3A_690], %scan3A_680#2 : memref<4096xf32, #tpu.memory_space<vmem>>[vector<16xi32>], vector<16xf32>,
      %add3A_691 = arith.constant 2051 : i32
      %add3A_692 = vector.broadcast %add3A_691 : i32 to vector<16xi32>
      %add3A_693 = arith.addi %mul3A_5, %add3A_692 : vector<16xi32>
      tpu.vector_store_idx %arg8[%add3A_693], %scan3A_680#3 : memref<4096xf32, #tpu.memory_space<vmem>>[vector<16xi32>], vector<16xf32>,
      %add3A_694 = arith.constant 2176 : i32
      %add3A_695 = vector.broadcast %add3A_694 : i32 to vector<16xi32>
      %add3A_696 = arith.addi %mul3A_5, %add3A_695 : vector<16xi32>
      tpu.vector_store_idx %arg8[%add3A_696], %scan3A_680#4 : memref<4096xf32, #tpu.memory_space<vmem>>[vector<16xi32>], vector<16xf32>,
      %add3A_697 = arith.constant 2177 : i32
      %add3A_698 = vector.broadcast %add3A_697 : i32 to vector<16xi32>
      %add3A_699 = arith.addi %mul3A_5, %add3A_698 : vector<16xi32>
      tpu.vector_store_idx %arg8[%add3A_699], %scan3A_680#5 : memref<4096xf32, #tpu.memory_space<vmem>>[vector<16xi32>], vector<16xf32>,
      %add3A_700 = arith.constant 2178 : i32
      %add3A_701 = vector.broadcast %add3A_700 : i32 to vector<16xi32>
      %add3A_702 = arith.addi %mul3A_5, %add3A_701 : vector<16xi32>
      tpu.vector_store_idx %arg8[%add3A_702], %scan3A_680#6 : memref<4096xf32, #tpu.memory_space<vmem>>[vector<16xi32>], vector<16xf32>,
      %add3A_703 = arith.constant 2179 : i32
      %add3A_704 = vector.broadcast %add3A_703 : i32 to vector<16xi32>
      %add3A_705 = arith.addi %mul3A_5, %add3A_704 : vector<16xi32>
      tpu.vector_store_idx %arg8[%add3A_705], %scan3A_680#7 : memref<4096xf32, #tpu.memory_space<vmem>>[vector<16xi32>], vector<16xf32>,
      %add3A_706 = arith.constant 2304 : i32
      %add3A_707 = vector.broadcast %add3A_706 : i32 to vector<16xi32>
      %add3A_708 = arith.addi %mul3A_5, %add3A_707 : vector<16xi32>
      tpu.vector_store_idx %arg8[%add3A_708], %scan3A_680#8 : memref<4096xf32, #tpu.memory_space<vmem>>[vector<16xi32>], vector<16xf32>,
      %add3A_709 = arith.constant 2305 : i32
      %add3A_710 = vector.broadcast %add3A_709 : i32 to vector<16xi32>
      %add3A_711 = arith.addi %mul3A_5, %add3A_710 : vector<16xi32>
      tpu.vector_store_idx %arg8[%add3A_711], %scan3A_680#9 : memref<4096xf32, #tpu.memory_space<vmem>>[vector<16xi32>], vector<16xf32>,
      %add3A_712 = arith.constant 2306 : i32
      %add3A_713 = vector.broadcast %add3A_712 : i32 to vector<16xi32>
      %add3A_714 = arith.addi %mul3A_5, %add3A_713 : vector<16xi32>
      tpu.vector_store_idx %arg8[%add3A_714], %scan3A_680#10 : memref<4096xf32, #tpu.memory_space<vmem>>[vector<16xi32>], vector<16xf32>,
      %add3A_715 = arith.constant 2307 : i32
      %add3A_716 = vector.broadcast %add3A_715 : i32 to vector<16xi32>
      %add3A_717 = arith.addi %mul3A_5, %add3A_716 : vector<16xi32>
      tpu.vector_store_idx %arg8[%add3A_717], %scan3A_680#11 : memref<4096xf32, #tpu.memory_space<vmem>>[vector<16xi32>], vector<16xf32>,
      %add3A_718 = arith.constant 2432 : i32
      %add3A_719 = vector.broadcast %add3A_718 : i32 to vector<16xi32>
      %add3A_720 = arith.addi %mul3A_5, %add3A_719 : vector<16xi32>
      tpu.vector_store_idx %arg8[%add3A_720], %scan3A_680#12 : memref<4096xf32, #tpu.memory_space<vmem>>[vector<16xi32>], vector<16xf32>,
      %add3A_721 = arith.constant 2433 : i32
      %add3A_722 = vector.broadcast %add3A_721 : i32 to vector<16xi32>
      %add3A_723 = arith.addi %mul3A_5, %add3A_722 : vector<16xi32>
      tpu.vector_store_idx %arg8[%add3A_723], %scan3A_680#13 : memref<4096xf32, #tpu.memory_space<vmem>>[vector<16xi32>], vector<16xf32>,
      %add3A_724 = arith.constant 2434 : i32
      %add3A_725 = vector.broadcast %add3A_724 : i32 to vector<16xi32>
      %add3A_726 = arith.addi %mul3A_5, %add3A_725 : vector<16xi32>
      tpu.vector_store_idx %arg8[%add3A_726], %scan3A_680#14 : memref<4096xf32, #tpu.memory_space<vmem>>[vector<16xi32>], vector<16xf32>,
      %add3A_727 = arith.constant 2435 : i32
      %add3A_728 = vector.broadcast %add3A_727 : i32 to vector<16xi32>
      %add3A_729 = arith.addi %mul3A_5, %add3A_728 : vector<16xi32>
      tpu.vector_store_idx %arg8[%add3A_729], %scan3A_680#15 : memref<4096xf32, #tpu.memory_space<vmem>>[vector<16xi32>], vector<16xf32>,
      %add3A_730 = arith.constant 2560 : i32
      %add3A_731 = vector.broadcast %add3A_730 : i32 to vector<16xi32>
      %add3A_732 = arith.addi %mul3A_5, %add3A_731 : vector<16xi32>
      tpu.vector_store_idx %arg8[%add3A_732], %scan3A_680#16 : memref<4096xf32, #tpu.memory_space<vmem>>[vector<16xi32>], vector<16xf32>,
      %add3A_733 = arith.constant 2561 : i32
      %add3A_734 = vector.broadcast %add3A_733 : i32 to vector<16xi32>
      %add3A_735 = arith.addi %mul3A_5, %add3A_734 : vector<16xi32>
      tpu.vector_store_idx %arg8[%add3A_735], %scan3A_680#17 : memref<4096xf32, #tpu.memory_space<vmem>>[vector<16xi32>], vector<16xf32>,
      %add3A_736 = arith.constant 2562 : i32
      %add3A_737 = vector.broadcast %add3A_736 : i32 to vector<16xi32>
      %add3A_738 = arith.addi %mul3A_5, %add3A_737 : vector<16xi32>
      tpu.vector_store_idx %arg8[%add3A_738], %scan3A_680#18 : memref<4096xf32, #tpu.memory_space<vmem>>[vector<16xi32>], vector<16xf32>,
      %add3A_739 = arith.constant 2563 : i32
      %add3A_740 = vector.broadcast %add3A_739 : i32 to vector<16xi32>
      %add3A_741 = arith.addi %mul3A_5, %add3A_740 : vector<16xi32>
      tpu.vector_store_idx %arg8[%add3A_741], %scan3A_680#19 : memref<4096xf32, #tpu.memory_space<vmem>>[vector<16xi32>], vector<16xf32>,
      %add3A_742 = arith.constant 2688 : i32
      %add3A_743 = vector.broadcast %add3A_742 : i32 to vector<16xi32>
      %add3A_744 = arith.addi %mul3A_5, %add3A_743 : vector<16xi32>
      tpu.vector_store_idx %arg8[%add3A_744], %scan3A_680#20 : memref<4096xf32, #tpu.memory_space<vmem>>[vector<16xi32>], vector<16xf32>,
      %add3A_745 = arith.constant 2689 : i32
      %add3A_746 = vector.broadcast %add3A_745 : i32 to vector<16xi32>
      %add3A_747 = arith.addi %mul3A_5, %add3A_746 : vector<16xi32>
      tpu.vector_store_idx %arg8[%add3A_747], %scan3A_680#21 : memref<4096xf32, #tpu.memory_space<vmem>>[vector<16xi32>], vector<16xf32>,
      %add3A_748 = arith.constant 2690 : i32
      %add3A_749 = vector.broadcast %add3A_748 : i32 to vector<16xi32>
      %add3A_750 = arith.addi %mul3A_5, %add3A_749 : vector<16xi32>
      tpu.vector_store_idx %arg8[%add3A_750], %scan3A_680#22 : memref<4096xf32, #tpu.memory_space<vmem>>[vector<16xi32>], vector<16xf32>,
      %add3A_751 = arith.constant 2691 : i32
      %add3A_752 = vector.broadcast %add3A_751 : i32 to vector<16xi32>
      %add3A_753 = arith.addi %mul3A_5, %add3A_752 : vector<16xi32>
      tpu.vector_store_idx %arg8[%add3A_753], %scan3A_680#23 : memref<4096xf32, #tpu.memory_space<vmem>>[vector<16xi32>], vector<16xf32>,
      %add3A_754 = arith.constant 2816 : i32
      %add3A_755 = vector.broadcast %add3A_754 : i32 to vector<16xi32>
      %add3A_756 = arith.addi %mul3A_5, %add3A_755 : vector<16xi32>
      tpu.vector_store_idx %arg8[%add3A_756], %scan3A_680#24 : memref<4096xf32, #tpu.memory_space<vmem>>[vector<16xi32>], vector<16xf32>,
      %add3A_757 = arith.constant 2817 : i32
      %add3A_758 = vector.broadcast %add3A_757 : i32 to vector<16xi32>
      %add3A_759 = arith.addi %mul3A_5, %add3A_758 : vector<16xi32>
      tpu.vector_store_idx %arg8[%add3A_759], %scan3A_680#25 : memref<4096xf32, #tpu.memory_space<vmem>>[vector<16xi32>], vector<16xf32>,
      %add3A_760 = arith.constant 2818 : i32
      %add3A_761 = vector.broadcast %add3A_760 : i32 to vector<16xi32>
      %add3A_762 = arith.addi %mul3A_5, %add3A_761 : vector<16xi32>
      tpu.vector_store_idx %arg8[%add3A_762], %scan3A_680#26 : memref<4096xf32, #tpu.memory_space<vmem>>[vector<16xi32>], vector<16xf32>,
      %add3A_763 = arith.constant 2819 : i32
      %add3A_764 = vector.broadcast %add3A_763 : i32 to vector<16xi32>
      %add3A_765 = arith.addi %mul3A_5, %add3A_764 : vector<16xi32>
      tpu.vector_store_idx %arg8[%add3A_765], %scan3A_680#27 : memref<4096xf32, #tpu.memory_space<vmem>>[vector<16xi32>], vector<16xf32>,
      %add3A_766 = arith.constant 2944 : i32
      %add3A_767 = vector.broadcast %add3A_766 : i32 to vector<16xi32>
      %add3A_768 = arith.addi %mul3A_5, %add3A_767 : vector<16xi32>
      tpu.vector_store_idx %arg8[%add3A_768], %scan3A_680#28 : memref<4096xf32, #tpu.memory_space<vmem>>[vector<16xi32>], vector<16xf32>,
      %add3A_769 = arith.constant 2945 : i32
      %add3A_770 = vector.broadcast %add3A_769 : i32 to vector<16xi32>
      %add3A_771 = arith.addi %mul3A_5, %add3A_770 : vector<16xi32>
      tpu.vector_store_idx %arg8[%add3A_771], %scan3A_680#29 : memref<4096xf32, #tpu.memory_space<vmem>>[vector<16xi32>], vector<16xf32>,
      %add3A_772 = arith.constant 2946 : i32
      %add3A_773 = vector.broadcast %add3A_772 : i32 to vector<16xi32>
      %add3A_774 = arith.addi %mul3A_5, %add3A_773 : vector<16xi32>
      tpu.vector_store_idx %arg8[%add3A_774], %scan3A_680#30 : memref<4096xf32, #tpu.memory_space<vmem>>[vector<16xi32>], vector<16xf32>,
      %add3A_775 = arith.constant 2947 : i32
      %add3A_776 = vector.broadcast %add3A_775 : i32 to vector<16xi32>
      %add3A_777 = arith.addi %mul3A_5, %add3A_776 : vector<16xi32>
      tpu.vector_store_idx %arg8[%add3A_777], %scan3A_680#31 : memref<4096xf32, #tpu.memory_space<vmem>>[vector<16xi32>], vector<16xf32>,
      %broadcast_in_dim3A_778 = arith.constant 0.000000e+00 : f32
      %broadcast_in_dim3A_779 = vector.broadcast %broadcast_in_dim3A_778 : f32 to vector<16xf32>
      %scan3A_780 = arith.constant 0 : i32
      %scan3A_781 = arith.constant 64 : i32
      %scan3A_782 = arith.addi %scan3A_780, %scan3A_781 : i32
      %scan3A_783 = arith.constant 1 : i32
      %scan3A_784:32 = scf.for %scan3A_1328 = %scan3A_780 to %scan3A_782 step %scan3A_783 iter_args(%scan3A_1329 = %broadcast_in_dim3A_779, %scan3A_1330 = %broadcast_in_dim3A_779, %scan3A_1331 = %broadcast_in_dim3A_779, %scan3A_1332 = %broadcast_in_dim3A_779, %scan3A_1333 = %broadcast_in_dim3A_779, %scan3A_1334 = %broadcast_in_dim3A_779, %scan3A_1335 = %broadcast_in_dim3A_779, %scan3A_1336 = %broadcast_in_dim3A_779, %scan3A_1337 = %broadcast_in_dim3A_779, %scan3A_1338 = %broadcast_in_dim3A_779, %scan3A_1339 = %broadcast_in_dim3A_779, %scan3A_1340 = %broadcast_in_dim3A_779, %scan3A_1341 = %broadcast_in_dim3A_779, %scan3A_1342 = %broadcast_in_dim3A_779, %scan3A_1343 = %broadcast_in_dim3A_779, %scan3A_1344 = %broadcast_in_dim3A_779, %scan3A_1345 = %broadcast_in_dim3A_779, %scan3A_1346 = %broadcast_in_dim3A_779, %scan3A_1347 = %broadcast_in_dim3A_779, %scan3A_1348 = %broadcast_in_dim3A_779, %scan3A_1349 = %broadcast_in_dim3A_779, %scan3A_1350 = %broadcast_in_dim3A_779, %scan3A_1351 = %broadcast_in_dim3A_779, %scan3A_1352 = %broadcast_in_dim3A_779, %scan3A_1353 = %broadcast_in_dim3A_779, %scan3A_1354 = %broadcast_in_dim3A_779, %scan3A_1355 = %broadcast_in_dim3A_779, %scan3A_1356 = %broadcast_in_dim3A_779, %scan3A_1357 = %broadcast_in_dim3A_779, %scan3A_1358 = %broadcast_in_dim3A_779, %scan3A_1359 = %broadcast_in_dim3A_779, %scan3A_1360 = %broadcast_in_dim3A_779) -> (vector<16xf32>, vector<16xf32>, vector<16xf32>, vector<16xf32>, vector<16xf32>, vector<16xf32>, vector<16xf32>, vector<16xf32>, vector<16xf32>, vector<16xf32>, vector<16xf32>, vector<16xf32>, vector<16xf32>, vector<16xf32>, vector<16xf32>, vector<16xf32>, vector<16xf32>, vector<16xf32>, vector<16xf32>, vector<16xf32>, vector<16xf32>, vector<16xf32>, vector<16xf32>, vector<16xf32>, vector<16xf32>, vector<16xf32>, vector<16xf32>, vector<16xf32>, vector<16xf32>, vector<16xf32>, vector<16xf32>, vector<16xf32>)  : i32 {
        %broadcast_in_dim3A_1361 = arith.constant 0 : i32
        %broadcast_in_dim3A_1362 = vector.broadcast %broadcast_in_dim3A_1361 : i32 to vector<16xi32>
        %add3A_1363 = arith.constant 0 : i32
        %add3A_1364 = vector.broadcast %add3A_1363 : i32 to vector<16xi32>
        %add3A_1365 = arith.addi %broadcast_in_dim3A_1362, %add3A_1364 : vector<16xi32>
        %add3A_1366 = vector.broadcast %scan3A_1328 : i32 to vector<16xi32>
        %add3A_1367 = arith.addi %add3A_1365, %add3A_1366 : vector<16xi32>
        %gather3A = tpu.vector_load_idx %arg5[%add3A_1367] : memref<256xf32, #tpu.memory_space<vmem>>[vector<16xi32>], vector<16xf32>,
        %broadcast_in_dim3A_1368 = arith.constant 0 : i32
        %broadcast_in_dim3A_1369 = vector.broadcast %broadcast_in_dim3A_1368 : i32 to vector<16xi32>
        %add3A_1370 = arith.constant 64 : i32
        %add3A_1371 = vector.broadcast %add3A_1370 : i32 to vector<16xi32>
        %add3A_1372 = arith.addi %broadcast_in_dim3A_1369, %add3A_1371 : vector<16xi32>
        %add3A_1373 = vector.broadcast %scan3A_1328 : i32 to vector<16xi32>
        %add3A_1374 = arith.addi %add3A_1372, %add3A_1373 : vector<16xi32>
        %gather3A_1375 = tpu.vector_load_idx %arg5[%add3A_1374] : memref<256xf32, #tpu.memory_space<vmem>>[vector<16xi32>], vector<16xf32>,
        %broadcast_in_dim3A_1376 = arith.constant 0 : i32
        %broadcast_in_dim3A_1377 = vector.broadcast %broadcast_in_dim3A_1376 : i32 to vector<16xi32>
        %add3A_1378 = arith.constant 128 : i32
        %add3A_1379 = vector.broadcast %add3A_1378 : i32 to vector<16xi32>
        %add3A_1380 = arith.addi %broadcast_in_dim3A_1377, %add3A_1379 : vector<16xi32>
        %add3A_1381 = vector.broadcast %scan3A_1328 : i32 to vector<16xi32>
        %add3A_1382 = arith.addi %add3A_1380, %add3A_1381 : vector<16xi32>
        %gather3A_1383 = tpu.vector_load_idx %arg5[%add3A_1382] : memref<256xf32, #tpu.memory_space<vmem>>[vector<16xi32>], vector<16xf32>,
        %broadcast_in_dim3A_1384 = arith.constant 0 : i32
        %broadcast_in_dim3A_1385 = vector.broadcast %broadcast_in_dim3A_1384 : i32 to vector<16xi32>
        %add3A_1386 = arith.constant 192 : i32
        %add3A_1387 = vector.broadcast %add3A_1386 : i32 to vector<16xi32>
        %add3A_1388 = arith.addi %broadcast_in_dim3A_1385, %add3A_1387 : vector<16xi32>
        %add3A_1389 = vector.broadcast %scan3A_1328 : i32 to vector<16xi32>
        %add3A_1390 = arith.addi %add3A_1388, %add3A_1389 : vector<16xi32>
        %gather3A_1391 = tpu.vector_load_idx %arg5[%add3A_1390] : memref<256xf32, #tpu.memory_space<vmem>>[vector<16xi32>], vector<16xf32>,
        %get3A = arith.index_cast %scan3A_1328 : i32 to index
        %get3A_1392 = arith.constant 384 : index
        %get3A_1393 = tpu.vector_load %arg6[%get3A, %get3A_1392] {strides = array<i32>} : memref<64x512xf32, #tpu.memory_space<vmem>>, vector<16xf32>,
        %mul3A_1394 = arith.mulf %get3A_1393, %gather3A : vector<16xf32>
        %add3A_1395 = arith.addf %scan3A_1329, %mul3A_1394 : vector<16xf32>
        %mul3A_1396 = arith.mulf %get3A_1393, %gather3A_1375 : vector<16xf32>
        %add3A_1397 = arith.addf %scan3A_1330, %mul3A_1396 : vector<16xf32>
        %mul3A_1398 = arith.mulf %get3A_1393, %gather3A_1383 : vector<16xf32>
        %add3A_1399 = arith.addf %scan3A_1331, %mul3A_1398 : vector<16xf32>
        %mul3A_1400 = arith.mulf %get3A_1393, %gather3A_1391 : vector<16xf32>
        %add3A_1401 = arith.addf %scan3A_1332, %mul3A_1400 : vector<16xf32>
        %get3A_1402 = arith.index_cast %scan3A_1328 : i32 to index
        %get3A_1403 = arith.constant 400 : index
        %get3A_1404 = tpu.vector_load %arg6[%get3A_1402, %get3A_1403] {strides = array<i32>} : memref<64x512xf32, #tpu.memory_space<vmem>>, vector<16xf32>,
        %mul3A_1405 = arith.mulf %get3A_1404, %gather3A : vector<16xf32>
        %add3A_1406 = arith.addf %scan3A_1333, %mul3A_1405 : vector<16xf32>
        %mul3A_1407 = arith.mulf %get3A_1404, %gather3A_1375 : vector<16xf32>
        %add3A_1408 = arith.addf %scan3A_1334, %mul3A_1407 : vector<16xf32>
        %mul3A_1409 = arith.mulf %get3A_1404, %gather3A_1383 : vector<16xf32>
        %add3A_1410 = arith.addf %scan3A_1335, %mul3A_1409 : vector<16xf32>
        %mul3A_1411 = arith.mulf %get3A_1404, %gather3A_1391 : vector<16xf32>
        %add3A_1412 = arith.addf %scan3A_1336, %mul3A_1411 : vector<16xf32>
        %get3A_1413 = arith.index_cast %scan3A_1328 : i32 to index
        %get3A_1414 = arith.constant 416 : index
        %get3A_1415 = tpu.vector_load %arg6[%get3A_1413, %get3A_1414] {strides = array<i32>} : memref<64x512xf32, #tpu.memory_space<vmem>>, vector<16xf32>,
        %mul3A_1416 = arith.mulf %get3A_1415, %gather3A : vector<16xf32>
        %add3A_1417 = arith.addf %scan3A_1337, %mul3A_1416 : vector<16xf32>
        %mul3A_1418 = arith.mulf %get3A_1415, %gather3A_1375 : vector<16xf32>
        %add3A_1419 = arith.addf %scan3A_1338, %mul3A_1418 : vector<16xf32>
        %mul3A_1420 = arith.mulf %get3A_1415, %gather3A_1383 : vector<16xf32>
        %add3A_1421 = arith.addf %scan3A_1339, %mul3A_1420 : vector<16xf32>
        %mul3A_1422 = arith.mulf %get3A_1415, %gather3A_1391 : vector<16xf32>
        %add3A_1423 = arith.addf %scan3A_1340, %mul3A_1422 : vector<16xf32>
        %get3A_1424 = arith.index_cast %scan3A_1328 : i32 to index
        %get3A_1425 = arith.constant 432 : index
        %get3A_1426 = tpu.vector_load %arg6[%get3A_1424, %get3A_1425] {strides = array<i32>} : memref<64x512xf32, #tpu.memory_space<vmem>>, vector<16xf32>,
        %mul3A_1427 = arith.mulf %get3A_1426, %gather3A : vector<16xf32>
        %add3A_1428 = arith.addf %scan3A_1341, %mul3A_1427 : vector<16xf32>
        %mul3A_1429 = arith.mulf %get3A_1426, %gather3A_1375 : vector<16xf32>
        %add3A_1430 = arith.addf %scan3A_1342, %mul3A_1429 : vector<16xf32>
        %mul3A_1431 = arith.mulf %get3A_1426, %gather3A_1383 : vector<16xf32>
        %add3A_1432 = arith.addf %scan3A_1343, %mul3A_1431 : vector<16xf32>
        %mul3A_1433 = arith.mulf %get3A_1426, %gather3A_1391 : vector<16xf32>
        %add3A_1434 = arith.addf %scan3A_1344, %mul3A_1433 : vector<16xf32>
        %get3A_1435 = arith.index_cast %scan3A_1328 : i32 to index
        %get3A_1436 = arith.constant 448 : index
        %get3A_1437 = tpu.vector_load %arg6[%get3A_1435, %get3A_1436] {strides = array<i32>} : memref<64x512xf32, #tpu.memory_space<vmem>>, vector<16xf32>,
        %mul3A_1438 = arith.mulf %get3A_1437, %gather3A : vector<16xf32>
        %add3A_1439 = arith.addf %scan3A_1345, %mul3A_1438 : vector<16xf32>
        %mul3A_1440 = arith.mulf %get3A_1437, %gather3A_1375 : vector<16xf32>
        %add3A_1441 = arith.addf %scan3A_1346, %mul3A_1440 : vector<16xf32>
        %mul3A_1442 = arith.mulf %get3A_1437, %gather3A_1383 : vector<16xf32>
        %add3A_1443 = arith.addf %scan3A_1347, %mul3A_1442 : vector<16xf32>
        %mul3A_1444 = arith.mulf %get3A_1437, %gather3A_1391 : vector<16xf32>
        %add3A_1445 = arith.addf %scan3A_1348, %mul3A_1444 : vector<16xf32>
        %get3A_1446 = arith.index_cast %scan3A_1328 : i32 to index
        %get3A_1447 = arith.constant 464 : index
        %get3A_1448 = tpu.vector_load %arg6[%get3A_1446, %get3A_1447] {strides = array<i32>} : memref<64x512xf32, #tpu.memory_space<vmem>>, vector<16xf32>,
        %mul3A_1449 = arith.mulf %get3A_1448, %gather3A : vector<16xf32>
        %add3A_1450 = arith.addf %scan3A_1349, %mul3A_1449 : vector<16xf32>
        %mul3A_1451 = arith.mulf %get3A_1448, %gather3A_1375 : vector<16xf32>
        %add3A_1452 = arith.addf %scan3A_1350, %mul3A_1451 : vector<16xf32>
        %mul3A_1453 = arith.mulf %get3A_1448, %gather3A_1383 : vector<16xf32>
        %add3A_1454 = arith.addf %scan3A_1351, %mul3A_1453 : vector<16xf32>
        %mul3A_1455 = arith.mulf %get3A_1448, %gather3A_1391 : vector<16xf32>
        %add3A_1456 = arith.addf %scan3A_1352, %mul3A_1455 : vector<16xf32>
        %get3A_1457 = arith.index_cast %scan3A_1328 : i32 to index
        %get3A_1458 = arith.constant 480 : index
        %get3A_1459 = tpu.vector_load %arg6[%get3A_1457, %get3A_1458] {strides = array<i32>} : memref<64x512xf32, #tpu.memory_space<vmem>>, vector<16xf32>,
        %mul3A_1460 = arith.mulf %get3A_1459, %gather3A : vector<16xf32>
        %add3A_1461 = arith.addf %scan3A_1353, %mul3A_1460 : vector<16xf32>
        %mul3A_1462 = arith.mulf %get3A_1459, %gather3A_1375 : vector<16xf32>
        %add3A_1463 = arith.addf %scan3A_1354, %mul3A_1462 : vector<16xf32>
        %mul3A_1464 = arith.mulf %get3A_1459, %gather3A_1383 : vector<16xf32>
        %add3A_1465 = arith.addf %scan3A_1355, %mul3A_1464 : vector<16xf32>
        %mul3A_1466 = arith.mulf %get3A_1459, %gather3A_1391 : vector<16xf32>
        %add3A_1467 = arith.addf %scan3A_1356, %mul3A_1466 : vector<16xf32>
        %get3A_1468 = arith.index_cast %scan3A_1328 : i32 to index
        %get3A_1469 = arith.constant 496 : index
        %get3A_1470 = tpu.vector_load %arg6[%get3A_1468, %get3A_1469] {strides = array<i32>} : memref<64x512xf32, #tpu.memory_space<vmem>>, vector<16xf32>,
        %mul3A_1471 = arith.mulf %get3A_1470, %gather3A : vector<16xf32>
        %add3A_1472 = arith.addf %scan3A_1357, %mul3A_1471 : vector<16xf32>
        %mul3A_1473 = arith.mulf %get3A_1470, %gather3A_1375 : vector<16xf32>
        %add3A_1474 = arith.addf %scan3A_1358, %mul3A_1473 : vector<16xf32>
        %mul3A_1475 = arith.mulf %get3A_1470, %gather3A_1383 : vector<16xf32>
        %add3A_1476 = arith.addf %scan3A_1359, %mul3A_1475 : vector<16xf32>
        %mul3A_1477 = arith.mulf %get3A_1470, %gather3A_1391 : vector<16xf32>
        %add3A_1478 = arith.addf %scan3A_1360, %mul3A_1477 : vector<16xf32>
        scf.yield %add3A_1395, %add3A_1397, %add3A_1399, %add3A_1401, %add3A_1406, %add3A_1408, %add3A_1410, %add3A_1412, %add3A_1417, %add3A_1419, %add3A_1421, %add3A_1423, %add3A_1428, %add3A_1430, %add3A_1432, %add3A_1434, %add3A_1439, %add3A_1441, %add3A_1443, %add3A_1445, %add3A_1450, %add3A_1452, %add3A_1454, %add3A_1456, %add3A_1461, %add3A_1463, %add3A_1465, %add3A_1467, %add3A_1472, %add3A_1474, %add3A_1476, %add3A_1478 : vector<16xf32>, vector<16xf32>, vector<16xf32>, vector<16xf32>, vector<16xf32>, vector<16xf32>, vector<16xf32>, vector<16xf32>, vector<16xf32>, vector<16xf32>, vector<16xf32>, vector<16xf32>, vector<16xf32>, vector<16xf32>, vector<16xf32>, vector<16xf32>, vector<16xf32>, vector<16xf32>, vector<16xf32>, vector<16xf32>, vector<16xf32>, vector<16xf32>, vector<16xf32>, vector<16xf32>, vector<16xf32>, vector<16xf32>, vector<16xf32>, vector<16xf32>, vector<16xf32>, vector<16xf32>, vector<16xf32>, vector<16xf32>
      }
      %scan3A_785 = arith.constant 64 : i32
      %add3A_786 = arith.constant 3072 : i32
      %add3A_787 = vector.broadcast %add3A_786 : i32 to vector<16xi32>
      %add3A_788 = arith.addi %mul3A_5, %add3A_787 : vector<16xi32>
      tpu.vector_store_idx %arg8[%add3A_788], %scan3A_784#0 : memref<4096xf32, #tpu.memory_space<vmem>>[vector<16xi32>], vector<16xf32>,
      %add3A_789 = arith.constant 3073 : i32
      %add3A_790 = vector.broadcast %add3A_789 : i32 to vector<16xi32>
      %add3A_791 = arith.addi %mul3A_5, %add3A_790 : vector<16xi32>
      tpu.vector_store_idx %arg8[%add3A_791], %scan3A_784#1 : memref<4096xf32, #tpu.memory_space<vmem>>[vector<16xi32>], vector<16xf32>,
      %add3A_792 = arith.constant 3074 : i32
      %add3A_793 = vector.broadcast %add3A_792 : i32 to vector<16xi32>
      %add3A_794 = arith.addi %mul3A_5, %add3A_793 : vector<16xi32>
      tpu.vector_store_idx %arg8[%add3A_794], %scan3A_784#2 : memref<4096xf32, #tpu.memory_space<vmem>>[vector<16xi32>], vector<16xf32>,
      %add3A_795 = arith.constant 3075 : i32
      %add3A_796 = vector.broadcast %add3A_795 : i32 to vector<16xi32>
      %add3A_797 = arith.addi %mul3A_5, %add3A_796 : vector<16xi32>
      tpu.vector_store_idx %arg8[%add3A_797], %scan3A_784#3 : memref<4096xf32, #tpu.memory_space<vmem>>[vector<16xi32>], vector<16xf32>,
      %add3A_798 = arith.constant 3200 : i32
      %add3A_799 = vector.broadcast %add3A_798 : i32 to vector<16xi32>
      %add3A_800 = arith.addi %mul3A_5, %add3A_799 : vector<16xi32>
      tpu.vector_store_idx %arg8[%add3A_800], %scan3A_784#4 : memref<4096xf32, #tpu.memory_space<vmem>>[vector<16xi32>], vector<16xf32>,
      %add3A_801 = arith.constant 3201 : i32
      %add3A_802 = vector.broadcast %add3A_801 : i32 to vector<16xi32>
      %add3A_803 = arith.addi %mul3A_5, %add3A_802 : vector<16xi32>
      tpu.vector_store_idx %arg8[%add3A_803], %scan3A_784#5 : memref<4096xf32, #tpu.memory_space<vmem>>[vector<16xi32>], vector<16xf32>,
      %add3A_804 = arith.constant 3202 : i32
      %add3A_805 = vector.broadcast %add3A_804 : i32 to vector<16xi32>
      %add3A_806 = arith.addi %mul3A_5, %add3A_805 : vector<16xi32>
      tpu.vector_store_idx %arg8[%add3A_806], %scan3A_784#6 : memref<4096xf32, #tpu.memory_space<vmem>>[vector<16xi32>], vector<16xf32>,
      %add3A_807 = arith.constant 3203 : i32
      %add3A_808 = vector.broadcast %add3A_807 : i32 to vector<16xi32>
      %add3A_809 = arith.addi %mul3A_5, %add3A_808 : vector<16xi32>
      tpu.vector_store_idx %arg8[%add3A_809], %scan3A_784#7 : memref<4096xf32, #tpu.memory_space<vmem>>[vector<16xi32>], vector<16xf32>,
      %add3A_810 = arith.constant 3328 : i32
      %add3A_811 = vector.broadcast %add3A_810 : i32 to vector<16xi32>
      %add3A_812 = arith.addi %mul3A_5, %add3A_811 : vector<16xi32>
      tpu.vector_store_idx %arg8[%add3A_812], %scan3A_784#8 : memref<4096xf32, #tpu.memory_space<vmem>>[vector<16xi32>], vector<16xf32>,
      %add3A_813 = arith.constant 3329 : i32
      %add3A_814 = vector.broadcast %add3A_813 : i32 to vector<16xi32>
      %add3A_815 = arith.addi %mul3A_5, %add3A_814 : vector<16xi32>
      tpu.vector_store_idx %arg8[%add3A_815], %scan3A_784#9 : memref<4096xf32, #tpu.memory_space<vmem>>[vector<16xi32>], vector<16xf32>,
      %add3A_816 = arith.constant 3330 : i32
      %add3A_817 = vector.broadcast %add3A_816 : i32 to vector<16xi32>
      %add3A_818 = arith.addi %mul3A_5, %add3A_817 : vector<16xi32>
      tpu.vector_store_idx %arg8[%add3A_818], %scan3A_784#10 : memref<4096xf32, #tpu.memory_space<vmem>>[vector<16xi32>], vector<16xf32>,
      %add3A_819 = arith.constant 3331 : i32
      %add3A_820 = vector.broadcast %add3A_819 : i32 to vector<16xi32>
      %add3A_821 = arith.addi %mul3A_5, %add3A_820 : vector<16xi32>
      tpu.vector_store_idx %arg8[%add3A_821], %scan3A_784#11 : memref<4096xf32, #tpu.memory_space<vmem>>[vector<16xi32>], vector<16xf32>,
      %add3A_822 = arith.constant 3456 : i32
      %add3A_823 = vector.broadcast %add3A_822 : i32 to vector<16xi32>
      %add3A_824 = arith.addi %mul3A_5, %add3A_823 : vector<16xi32>
      tpu.vector_store_idx %arg8[%add3A_824], %scan3A_784#12 : memref<4096xf32, #tpu.memory_space<vmem>>[vector<16xi32>], vector<16xf32>,
      %add3A_825 = arith.constant 3457 : i32
      %add3A_826 = vector.broadcast %add3A_825 : i32 to vector<16xi32>
      %add3A_827 = arith.addi %mul3A_5, %add3A_826 : vector<16xi32>
      tpu.vector_store_idx %arg8[%add3A_827], %scan3A_784#13 : memref<4096xf32, #tpu.memory_space<vmem>>[vector<16xi32>], vector<16xf32>,
      %add3A_828 = arith.constant 3458 : i32
      %add3A_829 = vector.broadcast %add3A_828 : i32 to vector<16xi32>
      %add3A_830 = arith.addi %mul3A_5, %add3A_829 : vector<16xi32>
      tpu.vector_store_idx %arg8[%add3A_830], %scan3A_784#14 : memref<4096xf32, #tpu.memory_space<vmem>>[vector<16xi32>], vector<16xf32>,
      %add3A_831 = arith.constant 3459 : i32
      %add3A_832 = vector.broadcast %add3A_831 : i32 to vector<16xi32>
      %add3A_833 = arith.addi %mul3A_5, %add3A_832 : vector<16xi32>
      tpu.vector_store_idx %arg8[%add3A_833], %scan3A_784#15 : memref<4096xf32, #tpu.memory_space<vmem>>[vector<16xi32>], vector<16xf32>,
      %add3A_834 = arith.constant 3584 : i32
      %add3A_835 = vector.broadcast %add3A_834 : i32 to vector<16xi32>
      %add3A_836 = arith.addi %mul3A_5, %add3A_835 : vector<16xi32>
      tpu.vector_store_idx %arg8[%add3A_836], %scan3A_784#16 : memref<4096xf32, #tpu.memory_space<vmem>>[vector<16xi32>], vector<16xf32>,
      %add3A_837 = arith.constant 3585 : i32
      %add3A_838 = vector.broadcast %add3A_837 : i32 to vector<16xi32>
      %add3A_839 = arith.addi %mul3A_5, %add3A_838 : vector<16xi32>
      tpu.vector_store_idx %arg8[%add3A_839], %scan3A_784#17 : memref<4096xf32, #tpu.memory_space<vmem>>[vector<16xi32>], vector<16xf32>,
      %add3A_840 = arith.constant 3586 : i32
      %add3A_841 = vector.broadcast %add3A_840 : i32 to vector<16xi32>
      %add3A_842 = arith.addi %mul3A_5, %add3A_841 : vector<16xi32>
      tpu.vector_store_idx %arg8[%add3A_842], %scan3A_784#18 : memref<4096xf32, #tpu.memory_space<vmem>>[vector<16xi32>], vector<16xf32>,
      %add3A_843 = arith.constant 3587 : i32
      %add3A_844 = vector.broadcast %add3A_843 : i32 to vector<16xi32>
      %add3A_845 = arith.addi %mul3A_5, %add3A_844 : vector<16xi32>
      tpu.vector_store_idx %arg8[%add3A_845], %scan3A_784#19 : memref<4096xf32, #tpu.memory_space<vmem>>[vector<16xi32>], vector<16xf32>,
      %add3A_846 = arith.constant 3712 : i32
      %add3A_847 = vector.broadcast %add3A_846 : i32 to vector<16xi32>
      %add3A_848 = arith.addi %mul3A_5, %add3A_847 : vector<16xi32>
      tpu.vector_store_idx %arg8[%add3A_848], %scan3A_784#20 : memref<4096xf32, #tpu.memory_space<vmem>>[vector<16xi32>], vector<16xf32>,
      %add3A_849 = arith.constant 3713 : i32
      %add3A_850 = vector.broadcast %add3A_849 : i32 to vector<16xi32>
      %add3A_851 = arith.addi %mul3A_5, %add3A_850 : vector<16xi32>
      tpu.vector_store_idx %arg8[%add3A_851], %scan3A_784#21 : memref<4096xf32, #tpu.memory_space<vmem>>[vector<16xi32>], vector<16xf32>,
      %add3A_852 = arith.constant 3714 : i32
      %add3A_853 = vector.broadcast %add3A_852 : i32 to vector<16xi32>
      %add3A_854 = arith.addi %mul3A_5, %add3A_853 : vector<16xi32>
      tpu.vector_store_idx %arg8[%add3A_854], %scan3A_784#22 : memref<4096xf32, #tpu.memory_space<vmem>>[vector<16xi32>], vector<16xf32>,
      %add3A_855 = arith.constant 3715 : i32
      %add3A_856 = vector.broadcast %add3A_855 : i32 to vector<16xi32>
      %add3A_857 = arith.addi %mul3A_5, %add3A_856 : vector<16xi32>
      tpu.vector_store_idx %arg8[%add3A_857], %scan3A_784#23 : memref<4096xf32, #tpu.memory_space<vmem>>[vector<16xi32>], vector<16xf32>,
      %add3A_858 = arith.constant 3840 : i32
      %add3A_859 = vector.broadcast %add3A_858 : i32 to vector<16xi32>
      %add3A_860 = arith.addi %mul3A_5, %add3A_859 : vector<16xi32>
      tpu.vector_store_idx %arg8[%add3A_860], %scan3A_784#24 : memref<4096xf32, #tpu.memory_space<vmem>>[vector<16xi32>], vector<16xf32>,
      %add3A_861 = arith.constant 3841 : i32
      %add3A_862 = vector.broadcast %add3A_861 : i32 to vector<16xi32>
      %add3A_863 = arith.addi %mul3A_5, %add3A_862 : vector<16xi32>
      tpu.vector_store_idx %arg8[%add3A_863], %scan3A_784#25 : memref<4096xf32, #tpu.memory_space<vmem>>[vector<16xi32>], vector<16xf32>,
      %add3A_864 = arith.constant 3842 : i32
      %add3A_865 = vector.broadcast %add3A_864 : i32 to vector<16xi32>
      %add3A_866 = arith.addi %mul3A_5, %add3A_865 : vector<16xi32>
      tpu.vector_store_idx %arg8[%add3A_866], %scan3A_784#26 : memref<4096xf32, #tpu.memory_space<vmem>>[vector<16xi32>], vector<16xf32>,
      %add3A_867 = arith.constant 3843 : i32
      %add3A_868 = vector.broadcast %add3A_867 : i32 to vector<16xi32>
      %add3A_869 = arith.addi %mul3A_5, %add3A_868 : vector<16xi32>
      tpu.vector_store_idx %arg8[%add3A_869], %scan3A_784#27 : memref<4096xf32, #tpu.memory_space<vmem>>[vector<16xi32>], vector<16xf32>,
      %add3A_870 = arith.constant 3968 : i32
      %add3A_871 = vector.broadcast %add3A_870 : i32 to vector<16xi32>
      %add3A_872 = arith.addi %mul3A_5, %add3A_871 : vector<16xi32>
      tpu.vector_store_idx %arg8[%add3A_872], %scan3A_784#28 : memref<4096xf32, #tpu.memory_space<vmem>>[vector<16xi32>], vector<16xf32>,
      %add3A_873 = arith.constant 3969 : i32
      %add3A_874 = vector.broadcast %add3A_873 : i32 to vector<16xi32>
      %add3A_875 = arith.addi %mul3A_5, %add3A_874 : vector<16xi32>
      tpu.vector_store_idx %arg8[%add3A_875], %scan3A_784#29 : memref<4096xf32, #tpu.memory_space<vmem>>[vector<16xi32>], vector<16xf32>,
      %add3A_876 = arith.constant 3970 : i32
      %add3A_877 = vector.broadcast %add3A_876 : i32 to vector<16xi32>
      %add3A_878 = arith.addi %mul3A_5, %add3A_877 : vector<16xi32>
      tpu.vector_store_idx %arg8[%add3A_878], %scan3A_784#30 : memref<4096xf32, #tpu.memory_space<vmem>>[vector<16xi32>], vector<16xf32>,
      %add3A_879 = arith.constant 3971 : i32
      %add3A_880 = vector.broadcast %add3A_879 : i32 to vector<16xi32>
      %add3A_881 = arith.addi %mul3A_5, %add3A_880 : vector<16xi32>
      tpu.vector_store_idx %arg8[%add3A_881], %scan3A_784#31 : memref<4096xf32, #tpu.memory_space<vmem>>[vector<16xi32>], vector<16xf32>,
      %mul3A_882 = arith.constant 512 : i32
      %mul3A_883 = arith.muli %add3A_452, %mul3A_882 : i32
      %add3A_884 = arith.addi %mul3A_2, %mul3A_883 : i32
      %mul3A_885 = arith.constant 8 : i32
      %mul3A_886 = arith.muli %add3A_884, %mul3A_885 : i32
      "tpu.region"() ({
        %run_scoped3A = tpu.sem_alloc : memref<!tpu.dma_semaphore, #tpu.memory_space<semaphore_mem>>
        %dma_start3A_1328 = tpu.memref_slice %arg4[%mul3A_886] : memref<3014656xf32, #tpu.memory_space<hbm>> -> memref<4096xf32, #tpu.memory_space<hbm>>
        %dma_start3A_1329 = tpu.memref_slice %arg4[%mul3A_886] : memref<3014656xf32, #tpu.memory_space<hbm>> -> memref<4096xf32, #tpu.memory_space<hbm>>
        tpu.enqueue_dma source(%arg8 : memref<4096xf32, #tpu.memory_space<vmem>>) target(%dma_start3A_1329 : memref<4096xf32, #tpu.memory_space<hbm>>) target_semaphore(%run_scoped3A : memref<!tpu.dma_semaphore, #tpu.memory_space<semaphore_mem>>)
        %dma_wait3A_1330 = tpu.memref_slice %arg4[%mul3A_886] : memref<3014656xf32, #tpu.memory_space<hbm>> -> memref<4096xf32, #tpu.memory_space<hbm>>
        %dma_wait3A_1331 = tpu.memref_slice %arg4[%mul3A_886] : memref<3014656xf32, #tpu.memory_space<hbm>> -> memref<4096xf32, #tpu.memory_space<hbm>>
        tpu.wait_dma2 semaphore(%run_scoped3A : memref<!tpu.dma_semaphore, #tpu.memory_space<semaphore_mem>>) src(%arg8 : memref<4096xf32, #tpu.memory_space<vmem>>) dst(%dma_wait3A_1331 : memref<4096xf32, #tpu.memory_space<hbm>>)
        tpu.yield
      }) : () -> ()
      %sub3A_887 = arith.constant 1 : i32
      %sub3A_888 = arith.subi %add3A_449, %sub3A_887 : i32
      %add3A_889 = arith.constant 1 : i32
      %add3A_890 = arith.addi %sub3A_888, %add3A_889 : i32
      %add3A_891 = arith.constant 1 : i32
      %add3A_892 = arith.addi %add3A_890, %add3A_891 : i32
      %lt3A_893 = arith.constant 23 : i32
      %lt3A_894 = arith.cmpi slt, %add3A_892, %lt3A_893 : i32
      %convert_element_type3A_895 = arith.extui %lt3A_894 : i1 to i32
      %cond3A_896 = arith.constant 0 : i32
      %cond3A_897 = arith.cmpi ne, %convert_element_type3A_895, %cond3A_896 : i32
      scf.if %cond3A_897 {
        %add3A_1328 = arith.constant 1 : i32
        %add3A_1329 = arith.addi %add3A_890, %add3A_1328 : i32
        %mul3A_1330 = arith.constant 512 : i32
        %mul3A_1331 = arith.muli %add3A_1329, %mul3A_1330 : i32
        %add3A_1332 = arith.addi %mul3A_2, %mul3A_1331 : i32
        %dma_start3A_1333 = arith.constant 0 : i32
        %dma_start3A_1334 = arith.constant 0 : i32
        %dma_start3A_1335 = tpu.memref_slice %arg2[%dma_start3A_1334, %add3A_1332] : memref<64x1000000xf32, #tpu.memory_space<hbm>> -> memref<64x512xf32, #tpu.memory_space<hbm>>
        %dma_start3A_1336 = tpu.memref_slice %arg9[%dma_start3A_1333] : memref<2x!tpu.dma_semaphore, #tpu.memory_space<semaphore_mem>> -> memref<1x!tpu.dma_semaphore, #tpu.memory_space<semaphore_mem>>
        %dma_start3A_1337 = tpu.memref_squeeze %dma_start3A_1336 : memref<1x!tpu.dma_semaphore, #tpu.memory_space<semaphore_mem>> -> memref<!tpu.dma_semaphore, #tpu.memory_space<semaphore_mem>>
        %dma_start3A_1338 = arith.constant 0 : i32
        %dma_start3A_1339 = tpu.memref_slice %arg2[%dma_start3A_1338, %add3A_1332] : memref<64x1000000xf32, #tpu.memory_space<hbm>> -> memref<64x512xf32, #tpu.memory_space<hbm>>
        tpu.enqueue_dma source(%dma_start3A_1339 : memref<64x512xf32, #tpu.memory_space<hbm>>) target(%arg6 : memref<64x512xf32, #tpu.memory_space<vmem>>) target_semaphore(%dma_start3A_1337 : memref<!tpu.dma_semaphore, #tpu.memory_space<semaphore_mem>>)
      } else {
      }
      %dma_wait3A_898 = arith.constant 1 : i32
      %dma_wait3A_899 = arith.constant 0 : i32
      %dma_wait3A_900 = arith.constant 0 : i32
      %dma_wait3A_901 = tpu.memref_slice %arg2[%dma_wait3A_899, %dma_wait3A_900] : memref<64x1000000xf32, #tpu.memory_space<hbm>> -> memref<64x512xf32, #tpu.memory_space<hbm>>
      %dma_wait3A_902 = tpu.memref_slice %arg9[%dma_wait3A_898] : memref<2x!tpu.dma_semaphore, #tpu.memory_space<semaphore_mem>> -> memref<1x!tpu.dma_semaphore, #tpu.memory_space<semaphore_mem>>
      %dma_wait3A_903 = tpu.memref_squeeze %dma_wait3A_902 : memref<1x!tpu.dma_semaphore, #tpu.memory_space<semaphore_mem>> -> memref<!tpu.dma_semaphore, #tpu.memory_space<semaphore_mem>>
      %dma_wait3A_904 = arith.constant 0 : i32
      %dma_wait3A_905 = arith.constant 0 : i32
      %dma_wait3A_906 = tpu.memref_slice %arg2[%dma_wait3A_904, %dma_wait3A_905] : memref<64x1000000xf32, #tpu.memory_space<hbm>> -> memref<64x512xf32, #tpu.memory_space<hbm>>
      tpu.wait_dma2 semaphore(%dma_wait3A_903 : memref<!tpu.dma_semaphore, #tpu.memory_space<semaphore_mem>>) src(%dma_wait3A_906 : memref<64x512xf32, #tpu.memory_space<hbm>>) dst(%arg7 : memref<64x512xf32, #tpu.memory_space<vmem>>)
      %broadcast_in_dim3A_907 = arith.constant 0.000000e+00 : f32
      %broadcast_in_dim3A_908 = vector.broadcast %broadcast_in_dim3A_907 : f32 to vector<16xf32>
      %scan3A_909 = arith.constant 0 : i32
      %scan3A_910 = arith.constant 64 : i32
      %scan3A_911 = arith.addi %scan3A_909, %scan3A_910 : i32
      %scan3A_912 = arith.constant 1 : i32
      %scan3A_913:32 = scf.for %scan3A_1328 = %scan3A_909 to %scan3A_911 step %scan3A_912 iter_args(%scan3A_1329 = %broadcast_in_dim3A_908, %scan3A_1330 = %broadcast_in_dim3A_908, %scan3A_1331 = %broadcast_in_dim3A_908, %scan3A_1332 = %broadcast_in_dim3A_908, %scan3A_1333 = %broadcast_in_dim3A_908, %scan3A_1334 = %broadcast_in_dim3A_908, %scan3A_1335 = %broadcast_in_dim3A_908, %scan3A_1336 = %broadcast_in_dim3A_908, %scan3A_1337 = %broadcast_in_dim3A_908, %scan3A_1338 = %broadcast_in_dim3A_908, %scan3A_1339 = %broadcast_in_dim3A_908, %scan3A_1340 = %broadcast_in_dim3A_908, %scan3A_1341 = %broadcast_in_dim3A_908, %scan3A_1342 = %broadcast_in_dim3A_908, %scan3A_1343 = %broadcast_in_dim3A_908, %scan3A_1344 = %broadcast_in_dim3A_908, %scan3A_1345 = %broadcast_in_dim3A_908, %scan3A_1346 = %broadcast_in_dim3A_908, %scan3A_1347 = %broadcast_in_dim3A_908, %scan3A_1348 = %broadcast_in_dim3A_908, %scan3A_1349 = %broadcast_in_dim3A_908, %scan3A_1350 = %broadcast_in_dim3A_908, %scan3A_1351 = %broadcast_in_dim3A_908, %scan3A_1352 = %broadcast_in_dim3A_908, %scan3A_1353 = %broadcast_in_dim3A_908, %scan3A_1354 = %broadcast_in_dim3A_908, %scan3A_1355 = %broadcast_in_dim3A_908, %scan3A_1356 = %broadcast_in_dim3A_908, %scan3A_1357 = %broadcast_in_dim3A_908, %scan3A_1358 = %broadcast_in_dim3A_908, %scan3A_1359 = %broadcast_in_dim3A_908, %scan3A_1360 = %broadcast_in_dim3A_908) -> (vector<16xf32>, vector<16xf32>, vector<16xf32>, vector<16xf32>, vector<16xf32>, vector<16xf32>, vector<16xf32>, vector<16xf32>, vector<16xf32>, vector<16xf32>, vector<16xf32>, vector<16xf32>, vector<16xf32>, vector<16xf32>, vector<16xf32>, vector<16xf32>, vector<16xf32>, vector<16xf32>, vector<16xf32>, vector<16xf32>, vector<16xf32>, vector<16xf32>, vector<16xf32>, vector<16xf32>, vector<16xf32>, vector<16xf32>, vector<16xf32>, vector<16xf32>, vector<16xf32>, vector<16xf32>, vector<16xf32>, vector<16xf32>)  : i32 {
        %broadcast_in_dim3A_1361 = arith.constant 0 : i32
        %broadcast_in_dim3A_1362 = vector.broadcast %broadcast_in_dim3A_1361 : i32 to vector<16xi32>
        %add3A_1363 = arith.constant 0 : i32
        %add3A_1364 = vector.broadcast %add3A_1363 : i32 to vector<16xi32>
        %add3A_1365 = arith.addi %broadcast_in_dim3A_1362, %add3A_1364 : vector<16xi32>
        %add3A_1366 = vector.broadcast %scan3A_1328 : i32 to vector<16xi32>
        %add3A_1367 = arith.addi %add3A_1365, %add3A_1366 : vector<16xi32>
        %gather3A = tpu.vector_load_idx %arg5[%add3A_1367] : memref<256xf32, #tpu.memory_space<vmem>>[vector<16xi32>], vector<16xf32>,
        %broadcast_in_dim3A_1368 = arith.constant 0 : i32
        %broadcast_in_dim3A_1369 = vector.broadcast %broadcast_in_dim3A_1368 : i32 to vector<16xi32>
        %add3A_1370 = arith.constant 64 : i32
        %add3A_1371 = vector.broadcast %add3A_1370 : i32 to vector<16xi32>
        %add3A_1372 = arith.addi %broadcast_in_dim3A_1369, %add3A_1371 : vector<16xi32>
        %add3A_1373 = vector.broadcast %scan3A_1328 : i32 to vector<16xi32>
        %add3A_1374 = arith.addi %add3A_1372, %add3A_1373 : vector<16xi32>
        %gather3A_1375 = tpu.vector_load_idx %arg5[%add3A_1374] : memref<256xf32, #tpu.memory_space<vmem>>[vector<16xi32>], vector<16xf32>,
        %broadcast_in_dim3A_1376 = arith.constant 0 : i32
        %broadcast_in_dim3A_1377 = vector.broadcast %broadcast_in_dim3A_1376 : i32 to vector<16xi32>
        %add3A_1378 = arith.constant 128 : i32
        %add3A_1379 = vector.broadcast %add3A_1378 : i32 to vector<16xi32>
        %add3A_1380 = arith.addi %broadcast_in_dim3A_1377, %add3A_1379 : vector<16xi32>
        %add3A_1381 = vector.broadcast %scan3A_1328 : i32 to vector<16xi32>
        %add3A_1382 = arith.addi %add3A_1380, %add3A_1381 : vector<16xi32>
        %gather3A_1383 = tpu.vector_load_idx %arg5[%add3A_1382] : memref<256xf32, #tpu.memory_space<vmem>>[vector<16xi32>], vector<16xf32>,
        %broadcast_in_dim3A_1384 = arith.constant 0 : i32
        %broadcast_in_dim3A_1385 = vector.broadcast %broadcast_in_dim3A_1384 : i32 to vector<16xi32>
        %add3A_1386 = arith.constant 192 : i32
        %add3A_1387 = vector.broadcast %add3A_1386 : i32 to vector<16xi32>
        %add3A_1388 = arith.addi %broadcast_in_dim3A_1385, %add3A_1387 : vector<16xi32>
        %add3A_1389 = vector.broadcast %scan3A_1328 : i32 to vector<16xi32>
        %add3A_1390 = arith.addi %add3A_1388, %add3A_1389 : vector<16xi32>
        %gather3A_1391 = tpu.vector_load_idx %arg5[%add3A_1390] : memref<256xf32, #tpu.memory_space<vmem>>[vector<16xi32>], vector<16xf32>,
        %get3A = arith.index_cast %scan3A_1328 : i32 to index
        %get3A_1392 = arith.constant 0 : index
        %get3A_1393 = tpu.vector_load %arg7[%get3A, %get3A_1392] {strides = array<i32>} : memref<64x512xf32, #tpu.memory_space<vmem>>, vector<16xf32>,
        %mul3A_1394 = arith.mulf %get3A_1393, %gather3A : vector<16xf32>
        %add3A_1395 = arith.addf %scan3A_1329, %mul3A_1394 : vector<16xf32>
        %mul3A_1396 = arith.mulf %get3A_1393, %gather3A_1375 : vector<16xf32>
        %add3A_1397 = arith.addf %scan3A_1330, %mul3A_1396 : vector<16xf32>
        %mul3A_1398 = arith.mulf %get3A_1393, %gather3A_1383 : vector<16xf32>
        %add3A_1399 = arith.addf %scan3A_1331, %mul3A_1398 : vector<16xf32>
        %mul3A_1400 = arith.mulf %get3A_1393, %gather3A_1391 : vector<16xf32>
        %add3A_1401 = arith.addf %scan3A_1332, %mul3A_1400 : vector<16xf32>
        %get3A_1402 = arith.index_cast %scan3A_1328 : i32 to index
        %get3A_1403 = arith.constant 16 : index
        %get3A_1404 = tpu.vector_load %arg7[%get3A_1402, %get3A_1403] {strides = array<i32>} : memref<64x512xf32, #tpu.memory_space<vmem>>, vector<16xf32>,
        %mul3A_1405 = arith.mulf %get3A_1404, %gather3A : vector<16xf32>
        %add3A_1406 = arith.addf %scan3A_1333, %mul3A_1405 : vector<16xf32>
        %mul3A_1407 = arith.mulf %get3A_1404, %gather3A_1375 : vector<16xf32>
        %add3A_1408 = arith.addf %scan3A_1334, %mul3A_1407 : vector<16xf32>
        %mul3A_1409 = arith.mulf %get3A_1404, %gather3A_1383 : vector<16xf32>
        %add3A_1410 = arith.addf %scan3A_1335, %mul3A_1409 : vector<16xf32>
        %mul3A_1411 = arith.mulf %get3A_1404, %gather3A_1391 : vector<16xf32>
        %add3A_1412 = arith.addf %scan3A_1336, %mul3A_1411 : vector<16xf32>
        %get3A_1413 = arith.index_cast %scan3A_1328 : i32 to index
        %get3A_1414 = arith.constant 32 : index
        %get3A_1415 = tpu.vector_load %arg7[%get3A_1413, %get3A_1414] {strides = array<i32>} : memref<64x512xf32, #tpu.memory_space<vmem>>, vector<16xf32>,
        %mul3A_1416 = arith.mulf %get3A_1415, %gather3A : vector<16xf32>
        %add3A_1417 = arith.addf %scan3A_1337, %mul3A_1416 : vector<16xf32>
        %mul3A_1418 = arith.mulf %get3A_1415, %gather3A_1375 : vector<16xf32>
        %add3A_1419 = arith.addf %scan3A_1338, %mul3A_1418 : vector<16xf32>
        %mul3A_1420 = arith.mulf %get3A_1415, %gather3A_1383 : vector<16xf32>
        %add3A_1421 = arith.addf %scan3A_1339, %mul3A_1420 : vector<16xf32>
        %mul3A_1422 = arith.mulf %get3A_1415, %gather3A_1391 : vector<16xf32>
        %add3A_1423 = arith.addf %scan3A_1340, %mul3A_1422 : vector<16xf32>
        %get3A_1424 = arith.index_cast %scan3A_1328 : i32 to index
        %get3A_1425 = arith.constant 48 : index
        %get3A_1426 = tpu.vector_load %arg7[%get3A_1424, %get3A_1425] {strides = array<i32>} : memref<64x512xf32, #tpu.memory_space<vmem>>, vector<16xf32>,
        %mul3A_1427 = arith.mulf %get3A_1426, %gather3A : vector<16xf32>
        %add3A_1428 = arith.addf %scan3A_1341, %mul3A_1427 : vector<16xf32>
        %mul3A_1429 = arith.mulf %get3A_1426, %gather3A_1375 : vector<16xf32>
        %add3A_1430 = arith.addf %scan3A_1342, %mul3A_1429 : vector<16xf32>
        %mul3A_1431 = arith.mulf %get3A_1426, %gather3A_1383 : vector<16xf32>
        %add3A_1432 = arith.addf %scan3A_1343, %mul3A_1431 : vector<16xf32>
        %mul3A_1433 = arith.mulf %get3A_1426, %gather3A_1391 : vector<16xf32>
        %add3A_1434 = arith.addf %scan3A_1344, %mul3A_1433 : vector<16xf32>
        %get3A_1435 = arith.index_cast %scan3A_1328 : i32 to index
        %get3A_1436 = arith.constant 64 : index
        %get3A_1437 = tpu.vector_load %arg7[%get3A_1435, %get3A_1436] {strides = array<i32>} : memref<64x512xf32, #tpu.memory_space<vmem>>, vector<16xf32>,
        %mul3A_1438 = arith.mulf %get3A_1437, %gather3A : vector<16xf32>
        %add3A_1439 = arith.addf %scan3A_1345, %mul3A_1438 : vector<16xf32>
        %mul3A_1440 = arith.mulf %get3A_1437, %gather3A_1375 : vector<16xf32>
        %add3A_1441 = arith.addf %scan3A_1346, %mul3A_1440 : vector<16xf32>
        %mul3A_1442 = arith.mulf %get3A_1437, %gather3A_1383 : vector<16xf32>
        %add3A_1443 = arith.addf %scan3A_1347, %mul3A_1442 : vector<16xf32>
        %mul3A_1444 = arith.mulf %get3A_1437, %gather3A_1391 : vector<16xf32>
        %add3A_1445 = arith.addf %scan3A_1348, %mul3A_1444 : vector<16xf32>
        %get3A_1446 = arith.index_cast %scan3A_1328 : i32 to index
        %get3A_1447 = arith.constant 80 : index
        %get3A_1448 = tpu.vector_load %arg7[%get3A_1446, %get3A_1447] {strides = array<i32>} : memref<64x512xf32, #tpu.memory_space<vmem>>, vector<16xf32>,
        %mul3A_1449 = arith.mulf %get3A_1448, %gather3A : vector<16xf32>
        %add3A_1450 = arith.addf %scan3A_1349, %mul3A_1449 : vector<16xf32>
        %mul3A_1451 = arith.mulf %get3A_1448, %gather3A_1375 : vector<16xf32>
        %add3A_1452 = arith.addf %scan3A_1350, %mul3A_1451 : vector<16xf32>
        %mul3A_1453 = arith.mulf %get3A_1448, %gather3A_1383 : vector<16xf32>
        %add3A_1454 = arith.addf %scan3A_1351, %mul3A_1453 : vector<16xf32>
        %mul3A_1455 = arith.mulf %get3A_1448, %gather3A_1391 : vector<16xf32>
        %add3A_1456 = arith.addf %scan3A_1352, %mul3A_1455 : vector<16xf32>
        %get3A_1457 = arith.index_cast %scan3A_1328 : i32 to index
        %get3A_1458 = arith.constant 96 : index
        %get3A_1459 = tpu.vector_load %arg7[%get3A_1457, %get3A_1458] {strides = array<i32>} : memref<64x512xf32, #tpu.memory_space<vmem>>, vector<16xf32>,
        %mul3A_1460 = arith.mulf %get3A_1459, %gather3A : vector<16xf32>
        %add3A_1461 = arith.addf %scan3A_1353, %mul3A_1460 : vector<16xf32>
        %mul3A_1462 = arith.mulf %get3A_1459, %gather3A_1375 : vector<16xf32>
        %add3A_1463 = arith.addf %scan3A_1354, %mul3A_1462 : vector<16xf32>
        %mul3A_1464 = arith.mulf %get3A_1459, %gather3A_1383 : vector<16xf32>
        %add3A_1465 = arith.addf %scan3A_1355, %mul3A_1464 : vector<16xf32>
        %mul3A_1466 = arith.mulf %get3A_1459, %gather3A_1391 : vector<16xf32>
        %add3A_1467 = arith.addf %scan3A_1356, %mul3A_1466 : vector<16xf32>
        %get3A_1468 = arith.index_cast %scan3A_1328 : i32 to index
        %get3A_1469 = arith.constant 112 : index
        %get3A_1470 = tpu.vector_load %arg7[%get3A_1468, %get3A_1469] {strides = array<i32>} : memref<64x512xf32, #tpu.memory_space<vmem>>, vector<16xf32>,
        %mul3A_1471 = arith.mulf %get3A_1470, %gather3A : vector<16xf32>
        %add3A_1472 = arith.addf %scan3A_1357, %mul3A_1471 : vector<16xf32>
        %mul3A_1473 = arith.mulf %get3A_1470, %gather3A_1375 : vector<16xf32>
        %add3A_1474 = arith.addf %scan3A_1358, %mul3A_1473 : vector<16xf32>
        %mul3A_1475 = arith.mulf %get3A_1470, %gather3A_1383 : vector<16xf32>
        %add3A_1476 = arith.addf %scan3A_1359, %mul3A_1475 : vector<16xf32>
        %mul3A_1477 = arith.mulf %get3A_1470, %gather3A_1391 : vector<16xf32>
        %add3A_1478 = arith.addf %scan3A_1360, %mul3A_1477 : vector<16xf32>
        scf.yield %add3A_1395, %add3A_1397, %add3A_1399, %add3A_1401, %add3A_1406, %add3A_1408, %add3A_1410, %add3A_1412, %add3A_1417, %add3A_1419, %add3A_1421, %add3A_1423, %add3A_1428, %add3A_1430, %add3A_1432, %add3A_1434, %add3A_1439, %add3A_1441, %add3A_1443, %add3A_1445, %add3A_1450, %add3A_1452, %add3A_1454, %add3A_1456, %add3A_1461, %add3A_1463, %add3A_1465, %add3A_1467, %add3A_1472, %add3A_1474, %add3A_1476, %add3A_1478 : vector<16xf32>, vector<16xf32>, vector<16xf32>, vector<16xf32>, vector<16xf32>, vector<16xf32>, vector<16xf32>, vector<16xf32>, vector<16xf32>, vector<16xf32>, vector<16xf32>, vector<16xf32>, vector<16xf32>, vector<16xf32>, vector<16xf32>, vector<16xf32>, vector<16xf32>, vector<16xf32>, vector<16xf32>, vector<16xf32>, vector<16xf32>, vector<16xf32>, vector<16xf32>, vector<16xf32>, vector<16xf32>, vector<16xf32>, vector<16xf32>, vector<16xf32>, vector<16xf32>, vector<16xf32>, vector<16xf32>, vector<16xf32>
      }
      %scan3A_914 = arith.constant 64 : i32
      %add3A_915 = arith.constant 0 : i32
      %add3A_916 = vector.broadcast %add3A_915 : i32 to vector<16xi32>
      %add3A_917 = arith.addi %mul3A_5, %add3A_916 : vector<16xi32>
      tpu.vector_store_idx %arg8[%add3A_917], %scan3A_913#0 : memref<4096xf32, #tpu.memory_space<vmem>>[vector<16xi32>], vector<16xf32>,
      %add3A_918 = arith.constant 1 : i32
      %add3A_919 = vector.broadcast %add3A_918 : i32 to vector<16xi32>
      %add3A_920 = arith.addi %mul3A_5, %add3A_919 : vector<16xi32>
      tpu.vector_store_idx %arg8[%add3A_920], %scan3A_913#1 : memref<4096xf32, #tpu.memory_space<vmem>>[vector<16xi32>], vector<16xf32>,
      %add3A_921 = arith.constant 2 : i32
      %add3A_922 = vector.broadcast %add3A_921 : i32 to vector<16xi32>
      %add3A_923 = arith.addi %mul3A_5, %add3A_922 : vector<16xi32>
      tpu.vector_store_idx %arg8[%add3A_923], %scan3A_913#2 : memref<4096xf32, #tpu.memory_space<vmem>>[vector<16xi32>], vector<16xf32>,
      %add3A_924 = arith.constant 3 : i32
      %add3A_925 = vector.broadcast %add3A_924 : i32 to vector<16xi32>
      %add3A_926 = arith.addi %mul3A_5, %add3A_925 : vector<16xi32>
      tpu.vector_store_idx %arg8[%add3A_926], %scan3A_913#3 : memref<4096xf32, #tpu.memory_space<vmem>>[vector<16xi32>], vector<16xf32>,
      %add3A_927 = arith.constant 128 : i32
      %add3A_928 = vector.broadcast %add3A_927 : i32 to vector<16xi32>
      %add3A_929 = arith.addi %mul3A_5, %add3A_928 : vector<16xi32>
      tpu.vector_store_idx %arg8[%add3A_929], %scan3A_913#4 : memref<4096xf32, #tpu.memory_space<vmem>>[vector<16xi32>], vector<16xf32>,
      %add3A_930 = arith.constant 129 : i32
      %add3A_931 = vector.broadcast %add3A_930 : i32 to vector<16xi32>
      %add3A_932 = arith.addi %mul3A_5, %add3A_931 : vector<16xi32>
      tpu.vector_store_idx %arg8[%add3A_932], %scan3A_913#5 : memref<4096xf32, #tpu.memory_space<vmem>>[vector<16xi32>], vector<16xf32>,
      %add3A_933 = arith.constant 130 : i32
      %add3A_934 = vector.broadcast %add3A_933 : i32 to vector<16xi32>
      %add3A_935 = arith.addi %mul3A_5, %add3A_934 : vector<16xi32>
      tpu.vector_store_idx %arg8[%add3A_935], %scan3A_913#6 : memref<4096xf32, #tpu.memory_space<vmem>>[vector<16xi32>], vector<16xf32>,
      %add3A_936 = arith.constant 131 : i32
      %add3A_937 = vector.broadcast %add3A_936 : i32 to vector<16xi32>
      %add3A_938 = arith.addi %mul3A_5, %add3A_937 : vector<16xi32>
      tpu.vector_store_idx %arg8[%add3A_938], %scan3A_913#7 : memref<4096xf32, #tpu.memory_space<vmem>>[vector<16xi32>], vector<16xf32>,
      %add3A_939 = arith.constant 256 : i32
      %add3A_940 = vector.broadcast %add3A_939 : i32 to vector<16xi32>
      %add3A_941 = arith.addi %mul3A_5, %add3A_940 : vector<16xi32>
      tpu.vector_store_idx %arg8[%add3A_941], %scan3A_913#8 : memref<4096xf32, #tpu.memory_space<vmem>>[vector<16xi32>], vector<16xf32>,
      %add3A_942 = arith.constant 257 : i32
      %add3A_943 = vector.broadcast %add3A_942 : i32 to vector<16xi32>
      %add3A_944 = arith.addi %mul3A_5, %add3A_943 : vector<16xi32>
      tpu.vector_store_idx %arg8[%add3A_944], %scan3A_913#9 : memref<4096xf32, #tpu.memory_space<vmem>>[vector<16xi32>], vector<16xf32>,
      %add3A_945 = arith.constant 258 : i32
      %add3A_946 = vector.broadcast %add3A_945 : i32 to vector<16xi32>
      %add3A_947 = arith.addi %mul3A_5, %add3A_946 : vector<16xi32>
      tpu.vector_store_idx %arg8[%add3A_947], %scan3A_913#10 : memref<4096xf32, #tpu.memory_space<vmem>>[vector<16xi32>], vector<16xf32>,
      %add3A_948 = arith.constant 259 : i32
      %add3A_949 = vector.broadcast %add3A_948 : i32 to vector<16xi32>
      %add3A_950 = arith.addi %mul3A_5, %add3A_949 : vector<16xi32>
      tpu.vector_store_idx %arg8[%add3A_950], %scan3A_913#11 : memref<4096xf32, #tpu.memory_space<vmem>>[vector<16xi32>], vector<16xf32>,
      %add3A_951 = arith.constant 384 : i32
      %add3A_952 = vector.broadcast %add3A_951 : i32 to vector<16xi32>
      %add3A_953 = arith.addi %mul3A_5, %add3A_952 : vector<16xi32>
      tpu.vector_store_idx %arg8[%add3A_953], %scan3A_913#12 : memref<4096xf32, #tpu.memory_space<vmem>>[vector<16xi32>], vector<16xf32>,
      %add3A_954 = arith.constant 385 : i32
      %add3A_955 = vector.broadcast %add3A_954 : i32 to vector<16xi32>
      %add3A_956 = arith.addi %mul3A_5, %add3A_955 : vector<16xi32>
      tpu.vector_store_idx %arg8[%add3A_956], %scan3A_913#13 : memref<4096xf32, #tpu.memory_space<vmem>>[vector<16xi32>], vector<16xf32>,
      %add3A_957 = arith.constant 386 : i32
      %add3A_958 = vector.broadcast %add3A_957 : i32 to vector<16xi32>
      %add3A_959 = arith.addi %mul3A_5, %add3A_958 : vector<16xi32>
      tpu.vector_store_idx %arg8[%add3A_959], %scan3A_913#14 : memref<4096xf32, #tpu.memory_space<vmem>>[vector<16xi32>], vector<16xf32>,
      %add3A_960 = arith.constant 387 : i32
      %add3A_961 = vector.broadcast %add3A_960 : i32 to vector<16xi32>
      %add3A_962 = arith.addi %mul3A_5, %add3A_961 : vector<16xi32>
      tpu.vector_store_idx %arg8[%add3A_962], %scan3A_913#15 : memref<4096xf32, #tpu.memory_space<vmem>>[vector<16xi32>], vector<16xf32>,
      %add3A_963 = arith.constant 512 : i32
      %add3A_964 = vector.broadcast %add3A_963 : i32 to vector<16xi32>
      %add3A_965 = arith.addi %mul3A_5, %add3A_964 : vector<16xi32>
      tpu.vector_store_idx %arg8[%add3A_965], %scan3A_913#16 : memref<4096xf32, #tpu.memory_space<vmem>>[vector<16xi32>], vector<16xf32>,
      %add3A_966 = arith.constant 513 : i32
      %add3A_967 = vector.broadcast %add3A_966 : i32 to vector<16xi32>
      %add3A_968 = arith.addi %mul3A_5, %add3A_967 : vector<16xi32>
      tpu.vector_store_idx %arg8[%add3A_968], %scan3A_913#17 : memref<4096xf32, #tpu.memory_space<vmem>>[vector<16xi32>], vector<16xf32>,
      %add3A_969 = arith.constant 514 : i32
      %add3A_970 = vector.broadcast %add3A_969 : i32 to vector<16xi32>
      %add3A_971 = arith.addi %mul3A_5, %add3A_970 : vector<16xi32>
      tpu.vector_store_idx %arg8[%add3A_971], %scan3A_913#18 : memref<4096xf32, #tpu.memory_space<vmem>>[vector<16xi32>], vector<16xf32>,
      %add3A_972 = arith.constant 515 : i32
      %add3A_973 = vector.broadcast %add3A_972 : i32 to vector<16xi32>
      %add3A_974 = arith.addi %mul3A_5, %add3A_973 : vector<16xi32>
      tpu.vector_store_idx %arg8[%add3A_974], %scan3A_913#19 : memref<4096xf32, #tpu.memory_space<vmem>>[vector<16xi32>], vector<16xf32>,
      %add3A_975 = arith.constant 640 : i32
      %add3A_976 = vector.broadcast %add3A_975 : i32 to vector<16xi32>
      %add3A_977 = arith.addi %mul3A_5, %add3A_976 : vector<16xi32>
      tpu.vector_store_idx %arg8[%add3A_977], %scan3A_913#20 : memref<4096xf32, #tpu.memory_space<vmem>>[vector<16xi32>], vector<16xf32>,
      %add3A_978 = arith.constant 641 : i32
      %add3A_979 = vector.broadcast %add3A_978 : i32 to vector<16xi32>
      %add3A_980 = arith.addi %mul3A_5, %add3A_979 : vector<16xi32>
      tpu.vector_store_idx %arg8[%add3A_980], %scan3A_913#21 : memref<4096xf32, #tpu.memory_space<vmem>>[vector<16xi32>], vector<16xf32>,
      %add3A_981 = arith.constant 642 : i32
      %add3A_982 = vector.broadcast %add3A_981 : i32 to vector<16xi32>
      %add3A_983 = arith.addi %mul3A_5, %add3A_982 : vector<16xi32>
      tpu.vector_store_idx %arg8[%add3A_983], %scan3A_913#22 : memref<4096xf32, #tpu.memory_space<vmem>>[vector<16xi32>], vector<16xf32>,
      %add3A_984 = arith.constant 643 : i32
      %add3A_985 = vector.broadcast %add3A_984 : i32 to vector<16xi32>
      %add3A_986 = arith.addi %mul3A_5, %add3A_985 : vector<16xi32>
      tpu.vector_store_idx %arg8[%add3A_986], %scan3A_913#23 : memref<4096xf32, #tpu.memory_space<vmem>>[vector<16xi32>], vector<16xf32>,
      %add3A_987 = arith.constant 768 : i32
      %add3A_988 = vector.broadcast %add3A_987 : i32 to vector<16xi32>
      %add3A_989 = arith.addi %mul3A_5, %add3A_988 : vector<16xi32>
      tpu.vector_store_idx %arg8[%add3A_989], %scan3A_913#24 : memref<4096xf32, #tpu.memory_space<vmem>>[vector<16xi32>], vector<16xf32>,
      %add3A_990 = arith.constant 769 : i32
      %add3A_991 = vector.broadcast %add3A_990 : i32 to vector<16xi32>
      %add3A_992 = arith.addi %mul3A_5, %add3A_991 : vector<16xi32>
      tpu.vector_store_idx %arg8[%add3A_992], %scan3A_913#25 : memref<4096xf32, #tpu.memory_space<vmem>>[vector<16xi32>], vector<16xf32>,
      %add3A_993 = arith.constant 770 : i32
      %add3A_994 = vector.broadcast %add3A_993 : i32 to vector<16xi32>
      %add3A_995 = arith.addi %mul3A_5, %add3A_994 : vector<16xi32>
      tpu.vector_store_idx %arg8[%add3A_995], %scan3A_913#26 : memref<4096xf32, #tpu.memory_space<vmem>>[vector<16xi32>], vector<16xf32>,
      %add3A_996 = arith.constant 771 : i32
      %add3A_997 = vector.broadcast %add3A_996 : i32 to vector<16xi32>
      %add3A_998 = arith.addi %mul3A_5, %add3A_997 : vector<16xi32>
      tpu.vector_store_idx %arg8[%add3A_998], %scan3A_913#27 : memref<4096xf32, #tpu.memory_space<vmem>>[vector<16xi32>], vector<16xf32>,
      %add3A_999 = arith.constant 896 : i32
      %add3A_1000 = vector.broadcast %add3A_999 : i32 to vector<16xi32>
      %add3A_1001 = arith.addi %mul3A_5, %add3A_1000 : vector<16xi32>
      tpu.vector_store_idx %arg8[%add3A_1001], %scan3A_913#28 : memref<4096xf32, #tpu.memory_space<vmem>>[vector<16xi32>], vector<16xf32>,
      %add3A_1002 = arith.constant 897 : i32
      %add3A_1003 = vector.broadcast %add3A_1002 : i32 to vector<16xi32>
      %add3A_1004 = arith.addi %mul3A_5, %add3A_1003 : vector<16xi32>
      tpu.vector_store_idx %arg8[%add3A_1004], %scan3A_913#29 : memref<4096xf32, #tpu.memory_space<vmem>>[vector<16xi32>], vector<16xf32>,
      %add3A_1005 = arith.constant 898 : i32
      %add3A_1006 = vector.broadcast %add3A_1005 : i32 to vector<16xi32>
      %add3A_1007 = arith.addi %mul3A_5, %add3A_1006 : vector<16xi32>
      tpu.vector_store_idx %arg8[%add3A_1007], %scan3A_913#30 : memref<4096xf32, #tpu.memory_space<vmem>>[vector<16xi32>], vector<16xf32>,
      %add3A_1008 = arith.constant 899 : i32
      %add3A_1009 = vector.broadcast %add3A_1008 : i32 to vector<16xi32>
      %add3A_1010 = arith.addi %mul3A_5, %add3A_1009 : vector<16xi32>
      tpu.vector_store_idx %arg8[%add3A_1010], %scan3A_913#31 : memref<4096xf32, #tpu.memory_space<vmem>>[vector<16xi32>], vector<16xf32>,
      %broadcast_in_dim3A_1011 = arith.constant 0.000000e+00 : f32
      %broadcast_in_dim3A_1012 = vector.broadcast %broadcast_in_dim3A_1011 : f32 to vector<16xf32>
      %scan3A_1013 = arith.constant 0 : i32
      %scan3A_1014 = arith.constant 64 : i32
      %scan3A_1015 = arith.addi %scan3A_1013, %scan3A_1014 : i32
      %scan3A_1016 = arith.constant 1 : i32
      %scan3A_1017:32 = scf.for %scan3A_1328 = %scan3A_1013 to %scan3A_1015 step %scan3A_1016 iter_args(%scan3A_1329 = %broadcast_in_dim3A_1012, %scan3A_1330 = %broadcast_in_dim3A_1012, %scan3A_1331 = %broadcast_in_dim3A_1012, %scan3A_1332 = %broadcast_in_dim3A_1012, %scan3A_1333 = %broadcast_in_dim3A_1012, %scan3A_1334 = %broadcast_in_dim3A_1012, %scan3A_1335 = %broadcast_in_dim3A_1012, %scan3A_1336 = %broadcast_in_dim3A_1012, %scan3A_1337 = %broadcast_in_dim3A_1012, %scan3A_1338 = %broadcast_in_dim3A_1012, %scan3A_1339 = %broadcast_in_dim3A_1012, %scan3A_1340 = %broadcast_in_dim3A_1012, %scan3A_1341 = %broadcast_in_dim3A_1012, %scan3A_1342 = %broadcast_in_dim3A_1012, %scan3A_1343 = %broadcast_in_dim3A_1012, %scan3A_1344 = %broadcast_in_dim3A_1012, %scan3A_1345 = %broadcast_in_dim3A_1012, %scan3A_1346 = %broadcast_in_dim3A_1012, %scan3A_1347 = %broadcast_in_dim3A_1012, %scan3A_1348 = %broadcast_in_dim3A_1012, %scan3A_1349 = %broadcast_in_dim3A_1012, %scan3A_1350 = %broadcast_in_dim3A_1012, %scan3A_1351 = %broadcast_in_dim3A_1012, %scan3A_1352 = %broadcast_in_dim3A_1012, %scan3A_1353 = %broadcast_in_dim3A_1012, %scan3A_1354 = %broadcast_in_dim3A_1012, %scan3A_1355 = %broadcast_in_dim3A_1012, %scan3A_1356 = %broadcast_in_dim3A_1012, %scan3A_1357 = %broadcast_in_dim3A_1012, %scan3A_1358 = %broadcast_in_dim3A_1012, %scan3A_1359 = %broadcast_in_dim3A_1012, %scan3A_1360 = %broadcast_in_dim3A_1012) -> (vector<16xf32>, vector<16xf32>, vector<16xf32>, vector<16xf32>, vector<16xf32>, vector<16xf32>, vector<16xf32>, vector<16xf32>, vector<16xf32>, vector<16xf32>, vector<16xf32>, vector<16xf32>, vector<16xf32>, vector<16xf32>, vector<16xf32>, vector<16xf32>, vector<16xf32>, vector<16xf32>, vector<16xf32>, vector<16xf32>, vector<16xf32>, vector<16xf32>, vector<16xf32>, vector<16xf32>, vector<16xf32>, vector<16xf32>, vector<16xf32>, vector<16xf32>, vector<16xf32>, vector<16xf32>, vector<16xf32>, vector<16xf32>)  : i32 {
        %broadcast_in_dim3A_1361 = arith.constant 0 : i32
        %broadcast_in_dim3A_1362 = vector.broadcast %broadcast_in_dim3A_1361 : i32 to vector<16xi32>
        %add3A_1363 = arith.constant 0 : i32
        %add3A_1364 = vector.broadcast %add3A_1363 : i32 to vector<16xi32>
        %add3A_1365 = arith.addi %broadcast_in_dim3A_1362, %add3A_1364 : vector<16xi32>
        %add3A_1366 = vector.broadcast %scan3A_1328 : i32 to vector<16xi32>
        %add3A_1367 = arith.addi %add3A_1365, %add3A_1366 : vector<16xi32>
        %gather3A = tpu.vector_load_idx %arg5[%add3A_1367] : memref<256xf32, #tpu.memory_space<vmem>>[vector<16xi32>], vector<16xf32>,
        %broadcast_in_dim3A_1368 = arith.constant 0 : i32
        %broadcast_in_dim3A_1369 = vector.broadcast %broadcast_in_dim3A_1368 : i32 to vector<16xi32>
        %add3A_1370 = arith.constant 64 : i32
        %add3A_1371 = vector.broadcast %add3A_1370 : i32 to vector<16xi32>
        %add3A_1372 = arith.addi %broadcast_in_dim3A_1369, %add3A_1371 : vector<16xi32>
        %add3A_1373 = vector.broadcast %scan3A_1328 : i32 to vector<16xi32>
        %add3A_1374 = arith.addi %add3A_1372, %add3A_1373 : vector<16xi32>
        %gather3A_1375 = tpu.vector_load_idx %arg5[%add3A_1374] : memref<256xf32, #tpu.memory_space<vmem>>[vector<16xi32>], vector<16xf32>,
        %broadcast_in_dim3A_1376 = arith.constant 0 : i32
        %broadcast_in_dim3A_1377 = vector.broadcast %broadcast_in_dim3A_1376 : i32 to vector<16xi32>
        %add3A_1378 = arith.constant 128 : i32
        %add3A_1379 = vector.broadcast %add3A_1378 : i32 to vector<16xi32>
        %add3A_1380 = arith.addi %broadcast_in_dim3A_1377, %add3A_1379 : vector<16xi32>
        %add3A_1381 = vector.broadcast %scan3A_1328 : i32 to vector<16xi32>
        %add3A_1382 = arith.addi %add3A_1380, %add3A_1381 : vector<16xi32>
        %gather3A_1383 = tpu.vector_load_idx %arg5[%add3A_1382] : memref<256xf32, #tpu.memory_space<vmem>>[vector<16xi32>], vector<16xf32>,
        %broadcast_in_dim3A_1384 = arith.constant 0 : i32
        %broadcast_in_dim3A_1385 = vector.broadcast %broadcast_in_dim3A_1384 : i32 to vector<16xi32>
        %add3A_1386 = arith.constant 192 : i32
        %add3A_1387 = vector.broadcast %add3A_1386 : i32 to vector<16xi32>
        %add3A_1388 = arith.addi %broadcast_in_dim3A_1385, %add3A_1387 : vector<16xi32>
        %add3A_1389 = vector.broadcast %scan3A_1328 : i32 to vector<16xi32>
        %add3A_1390 = arith.addi %add3A_1388, %add3A_1389 : vector<16xi32>
        %gather3A_1391 = tpu.vector_load_idx %arg5[%add3A_1390] : memref<256xf32, #tpu.memory_space<vmem>>[vector<16xi32>], vector<16xf32>,
        %get3A = arith.index_cast %scan3A_1328 : i32 to index
        %get3A_1392 = arith.constant 128 : index
        %get3A_1393 = tpu.vector_load %arg7[%get3A, %get3A_1392] {strides = array<i32>} : memref<64x512xf32, #tpu.memory_space<vmem>>, vector<16xf32>,
        %mul3A_1394 = arith.mulf %get3A_1393, %gather3A : vector<16xf32>
        %add3A_1395 = arith.addf %scan3A_1329, %mul3A_1394 : vector<16xf32>
        %mul3A_1396 = arith.mulf %get3A_1393, %gather3A_1375 : vector<16xf32>
        %add3A_1397 = arith.addf %scan3A_1330, %mul3A_1396 : vector<16xf32>
        %mul3A_1398 = arith.mulf %get3A_1393, %gather3A_1383 : vector<16xf32>
        %add3A_1399 = arith.addf %scan3A_1331, %mul3A_1398 : vector<16xf32>
        %mul3A_1400 = arith.mulf %get3A_1393, %gather3A_1391 : vector<16xf32>
        %add3A_1401 = arith.addf %scan3A_1332, %mul3A_1400 : vector<16xf32>
        %get3A_1402 = arith.index_cast %scan3A_1328 : i32 to index
        %get3A_1403 = arith.constant 144 : index
        %get3A_1404 = tpu.vector_load %arg7[%get3A_1402, %get3A_1403] {strides = array<i32>} : memref<64x512xf32, #tpu.memory_space<vmem>>, vector<16xf32>,
        %mul3A_1405 = arith.mulf %get3A_1404, %gather3A : vector<16xf32>
        %add3A_1406 = arith.addf %scan3A_1333, %mul3A_1405 : vector<16xf32>
        %mul3A_1407 = arith.mulf %get3A_1404, %gather3A_1375 : vector<16xf32>
        %add3A_1408 = arith.addf %scan3A_1334, %mul3A_1407 : vector<16xf32>
        %mul3A_1409 = arith.mulf %get3A_1404, %gather3A_1383 : vector<16xf32>
        %add3A_1410 = arith.addf %scan3A_1335, %mul3A_1409 : vector<16xf32>
        %mul3A_1411 = arith.mulf %get3A_1404, %gather3A_1391 : vector<16xf32>
        %add3A_1412 = arith.addf %scan3A_1336, %mul3A_1411 : vector<16xf32>
        %get3A_1413 = arith.index_cast %scan3A_1328 : i32 to index
        %get3A_1414 = arith.constant 160 : index
        %get3A_1415 = tpu.vector_load %arg7[%get3A_1413, %get3A_1414] {strides = array<i32>} : memref<64x512xf32, #tpu.memory_space<vmem>>, vector<16xf32>,
        %mul3A_1416 = arith.mulf %get3A_1415, %gather3A : vector<16xf32>
        %add3A_1417 = arith.addf %scan3A_1337, %mul3A_1416 : vector<16xf32>
        %mul3A_1418 = arith.mulf %get3A_1415, %gather3A_1375 : vector<16xf32>
        %add3A_1419 = arith.addf %scan3A_1338, %mul3A_1418 : vector<16xf32>
        %mul3A_1420 = arith.mulf %get3A_1415, %gather3A_1383 : vector<16xf32>
        %add3A_1421 = arith.addf %scan3A_1339, %mul3A_1420 : vector<16xf32>
        %mul3A_1422 = arith.mulf %get3A_1415, %gather3A_1391 : vector<16xf32>
        %add3A_1423 = arith.addf %scan3A_1340, %mul3A_1422 : vector<16xf32>
        %get3A_1424 = arith.index_cast %scan3A_1328 : i32 to index
        %get3A_1425 = arith.constant 176 : index
        %get3A_1426 = tpu.vector_load %arg7[%get3A_1424, %get3A_1425] {strides = array<i32>} : memref<64x512xf32, #tpu.memory_space<vmem>>, vector<16xf32>,
        %mul3A_1427 = arith.mulf %get3A_1426, %gather3A : vector<16xf32>
        %add3A_1428 = arith.addf %scan3A_1341, %mul3A_1427 : vector<16xf32>
        %mul3A_1429 = arith.mulf %get3A_1426, %gather3A_1375 : vector<16xf32>
        %add3A_1430 = arith.addf %scan3A_1342, %mul3A_1429 : vector<16xf32>
        %mul3A_1431 = arith.mulf %get3A_1426, %gather3A_1383 : vector<16xf32>
        %add3A_1432 = arith.addf %scan3A_1343, %mul3A_1431 : vector<16xf32>
        %mul3A_1433 = arith.mulf %get3A_1426, %gather3A_1391 : vector<16xf32>
        %add3A_1434 = arith.addf %scan3A_1344, %mul3A_1433 : vector<16xf32>
        %get3A_1435 = arith.index_cast %scan3A_1328 : i32 to index
        %get3A_1436 = arith.constant 192 : index
        %get3A_1437 = tpu.vector_load %arg7[%get3A_1435, %get3A_1436] {strides = array<i32>} : memref<64x512xf32, #tpu.memory_space<vmem>>, vector<16xf32>,
        %mul3A_1438 = arith.mulf %get3A_1437, %gather3A : vector<16xf32>
        %add3A_1439 = arith.addf %scan3A_1345, %mul3A_1438 : vector<16xf32>
        %mul3A_1440 = arith.mulf %get3A_1437, %gather3A_1375 : vector<16xf32>
        %add3A_1441 = arith.addf %scan3A_1346, %mul3A_1440 : vector<16xf32>
        %mul3A_1442 = arith.mulf %get3A_1437, %gather3A_1383 : vector<16xf32>
        %add3A_1443 = arith.addf %scan3A_1347, %mul3A_1442 : vector<16xf32>
        %mul3A_1444 = arith.mulf %get3A_1437, %gather3A_1391 : vector<16xf32>
        %add3A_1445 = arith.addf %scan3A_1348, %mul3A_1444 : vector<16xf32>
        %get3A_1446 = arith.index_cast %scan3A_1328 : i32 to index
        %get3A_1447 = arith.constant 208 : index
        %get3A_1448 = tpu.vector_load %arg7[%get3A_1446, %get3A_1447] {strides = array<i32>} : memref<64x512xf32, #tpu.memory_space<vmem>>, vector<16xf32>,
        %mul3A_1449 = arith.mulf %get3A_1448, %gather3A : vector<16xf32>
        %add3A_1450 = arith.addf %scan3A_1349, %mul3A_1449 : vector<16xf32>
        %mul3A_1451 = arith.mulf %get3A_1448, %gather3A_1375 : vector<16xf32>
        %add3A_1452 = arith.addf %scan3A_1350, %mul3A_1451 : vector<16xf32>
        %mul3A_1453 = arith.mulf %get3A_1448, %gather3A_1383 : vector<16xf32>
        %add3A_1454 = arith.addf %scan3A_1351, %mul3A_1453 : vector<16xf32>
        %mul3A_1455 = arith.mulf %get3A_1448, %gather3A_1391 : vector<16xf32>
        %add3A_1456 = arith.addf %scan3A_1352, %mul3A_1455 : vector<16xf32>
        %get3A_1457 = arith.index_cast %scan3A_1328 : i32 to index
        %get3A_1458 = arith.constant 224 : index
        %get3A_1459 = tpu.vector_load %arg7[%get3A_1457, %get3A_1458] {strides = array<i32>} : memref<64x512xf32, #tpu.memory_space<vmem>>, vector<16xf32>,
        %mul3A_1460 = arith.mulf %get3A_1459, %gather3A : vector<16xf32>
        %add3A_1461 = arith.addf %scan3A_1353, %mul3A_1460 : vector<16xf32>
        %mul3A_1462 = arith.mulf %get3A_1459, %gather3A_1375 : vector<16xf32>
        %add3A_1463 = arith.addf %scan3A_1354, %mul3A_1462 : vector<16xf32>
        %mul3A_1464 = arith.mulf %get3A_1459, %gather3A_1383 : vector<16xf32>
        %add3A_1465 = arith.addf %scan3A_1355, %mul3A_1464 : vector<16xf32>
        %mul3A_1466 = arith.mulf %get3A_1459, %gather3A_1391 : vector<16xf32>
        %add3A_1467 = arith.addf %scan3A_1356, %mul3A_1466 : vector<16xf32>
        %get3A_1468 = arith.index_cast %scan3A_1328 : i32 to index
        %get3A_1469 = arith.constant 240 : index
        %get3A_1470 = tpu.vector_load %arg7[%get3A_1468, %get3A_1469] {strides = array<i32>} : memref<64x512xf32, #tpu.memory_space<vmem>>, vector<16xf32>,
        %mul3A_1471 = arith.mulf %get3A_1470, %gather3A : vector<16xf32>
        %add3A_1472 = arith.addf %scan3A_1357, %mul3A_1471 : vector<16xf32>
        %mul3A_1473 = arith.mulf %get3A_1470, %gather3A_1375 : vector<16xf32>
        %add3A_1474 = arith.addf %scan3A_1358, %mul3A_1473 : vector<16xf32>
        %mul3A_1475 = arith.mulf %get3A_1470, %gather3A_1383 : vector<16xf32>
        %add3A_1476 = arith.addf %scan3A_1359, %mul3A_1475 : vector<16xf32>
        %mul3A_1477 = arith.mulf %get3A_1470, %gather3A_1391 : vector<16xf32>
        %add3A_1478 = arith.addf %scan3A_1360, %mul3A_1477 : vector<16xf32>
        scf.yield %add3A_1395, %add3A_1397, %add3A_1399, %add3A_1401, %add3A_1406, %add3A_1408, %add3A_1410, %add3A_1412, %add3A_1417, %add3A_1419, %add3A_1421, %add3A_1423, %add3A_1428, %add3A_1430, %add3A_1432, %add3A_1434, %add3A_1439, %add3A_1441, %add3A_1443, %add3A_1445, %add3A_1450, %add3A_1452, %add3A_1454, %add3A_1456, %add3A_1461, %add3A_1463, %add3A_1465, %add3A_1467, %add3A_1472, %add3A_1474, %add3A_1476, %add3A_1478 : vector<16xf32>, vector<16xf32>, vector<16xf32>, vector<16xf32>, vector<16xf32>, vector<16xf32>, vector<16xf32>, vector<16xf32>, vector<16xf32>, vector<16xf32>, vector<16xf32>, vector<16xf32>, vector<16xf32>, vector<16xf32>, vector<16xf32>, vector<16xf32>, vector<16xf32>, vector<16xf32>, vector<16xf32>, vector<16xf32>, vector<16xf32>, vector<16xf32>, vector<16xf32>, vector<16xf32>, vector<16xf32>, vector<16xf32>, vector<16xf32>, vector<16xf32>, vector<16xf32>, vector<16xf32>, vector<16xf32>, vector<16xf32>
      }
      %scan3A_1018 = arith.constant 64 : i32
      %add3A_1019 = arith.constant 1024 : i32
      %add3A_1020 = vector.broadcast %add3A_1019 : i32 to vector<16xi32>
      %add3A_1021 = arith.addi %mul3A_5, %add3A_1020 : vector<16xi32>
      tpu.vector_store_idx %arg8[%add3A_1021], %scan3A_1017#0 : memref<4096xf32, #tpu.memory_space<vmem>>[vector<16xi32>], vector<16xf32>,
      %add3A_1022 = arith.constant 1025 : i32
      %add3A_1023 = vector.broadcast %add3A_1022 : i32 to vector<16xi32>
      %add3A_1024 = arith.addi %mul3A_5, %add3A_1023 : vector<16xi32>
      tpu.vector_store_idx %arg8[%add3A_1024], %scan3A_1017#1 : memref<4096xf32, #tpu.memory_space<vmem>>[vector<16xi32>], vector<16xf32>,
      %add3A_1025 = arith.constant 1026 : i32
      %add3A_1026 = vector.broadcast %add3A_1025 : i32 to vector<16xi32>
      %add3A_1027 = arith.addi %mul3A_5, %add3A_1026 : vector<16xi32>
      tpu.vector_store_idx %arg8[%add3A_1027], %scan3A_1017#2 : memref<4096xf32, #tpu.memory_space<vmem>>[vector<16xi32>], vector<16xf32>,
      %add3A_1028 = arith.constant 1027 : i32
      %add3A_1029 = vector.broadcast %add3A_1028 : i32 to vector<16xi32>
      %add3A_1030 = arith.addi %mul3A_5, %add3A_1029 : vector<16xi32>
      tpu.vector_store_idx %arg8[%add3A_1030], %scan3A_1017#3 : memref<4096xf32, #tpu.memory_space<vmem>>[vector<16xi32>], vector<16xf32>,
      %add3A_1031 = arith.constant 1152 : i32
      %add3A_1032 = vector.broadcast %add3A_1031 : i32 to vector<16xi32>
      %add3A_1033 = arith.addi %mul3A_5, %add3A_1032 : vector<16xi32>
      tpu.vector_store_idx %arg8[%add3A_1033], %scan3A_1017#4 : memref<4096xf32, #tpu.memory_space<vmem>>[vector<16xi32>], vector<16xf32>,
      %add3A_1034 = arith.constant 1153 : i32
      %add3A_1035 = vector.broadcast %add3A_1034 : i32 to vector<16xi32>
      %add3A_1036 = arith.addi %mul3A_5, %add3A_1035 : vector<16xi32>
      tpu.vector_store_idx %arg8[%add3A_1036], %scan3A_1017#5 : memref<4096xf32, #tpu.memory_space<vmem>>[vector<16xi32>], vector<16xf32>,
      %add3A_1037 = arith.constant 1154 : i32
      %add3A_1038 = vector.broadcast %add3A_1037 : i32 to vector<16xi32>
      %add3A_1039 = arith.addi %mul3A_5, %add3A_1038 : vector<16xi32>
      tpu.vector_store_idx %arg8[%add3A_1039], %scan3A_1017#6 : memref<4096xf32, #tpu.memory_space<vmem>>[vector<16xi32>], vector<16xf32>,
      %add3A_1040 = arith.constant 1155 : i32
      %add3A_1041 = vector.broadcast %add3A_1040 : i32 to vector<16xi32>
      %add3A_1042 = arith.addi %mul3A_5, %add3A_1041 : vector<16xi32>
      tpu.vector_store_idx %arg8[%add3A_1042], %scan3A_1017#7 : memref<4096xf32, #tpu.memory_space<vmem>>[vector<16xi32>], vector<16xf32>,
      %add3A_1043 = arith.constant 1280 : i32
      %add3A_1044 = vector.broadcast %add3A_1043 : i32 to vector<16xi32>
      %add3A_1045 = arith.addi %mul3A_5, %add3A_1044 : vector<16xi32>
      tpu.vector_store_idx %arg8[%add3A_1045], %scan3A_1017#8 : memref<4096xf32, #tpu.memory_space<vmem>>[vector<16xi32>], vector<16xf32>,
      %add3A_1046 = arith.constant 1281 : i32
      %add3A_1047 = vector.broadcast %add3A_1046 : i32 to vector<16xi32>
      %add3A_1048 = arith.addi %mul3A_5, %add3A_1047 : vector<16xi32>
      tpu.vector_store_idx %arg8[%add3A_1048], %scan3A_1017#9 : memref<4096xf32, #tpu.memory_space<vmem>>[vector<16xi32>], vector<16xf32>,
      %add3A_1049 = arith.constant 1282 : i32
      %add3A_1050 = vector.broadcast %add3A_1049 : i32 to vector<16xi32>
      %add3A_1051 = arith.addi %mul3A_5, %add3A_1050 : vector<16xi32>
      tpu.vector_store_idx %arg8[%add3A_1051], %scan3A_1017#10 : memref<4096xf32, #tpu.memory_space<vmem>>[vector<16xi32>], vector<16xf32>,
      %add3A_1052 = arith.constant 1283 : i32
      %add3A_1053 = vector.broadcast %add3A_1052 : i32 to vector<16xi32>
      %add3A_1054 = arith.addi %mul3A_5, %add3A_1053 : vector<16xi32>
      tpu.vector_store_idx %arg8[%add3A_1054], %scan3A_1017#11 : memref<4096xf32, #tpu.memory_space<vmem>>[vector<16xi32>], vector<16xf32>,
      %add3A_1055 = arith.constant 1408 : i32
      %add3A_1056 = vector.broadcast %add3A_1055 : i32 to vector<16xi32>
      %add3A_1057 = arith.addi %mul3A_5, %add3A_1056 : vector<16xi32>
      tpu.vector_store_idx %arg8[%add3A_1057], %scan3A_1017#12 : memref<4096xf32, #tpu.memory_space<vmem>>[vector<16xi32>], vector<16xf32>,
      %add3A_1058 = arith.constant 1409 : i32
      %add3A_1059 = vector.broadcast %add3A_1058 : i32 to vector<16xi32>
      %add3A_1060 = arith.addi %mul3A_5, %add3A_1059 : vector<16xi32>
      tpu.vector_store_idx %arg8[%add3A_1060], %scan3A_1017#13 : memref<4096xf32, #tpu.memory_space<vmem>>[vector<16xi32>], vector<16xf32>,
      %add3A_1061 = arith.constant 1410 : i32
      %add3A_1062 = vector.broadcast %add3A_1061 : i32 to vector<16xi32>
      %add3A_1063 = arith.addi %mul3A_5, %add3A_1062 : vector<16xi32>
      tpu.vector_store_idx %arg8[%add3A_1063], %scan3A_1017#14 : memref<4096xf32, #tpu.memory_space<vmem>>[vector<16xi32>], vector<16xf32>,
      %add3A_1064 = arith.constant 1411 : i32
      %add3A_1065 = vector.broadcast %add3A_1064 : i32 to vector<16xi32>
      %add3A_1066 = arith.addi %mul3A_5, %add3A_1065 : vector<16xi32>
      tpu.vector_store_idx %arg8[%add3A_1066], %scan3A_1017#15 : memref<4096xf32, #tpu.memory_space<vmem>>[vector<16xi32>], vector<16xf32>,
      %add3A_1067 = arith.constant 1536 : i32
      %add3A_1068 = vector.broadcast %add3A_1067 : i32 to vector<16xi32>
      %add3A_1069 = arith.addi %mul3A_5, %add3A_1068 : vector<16xi32>
      tpu.vector_store_idx %arg8[%add3A_1069], %scan3A_1017#16 : memref<4096xf32, #tpu.memory_space<vmem>>[vector<16xi32>], vector<16xf32>,
      %add3A_1070 = arith.constant 1537 : i32
      %add3A_1071 = vector.broadcast %add3A_1070 : i32 to vector<16xi32>
      %add3A_1072 = arith.addi %mul3A_5, %add3A_1071 : vector<16xi32>
      tpu.vector_store_idx %arg8[%add3A_1072], %scan3A_1017#17 : memref<4096xf32, #tpu.memory_space<vmem>>[vector<16xi32>], vector<16xf32>,
      %add3A_1073 = arith.constant 1538 : i32
      %add3A_1074 = vector.broadcast %add3A_1073 : i32 to vector<16xi32>
      %add3A_1075 = arith.addi %mul3A_5, %add3A_1074 : vector<16xi32>
      tpu.vector_store_idx %arg8[%add3A_1075], %scan3A_1017#18 : memref<4096xf32, #tpu.memory_space<vmem>>[vector<16xi32>], vector<16xf32>,
      %add3A_1076 = arith.constant 1539 : i32
      %add3A_1077 = vector.broadcast %add3A_1076 : i32 to vector<16xi32>
      %add3A_1078 = arith.addi %mul3A_5, %add3A_1077 : vector<16xi32>
      tpu.vector_store_idx %arg8[%add3A_1078], %scan3A_1017#19 : memref<4096xf32, #tpu.memory_space<vmem>>[vector<16xi32>], vector<16xf32>,
      %add3A_1079 = arith.constant 1664 : i32
      %add3A_1080 = vector.broadcast %add3A_1079 : i32 to vector<16xi32>
      %add3A_1081 = arith.addi %mul3A_5, %add3A_1080 : vector<16xi32>
      tpu.vector_store_idx %arg8[%add3A_1081], %scan3A_1017#20 : memref<4096xf32, #tpu.memory_space<vmem>>[vector<16xi32>], vector<16xf32>,
      %add3A_1082 = arith.constant 1665 : i32
      %add3A_1083 = vector.broadcast %add3A_1082 : i32 to vector<16xi32>
      %add3A_1084 = arith.addi %mul3A_5, %add3A_1083 : vector<16xi32>
      tpu.vector_store_idx %arg8[%add3A_1084], %scan3A_1017#21 : memref<4096xf32, #tpu.memory_space<vmem>>[vector<16xi32>], vector<16xf32>,
      %add3A_1085 = arith.constant 1666 : i32
      %add3A_1086 = vector.broadcast %add3A_1085 : i32 to vector<16xi32>
      %add3A_1087 = arith.addi %mul3A_5, %add3A_1086 : vector<16xi32>
      tpu.vector_store_idx %arg8[%add3A_1087], %scan3A_1017#22 : memref<4096xf32, #tpu.memory_space<vmem>>[vector<16xi32>], vector<16xf32>,
      %add3A_1088 = arith.constant 1667 : i32
      %add3A_1089 = vector.broadcast %add3A_1088 : i32 to vector<16xi32>
      %add3A_1090 = arith.addi %mul3A_5, %add3A_1089 : vector<16xi32>
      tpu.vector_store_idx %arg8[%add3A_1090], %scan3A_1017#23 : memref<4096xf32, #tpu.memory_space<vmem>>[vector<16xi32>], vector<16xf32>,
      %add3A_1091 = arith.constant 1792 : i32
      %add3A_1092 = vector.broadcast %add3A_1091 : i32 to vector<16xi32>
      %add3A_1093 = arith.addi %mul3A_5, %add3A_1092 : vector<16xi32>
      tpu.vector_store_idx %arg8[%add3A_1093], %scan3A_1017#24 : memref<4096xf32, #tpu.memory_space<vmem>>[vector<16xi32>], vector<16xf32>,
      %add3A_1094 = arith.constant 1793 : i32
      %add3A_1095 = vector.broadcast %add3A_1094 : i32 to vector<16xi32>
      %add3A_1096 = arith.addi %mul3A_5, %add3A_1095 : vector<16xi32>
      tpu.vector_store_idx %arg8[%add3A_1096], %scan3A_1017#25 : memref<4096xf32, #tpu.memory_space<vmem>>[vector<16xi32>], vector<16xf32>,
      %add3A_1097 = arith.constant 1794 : i32
      %add3A_1098 = vector.broadcast %add3A_1097 : i32 to vector<16xi32>
      %add3A_1099 = arith.addi %mul3A_5, %add3A_1098 : vector<16xi32>
      tpu.vector_store_idx %arg8[%add3A_1099], %scan3A_1017#26 : memref<4096xf32, #tpu.memory_space<vmem>>[vector<16xi32>], vector<16xf32>,
      %add3A_1100 = arith.constant 1795 : i32
      %add3A_1101 = vector.broadcast %add3A_1100 : i32 to vector<16xi32>
      %add3A_1102 = arith.addi %mul3A_5, %add3A_1101 : vector<16xi32>
      tpu.vector_store_idx %arg8[%add3A_1102], %scan3A_1017#27 : memref<4096xf32, #tpu.memory_space<vmem>>[vector<16xi32>], vector<16xf32>,
      %add3A_1103 = arith.constant 1920 : i32
      %add3A_1104 = vector.broadcast %add3A_1103 : i32 to vector<16xi32>
      %add3A_1105 = arith.addi %mul3A_5, %add3A_1104 : vector<16xi32>
      tpu.vector_store_idx %arg8[%add3A_1105], %scan3A_1017#28 : memref<4096xf32, #tpu.memory_space<vmem>>[vector<16xi32>], vector<16xf32>,
      %add3A_1106 = arith.constant 1921 : i32
      %add3A_1107 = vector.broadcast %add3A_1106 : i32 to vector<16xi32>
      %add3A_1108 = arith.addi %mul3A_5, %add3A_1107 : vector<16xi32>
      tpu.vector_store_idx %arg8[%add3A_1108], %scan3A_1017#29 : memref<4096xf32, #tpu.memory_space<vmem>>[vector<16xi32>], vector<16xf32>,
      %add3A_1109 = arith.constant 1922 : i32
      %add3A_1110 = vector.broadcast %add3A_1109 : i32 to vector<16xi32>
      %add3A_1111 = arith.addi %mul3A_5, %add3A_1110 : vector<16xi32>
      tpu.vector_store_idx %arg8[%add3A_1111], %scan3A_1017#30 : memref<4096xf32, #tpu.memory_space<vmem>>[vector<16xi32>], vector<16xf32>,
      %add3A_1112 = arith.constant 1923 : i32
      %add3A_1113 = vector.broadcast %add3A_1112 : i32 to vector<16xi32>
      %add3A_1114 = arith.addi %mul3A_5, %add3A_1113 : vector<16xi32>
      tpu.vector_store_idx %arg8[%add3A_1114], %scan3A_1017#31 : memref<4096xf32, #tpu.memory_space<vmem>>[vector<16xi32>], vector<16xf32>,
      %broadcast_in_dim3A_1115 = arith.constant 0.000000e+00 : f32
      %broadcast_in_dim3A_1116 = vector.broadcast %broadcast_in_dim3A_1115 : f32 to vector<16xf32>
      %scan3A_1117 = arith.constant 0 : i32
      %scan3A_1118 = arith.constant 64 : i32
      %scan3A_1119 = arith.addi %scan3A_1117, %scan3A_1118 : i32
      %scan3A_1120 = arith.constant 1 : i32
      %scan3A_1121:32 = scf.for %scan3A_1328 = %scan3A_1117 to %scan3A_1119 step %scan3A_1120 iter_args(%scan3A_1329 = %broadcast_in_dim3A_1116, %scan3A_1330 = %broadcast_in_dim3A_1116, %scan3A_1331 = %broadcast_in_dim3A_1116, %scan3A_1332 = %broadcast_in_dim3A_1116, %scan3A_1333 = %broadcast_in_dim3A_1116, %scan3A_1334 = %broadcast_in_dim3A_1116, %scan3A_1335 = %broadcast_in_dim3A_1116, %scan3A_1336 = %broadcast_in_dim3A_1116, %scan3A_1337 = %broadcast_in_dim3A_1116, %scan3A_1338 = %broadcast_in_dim3A_1116, %scan3A_1339 = %broadcast_in_dim3A_1116, %scan3A_1340 = %broadcast_in_dim3A_1116, %scan3A_1341 = %broadcast_in_dim3A_1116, %scan3A_1342 = %broadcast_in_dim3A_1116, %scan3A_1343 = %broadcast_in_dim3A_1116, %scan3A_1344 = %broadcast_in_dim3A_1116, %scan3A_1345 = %broadcast_in_dim3A_1116, %scan3A_1346 = %broadcast_in_dim3A_1116, %scan3A_1347 = %broadcast_in_dim3A_1116, %scan3A_1348 = %broadcast_in_dim3A_1116, %scan3A_1349 = %broadcast_in_dim3A_1116, %scan3A_1350 = %broadcast_in_dim3A_1116, %scan3A_1351 = %broadcast_in_dim3A_1116, %scan3A_1352 = %broadcast_in_dim3A_1116, %scan3A_1353 = %broadcast_in_dim3A_1116, %scan3A_1354 = %broadcast_in_dim3A_1116, %scan3A_1355 = %broadcast_in_dim3A_1116, %scan3A_1356 = %broadcast_in_dim3A_1116, %scan3A_1357 = %broadcast_in_dim3A_1116, %scan3A_1358 = %broadcast_in_dim3A_1116, %scan3A_1359 = %broadcast_in_dim3A_1116, %scan3A_1360 = %broadcast_in_dim3A_1116) -> (vector<16xf32>, vector<16xf32>, vector<16xf32>, vector<16xf32>, vector<16xf32>, vector<16xf32>, vector<16xf32>, vector<16xf32>, vector<16xf32>, vector<16xf32>, vector<16xf32>, vector<16xf32>, vector<16xf32>, vector<16xf32>, vector<16xf32>, vector<16xf32>, vector<16xf32>, vector<16xf32>, vector<16xf32>, vector<16xf32>, vector<16xf32>, vector<16xf32>, vector<16xf32>, vector<16xf32>, vector<16xf32>, vector<16xf32>, vector<16xf32>, vector<16xf32>, vector<16xf32>, vector<16xf32>, vector<16xf32>, vector<16xf32>)  : i32 {
        %broadcast_in_dim3A_1361 = arith.constant 0 : i32
        %broadcast_in_dim3A_1362 = vector.broadcast %broadcast_in_dim3A_1361 : i32 to vector<16xi32>
        %add3A_1363 = arith.constant 0 : i32
        %add3A_1364 = vector.broadcast %add3A_1363 : i32 to vector<16xi32>
        %add3A_1365 = arith.addi %broadcast_in_dim3A_1362, %add3A_1364 : vector<16xi32>
        %add3A_1366 = vector.broadcast %scan3A_1328 : i32 to vector<16xi32>
        %add3A_1367 = arith.addi %add3A_1365, %add3A_1366 : vector<16xi32>
        %gather3A = tpu.vector_load_idx %arg5[%add3A_1367] : memref<256xf32, #tpu.memory_space<vmem>>[vector<16xi32>], vector<16xf32>,
        %broadcast_in_dim3A_1368 = arith.constant 0 : i32
        %broadcast_in_dim3A_1369 = vector.broadcast %broadcast_in_dim3A_1368 : i32 to vector<16xi32>
        %add3A_1370 = arith.constant 64 : i32
        %add3A_1371 = vector.broadcast %add3A_1370 : i32 to vector<16xi32>
        %add3A_1372 = arith.addi %broadcast_in_dim3A_1369, %add3A_1371 : vector<16xi32>
        %add3A_1373 = vector.broadcast %scan3A_1328 : i32 to vector<16xi32>
        %add3A_1374 = arith.addi %add3A_1372, %add3A_1373 : vector<16xi32>
        %gather3A_1375 = tpu.vector_load_idx %arg5[%add3A_1374] : memref<256xf32, #tpu.memory_space<vmem>>[vector<16xi32>], vector<16xf32>,
        %broadcast_in_dim3A_1376 = arith.constant 0 : i32
        %broadcast_in_dim3A_1377 = vector.broadcast %broadcast_in_dim3A_1376 : i32 to vector<16xi32>
        %add3A_1378 = arith.constant 128 : i32
        %add3A_1379 = vector.broadcast %add3A_1378 : i32 to vector<16xi32>
        %add3A_1380 = arith.addi %broadcast_in_dim3A_1377, %add3A_1379 : vector<16xi32>
        %add3A_1381 = vector.broadcast %scan3A_1328 : i32 to vector<16xi32>
        %add3A_1382 = arith.addi %add3A_1380, %add3A_1381 : vector<16xi32>
        %gather3A_1383 = tpu.vector_load_idx %arg5[%add3A_1382] : memref<256xf32, #tpu.memory_space<vmem>>[vector<16xi32>], vector<16xf32>,
        %broadcast_in_dim3A_1384 = arith.constant 0 : i32
        %broadcast_in_dim3A_1385 = vector.broadcast %broadcast_in_dim3A_1384 : i32 to vector<16xi32>
        %add3A_1386 = arith.constant 192 : i32
        %add3A_1387 = vector.broadcast %add3A_1386 : i32 to vector<16xi32>
        %add3A_1388 = arith.addi %broadcast_in_dim3A_1385, %add3A_1387 : vector<16xi32>
        %add3A_1389 = vector.broadcast %scan3A_1328 : i32 to vector<16xi32>
        %add3A_1390 = arith.addi %add3A_1388, %add3A_1389 : vector<16xi32>
        %gather3A_1391 = tpu.vector_load_idx %arg5[%add3A_1390] : memref<256xf32, #tpu.memory_space<vmem>>[vector<16xi32>], vector<16xf32>,
        %get3A = arith.index_cast %scan3A_1328 : i32 to index
        %get3A_1392 = arith.constant 256 : index
        %get3A_1393 = tpu.vector_load %arg7[%get3A, %get3A_1392] {strides = array<i32>} : memref<64x512xf32, #tpu.memory_space<vmem>>, vector<16xf32>,
        %mul3A_1394 = arith.mulf %get3A_1393, %gather3A : vector<16xf32>
        %add3A_1395 = arith.addf %scan3A_1329, %mul3A_1394 : vector<16xf32>
        %mul3A_1396 = arith.mulf %get3A_1393, %gather3A_1375 : vector<16xf32>
        %add3A_1397 = arith.addf %scan3A_1330, %mul3A_1396 : vector<16xf32>
        %mul3A_1398 = arith.mulf %get3A_1393, %gather3A_1383 : vector<16xf32>
        %add3A_1399 = arith.addf %scan3A_1331, %mul3A_1398 : vector<16xf32>
        %mul3A_1400 = arith.mulf %get3A_1393, %gather3A_1391 : vector<16xf32>
        %add3A_1401 = arith.addf %scan3A_1332, %mul3A_1400 : vector<16xf32>
        %get3A_1402 = arith.index_cast %scan3A_1328 : i32 to index
        %get3A_1403 = arith.constant 272 : index
        %get3A_1404 = tpu.vector_load %arg7[%get3A_1402, %get3A_1403] {strides = array<i32>} : memref<64x512xf32, #tpu.memory_space<vmem>>, vector<16xf32>,
        %mul3A_1405 = arith.mulf %get3A_1404, %gather3A : vector<16xf32>
        %add3A_1406 = arith.addf %scan3A_1333, %mul3A_1405 : vector<16xf32>
        %mul3A_1407 = arith.mulf %get3A_1404, %gather3A_1375 : vector<16xf32>
        %add3A_1408 = arith.addf %scan3A_1334, %mul3A_1407 : vector<16xf32>
        %mul3A_1409 = arith.mulf %get3A_1404, %gather3A_1383 : vector<16xf32>
        %add3A_1410 = arith.addf %scan3A_1335, %mul3A_1409 : vector<16xf32>
        %mul3A_1411 = arith.mulf %get3A_1404, %gather3A_1391 : vector<16xf32>
        %add3A_1412 = arith.addf %scan3A_1336, %mul3A_1411 : vector<16xf32>
        %get3A_1413 = arith.index_cast %scan3A_1328 : i32 to index
        %get3A_1414 = arith.constant 288 : index
        %get3A_1415 = tpu.vector_load %arg7[%get3A_1413, %get3A_1414] {strides = array<i32>} : memref<64x512xf32, #tpu.memory_space<vmem>>, vector<16xf32>,
        %mul3A_1416 = arith.mulf %get3A_1415, %gather3A : vector<16xf32>
        %add3A_1417 = arith.addf %scan3A_1337, %mul3A_1416 : vector<16xf32>
        %mul3A_1418 = arith.mulf %get3A_1415, %gather3A_1375 : vector<16xf32>
        %add3A_1419 = arith.addf %scan3A_1338, %mul3A_1418 : vector<16xf32>
        %mul3A_1420 = arith.mulf %get3A_1415, %gather3A_1383 : vector<16xf32>
        %add3A_1421 = arith.addf %scan3A_1339, %mul3A_1420 : vector<16xf32>
        %mul3A_1422 = arith.mulf %get3A_1415, %gather3A_1391 : vector<16xf32>
        %add3A_1423 = arith.addf %scan3A_1340, %mul3A_1422 : vector<16xf32>
        %get3A_1424 = arith.index_cast %scan3A_1328 : i32 to index
        %get3A_1425 = arith.constant 304 : index
        %get3A_1426 = tpu.vector_load %arg7[%get3A_1424, %get3A_1425] {strides = array<i32>} : memref<64x512xf32, #tpu.memory_space<vmem>>, vector<16xf32>,
        %mul3A_1427 = arith.mulf %get3A_1426, %gather3A : vector<16xf32>
        %add3A_1428 = arith.addf %scan3A_1341, %mul3A_1427 : vector<16xf32>
        %mul3A_1429 = arith.mulf %get3A_1426, %gather3A_1375 : vector<16xf32>
        %add3A_1430 = arith.addf %scan3A_1342, %mul3A_1429 : vector<16xf32>
        %mul3A_1431 = arith.mulf %get3A_1426, %gather3A_1383 : vector<16xf32>
        %add3A_1432 = arith.addf %scan3A_1343, %mul3A_1431 : vector<16xf32>
        %mul3A_1433 = arith.mulf %get3A_1426, %gather3A_1391 : vector<16xf32>
        %add3A_1434 = arith.addf %scan3A_1344, %mul3A_1433 : vector<16xf32>
        %get3A_1435 = arith.index_cast %scan3A_1328 : i32 to index
        %get3A_1436 = arith.constant 320 : index
        %get3A_1437 = tpu.vector_load %arg7[%get3A_1435, %get3A_1436] {strides = array<i32>} : memref<64x512xf32, #tpu.memory_space<vmem>>, vector<16xf32>,
        %mul3A_1438 = arith.mulf %get3A_1437, %gather3A : vector<16xf32>
        %add3A_1439 = arith.addf %scan3A_1345, %mul3A_1438 : vector<16xf32>
        %mul3A_1440 = arith.mulf %get3A_1437, %gather3A_1375 : vector<16xf32>
        %add3A_1441 = arith.addf %scan3A_1346, %mul3A_1440 : vector<16xf32>
        %mul3A_1442 = arith.mulf %get3A_1437, %gather3A_1383 : vector<16xf32>
        %add3A_1443 = arith.addf %scan3A_1347, %mul3A_1442 : vector<16xf32>
        %mul3A_1444 = arith.mulf %get3A_1437, %gather3A_1391 : vector<16xf32>
        %add3A_1445 = arith.addf %scan3A_1348, %mul3A_1444 : vector<16xf32>
        %get3A_1446 = arith.index_cast %scan3A_1328 : i32 to index
        %get3A_1447 = arith.constant 336 : index
        %get3A_1448 = tpu.vector_load %arg7[%get3A_1446, %get3A_1447] {strides = array<i32>} : memref<64x512xf32, #tpu.memory_space<vmem>>, vector<16xf32>,
        %mul3A_1449 = arith.mulf %get3A_1448, %gather3A : vector<16xf32>
        %add3A_1450 = arith.addf %scan3A_1349, %mul3A_1449 : vector<16xf32>
        %mul3A_1451 = arith.mulf %get3A_1448, %gather3A_1375 : vector<16xf32>
        %add3A_1452 = arith.addf %scan3A_1350, %mul3A_1451 : vector<16xf32>
        %mul3A_1453 = arith.mulf %get3A_1448, %gather3A_1383 : vector<16xf32>
        %add3A_1454 = arith.addf %scan3A_1351, %mul3A_1453 : vector<16xf32>
        %mul3A_1455 = arith.mulf %get3A_1448, %gather3A_1391 : vector<16xf32>
        %add3A_1456 = arith.addf %scan3A_1352, %mul3A_1455 : vector<16xf32>
        %get3A_1457 = arith.index_cast %scan3A_1328 : i32 to index
        %get3A_1458 = arith.constant 352 : index
        %get3A_1459 = tpu.vector_load %arg7[%get3A_1457, %get3A_1458] {strides = array<i32>} : memref<64x512xf32, #tpu.memory_space<vmem>>, vector<16xf32>,
        %mul3A_1460 = arith.mulf %get3A_1459, %gather3A : vector<16xf32>
        %add3A_1461 = arith.addf %scan3A_1353, %mul3A_1460 : vector<16xf32>
        %mul3A_1462 = arith.mulf %get3A_1459, %gather3A_1375 : vector<16xf32>
        %add3A_1463 = arith.addf %scan3A_1354, %mul3A_1462 : vector<16xf32>
        %mul3A_1464 = arith.mulf %get3A_1459, %gather3A_1383 : vector<16xf32>
        %add3A_1465 = arith.addf %scan3A_1355, %mul3A_1464 : vector<16xf32>
        %mul3A_1466 = arith.mulf %get3A_1459, %gather3A_1391 : vector<16xf32>
        %add3A_1467 = arith.addf %scan3A_1356, %mul3A_1466 : vector<16xf32>
        %get3A_1468 = arith.index_cast %scan3A_1328 : i32 to index
        %get3A_1469 = arith.constant 368 : index
        %get3A_1470 = tpu.vector_load %arg7[%get3A_1468, %get3A_1469] {strides = array<i32>} : memref<64x512xf32, #tpu.memory_space<vmem>>, vector<16xf32>,
        %mul3A_1471 = arith.mulf %get3A_1470, %gather3A : vector<16xf32>
        %add3A_1472 = arith.addf %scan3A_1357, %mul3A_1471 : vector<16xf32>
        %mul3A_1473 = arith.mulf %get3A_1470, %gather3A_1375 : vector<16xf32>
        %add3A_1474 = arith.addf %scan3A_1358, %mul3A_1473 : vector<16xf32>
        %mul3A_1475 = arith.mulf %get3A_1470, %gather3A_1383 : vector<16xf32>
        %add3A_1476 = arith.addf %scan3A_1359, %mul3A_1475 : vector<16xf32>
        %mul3A_1477 = arith.mulf %get3A_1470, %gather3A_1391 : vector<16xf32>
        %add3A_1478 = arith.addf %scan3A_1360, %mul3A_1477 : vector<16xf32>
        scf.yield %add3A_1395, %add3A_1397, %add3A_1399, %add3A_1401, %add3A_1406, %add3A_1408, %add3A_1410, %add3A_1412, %add3A_1417, %add3A_1419, %add3A_1421, %add3A_1423, %add3A_1428, %add3A_1430, %add3A_1432, %add3A_1434, %add3A_1439, %add3A_1441, %add3A_1443, %add3A_1445, %add3A_1450, %add3A_1452, %add3A_1454, %add3A_1456, %add3A_1461, %add3A_1463, %add3A_1465, %add3A_1467, %add3A_1472, %add3A_1474, %add3A_1476, %add3A_1478 : vector<16xf32>, vector<16xf32>, vector<16xf32>, vector<16xf32>, vector<16xf32>, vector<16xf32>, vector<16xf32>, vector<16xf32>, vector<16xf32>, vector<16xf32>, vector<16xf32>, vector<16xf32>, vector<16xf32>, vector<16xf32>, vector<16xf32>, vector<16xf32>, vector<16xf32>, vector<16xf32>, vector<16xf32>, vector<16xf32>, vector<16xf32>, vector<16xf32>, vector<16xf32>, vector<16xf32>, vector<16xf32>, vector<16xf32>, vector<16xf32>, vector<16xf32>, vector<16xf32>, vector<16xf32>, vector<16xf32>, vector<16xf32>
      }
      %scan3A_1122 = arith.constant 64 : i32
      %add3A_1123 = arith.constant 2048 : i32
      %add3A_1124 = vector.broadcast %add3A_1123 : i32 to vector<16xi32>
      %add3A_1125 = arith.addi %mul3A_5, %add3A_1124 : vector<16xi32>
      tpu.vector_store_idx %arg8[%add3A_1125], %scan3A_1121#0 : memref<4096xf32, #tpu.memory_space<vmem>>[vector<16xi32>], vector<16xf32>,
      %add3A_1126 = arith.constant 2049 : i32
      %add3A_1127 = vector.broadcast %add3A_1126 : i32 to vector<16xi32>
      %add3A_1128 = arith.addi %mul3A_5, %add3A_1127 : vector<16xi32>
      tpu.vector_store_idx %arg8[%add3A_1128], %scan3A_1121#1 : memref<4096xf32, #tpu.memory_space<vmem>>[vector<16xi32>], vector<16xf32>,
      %add3A_1129 = arith.constant 2050 : i32
      %add3A_1130 = vector.broadcast %add3A_1129 : i32 to vector<16xi32>
      %add3A_1131 = arith.addi %mul3A_5, %add3A_1130 : vector<16xi32>
      tpu.vector_store_idx %arg8[%add3A_1131], %scan3A_1121#2 : memref<4096xf32, #tpu.memory_space<vmem>>[vector<16xi32>], vector<16xf32>,
      %add3A_1132 = arith.constant 2051 : i32
      %add3A_1133 = vector.broadcast %add3A_1132 : i32 to vector<16xi32>
      %add3A_1134 = arith.addi %mul3A_5, %add3A_1133 : vector<16xi32>
      tpu.vector_store_idx %arg8[%add3A_1134], %scan3A_1121#3 : memref<4096xf32, #tpu.memory_space<vmem>>[vector<16xi32>], vector<16xf32>,
      %add3A_1135 = arith.constant 2176 : i32
      %add3A_1136 = vector.broadcast %add3A_1135 : i32 to vector<16xi32>
      %add3A_1137 = arith.addi %mul3A_5, %add3A_1136 : vector<16xi32>
      tpu.vector_store_idx %arg8[%add3A_1137], %scan3A_1121#4 : memref<4096xf32, #tpu.memory_space<vmem>>[vector<16xi32>], vector<16xf32>,
      %add3A_1138 = arith.constant 2177 : i32
      %add3A_1139 = vector.broadcast %add3A_1138 : i32 to vector<16xi32>
      %add3A_1140 = arith.addi %mul3A_5, %add3A_1139 : vector<16xi32>
      tpu.vector_store_idx %arg8[%add3A_1140], %scan3A_1121#5 : memref<4096xf32, #tpu.memory_space<vmem>>[vector<16xi32>], vector<16xf32>,
      %add3A_1141 = arith.constant 2178 : i32
      %add3A_1142 = vector.broadcast %add3A_1141 : i32 to vector<16xi32>
      %add3A_1143 = arith.addi %mul3A_5, %add3A_1142 : vector<16xi32>
      tpu.vector_store_idx %arg8[%add3A_1143], %scan3A_1121#6 : memref<4096xf32, #tpu.memory_space<vmem>>[vector<16xi32>], vector<16xf32>,
      %add3A_1144 = arith.constant 2179 : i32
      %add3A_1145 = vector.broadcast %add3A_1144 : i32 to vector<16xi32>
      %add3A_1146 = arith.addi %mul3A_5, %add3A_1145 : vector<16xi32>
      tpu.vector_store_idx %arg8[%add3A_1146], %scan3A_1121#7 : memref<4096xf32, #tpu.memory_space<vmem>>[vector<16xi32>], vector<16xf32>,
      %add3A_1147 = arith.constant 2304 : i32
      %add3A_1148 = vector.broadcast %add3A_1147 : i32 to vector<16xi32>
      %add3A_1149 = arith.addi %mul3A_5, %add3A_1148 : vector<16xi32>
      tpu.vector_store_idx %arg8[%add3A_1149], %scan3A_1121#8 : memref<4096xf32, #tpu.memory_space<vmem>>[vector<16xi32>], vector<16xf32>,
      %add3A_1150 = arith.constant 2305 : i32
      %add3A_1151 = vector.broadcast %add3A_1150 : i32 to vector<16xi32>
      %add3A_1152 = arith.addi %mul3A_5, %add3A_1151 : vector<16xi32>
      tpu.vector_store_idx %arg8[%add3A_1152], %scan3A_1121#9 : memref<4096xf32, #tpu.memory_space<vmem>>[vector<16xi32>], vector<16xf32>,
      %add3A_1153 = arith.constant 2306 : i32
      %add3A_1154 = vector.broadcast %add3A_1153 : i32 to vector<16xi32>
      %add3A_1155 = arith.addi %mul3A_5, %add3A_1154 : vector<16xi32>
      tpu.vector_store_idx %arg8[%add3A_1155], %scan3A_1121#10 : memref<4096xf32, #tpu.memory_space<vmem>>[vector<16xi32>], vector<16xf32>,
      %add3A_1156 = arith.constant 2307 : i32
      %add3A_1157 = vector.broadcast %add3A_1156 : i32 to vector<16xi32>
      %add3A_1158 = arith.addi %mul3A_5, %add3A_1157 : vector<16xi32>
      tpu.vector_store_idx %arg8[%add3A_1158], %scan3A_1121#11 : memref<4096xf32, #tpu.memory_space<vmem>>[vector<16xi32>], vector<16xf32>,
      %add3A_1159 = arith.constant 2432 : i32
      %add3A_1160 = vector.broadcast %add3A_1159 : i32 to vector<16xi32>
      %add3A_1161 = arith.addi %mul3A_5, %add3A_1160 : vector<16xi32>
      tpu.vector_store_idx %arg8[%add3A_1161], %scan3A_1121#12 : memref<4096xf32, #tpu.memory_space<vmem>>[vector<16xi32>], vector<16xf32>,
      %add3A_1162 = arith.constant 2433 : i32
      %add3A_1163 = vector.broadcast %add3A_1162 : i32 to vector<16xi32>
      %add3A_1164 = arith.addi %mul3A_5, %add3A_1163 : vector<16xi32>
      tpu.vector_store_idx %arg8[%add3A_1164], %scan3A_1121#13 : memref<4096xf32, #tpu.memory_space<vmem>>[vector<16xi32>], vector<16xf32>,
      %add3A_1165 = arith.constant 2434 : i32
      %add3A_1166 = vector.broadcast %add3A_1165 : i32 to vector<16xi32>
      %add3A_1167 = arith.addi %mul3A_5, %add3A_1166 : vector<16xi32>
      tpu.vector_store_idx %arg8[%add3A_1167], %scan3A_1121#14 : memref<4096xf32, #tpu.memory_space<vmem>>[vector<16xi32>], vector<16xf32>,
      %add3A_1168 = arith.constant 2435 : i32
      %add3A_1169 = vector.broadcast %add3A_1168 : i32 to vector<16xi32>
      %add3A_1170 = arith.addi %mul3A_5, %add3A_1169 : vector<16xi32>
      tpu.vector_store_idx %arg8[%add3A_1170], %scan3A_1121#15 : memref<4096xf32, #tpu.memory_space<vmem>>[vector<16xi32>], vector<16xf32>,
      %add3A_1171 = arith.constant 2560 : i32
      %add3A_1172 = vector.broadcast %add3A_1171 : i32 to vector<16xi32>
      %add3A_1173 = arith.addi %mul3A_5, %add3A_1172 : vector<16xi32>
      tpu.vector_store_idx %arg8[%add3A_1173], %scan3A_1121#16 : memref<4096xf32, #tpu.memory_space<vmem>>[vector<16xi32>], vector<16xf32>,
      %add3A_1174 = arith.constant 2561 : i32
      %add3A_1175 = vector.broadcast %add3A_1174 : i32 to vector<16xi32>
      %add3A_1176 = arith.addi %mul3A_5, %add3A_1175 : vector<16xi32>
      tpu.vector_store_idx %arg8[%add3A_1176], %scan3A_1121#17 : memref<4096xf32, #tpu.memory_space<vmem>>[vector<16xi32>], vector<16xf32>,
      %add3A_1177 = arith.constant 2562 : i32
      %add3A_1178 = vector.broadcast %add3A_1177 : i32 to vector<16xi32>
      %add3A_1179 = arith.addi %mul3A_5, %add3A_1178 : vector<16xi32>
      tpu.vector_store_idx %arg8[%add3A_1179], %scan3A_1121#18 : memref<4096xf32, #tpu.memory_space<vmem>>[vector<16xi32>], vector<16xf32>,
      %add3A_1180 = arith.constant 2563 : i32
      %add3A_1181 = vector.broadcast %add3A_1180 : i32 to vector<16xi32>
      %add3A_1182 = arith.addi %mul3A_5, %add3A_1181 : vector<16xi32>
      tpu.vector_store_idx %arg8[%add3A_1182], %scan3A_1121#19 : memref<4096xf32, #tpu.memory_space<vmem>>[vector<16xi32>], vector<16xf32>,
      %add3A_1183 = arith.constant 2688 : i32
      %add3A_1184 = vector.broadcast %add3A_1183 : i32 to vector<16xi32>
      %add3A_1185 = arith.addi %mul3A_5, %add3A_1184 : vector<16xi32>
      tpu.vector_store_idx %arg8[%add3A_1185], %scan3A_1121#20 : memref<4096xf32, #tpu.memory_space<vmem>>[vector<16xi32>], vector<16xf32>,
      %add3A_1186 = arith.constant 2689 : i32
      %add3A_1187 = vector.broadcast %add3A_1186 : i32 to vector<16xi32>
      %add3A_1188 = arith.addi %mul3A_5, %add3A_1187 : vector<16xi32>
      tpu.vector_store_idx %arg8[%add3A_1188], %scan3A_1121#21 : memref<4096xf32, #tpu.memory_space<vmem>>[vector<16xi32>], vector<16xf32>,
      %add3A_1189 = arith.constant 2690 : i32
      %add3A_1190 = vector.broadcast %add3A_1189 : i32 to vector<16xi32>
      %add3A_1191 = arith.addi %mul3A_5, %add3A_1190 : vector<16xi32>
      tpu.vector_store_idx %arg8[%add3A_1191], %scan3A_1121#22 : memref<4096xf32, #tpu.memory_space<vmem>>[vector<16xi32>], vector<16xf32>,
      %add3A_1192 = arith.constant 2691 : i32
      %add3A_1193 = vector.broadcast %add3A_1192 : i32 to vector<16xi32>
      %add3A_1194 = arith.addi %mul3A_5, %add3A_1193 : vector<16xi32>
      tpu.vector_store_idx %arg8[%add3A_1194], %scan3A_1121#23 : memref<4096xf32, #tpu.memory_space<vmem>>[vector<16xi32>], vector<16xf32>,
      %add3A_1195 = arith.constant 2816 : i32
      %add3A_1196 = vector.broadcast %add3A_1195 : i32 to vector<16xi32>
      %add3A_1197 = arith.addi %mul3A_5, %add3A_1196 : vector<16xi32>
      tpu.vector_store_idx %arg8[%add3A_1197], %scan3A_1121#24 : memref<4096xf32, #tpu.memory_space<vmem>>[vector<16xi32>], vector<16xf32>,
      %add3A_1198 = arith.constant 2817 : i32
      %add3A_1199 = vector.broadcast %add3A_1198 : i32 to vector<16xi32>
      %add3A_1200 = arith.addi %mul3A_5, %add3A_1199 : vector<16xi32>
      tpu.vector_store_idx %arg8[%add3A_1200], %scan3A_1121#25 : memref<4096xf32, #tpu.memory_space<vmem>>[vector<16xi32>], vector<16xf32>,
      %add3A_1201 = arith.constant 2818 : i32
      %add3A_1202 = vector.broadcast %add3A_1201 : i32 to vector<16xi32>
      %add3A_1203 = arith.addi %mul3A_5, %add3A_1202 : vector<16xi32>
      tpu.vector_store_idx %arg8[%add3A_1203], %scan3A_1121#26 : memref<4096xf32, #tpu.memory_space<vmem>>[vector<16xi32>], vector<16xf32>,
      %add3A_1204 = arith.constant 2819 : i32
      %add3A_1205 = vector.broadcast %add3A_1204 : i32 to vector<16xi32>
      %add3A_1206 = arith.addi %mul3A_5, %add3A_1205 : vector<16xi32>
      tpu.vector_store_idx %arg8[%add3A_1206], %scan3A_1121#27 : memref<4096xf32, #tpu.memory_space<vmem>>[vector<16xi32>], vector<16xf32>,
      %add3A_1207 = arith.constant 2944 : i32
      %add3A_1208 = vector.broadcast %add3A_1207 : i32 to vector<16xi32>
      %add3A_1209 = arith.addi %mul3A_5, %add3A_1208 : vector<16xi32>
      tpu.vector_store_idx %arg8[%add3A_1209], %scan3A_1121#28 : memref<4096xf32, #tpu.memory_space<vmem>>[vector<16xi32>], vector<16xf32>,
      %add3A_1210 = arith.constant 2945 : i32
      %add3A_1211 = vector.broadcast %add3A_1210 : i32 to vector<16xi32>
      %add3A_1212 = arith.addi %mul3A_5, %add3A_1211 : vector<16xi32>
      tpu.vector_store_idx %arg8[%add3A_1212], %scan3A_1121#29 : memref<4096xf32, #tpu.memory_space<vmem>>[vector<16xi32>], vector<16xf32>,
      %add3A_1213 = arith.constant 2946 : i32
      %add3A_1214 = vector.broadcast %add3A_1213 : i32 to vector<16xi32>
      %add3A_1215 = arith.addi %mul3A_5, %add3A_1214 : vector<16xi32>
      tpu.vector_store_idx %arg8[%add3A_1215], %scan3A_1121#30 : memref<4096xf32, #tpu.memory_space<vmem>>[vector<16xi32>], vector<16xf32>,
      %add3A_1216 = arith.constant 2947 : i32
      %add3A_1217 = vector.broadcast %add3A_1216 : i32 to vector<16xi32>
      %add3A_1218 = arith.addi %mul3A_5, %add3A_1217 : vector<16xi32>
      tpu.vector_store_idx %arg8[%add3A_1218], %scan3A_1121#31 : memref<4096xf32, #tpu.memory_space<vmem>>[vector<16xi32>], vector<16xf32>,
      %broadcast_in_dim3A_1219 = arith.constant 0.000000e+00 : f32
      %broadcast_in_dim3A_1220 = vector.broadcast %broadcast_in_dim3A_1219 : f32 to vector<16xf32>
      %scan3A_1221 = arith.constant 0 : i32
      %scan3A_1222 = arith.constant 64 : i32
      %scan3A_1223 = arith.addi %scan3A_1221, %scan3A_1222 : i32
      %scan3A_1224 = arith.constant 1 : i32
      %scan3A_1225:32 = scf.for %scan3A_1328 = %scan3A_1221 to %scan3A_1223 step %scan3A_1224 iter_args(%scan3A_1329 = %broadcast_in_dim3A_1220, %scan3A_1330 = %broadcast_in_dim3A_1220, %scan3A_1331 = %broadcast_in_dim3A_1220, %scan3A_1332 = %broadcast_in_dim3A_1220, %scan3A_1333 = %broadcast_in_dim3A_1220, %scan3A_1334 = %broadcast_in_dim3A_1220, %scan3A_1335 = %broadcast_in_dim3A_1220, %scan3A_1336 = %broadcast_in_dim3A_1220, %scan3A_1337 = %broadcast_in_dim3A_1220, %scan3A_1338 = %broadcast_in_dim3A_1220, %scan3A_1339 = %broadcast_in_dim3A_1220, %scan3A_1340 = %broadcast_in_dim3A_1220, %scan3A_1341 = %broadcast_in_dim3A_1220, %scan3A_1342 = %broadcast_in_dim3A_1220, %scan3A_1343 = %broadcast_in_dim3A_1220, %scan3A_1344 = %broadcast_in_dim3A_1220, %scan3A_1345 = %broadcast_in_dim3A_1220, %scan3A_1346 = %broadcast_in_dim3A_1220, %scan3A_1347 = %broadcast_in_dim3A_1220, %scan3A_1348 = %broadcast_in_dim3A_1220, %scan3A_1349 = %broadcast_in_dim3A_1220, %scan3A_1350 = %broadcast_in_dim3A_1220, %scan3A_1351 = %broadcast_in_dim3A_1220, %scan3A_1352 = %broadcast_in_dim3A_1220, %scan3A_1353 = %broadcast_in_dim3A_1220, %scan3A_1354 = %broadcast_in_dim3A_1220, %scan3A_1355 = %broadcast_in_dim3A_1220, %scan3A_1356 = %broadcast_in_dim3A_1220, %scan3A_1357 = %broadcast_in_dim3A_1220, %scan3A_1358 = %broadcast_in_dim3A_1220, %scan3A_1359 = %broadcast_in_dim3A_1220, %scan3A_1360 = %broadcast_in_dim3A_1220) -> (vector<16xf32>, vector<16xf32>, vector<16xf32>, vector<16xf32>, vector<16xf32>, vector<16xf32>, vector<16xf32>, vector<16xf32>, vector<16xf32>, vector<16xf32>, vector<16xf32>, vector<16xf32>, vector<16xf32>, vector<16xf32>, vector<16xf32>, vector<16xf32>, vector<16xf32>, vector<16xf32>, vector<16xf32>, vector<16xf32>, vector<16xf32>, vector<16xf32>, vector<16xf32>, vector<16xf32>, vector<16xf32>, vector<16xf32>, vector<16xf32>, vector<16xf32>, vector<16xf32>, vector<16xf32>, vector<16xf32>, vector<16xf32>)  : i32 {
        %broadcast_in_dim3A_1361 = arith.constant 0 : i32
        %broadcast_in_dim3A_1362 = vector.broadcast %broadcast_in_dim3A_1361 : i32 to vector<16xi32>
        %add3A_1363 = arith.constant 0 : i32
        %add3A_1364 = vector.broadcast %add3A_1363 : i32 to vector<16xi32>
        %add3A_1365 = arith.addi %broadcast_in_dim3A_1362, %add3A_1364 : vector<16xi32>
        %add3A_1366 = vector.broadcast %scan3A_1328 : i32 to vector<16xi32>
        %add3A_1367 = arith.addi %add3A_1365, %add3A_1366 : vector<16xi32>
        %gather3A = tpu.vector_load_idx %arg5[%add3A_1367] : memref<256xf32, #tpu.memory_space<vmem>>[vector<16xi32>], vector<16xf32>,
        %broadcast_in_dim3A_1368 = arith.constant 0 : i32
        %broadcast_in_dim3A_1369 = vector.broadcast %broadcast_in_dim3A_1368 : i32 to vector<16xi32>
        %add3A_1370 = arith.constant 64 : i32
        %add3A_1371 = vector.broadcast %add3A_1370 : i32 to vector<16xi32>
        %add3A_1372 = arith.addi %broadcast_in_dim3A_1369, %add3A_1371 : vector<16xi32>
        %add3A_1373 = vector.broadcast %scan3A_1328 : i32 to vector<16xi32>
        %add3A_1374 = arith.addi %add3A_1372, %add3A_1373 : vector<16xi32>
        %gather3A_1375 = tpu.vector_load_idx %arg5[%add3A_1374] : memref<256xf32, #tpu.memory_space<vmem>>[vector<16xi32>], vector<16xf32>,
        %broadcast_in_dim3A_1376 = arith.constant 0 : i32
        %broadcast_in_dim3A_1377 = vector.broadcast %broadcast_in_dim3A_1376 : i32 to vector<16xi32>
        %add3A_1378 = arith.constant 128 : i32
        %add3A_1379 = vector.broadcast %add3A_1378 : i32 to vector<16xi32>
        %add3A_1380 = arith.addi %broadcast_in_dim3A_1377, %add3A_1379 : vector<16xi32>
        %add3A_1381 = vector.broadcast %scan3A_1328 : i32 to vector<16xi32>
        %add3A_1382 = arith.addi %add3A_1380, %add3A_1381 : vector<16xi32>
        %gather3A_1383 = tpu.vector_load_idx %arg5[%add3A_1382] : memref<256xf32, #tpu.memory_space<vmem>>[vector<16xi32>], vector<16xf32>,
        %broadcast_in_dim3A_1384 = arith.constant 0 : i32
        %broadcast_in_dim3A_1385 = vector.broadcast %broadcast_in_dim3A_1384 : i32 to vector<16xi32>
        %add3A_1386 = arith.constant 192 : i32
        %add3A_1387 = vector.broadcast %add3A_1386 : i32 to vector<16xi32>
        %add3A_1388 = arith.addi %broadcast_in_dim3A_1385, %add3A_1387 : vector<16xi32>
        %add3A_1389 = vector.broadcast %scan3A_1328 : i32 to vector<16xi32>
        %add3A_1390 = arith.addi %add3A_1388, %add3A_1389 : vector<16xi32>
        %gather3A_1391 = tpu.vector_load_idx %arg5[%add3A_1390] : memref<256xf32, #tpu.memory_space<vmem>>[vector<16xi32>], vector<16xf32>,
        %get3A = arith.index_cast %scan3A_1328 : i32 to index
        %get3A_1392 = arith.constant 384 : index
        %get3A_1393 = tpu.vector_load %arg7[%get3A, %get3A_1392] {strides = array<i32>} : memref<64x512xf32, #tpu.memory_space<vmem>>, vector<16xf32>,
        %mul3A_1394 = arith.mulf %get3A_1393, %gather3A : vector<16xf32>
        %add3A_1395 = arith.addf %scan3A_1329, %mul3A_1394 : vector<16xf32>
        %mul3A_1396 = arith.mulf %get3A_1393, %gather3A_1375 : vector<16xf32>
        %add3A_1397 = arith.addf %scan3A_1330, %mul3A_1396 : vector<16xf32>
        %mul3A_1398 = arith.mulf %get3A_1393, %gather3A_1383 : vector<16xf32>
        %add3A_1399 = arith.addf %scan3A_1331, %mul3A_1398 : vector<16xf32>
        %mul3A_1400 = arith.mulf %get3A_1393, %gather3A_1391 : vector<16xf32>
        %add3A_1401 = arith.addf %scan3A_1332, %mul3A_1400 : vector<16xf32>
        %get3A_1402 = arith.index_cast %scan3A_1328 : i32 to index
        %get3A_1403 = arith.constant 400 : index
        %get3A_1404 = tpu.vector_load %arg7[%get3A_1402, %get3A_1403] {strides = array<i32>} : memref<64x512xf32, #tpu.memory_space<vmem>>, vector<16xf32>,
        %mul3A_1405 = arith.mulf %get3A_1404, %gather3A : vector<16xf32>
        %add3A_1406 = arith.addf %scan3A_1333, %mul3A_1405 : vector<16xf32>
        %mul3A_1407 = arith.mulf %get3A_1404, %gather3A_1375 : vector<16xf32>
        %add3A_1408 = arith.addf %scan3A_1334, %mul3A_1407 : vector<16xf32>
        %mul3A_1409 = arith.mulf %get3A_1404, %gather3A_1383 : vector<16xf32>
        %add3A_1410 = arith.addf %scan3A_1335, %mul3A_1409 : vector<16xf32>
        %mul3A_1411 = arith.mulf %get3A_1404, %gather3A_1391 : vector<16xf32>
        %add3A_1412 = arith.addf %scan3A_1336, %mul3A_1411 : vector<16xf32>
        %get3A_1413 = arith.index_cast %scan3A_1328 : i32 to index
        %get3A_1414 = arith.constant 416 : index
        %get3A_1415 = tpu.vector_load %arg7[%get3A_1413, %get3A_1414] {strides = array<i32>} : memref<64x512xf32, #tpu.memory_space<vmem>>, vector<16xf32>,
        %mul3A_1416 = arith.mulf %get3A_1415, %gather3A : vector<16xf32>
        %add3A_1417 = arith.addf %scan3A_1337, %mul3A_1416 : vector<16xf32>
        %mul3A_1418 = arith.mulf %get3A_1415, %gather3A_1375 : vector<16xf32>
        %add3A_1419 = arith.addf %scan3A_1338, %mul3A_1418 : vector<16xf32>
        %mul3A_1420 = arith.mulf %get3A_1415, %gather3A_1383 : vector<16xf32>
        %add3A_1421 = arith.addf %scan3A_1339, %mul3A_1420 : vector<16xf32>
        %mul3A_1422 = arith.mulf %get3A_1415, %gather3A_1391 : vector<16xf32>
        %add3A_1423 = arith.addf %scan3A_1340, %mul3A_1422 : vector<16xf32>
        %get3A_1424 = arith.index_cast %scan3A_1328 : i32 to index
        %get3A_1425 = arith.constant 432 : index
        %get3A_1426 = tpu.vector_load %arg7[%get3A_1424, %get3A_1425] {strides = array<i32>} : memref<64x512xf32, #tpu.memory_space<vmem>>, vector<16xf32>,
        %mul3A_1427 = arith.mulf %get3A_1426, %gather3A : vector<16xf32>
        %add3A_1428 = arith.addf %scan3A_1341, %mul3A_1427 : vector<16xf32>
        %mul3A_1429 = arith.mulf %get3A_1426, %gather3A_1375 : vector<16xf32>
        %add3A_1430 = arith.addf %scan3A_1342, %mul3A_1429 : vector<16xf32>
        %mul3A_1431 = arith.mulf %get3A_1426, %gather3A_1383 : vector<16xf32>
        %add3A_1432 = arith.addf %scan3A_1343, %mul3A_1431 : vector<16xf32>
        %mul3A_1433 = arith.mulf %get3A_1426, %gather3A_1391 : vector<16xf32>
        %add3A_1434 = arith.addf %scan3A_1344, %mul3A_1433 : vector<16xf32>
        %get3A_1435 = arith.index_cast %scan3A_1328 : i32 to index
        %get3A_1436 = arith.constant 448 : index
        %get3A_1437 = tpu.vector_load %arg7[%get3A_1435, %get3A_1436] {strides = array<i32>} : memref<64x512xf32, #tpu.memory_space<vmem>>, vector<16xf32>,
        %mul3A_1438 = arith.mulf %get3A_1437, %gather3A : vector<16xf32>
        %add3A_1439 = arith.addf %scan3A_1345, %mul3A_1438 : vector<16xf32>
        %mul3A_1440 = arith.mulf %get3A_1437, %gather3A_1375 : vector<16xf32>
        %add3A_1441 = arith.addf %scan3A_1346, %mul3A_1440 : vector<16xf32>
        %mul3A_1442 = arith.mulf %get3A_1437, %gather3A_1383 : vector<16xf32>
        %add3A_1443 = arith.addf %scan3A_1347, %mul3A_1442 : vector<16xf32>
        %mul3A_1444 = arith.mulf %get3A_1437, %gather3A_1391 : vector<16xf32>
        %add3A_1445 = arith.addf %scan3A_1348, %mul3A_1444 : vector<16xf32>
        %get3A_1446 = arith.index_cast %scan3A_1328 : i32 to index
        %get3A_1447 = arith.constant 464 : index
        %get3A_1448 = tpu.vector_load %arg7[%get3A_1446, %get3A_1447] {strides = array<i32>} : memref<64x512xf32, #tpu.memory_space<vmem>>, vector<16xf32>,
        %mul3A_1449 = arith.mulf %get3A_1448, %gather3A : vector<16xf32>
        %add3A_1450 = arith.addf %scan3A_1349, %mul3A_1449 : vector<16xf32>
        %mul3A_1451 = arith.mulf %get3A_1448, %gather3A_1375 : vector<16xf32>
        %add3A_1452 = arith.addf %scan3A_1350, %mul3A_1451 : vector<16xf32>
        %mul3A_1453 = arith.mulf %get3A_1448, %gather3A_1383 : vector<16xf32>
        %add3A_1454 = arith.addf %scan3A_1351, %mul3A_1453 : vector<16xf32>
        %mul3A_1455 = arith.mulf %get3A_1448, %gather3A_1391 : vector<16xf32>
        %add3A_1456 = arith.addf %scan3A_1352, %mul3A_1455 : vector<16xf32>
        %get3A_1457 = arith.index_cast %scan3A_1328 : i32 to index
        %get3A_1458 = arith.constant 480 : index
        %get3A_1459 = tpu.vector_load %arg7[%get3A_1457, %get3A_1458] {strides = array<i32>} : memref<64x512xf32, #tpu.memory_space<vmem>>, vector<16xf32>,
        %mul3A_1460 = arith.mulf %get3A_1459, %gather3A : vector<16xf32>
        %add3A_1461 = arith.addf %scan3A_1353, %mul3A_1460 : vector<16xf32>
        %mul3A_1462 = arith.mulf %get3A_1459, %gather3A_1375 : vector<16xf32>
        %add3A_1463 = arith.addf %scan3A_1354, %mul3A_1462 : vector<16xf32>
        %mul3A_1464 = arith.mulf %get3A_1459, %gather3A_1383 : vector<16xf32>
        %add3A_1465 = arith.addf %scan3A_1355, %mul3A_1464 : vector<16xf32>
        %mul3A_1466 = arith.mulf %get3A_1459, %gather3A_1391 : vector<16xf32>
        %add3A_1467 = arith.addf %scan3A_1356, %mul3A_1466 : vector<16xf32>
        %get3A_1468 = arith.index_cast %scan3A_1328 : i32 to index
        %get3A_1469 = arith.constant 496 : index
        %get3A_1470 = tpu.vector_load %arg7[%get3A_1468, %get3A_1469] {strides = array<i32>} : memref<64x512xf32, #tpu.memory_space<vmem>>, vector<16xf32>,
        %mul3A_1471 = arith.mulf %get3A_1470, %gather3A : vector<16xf32>
        %add3A_1472 = arith.addf %scan3A_1357, %mul3A_1471 : vector<16xf32>
        %mul3A_1473 = arith.mulf %get3A_1470, %gather3A_1375 : vector<16xf32>
        %add3A_1474 = arith.addf %scan3A_1358, %mul3A_1473 : vector<16xf32>
        %mul3A_1475 = arith.mulf %get3A_1470, %gather3A_1383 : vector<16xf32>
        %add3A_1476 = arith.addf %scan3A_1359, %mul3A_1475 : vector<16xf32>
        %mul3A_1477 = arith.mulf %get3A_1470, %gather3A_1391 : vector<16xf32>
        %add3A_1478 = arith.addf %scan3A_1360, %mul3A_1477 : vector<16xf32>
        scf.yield %add3A_1395, %add3A_1397, %add3A_1399, %add3A_1401, %add3A_1406, %add3A_1408, %add3A_1410, %add3A_1412, %add3A_1417, %add3A_1419, %add3A_1421, %add3A_1423, %add3A_1428, %add3A_1430, %add3A_1432, %add3A_1434, %add3A_1439, %add3A_1441, %add3A_1443, %add3A_1445, %add3A_1450, %add3A_1452, %add3A_1454, %add3A_1456, %add3A_1461, %add3A_1463, %add3A_1465, %add3A_1467, %add3A_1472, %add3A_1474, %add3A_1476, %add3A_1478 : vector<16xf32>, vector<16xf32>, vector<16xf32>, vector<16xf32>, vector<16xf32>, vector<16xf32>, vector<16xf32>, vector<16xf32>, vector<16xf32>, vector<16xf32>, vector<16xf32>, vector<16xf32>, vector<16xf32>, vector<16xf32>, vector<16xf32>, vector<16xf32>, vector<16xf32>, vector<16xf32>, vector<16xf32>, vector<16xf32>, vector<16xf32>, vector<16xf32>, vector<16xf32>, vector<16xf32>, vector<16xf32>, vector<16xf32>, vector<16xf32>, vector<16xf32>, vector<16xf32>, vector<16xf32>, vector<16xf32>, vector<16xf32>
      }
      %scan3A_1226 = arith.constant 64 : i32
      %add3A_1227 = arith.constant 3072 : i32
      %add3A_1228 = vector.broadcast %add3A_1227 : i32 to vector<16xi32>
      %add3A_1229 = arith.addi %mul3A_5, %add3A_1228 : vector<16xi32>
      tpu.vector_store_idx %arg8[%add3A_1229], %scan3A_1225#0 : memref<4096xf32, #tpu.memory_space<vmem>>[vector<16xi32>], vector<16xf32>,
      %add3A_1230 = arith.constant 3073 : i32
      %add3A_1231 = vector.broadcast %add3A_1230 : i32 to vector<16xi32>
      %add3A_1232 = arith.addi %mul3A_5, %add3A_1231 : vector<16xi32>
      tpu.vector_store_idx %arg8[%add3A_1232], %scan3A_1225#1 : memref<4096xf32, #tpu.memory_space<vmem>>[vector<16xi32>], vector<16xf32>,
      %add3A_1233 = arith.constant 3074 : i32
      %add3A_1234 = vector.broadcast %add3A_1233 : i32 to vector<16xi32>
      %add3A_1235 = arith.addi %mul3A_5, %add3A_1234 : vector<16xi32>
      tpu.vector_store_idx %arg8[%add3A_1235], %scan3A_1225#2 : memref<4096xf32, #tpu.memory_space<vmem>>[vector<16xi32>], vector<16xf32>,
      %add3A_1236 = arith.constant 3075 : i32
      %add3A_1237 = vector.broadcast %add3A_1236 : i32 to vector<16xi32>
      %add3A_1238 = arith.addi %mul3A_5, %add3A_1237 : vector<16xi32>
      tpu.vector_store_idx %arg8[%add3A_1238], %scan3A_1225#3 : memref<4096xf32, #tpu.memory_space<vmem>>[vector<16xi32>], vector<16xf32>,
      %add3A_1239 = arith.constant 3200 : i32
      %add3A_1240 = vector.broadcast %add3A_1239 : i32 to vector<16xi32>
      %add3A_1241 = arith.addi %mul3A_5, %add3A_1240 : vector<16xi32>
      tpu.vector_store_idx %arg8[%add3A_1241], %scan3A_1225#4 : memref<4096xf32, #tpu.memory_space<vmem>>[vector<16xi32>], vector<16xf32>,
      %add3A_1242 = arith.constant 3201 : i32
      %add3A_1243 = vector.broadcast %add3A_1242 : i32 to vector<16xi32>
      %add3A_1244 = arith.addi %mul3A_5, %add3A_1243 : vector<16xi32>
      tpu.vector_store_idx %arg8[%add3A_1244], %scan3A_1225#5 : memref<4096xf32, #tpu.memory_space<vmem>>[vector<16xi32>], vector<16xf32>,
      %add3A_1245 = arith.constant 3202 : i32
      %add3A_1246 = vector.broadcast %add3A_1245 : i32 to vector<16xi32>
      %add3A_1247 = arith.addi %mul3A_5, %add3A_1246 : vector<16xi32>
      tpu.vector_store_idx %arg8[%add3A_1247], %scan3A_1225#6 : memref<4096xf32, #tpu.memory_space<vmem>>[vector<16xi32>], vector<16xf32>,
      %add3A_1248 = arith.constant 3203 : i32
      %add3A_1249 = vector.broadcast %add3A_1248 : i32 to vector<16xi32>
      %add3A_1250 = arith.addi %mul3A_5, %add3A_1249 : vector<16xi32>
      tpu.vector_store_idx %arg8[%add3A_1250], %scan3A_1225#7 : memref<4096xf32, #tpu.memory_space<vmem>>[vector<16xi32>], vector<16xf32>,
      %add3A_1251 = arith.constant 3328 : i32
      %add3A_1252 = vector.broadcast %add3A_1251 : i32 to vector<16xi32>
      %add3A_1253 = arith.addi %mul3A_5, %add3A_1252 : vector<16xi32>
      tpu.vector_store_idx %arg8[%add3A_1253], %scan3A_1225#8 : memref<4096xf32, #tpu.memory_space<vmem>>[vector<16xi32>], vector<16xf32>,
      %add3A_1254 = arith.constant 3329 : i32
      %add3A_1255 = vector.broadcast %add3A_1254 : i32 to vector<16xi32>
      %add3A_1256 = arith.addi %mul3A_5, %add3A_1255 : vector<16xi32>
      tpu.vector_store_idx %arg8[%add3A_1256], %scan3A_1225#9 : memref<4096xf32, #tpu.memory_space<vmem>>[vector<16xi32>], vector<16xf32>,
      %add3A_1257 = arith.constant 3330 : i32
      %add3A_1258 = vector.broadcast %add3A_1257 : i32 to vector<16xi32>
      %add3A_1259 = arith.addi %mul3A_5, %add3A_1258 : vector<16xi32>
      tpu.vector_store_idx %arg8[%add3A_1259], %scan3A_1225#10 : memref<4096xf32, #tpu.memory_space<vmem>>[vector<16xi32>], vector<16xf32>,
      %add3A_1260 = arith.constant 3331 : i32
      %add3A_1261 = vector.broadcast %add3A_1260 : i32 to vector<16xi32>
      %add3A_1262 = arith.addi %mul3A_5, %add3A_1261 : vector<16xi32>
      tpu.vector_store_idx %arg8[%add3A_1262], %scan3A_1225#11 : memref<4096xf32, #tpu.memory_space<vmem>>[vector<16xi32>], vector<16xf32>,
      %add3A_1263 = arith.constant 3456 : i32
      %add3A_1264 = vector.broadcast %add3A_1263 : i32 to vector<16xi32>
      %add3A_1265 = arith.addi %mul3A_5, %add3A_1264 : vector<16xi32>
      tpu.vector_store_idx %arg8[%add3A_1265], %scan3A_1225#12 : memref<4096xf32, #tpu.memory_space<vmem>>[vector<16xi32>], vector<16xf32>,
      %add3A_1266 = arith.constant 3457 : i32
      %add3A_1267 = vector.broadcast %add3A_1266 : i32 to vector<16xi32>
      %add3A_1268 = arith.addi %mul3A_5, %add3A_1267 : vector<16xi32>
      tpu.vector_store_idx %arg8[%add3A_1268], %scan3A_1225#13 : memref<4096xf32, #tpu.memory_space<vmem>>[vector<16xi32>], vector<16xf32>,
      %add3A_1269 = arith.constant 3458 : i32
      %add3A_1270 = vector.broadcast %add3A_1269 : i32 to vector<16xi32>
      %add3A_1271 = arith.addi %mul3A_5, %add3A_1270 : vector<16xi32>
      tpu.vector_store_idx %arg8[%add3A_1271], %scan3A_1225#14 : memref<4096xf32, #tpu.memory_space<vmem>>[vector<16xi32>], vector<16xf32>,
      %add3A_1272 = arith.constant 3459 : i32
      %add3A_1273 = vector.broadcast %add3A_1272 : i32 to vector<16xi32>
      %add3A_1274 = arith.addi %mul3A_5, %add3A_1273 : vector<16xi32>
      tpu.vector_store_idx %arg8[%add3A_1274], %scan3A_1225#15 : memref<4096xf32, #tpu.memory_space<vmem>>[vector<16xi32>], vector<16xf32>,
      %add3A_1275 = arith.constant 3584 : i32
      %add3A_1276 = vector.broadcast %add3A_1275 : i32 to vector<16xi32>
      %add3A_1277 = arith.addi %mul3A_5, %add3A_1276 : vector<16xi32>
      tpu.vector_store_idx %arg8[%add3A_1277], %scan3A_1225#16 : memref<4096xf32, #tpu.memory_space<vmem>>[vector<16xi32>], vector<16xf32>,
      %add3A_1278 = arith.constant 3585 : i32
      %add3A_1279 = vector.broadcast %add3A_1278 : i32 to vector<16xi32>
      %add3A_1280 = arith.addi %mul3A_5, %add3A_1279 : vector<16xi32>
      tpu.vector_store_idx %arg8[%add3A_1280], %scan3A_1225#17 : memref<4096xf32, #tpu.memory_space<vmem>>[vector<16xi32>], vector<16xf32>,
      %add3A_1281 = arith.constant 3586 : i32
      %add3A_1282 = vector.broadcast %add3A_1281 : i32 to vector<16xi32>
      %add3A_1283 = arith.addi %mul3A_5, %add3A_1282 : vector<16xi32>
      tpu.vector_store_idx %arg8[%add3A_1283], %scan3A_1225#18 : memref<4096xf32, #tpu.memory_space<vmem>>[vector<16xi32>], vector<16xf32>,
      %add3A_1284 = arith.constant 3587 : i32
      %add3A_1285 = vector.broadcast %add3A_1284 : i32 to vector<16xi32>
      %add3A_1286 = arith.addi %mul3A_5, %add3A_1285 : vector<16xi32>
      tpu.vector_store_idx %arg8[%add3A_1286], %scan3A_1225#19 : memref<4096xf32, #tpu.memory_space<vmem>>[vector<16xi32>], vector<16xf32>,
      %add3A_1287 = arith.constant 3712 : i32
      %add3A_1288 = vector.broadcast %add3A_1287 : i32 to vector<16xi32>
      %add3A_1289 = arith.addi %mul3A_5, %add3A_1288 : vector<16xi32>
      tpu.vector_store_idx %arg8[%add3A_1289], %scan3A_1225#20 : memref<4096xf32, #tpu.memory_space<vmem>>[vector<16xi32>], vector<16xf32>,
      %add3A_1290 = arith.constant 3713 : i32
      %add3A_1291 = vector.broadcast %add3A_1290 : i32 to vector<16xi32>
      %add3A_1292 = arith.addi %mul3A_5, %add3A_1291 : vector<16xi32>
      tpu.vector_store_idx %arg8[%add3A_1292], %scan3A_1225#21 : memref<4096xf32, #tpu.memory_space<vmem>>[vector<16xi32>], vector<16xf32>,
      %add3A_1293 = arith.constant 3714 : i32
      %add3A_1294 = vector.broadcast %add3A_1293 : i32 to vector<16xi32>
      %add3A_1295 = arith.addi %mul3A_5, %add3A_1294 : vector<16xi32>
      tpu.vector_store_idx %arg8[%add3A_1295], %scan3A_1225#22 : memref<4096xf32, #tpu.memory_space<vmem>>[vector<16xi32>], vector<16xf32>,
      %add3A_1296 = arith.constant 3715 : i32
      %add3A_1297 = vector.broadcast %add3A_1296 : i32 to vector<16xi32>
      %add3A_1298 = arith.addi %mul3A_5, %add3A_1297 : vector<16xi32>
      tpu.vector_store_idx %arg8[%add3A_1298], %scan3A_1225#23 : memref<4096xf32, #tpu.memory_space<vmem>>[vector<16xi32>], vector<16xf32>,
      %add3A_1299 = arith.constant 3840 : i32
      %add3A_1300 = vector.broadcast %add3A_1299 : i32 to vector<16xi32>
      %add3A_1301 = arith.addi %mul3A_5, %add3A_1300 : vector<16xi32>
      tpu.vector_store_idx %arg8[%add3A_1301], %scan3A_1225#24 : memref<4096xf32, #tpu.memory_space<vmem>>[vector<16xi32>], vector<16xf32>,
      %add3A_1302 = arith.constant 3841 : i32
      %add3A_1303 = vector.broadcast %add3A_1302 : i32 to vector<16xi32>
      %add3A_1304 = arith.addi %mul3A_5, %add3A_1303 : vector<16xi32>
      tpu.vector_store_idx %arg8[%add3A_1304], %scan3A_1225#25 : memref<4096xf32, #tpu.memory_space<vmem>>[vector<16xi32>], vector<16xf32>,
      %add3A_1305 = arith.constant 3842 : i32
      %add3A_1306 = vector.broadcast %add3A_1305 : i32 to vector<16xi32>
      %add3A_1307 = arith.addi %mul3A_5, %add3A_1306 : vector<16xi32>
      tpu.vector_store_idx %arg8[%add3A_1307], %scan3A_1225#26 : memref<4096xf32, #tpu.memory_space<vmem>>[vector<16xi32>], vector<16xf32>,
      %add3A_1308 = arith.constant 3843 : i32
      %add3A_1309 = vector.broadcast %add3A_1308 : i32 to vector<16xi32>
      %add3A_1310 = arith.addi %mul3A_5, %add3A_1309 : vector<16xi32>
      tpu.vector_store_idx %arg8[%add3A_1310], %scan3A_1225#27 : memref<4096xf32, #tpu.memory_space<vmem>>[vector<16xi32>], vector<16xf32>,
      %add3A_1311 = arith.constant 3968 : i32
      %add3A_1312 = vector.broadcast %add3A_1311 : i32 to vector<16xi32>
      %add3A_1313 = arith.addi %mul3A_5, %add3A_1312 : vector<16xi32>
      tpu.vector_store_idx %arg8[%add3A_1313], %scan3A_1225#28 : memref<4096xf32, #tpu.memory_space<vmem>>[vector<16xi32>], vector<16xf32>,
      %add3A_1314 = arith.constant 3969 : i32
      %add3A_1315 = vector.broadcast %add3A_1314 : i32 to vector<16xi32>
      %add3A_1316 = arith.addi %mul3A_5, %add3A_1315 : vector<16xi32>
      tpu.vector_store_idx %arg8[%add3A_1316], %scan3A_1225#29 : memref<4096xf32, #tpu.memory_space<vmem>>[vector<16xi32>], vector<16xf32>,
      %add3A_1317 = arith.constant 3970 : i32
      %add3A_1318 = vector.broadcast %add3A_1317 : i32 to vector<16xi32>
      %add3A_1319 = arith.addi %mul3A_5, %add3A_1318 : vector<16xi32>
      tpu.vector_store_idx %arg8[%add3A_1319], %scan3A_1225#30 : memref<4096xf32, #tpu.memory_space<vmem>>[vector<16xi32>], vector<16xf32>,
      %add3A_1320 = arith.constant 3971 : i32
      %add3A_1321 = vector.broadcast %add3A_1320 : i32 to vector<16xi32>
      %add3A_1322 = arith.addi %mul3A_5, %add3A_1321 : vector<16xi32>
      tpu.vector_store_idx %arg8[%add3A_1322], %scan3A_1225#31 : memref<4096xf32, #tpu.memory_space<vmem>>[vector<16xi32>], vector<16xf32>,
      %mul3A_1323 = arith.constant 512 : i32
      %mul3A_1324 = arith.muli %add3A_890, %mul3A_1323 : i32
      %add3A_1325 = arith.addi %mul3A_2, %mul3A_1324 : i32
      %mul3A_1326 = arith.constant 8 : i32
      %mul3A_1327 = arith.muli %add3A_1325, %mul3A_1326 : i32
      "tpu.region"() ({
        %run_scoped3A = tpu.sem_alloc : memref<!tpu.dma_semaphore, #tpu.memory_space<semaphore_mem>>
        %dma_start3A_1328 = tpu.memref_slice %arg4[%mul3A_1327] : memref<3014656xf32, #tpu.memory_space<hbm>> -> memref<4096xf32, #tpu.memory_space<hbm>>
        %dma_start3A_1329 = tpu.memref_slice %arg4[%mul3A_1327] : memref<3014656xf32, #tpu.memory_space<hbm>> -> memref<4096xf32, #tpu.memory_space<hbm>>
        tpu.enqueue_dma source(%arg8 : memref<4096xf32, #tpu.memory_space<vmem>>) target(%dma_start3A_1329 : memref<4096xf32, #tpu.memory_space<hbm>>) target_semaphore(%run_scoped3A : memref<!tpu.dma_semaphore, #tpu.memory_space<semaphore_mem>>)
        %dma_wait3A_1330 = tpu.memref_slice %arg4[%mul3A_1327] : memref<3014656xf32, #tpu.memory_space<hbm>> -> memref<4096xf32, #tpu.memory_space<hbm>>
        %dma_wait3A_1331 = tpu.memref_slice %arg4[%mul3A_1327] : memref<3014656xf32, #tpu.memory_space<hbm>> -> memref<4096xf32, #tpu.memory_space<hbm>>
        tpu.wait_dma2 semaphore(%run_scoped3A : memref<!tpu.dma_semaphore, #tpu.memory_space<semaphore_mem>>) src(%arg8 : memref<4096xf32, #tpu.memory_space<vmem>>) dst(%dma_wait3A_1331 : memref<4096xf32, #tpu.memory_space<hbm>>)
        tpu.yield
      }) : () -> ()
    }
    %scan3A_17 = arith.constant 11 : i32
    %dma_wait3A = arith.constant 0 : i32
    %dma_wait3A_18 = arith.constant 0 : i32
    %dma_wait3A_19 = arith.constant 0 : i32
    %dma_wait3A_20 = tpu.memref_slice %arg2[%dma_wait3A_18, %dma_wait3A_19] : memref<64x1000000xf32, #tpu.memory_space<hbm>> -> memref<64x512xf32, #tpu.memory_space<hbm>>
    %dma_wait3A_21 = tpu.memref_slice %arg9[%dma_wait3A] : memref<2x!tpu.dma_semaphore, #tpu.memory_space<semaphore_mem>> -> memref<1x!tpu.dma_semaphore, #tpu.memory_space<semaphore_mem>>
    %dma_wait3A_22 = tpu.memref_squeeze %dma_wait3A_21 : memref<1x!tpu.dma_semaphore, #tpu.memory_space<semaphore_mem>> -> memref<!tpu.dma_semaphore, #tpu.memory_space<semaphore_mem>>
    %dma_wait3A_23 = arith.constant 0 : i32
    %dma_wait3A_24 = arith.constant 0 : i32
    %dma_wait3A_25 = tpu.memref_slice %arg2[%dma_wait3A_23, %dma_wait3A_24] : memref<64x1000000xf32, #tpu.memory_space<hbm>> -> memref<64x512xf32, #tpu.memory_space<hbm>>
    tpu.wait_dma2 semaphore(%dma_wait3A_22 : memref<!tpu.dma_semaphore, #tpu.memory_space<semaphore_mem>>) src(%dma_wait3A_25 : memref<64x512xf32, #tpu.memory_space<hbm>>) dst(%arg6 : memref<64x512xf32, #tpu.memory_space<vmem>>)
    %broadcast_in_dim3A = arith.constant 0.000000e+00 : f32
    %broadcast_in_dim3A_26 = vector.broadcast %broadcast_in_dim3A : f32 to vector<16xf32>
    %scan3A_27 = arith.constant 0 : i32
    %scan3A_28 = arith.constant 64 : i32
    %scan3A_29 = arith.addi %scan3A_27, %scan3A_28 : i32
    %scan3A_30 = arith.constant 1 : i32
    %scan3A_31:32 = scf.for %scan3A_445 = %scan3A_27 to %scan3A_29 step %scan3A_30 iter_args(%scan3A_446 = %broadcast_in_dim3A_26, %scan3A_447 = %broadcast_in_dim3A_26, %scan3A_448 = %broadcast_in_dim3A_26, %scan3A_449 = %broadcast_in_dim3A_26, %scan3A_450 = %broadcast_in_dim3A_26, %scan3A_451 = %broadcast_in_dim3A_26, %scan3A_452 = %broadcast_in_dim3A_26, %scan3A_453 = %broadcast_in_dim3A_26, %scan3A_454 = %broadcast_in_dim3A_26, %scan3A_455 = %broadcast_in_dim3A_26, %scan3A_456 = %broadcast_in_dim3A_26, %scan3A_457 = %broadcast_in_dim3A_26, %scan3A_458 = %broadcast_in_dim3A_26, %scan3A_459 = %broadcast_in_dim3A_26, %scan3A_460 = %broadcast_in_dim3A_26, %scan3A_461 = %broadcast_in_dim3A_26, %scan3A_462 = %broadcast_in_dim3A_26, %scan3A_463 = %broadcast_in_dim3A_26, %scan3A_464 = %broadcast_in_dim3A_26, %scan3A_465 = %broadcast_in_dim3A_26, %scan3A_466 = %broadcast_in_dim3A_26, %scan3A_467 = %broadcast_in_dim3A_26, %scan3A_468 = %broadcast_in_dim3A_26, %scan3A_469 = %broadcast_in_dim3A_26, %scan3A_470 = %broadcast_in_dim3A_26, %scan3A_471 = %broadcast_in_dim3A_26, %scan3A_472 = %broadcast_in_dim3A_26, %scan3A_473 = %broadcast_in_dim3A_26, %scan3A_474 = %broadcast_in_dim3A_26, %scan3A_475 = %broadcast_in_dim3A_26, %scan3A_476 = %broadcast_in_dim3A_26, %scan3A_477 = %broadcast_in_dim3A_26) -> (vector<16xf32>, vector<16xf32>, vector<16xf32>, vector<16xf32>, vector<16xf32>, vector<16xf32>, vector<16xf32>, vector<16xf32>, vector<16xf32>, vector<16xf32>, vector<16xf32>, vector<16xf32>, vector<16xf32>, vector<16xf32>, vector<16xf32>, vector<16xf32>, vector<16xf32>, vector<16xf32>, vector<16xf32>, vector<16xf32>, vector<16xf32>, vector<16xf32>, vector<16xf32>, vector<16xf32>, vector<16xf32>, vector<16xf32>, vector<16xf32>, vector<16xf32>, vector<16xf32>, vector<16xf32>, vector<16xf32>, vector<16xf32>)  : i32 {
      %broadcast_in_dim3A_478 = arith.constant 0 : i32
      %broadcast_in_dim3A_479 = vector.broadcast %broadcast_in_dim3A_478 : i32 to vector<16xi32>
      %add3A_480 = arith.constant 0 : i32
      %add3A_481 = vector.broadcast %add3A_480 : i32 to vector<16xi32>
      %add3A_482 = arith.addi %broadcast_in_dim3A_479, %add3A_481 : vector<16xi32>
      %add3A_483 = vector.broadcast %scan3A_445 : i32 to vector<16xi32>
      %add3A_484 = arith.addi %add3A_482, %add3A_483 : vector<16xi32>
      %gather3A = tpu.vector_load_idx %arg5[%add3A_484] : memref<256xf32, #tpu.memory_space<vmem>>[vector<16xi32>], vector<16xf32>,
      %broadcast_in_dim3A_485 = arith.constant 0 : i32
      %broadcast_in_dim3A_486 = vector.broadcast %broadcast_in_dim3A_485 : i32 to vector<16xi32>
      %add3A_487 = arith.constant 64 : i32
      %add3A_488 = vector.broadcast %add3A_487 : i32 to vector<16xi32>
      %add3A_489 = arith.addi %broadcast_in_dim3A_486, %add3A_488 : vector<16xi32>
      %add3A_490 = vector.broadcast %scan3A_445 : i32 to vector<16xi32>
      %add3A_491 = arith.addi %add3A_489, %add3A_490 : vector<16xi32>
      %gather3A_492 = tpu.vector_load_idx %arg5[%add3A_491] : memref<256xf32, #tpu.memory_space<vmem>>[vector<16xi32>], vector<16xf32>,
      %broadcast_in_dim3A_493 = arith.constant 0 : i32
      %broadcast_in_dim3A_494 = vector.broadcast %broadcast_in_dim3A_493 : i32 to vector<16xi32>
      %add3A_495 = arith.constant 128 : i32
      %add3A_496 = vector.broadcast %add3A_495 : i32 to vector<16xi32>
      %add3A_497 = arith.addi %broadcast_in_dim3A_494, %add3A_496 : vector<16xi32>
      %add3A_498 = vector.broadcast %scan3A_445 : i32 to vector<16xi32>
      %add3A_499 = arith.addi %add3A_497, %add3A_498 : vector<16xi32>
      %gather3A_500 = tpu.vector_load_idx %arg5[%add3A_499] : memref<256xf32, #tpu.memory_space<vmem>>[vector<16xi32>], vector<16xf32>,
      %broadcast_in_dim3A_501 = arith.constant 0 : i32
      %broadcast_in_dim3A_502 = vector.broadcast %broadcast_in_dim3A_501 : i32 to vector<16xi32>
      %add3A_503 = arith.constant 192 : i32
      %add3A_504 = vector.broadcast %add3A_503 : i32 to vector<16xi32>
      %add3A_505 = arith.addi %broadcast_in_dim3A_502, %add3A_504 : vector<16xi32>
      %add3A_506 = vector.broadcast %scan3A_445 : i32 to vector<16xi32>
      %add3A_507 = arith.addi %add3A_505, %add3A_506 : vector<16xi32>
      %gather3A_508 = tpu.vector_load_idx %arg5[%add3A_507] : memref<256xf32, #tpu.memory_space<vmem>>[vector<16xi32>], vector<16xf32>,
      %get3A = arith.index_cast %scan3A_445 : i32 to index
      %get3A_509 = arith.constant 0 : index
      %get3A_510 = tpu.vector_load %arg6[%get3A, %get3A_509] {strides = array<i32>} : memref<64x512xf32, #tpu.memory_space<vmem>>, vector<16xf32>,
      %mul3A_511 = arith.mulf %get3A_510, %gather3A : vector<16xf32>
      %add3A_512 = arith.addf %scan3A_446, %mul3A_511 : vector<16xf32>
      %mul3A_513 = arith.mulf %get3A_510, %gather3A_492 : vector<16xf32>
      %add3A_514 = arith.addf %scan3A_447, %mul3A_513 : vector<16xf32>
      %mul3A_515 = arith.mulf %get3A_510, %gather3A_500 : vector<16xf32>
      %add3A_516 = arith.addf %scan3A_448, %mul3A_515 : vector<16xf32>
      %mul3A_517 = arith.mulf %get3A_510, %gather3A_508 : vector<16xf32>
      %add3A_518 = arith.addf %scan3A_449, %mul3A_517 : vector<16xf32>
      %get3A_519 = arith.index_cast %scan3A_445 : i32 to index
      %get3A_520 = arith.constant 16 : index
      %get3A_521 = tpu.vector_load %arg6[%get3A_519, %get3A_520] {strides = array<i32>} : memref<64x512xf32, #tpu.memory_space<vmem>>, vector<16xf32>,
      %mul3A_522 = arith.mulf %get3A_521, %gather3A : vector<16xf32>
      %add3A_523 = arith.addf %scan3A_450, %mul3A_522 : vector<16xf32>
      %mul3A_524 = arith.mulf %get3A_521, %gather3A_492 : vector<16xf32>
      %add3A_525 = arith.addf %scan3A_451, %mul3A_524 : vector<16xf32>
      %mul3A_526 = arith.mulf %get3A_521, %gather3A_500 : vector<16xf32>
      %add3A_527 = arith.addf %scan3A_452, %mul3A_526 : vector<16xf32>
      %mul3A_528 = arith.mulf %get3A_521, %gather3A_508 : vector<16xf32>
      %add3A_529 = arith.addf %scan3A_453, %mul3A_528 : vector<16xf32>
      %get3A_530 = arith.index_cast %scan3A_445 : i32 to index
      %get3A_531 = arith.constant 32 : index
      %get3A_532 = tpu.vector_load %arg6[%get3A_530, %get3A_531] {strides = array<i32>} : memref<64x512xf32, #tpu.memory_space<vmem>>, vector<16xf32>,
      %mul3A_533 = arith.mulf %get3A_532, %gather3A : vector<16xf32>
      %add3A_534 = arith.addf %scan3A_454, %mul3A_533 : vector<16xf32>
      %mul3A_535 = arith.mulf %get3A_532, %gather3A_492 : vector<16xf32>
      %add3A_536 = arith.addf %scan3A_455, %mul3A_535 : vector<16xf32>
      %mul3A_537 = arith.mulf %get3A_532, %gather3A_500 : vector<16xf32>
      %add3A_538 = arith.addf %scan3A_456, %mul3A_537 : vector<16xf32>
      %mul3A_539 = arith.mulf %get3A_532, %gather3A_508 : vector<16xf32>
      %add3A_540 = arith.addf %scan3A_457, %mul3A_539 : vector<16xf32>
      %get3A_541 = arith.index_cast %scan3A_445 : i32 to index
      %get3A_542 = arith.constant 48 : index
      %get3A_543 = tpu.vector_load %arg6[%get3A_541, %get3A_542] {strides = array<i32>} : memref<64x512xf32, #tpu.memory_space<vmem>>, vector<16xf32>,
      %mul3A_544 = arith.mulf %get3A_543, %gather3A : vector<16xf32>
      %add3A_545 = arith.addf %scan3A_458, %mul3A_544 : vector<16xf32>
      %mul3A_546 = arith.mulf %get3A_543, %gather3A_492 : vector<16xf32>
      %add3A_547 = arith.addf %scan3A_459, %mul3A_546 : vector<16xf32>
      %mul3A_548 = arith.mulf %get3A_543, %gather3A_500 : vector<16xf32>
      %add3A_549 = arith.addf %scan3A_460, %mul3A_548 : vector<16xf32>
      %mul3A_550 = arith.mulf %get3A_543, %gather3A_508 : vector<16xf32>
      %add3A_551 = arith.addf %scan3A_461, %mul3A_550 : vector<16xf32>
      %get3A_552 = arith.index_cast %scan3A_445 : i32 to index
      %get3A_553 = arith.constant 64 : index
      %get3A_554 = tpu.vector_load %arg6[%get3A_552, %get3A_553] {strides = array<i32>} : memref<64x512xf32, #tpu.memory_space<vmem>>, vector<16xf32>,
      %mul3A_555 = arith.mulf %get3A_554, %gather3A : vector<16xf32>
      %add3A_556 = arith.addf %scan3A_462, %mul3A_555 : vector<16xf32>
      %mul3A_557 = arith.mulf %get3A_554, %gather3A_492 : vector<16xf32>
      %add3A_558 = arith.addf %scan3A_463, %mul3A_557 : vector<16xf32>
      %mul3A_559 = arith.mulf %get3A_554, %gather3A_500 : vector<16xf32>
      %add3A_560 = arith.addf %scan3A_464, %mul3A_559 : vector<16xf32>
      %mul3A_561 = arith.mulf %get3A_554, %gather3A_508 : vector<16xf32>
      %add3A_562 = arith.addf %scan3A_465, %mul3A_561 : vector<16xf32>
      %get3A_563 = arith.index_cast %scan3A_445 : i32 to index
      %get3A_564 = arith.constant 80 : index
      %get3A_565 = tpu.vector_load %arg6[%get3A_563, %get3A_564] {strides = array<i32>} : memref<64x512xf32, #tpu.memory_space<vmem>>, vector<16xf32>,
      %mul3A_566 = arith.mulf %get3A_565, %gather3A : vector<16xf32>
      %add3A_567 = arith.addf %scan3A_466, %mul3A_566 : vector<16xf32>
      %mul3A_568 = arith.mulf %get3A_565, %gather3A_492 : vector<16xf32>
      %add3A_569 = arith.addf %scan3A_467, %mul3A_568 : vector<16xf32>
      %mul3A_570 = arith.mulf %get3A_565, %gather3A_500 : vector<16xf32>
      %add3A_571 = arith.addf %scan3A_468, %mul3A_570 : vector<16xf32>
      %mul3A_572 = arith.mulf %get3A_565, %gather3A_508 : vector<16xf32>
      %add3A_573 = arith.addf %scan3A_469, %mul3A_572 : vector<16xf32>
      %get3A_574 = arith.index_cast %scan3A_445 : i32 to index
      %get3A_575 = arith.constant 96 : index
      %get3A_576 = tpu.vector_load %arg6[%get3A_574, %get3A_575] {strides = array<i32>} : memref<64x512xf32, #tpu.memory_space<vmem>>, vector<16xf32>,
      %mul3A_577 = arith.mulf %get3A_576, %gather3A : vector<16xf32>
      %add3A_578 = arith.addf %scan3A_470, %mul3A_577 : vector<16xf32>
      %mul3A_579 = arith.mulf %get3A_576, %gather3A_492 : vector<16xf32>
      %add3A_580 = arith.addf %scan3A_471, %mul3A_579 : vector<16xf32>
      %mul3A_581 = arith.mulf %get3A_576, %gather3A_500 : vector<16xf32>
      %add3A_582 = arith.addf %scan3A_472, %mul3A_581 : vector<16xf32>
      %mul3A_583 = arith.mulf %get3A_576, %gather3A_508 : vector<16xf32>
      %add3A_584 = arith.addf %scan3A_473, %mul3A_583 : vector<16xf32>
      %get3A_585 = arith.index_cast %scan3A_445 : i32 to index
      %get3A_586 = arith.constant 112 : index
      %get3A_587 = tpu.vector_load %arg6[%get3A_585, %get3A_586] {strides = array<i32>} : memref<64x512xf32, #tpu.memory_space<vmem>>, vector<16xf32>,
      %mul3A_588 = arith.mulf %get3A_587, %gather3A : vector<16xf32>
      %add3A_589 = arith.addf %scan3A_474, %mul3A_588 : vector<16xf32>
      %mul3A_590 = arith.mulf %get3A_587, %gather3A_492 : vector<16xf32>
      %add3A_591 = arith.addf %scan3A_475, %mul3A_590 : vector<16xf32>
      %mul3A_592 = arith.mulf %get3A_587, %gather3A_500 : vector<16xf32>
      %add3A_593 = arith.addf %scan3A_476, %mul3A_592 : vector<16xf32>
      %mul3A_594 = arith.mulf %get3A_587, %gather3A_508 : vector<16xf32>
      %add3A_595 = arith.addf %scan3A_477, %mul3A_594 : vector<16xf32>
      scf.yield %add3A_512, %add3A_514, %add3A_516, %add3A_518, %add3A_523, %add3A_525, %add3A_527, %add3A_529, %add3A_534, %add3A_536, %add3A_538, %add3A_540, %add3A_545, %add3A_547, %add3A_549, %add3A_551, %add3A_556, %add3A_558, %add3A_560, %add3A_562, %add3A_567, %add3A_569, %add3A_571, %add3A_573, %add3A_578, %add3A_580, %add3A_582, %add3A_584, %add3A_589, %add3A_591, %add3A_593, %add3A_595 : vector<16xf32>, vector<16xf32>, vector<16xf32>, vector<16xf32>, vector<16xf32>, vector<16xf32>, vector<16xf32>, vector<16xf32>, vector<16xf32>, vector<16xf32>, vector<16xf32>, vector<16xf32>, vector<16xf32>, vector<16xf32>, vector<16xf32>, vector<16xf32>, vector<16xf32>, vector<16xf32>, vector<16xf32>, vector<16xf32>, vector<16xf32>, vector<16xf32>, vector<16xf32>, vector<16xf32>, vector<16xf32>, vector<16xf32>, vector<16xf32>, vector<16xf32>, vector<16xf32>, vector<16xf32>, vector<16xf32>, vector<16xf32>
    }
    %scan3A_32 = arith.constant 64 : i32
    %add3A_33 = arith.constant 0 : i32
    %add3A_34 = vector.broadcast %add3A_33 : i32 to vector<16xi32>
    %add3A_35 = arith.addi %mul3A_5, %add3A_34 : vector<16xi32>
    tpu.vector_store_idx %arg8[%add3A_35], %scan3A_31#0 : memref<4096xf32, #tpu.memory_space<vmem>>[vector<16xi32>], vector<16xf32>,
    %add3A_36 = arith.constant 1 : i32
    %add3A_37 = vector.broadcast %add3A_36 : i32 to vector<16xi32>
    %add3A_38 = arith.addi %mul3A_5, %add3A_37 : vector<16xi32>
    tpu.vector_store_idx %arg8[%add3A_38], %scan3A_31#1 : memref<4096xf32, #tpu.memory_space<vmem>>[vector<16xi32>], vector<16xf32>,
    %add3A_39 = arith.constant 2 : i32
    %add3A_40 = vector.broadcast %add3A_39 : i32 to vector<16xi32>
    %add3A_41 = arith.addi %mul3A_5, %add3A_40 : vector<16xi32>
    tpu.vector_store_idx %arg8[%add3A_41], %scan3A_31#2 : memref<4096xf32, #tpu.memory_space<vmem>>[vector<16xi32>], vector<16xf32>,
    %add3A_42 = arith.constant 3 : i32
    %add3A_43 = vector.broadcast %add3A_42 : i32 to vector<16xi32>
    %add3A_44 = arith.addi %mul3A_5, %add3A_43 : vector<16xi32>
    tpu.vector_store_idx %arg8[%add3A_44], %scan3A_31#3 : memref<4096xf32, #tpu.memory_space<vmem>>[vector<16xi32>], vector<16xf32>,
    %add3A_45 = arith.constant 128 : i32
    %add3A_46 = vector.broadcast %add3A_45 : i32 to vector<16xi32>
    %add3A_47 = arith.addi %mul3A_5, %add3A_46 : vector<16xi32>
    tpu.vector_store_idx %arg8[%add3A_47], %scan3A_31#4 : memref<4096xf32, #tpu.memory_space<vmem>>[vector<16xi32>], vector<16xf32>,
    %add3A_48 = arith.constant 129 : i32
    %add3A_49 = vector.broadcast %add3A_48 : i32 to vector<16xi32>
    %add3A_50 = arith.addi %mul3A_5, %add3A_49 : vector<16xi32>
    tpu.vector_store_idx %arg8[%add3A_50], %scan3A_31#5 : memref<4096xf32, #tpu.memory_space<vmem>>[vector<16xi32>], vector<16xf32>,
    %add3A_51 = arith.constant 130 : i32
    %add3A_52 = vector.broadcast %add3A_51 : i32 to vector<16xi32>
    %add3A_53 = arith.addi %mul3A_5, %add3A_52 : vector<16xi32>
    tpu.vector_store_idx %arg8[%add3A_53], %scan3A_31#6 : memref<4096xf32, #tpu.memory_space<vmem>>[vector<16xi32>], vector<16xf32>,
    %add3A_54 = arith.constant 131 : i32
    %add3A_55 = vector.broadcast %add3A_54 : i32 to vector<16xi32>
    %add3A_56 = arith.addi %mul3A_5, %add3A_55 : vector<16xi32>
    tpu.vector_store_idx %arg8[%add3A_56], %scan3A_31#7 : memref<4096xf32, #tpu.memory_space<vmem>>[vector<16xi32>], vector<16xf32>,
    %add3A_57 = arith.constant 256 : i32
    %add3A_58 = vector.broadcast %add3A_57 : i32 to vector<16xi32>
    %add3A_59 = arith.addi %mul3A_5, %add3A_58 : vector<16xi32>
    tpu.vector_store_idx %arg8[%add3A_59], %scan3A_31#8 : memref<4096xf32, #tpu.memory_space<vmem>>[vector<16xi32>], vector<16xf32>,
    %add3A_60 = arith.constant 257 : i32
    %add3A_61 = vector.broadcast %add3A_60 : i32 to vector<16xi32>
    %add3A_62 = arith.addi %mul3A_5, %add3A_61 : vector<16xi32>
    tpu.vector_store_idx %arg8[%add3A_62], %scan3A_31#9 : memref<4096xf32, #tpu.memory_space<vmem>>[vector<16xi32>], vector<16xf32>,
    %add3A_63 = arith.constant 258 : i32
    %add3A_64 = vector.broadcast %add3A_63 : i32 to vector<16xi32>
    %add3A_65 = arith.addi %mul3A_5, %add3A_64 : vector<16xi32>
    tpu.vector_store_idx %arg8[%add3A_65], %scan3A_31#10 : memref<4096xf32, #tpu.memory_space<vmem>>[vector<16xi32>], vector<16xf32>,
    %add3A_66 = arith.constant 259 : i32
    %add3A_67 = vector.broadcast %add3A_66 : i32 to vector<16xi32>
    %add3A_68 = arith.addi %mul3A_5, %add3A_67 : vector<16xi32>
    tpu.vector_store_idx %arg8[%add3A_68], %scan3A_31#11 : memref<4096xf32, #tpu.memory_space<vmem>>[vector<16xi32>], vector<16xf32>,
    %add3A_69 = arith.constant 384 : i32
    %add3A_70 = vector.broadcast %add3A_69 : i32 to vector<16xi32>
    %add3A_71 = arith.addi %mul3A_5, %add3A_70 : vector<16xi32>
    tpu.vector_store_idx %arg8[%add3A_71], %scan3A_31#12 : memref<4096xf32, #tpu.memory_space<vmem>>[vector<16xi32>], vector<16xf32>,
    %add3A_72 = arith.constant 385 : i32
    %add3A_73 = vector.broadcast %add3A_72 : i32 to vector<16xi32>
    %add3A_74 = arith.addi %mul3A_5, %add3A_73 : vector<16xi32>
    tpu.vector_store_idx %arg8[%add3A_74], %scan3A_31#13 : memref<4096xf32, #tpu.memory_space<vmem>>[vector<16xi32>], vector<16xf32>,
    %add3A_75 = arith.constant 386 : i32
    %add3A_76 = vector.broadcast %add3A_75 : i32 to vector<16xi32>
    %add3A_77 = arith.addi %mul3A_5, %add3A_76 : vector<16xi32>
    tpu.vector_store_idx %arg8[%add3A_77], %scan3A_31#14 : memref<4096xf32, #tpu.memory_space<vmem>>[vector<16xi32>], vector<16xf32>,
    %add3A_78 = arith.constant 387 : i32
    %add3A_79 = vector.broadcast %add3A_78 : i32 to vector<16xi32>
    %add3A_80 = arith.addi %mul3A_5, %add3A_79 : vector<16xi32>
    tpu.vector_store_idx %arg8[%add3A_80], %scan3A_31#15 : memref<4096xf32, #tpu.memory_space<vmem>>[vector<16xi32>], vector<16xf32>,
    %add3A_81 = arith.constant 512 : i32
    %add3A_82 = vector.broadcast %add3A_81 : i32 to vector<16xi32>
    %add3A_83 = arith.addi %mul3A_5, %add3A_82 : vector<16xi32>
    tpu.vector_store_idx %arg8[%add3A_83], %scan3A_31#16 : memref<4096xf32, #tpu.memory_space<vmem>>[vector<16xi32>], vector<16xf32>,
    %add3A_84 = arith.constant 513 : i32
    %add3A_85 = vector.broadcast %add3A_84 : i32 to vector<16xi32>
    %add3A_86 = arith.addi %mul3A_5, %add3A_85 : vector<16xi32>
    tpu.vector_store_idx %arg8[%add3A_86], %scan3A_31#17 : memref<4096xf32, #tpu.memory_space<vmem>>[vector<16xi32>], vector<16xf32>,
    %add3A_87 = arith.constant 514 : i32
    %add3A_88 = vector.broadcast %add3A_87 : i32 to vector<16xi32>
    %add3A_89 = arith.addi %mul3A_5, %add3A_88 : vector<16xi32>
    tpu.vector_store_idx %arg8[%add3A_89], %scan3A_31#18 : memref<4096xf32, #tpu.memory_space<vmem>>[vector<16xi32>], vector<16xf32>,
    %add3A_90 = arith.constant 515 : i32
    %add3A_91 = vector.broadcast %add3A_90 : i32 to vector<16xi32>
    %add3A_92 = arith.addi %mul3A_5, %add3A_91 : vector<16xi32>
    tpu.vector_store_idx %arg8[%add3A_92], %scan3A_31#19 : memref<4096xf32, #tpu.memory_space<vmem>>[vector<16xi32>], vector<16xf32>,
    %add3A_93 = arith.constant 640 : i32
    %add3A_94 = vector.broadcast %add3A_93 : i32 to vector<16xi32>
    %add3A_95 = arith.addi %mul3A_5, %add3A_94 : vector<16xi32>
    tpu.vector_store_idx %arg8[%add3A_95], %scan3A_31#20 : memref<4096xf32, #tpu.memory_space<vmem>>[vector<16xi32>], vector<16xf32>,
    %add3A_96 = arith.constant 641 : i32
    %add3A_97 = vector.broadcast %add3A_96 : i32 to vector<16xi32>
    %add3A_98 = arith.addi %mul3A_5, %add3A_97 : vector<16xi32>
    tpu.vector_store_idx %arg8[%add3A_98], %scan3A_31#21 : memref<4096xf32, #tpu.memory_space<vmem>>[vector<16xi32>], vector<16xf32>,
    %add3A_99 = arith.constant 642 : i32
    %add3A_100 = vector.broadcast %add3A_99 : i32 to vector<16xi32>
    %add3A_101 = arith.addi %mul3A_5, %add3A_100 : vector<16xi32>
    tpu.vector_store_idx %arg8[%add3A_101], %scan3A_31#22 : memref<4096xf32, #tpu.memory_space<vmem>>[vector<16xi32>], vector<16xf32>,
    %add3A_102 = arith.constant 643 : i32
    %add3A_103 = vector.broadcast %add3A_102 : i32 to vector<16xi32>
    %add3A_104 = arith.addi %mul3A_5, %add3A_103 : vector<16xi32>
    tpu.vector_store_idx %arg8[%add3A_104], %scan3A_31#23 : memref<4096xf32, #tpu.memory_space<vmem>>[vector<16xi32>], vector<16xf32>,
    %add3A_105 = arith.constant 768 : i32
    %add3A_106 = vector.broadcast %add3A_105 : i32 to vector<16xi32>
    %add3A_107 = arith.addi %mul3A_5, %add3A_106 : vector<16xi32>
    tpu.vector_store_idx %arg8[%add3A_107], %scan3A_31#24 : memref<4096xf32, #tpu.memory_space<vmem>>[vector<16xi32>], vector<16xf32>,
    %add3A_108 = arith.constant 769 : i32
    %add3A_109 = vector.broadcast %add3A_108 : i32 to vector<16xi32>
    %add3A_110 = arith.addi %mul3A_5, %add3A_109 : vector<16xi32>
    tpu.vector_store_idx %arg8[%add3A_110], %scan3A_31#25 : memref<4096xf32, #tpu.memory_space<vmem>>[vector<16xi32>], vector<16xf32>,
    %add3A_111 = arith.constant 770 : i32
    %add3A_112 = vector.broadcast %add3A_111 : i32 to vector<16xi32>
    %add3A_113 = arith.addi %mul3A_5, %add3A_112 : vector<16xi32>
    tpu.vector_store_idx %arg8[%add3A_113], %scan3A_31#26 : memref<4096xf32, #tpu.memory_space<vmem>>[vector<16xi32>], vector<16xf32>,
    %add3A_114 = arith.constant 771 : i32
    %add3A_115 = vector.broadcast %add3A_114 : i32 to vector<16xi32>
    %add3A_116 = arith.addi %mul3A_5, %add3A_115 : vector<16xi32>
    tpu.vector_store_idx %arg8[%add3A_116], %scan3A_31#27 : memref<4096xf32, #tpu.memory_space<vmem>>[vector<16xi32>], vector<16xf32>,
    %add3A_117 = arith.constant 896 : i32
    %add3A_118 = vector.broadcast %add3A_117 : i32 to vector<16xi32>
    %add3A_119 = arith.addi %mul3A_5, %add3A_118 : vector<16xi32>
    tpu.vector_store_idx %arg8[%add3A_119], %scan3A_31#28 : memref<4096xf32, #tpu.memory_space<vmem>>[vector<16xi32>], vector<16xf32>,
    %add3A_120 = arith.constant 897 : i32
    %add3A_121 = vector.broadcast %add3A_120 : i32 to vector<16xi32>
    %add3A_122 = arith.addi %mul3A_5, %add3A_121 : vector<16xi32>
    tpu.vector_store_idx %arg8[%add3A_122], %scan3A_31#29 : memref<4096xf32, #tpu.memory_space<vmem>>[vector<16xi32>], vector<16xf32>,
    %add3A_123 = arith.constant 898 : i32
    %add3A_124 = vector.broadcast %add3A_123 : i32 to vector<16xi32>
    %add3A_125 = arith.addi %mul3A_5, %add3A_124 : vector<16xi32>
    tpu.vector_store_idx %arg8[%add3A_125], %scan3A_31#30 : memref<4096xf32, #tpu.memory_space<vmem>>[vector<16xi32>], vector<16xf32>,
    %add3A_126 = arith.constant 899 : i32
    %add3A_127 = vector.broadcast %add3A_126 : i32 to vector<16xi32>
    %add3A_128 = arith.addi %mul3A_5, %add3A_127 : vector<16xi32>
    tpu.vector_store_idx %arg8[%add3A_128], %scan3A_31#31 : memref<4096xf32, #tpu.memory_space<vmem>>[vector<16xi32>], vector<16xf32>,
    %broadcast_in_dim3A_129 = arith.constant 0.000000e+00 : f32
    %broadcast_in_dim3A_130 = vector.broadcast %broadcast_in_dim3A_129 : f32 to vector<16xf32>
    %scan3A_131 = arith.constant 0 : i32
    %scan3A_132 = arith.constant 64 : i32
    %scan3A_133 = arith.addi %scan3A_131, %scan3A_132 : i32
    %scan3A_134 = arith.constant 1 : i32
    %scan3A_135:32 = scf.for %scan3A_445 = %scan3A_131 to %scan3A_133 step %scan3A_134 iter_args(%scan3A_446 = %broadcast_in_dim3A_130, %scan3A_447 = %broadcast_in_dim3A_130, %scan3A_448 = %broadcast_in_dim3A_130, %scan3A_449 = %broadcast_in_dim3A_130, %scan3A_450 = %broadcast_in_dim3A_130, %scan3A_451 = %broadcast_in_dim3A_130, %scan3A_452 = %broadcast_in_dim3A_130, %scan3A_453 = %broadcast_in_dim3A_130, %scan3A_454 = %broadcast_in_dim3A_130, %scan3A_455 = %broadcast_in_dim3A_130, %scan3A_456 = %broadcast_in_dim3A_130, %scan3A_457 = %broadcast_in_dim3A_130, %scan3A_458 = %broadcast_in_dim3A_130, %scan3A_459 = %broadcast_in_dim3A_130, %scan3A_460 = %broadcast_in_dim3A_130, %scan3A_461 = %broadcast_in_dim3A_130, %scan3A_462 = %broadcast_in_dim3A_130, %scan3A_463 = %broadcast_in_dim3A_130, %scan3A_464 = %broadcast_in_dim3A_130, %scan3A_465 = %broadcast_in_dim3A_130, %scan3A_466 = %broadcast_in_dim3A_130, %scan3A_467 = %broadcast_in_dim3A_130, %scan3A_468 = %broadcast_in_dim3A_130, %scan3A_469 = %broadcast_in_dim3A_130, %scan3A_470 = %broadcast_in_dim3A_130, %scan3A_471 = %broadcast_in_dim3A_130, %scan3A_472 = %broadcast_in_dim3A_130, %scan3A_473 = %broadcast_in_dim3A_130, %scan3A_474 = %broadcast_in_dim3A_130, %scan3A_475 = %broadcast_in_dim3A_130, %scan3A_476 = %broadcast_in_dim3A_130, %scan3A_477 = %broadcast_in_dim3A_130) -> (vector<16xf32>, vector<16xf32>, vector<16xf32>, vector<16xf32>, vector<16xf32>, vector<16xf32>, vector<16xf32>, vector<16xf32>, vector<16xf32>, vector<16xf32>, vector<16xf32>, vector<16xf32>, vector<16xf32>, vector<16xf32>, vector<16xf32>, vector<16xf32>, vector<16xf32>, vector<16xf32>, vector<16xf32>, vector<16xf32>, vector<16xf32>, vector<16xf32>, vector<16xf32>, vector<16xf32>, vector<16xf32>, vector<16xf32>, vector<16xf32>, vector<16xf32>, vector<16xf32>, vector<16xf32>, vector<16xf32>, vector<16xf32>)  : i32 {
      %broadcast_in_dim3A_478 = arith.constant 0 : i32
      %broadcast_in_dim3A_479 = vector.broadcast %broadcast_in_dim3A_478 : i32 to vector<16xi32>
      %add3A_480 = arith.constant 0 : i32
      %add3A_481 = vector.broadcast %add3A_480 : i32 to vector<16xi32>
      %add3A_482 = arith.addi %broadcast_in_dim3A_479, %add3A_481 : vector<16xi32>
      %add3A_483 = vector.broadcast %scan3A_445 : i32 to vector<16xi32>
      %add3A_484 = arith.addi %add3A_482, %add3A_483 : vector<16xi32>
      %gather3A = tpu.vector_load_idx %arg5[%add3A_484] : memref<256xf32, #tpu.memory_space<vmem>>[vector<16xi32>], vector<16xf32>,
      %broadcast_in_dim3A_485 = arith.constant 0 : i32
      %broadcast_in_dim3A_486 = vector.broadcast %broadcast_in_dim3A_485 : i32 to vector<16xi32>
      %add3A_487 = arith.constant 64 : i32
      %add3A_488 = vector.broadcast %add3A_487 : i32 to vector<16xi32>
      %add3A_489 = arith.addi %broadcast_in_dim3A_486, %add3A_488 : vector<16xi32>
      %add3A_490 = vector.broadcast %scan3A_445 : i32 to vector<16xi32>
      %add3A_491 = arith.addi %add3A_489, %add3A_490 : vector<16xi32>
      %gather3A_492 = tpu.vector_load_idx %arg5[%add3A_491] : memref<256xf32, #tpu.memory_space<vmem>>[vector<16xi32>], vector<16xf32>,
      %broadcast_in_dim3A_493 = arith.constant 0 : i32
      %broadcast_in_dim3A_494 = vector.broadcast %broadcast_in_dim3A_493 : i32 to vector<16xi32>
      %add3A_495 = arith.constant 128 : i32
      %add3A_496 = vector.broadcast %add3A_495 : i32 to vector<16xi32>
      %add3A_497 = arith.addi %broadcast_in_dim3A_494, %add3A_496 : vector<16xi32>
      %add3A_498 = vector.broadcast %scan3A_445 : i32 to vector<16xi32>
      %add3A_499 = arith.addi %add3A_497, %add3A_498 : vector<16xi32>
      %gather3A_500 = tpu.vector_load_idx %arg5[%add3A_499] : memref<256xf32, #tpu.memory_space<vmem>>[vector<16xi32>], vector<16xf32>,
      %broadcast_in_dim3A_501 = arith.constant 0 : i32
      %broadcast_in_dim3A_502 = vector.broadcast %broadcast_in_dim3A_501 : i32 to vector<16xi32>
      %add3A_503 = arith.constant 192 : i32
      %add3A_504 = vector.broadcast %add3A_503 : i32 to vector<16xi32>
      %add3A_505 = arith.addi %broadcast_in_dim3A_502, %add3A_504 : vector<16xi32>
      %add3A_506 = vector.broadcast %scan3A_445 : i32 to vector<16xi32>
      %add3A_507 = arith.addi %add3A_505, %add3A_506 : vector<16xi32>
      %gather3A_508 = tpu.vector_load_idx %arg5[%add3A_507] : memref<256xf32, #tpu.memory_space<vmem>>[vector<16xi32>], vector<16xf32>,
      %get3A = arith.index_cast %scan3A_445 : i32 to index
      %get3A_509 = arith.constant 128 : index
      %get3A_510 = tpu.vector_load %arg6[%get3A, %get3A_509] {strides = array<i32>} : memref<64x512xf32, #tpu.memory_space<vmem>>, vector<16xf32>,
      %mul3A_511 = arith.mulf %get3A_510, %gather3A : vector<16xf32>
      %add3A_512 = arith.addf %scan3A_446, %mul3A_511 : vector<16xf32>
      %mul3A_513 = arith.mulf %get3A_510, %gather3A_492 : vector<16xf32>
      %add3A_514 = arith.addf %scan3A_447, %mul3A_513 : vector<16xf32>
      %mul3A_515 = arith.mulf %get3A_510, %gather3A_500 : vector<16xf32>
      %add3A_516 = arith.addf %scan3A_448, %mul3A_515 : vector<16xf32>
      %mul3A_517 = arith.mulf %get3A_510, %gather3A_508 : vector<16xf32>
      %add3A_518 = arith.addf %scan3A_449, %mul3A_517 : vector<16xf32>
      %get3A_519 = arith.index_cast %scan3A_445 : i32 to index
      %get3A_520 = arith.constant 144 : index
      %get3A_521 = tpu.vector_load %arg6[%get3A_519, %get3A_520] {strides = array<i32>} : memref<64x512xf32, #tpu.memory_space<vmem>>, vector<16xf32>,
      %mul3A_522 = arith.mulf %get3A_521, %gather3A : vector<16xf32>
      %add3A_523 = arith.addf %scan3A_450, %mul3A_522 : vector<16xf32>
      %mul3A_524 = arith.mulf %get3A_521, %gather3A_492 : vector<16xf32>
      %add3A_525 = arith.addf %scan3A_451, %mul3A_524 : vector<16xf32>
      %mul3A_526 = arith.mulf %get3A_521, %gather3A_500 : vector<16xf32>
      %add3A_527 = arith.addf %scan3A_452, %mul3A_526 : vector<16xf32>
      %mul3A_528 = arith.mulf %get3A_521, %gather3A_508 : vector<16xf32>
      %add3A_529 = arith.addf %scan3A_453, %mul3A_528 : vector<16xf32>
      %get3A_530 = arith.index_cast %scan3A_445 : i32 to index
      %get3A_531 = arith.constant 160 : index
      %get3A_532 = tpu.vector_load %arg6[%get3A_530, %get3A_531] {strides = array<i32>} : memref<64x512xf32, #tpu.memory_space<vmem>>, vector<16xf32>,
      %mul3A_533 = arith.mulf %get3A_532, %gather3A : vector<16xf32>
      %add3A_534 = arith.addf %scan3A_454, %mul3A_533 : vector<16xf32>
      %mul3A_535 = arith.mulf %get3A_532, %gather3A_492 : vector<16xf32>
      %add3A_536 = arith.addf %scan3A_455, %mul3A_535 : vector<16xf32>
      %mul3A_537 = arith.mulf %get3A_532, %gather3A_500 : vector<16xf32>
      %add3A_538 = arith.addf %scan3A_456, %mul3A_537 : vector<16xf32>
      %mul3A_539 = arith.mulf %get3A_532, %gather3A_508 : vector<16xf32>
      %add3A_540 = arith.addf %scan3A_457, %mul3A_539 : vector<16xf32>
      %get3A_541 = arith.index_cast %scan3A_445 : i32 to index
      %get3A_542 = arith.constant 176 : index
      %get3A_543 = tpu.vector_load %arg6[%get3A_541, %get3A_542] {strides = array<i32>} : memref<64x512xf32, #tpu.memory_space<vmem>>, vector<16xf32>,
      %mul3A_544 = arith.mulf %get3A_543, %gather3A : vector<16xf32>
      %add3A_545 = arith.addf %scan3A_458, %mul3A_544 : vector<16xf32>
      %mul3A_546 = arith.mulf %get3A_543, %gather3A_492 : vector<16xf32>
      %add3A_547 = arith.addf %scan3A_459, %mul3A_546 : vector<16xf32>
      %mul3A_548 = arith.mulf %get3A_543, %gather3A_500 : vector<16xf32>
      %add3A_549 = arith.addf %scan3A_460, %mul3A_548 : vector<16xf32>
      %mul3A_550 = arith.mulf %get3A_543, %gather3A_508 : vector<16xf32>
      %add3A_551 = arith.addf %scan3A_461, %mul3A_550 : vector<16xf32>
      %get3A_552 = arith.index_cast %scan3A_445 : i32 to index
      %get3A_553 = arith.constant 192 : index
      %get3A_554 = tpu.vector_load %arg6[%get3A_552, %get3A_553] {strides = array<i32>} : memref<64x512xf32, #tpu.memory_space<vmem>>, vector<16xf32>,
      %mul3A_555 = arith.mulf %get3A_554, %gather3A : vector<16xf32>
      %add3A_556 = arith.addf %scan3A_462, %mul3A_555 : vector<16xf32>
      %mul3A_557 = arith.mulf %get3A_554, %gather3A_492 : vector<16xf32>
      %add3A_558 = arith.addf %scan3A_463, %mul3A_557 : vector<16xf32>
      %mul3A_559 = arith.mulf %get3A_554, %gather3A_500 : vector<16xf32>
      %add3A_560 = arith.addf %scan3A_464, %mul3A_559 : vector<16xf32>
      %mul3A_561 = arith.mulf %get3A_554, %gather3A_508 : vector<16xf32>
      %add3A_562 = arith.addf %scan3A_465, %mul3A_561 : vector<16xf32>
      %get3A_563 = arith.index_cast %scan3A_445 : i32 to index
      %get3A_564 = arith.constant 208 : index
      %get3A_565 = tpu.vector_load %arg6[%get3A_563, %get3A_564] {strides = array<i32>} : memref<64x512xf32, #tpu.memory_space<vmem>>, vector<16xf32>,
      %mul3A_566 = arith.mulf %get3A_565, %gather3A : vector<16xf32>
      %add3A_567 = arith.addf %scan3A_466, %mul3A_566 : vector<16xf32>
      %mul3A_568 = arith.mulf %get3A_565, %gather3A_492 : vector<16xf32>
      %add3A_569 = arith.addf %scan3A_467, %mul3A_568 : vector<16xf32>
      %mul3A_570 = arith.mulf %get3A_565, %gather3A_500 : vector<16xf32>
      %add3A_571 = arith.addf %scan3A_468, %mul3A_570 : vector<16xf32>
      %mul3A_572 = arith.mulf %get3A_565, %gather3A_508 : vector<16xf32>
      %add3A_573 = arith.addf %scan3A_469, %mul3A_572 : vector<16xf32>
      %get3A_574 = arith.index_cast %scan3A_445 : i32 to index
      %get3A_575 = arith.constant 224 : index
      %get3A_576 = tpu.vector_load %arg6[%get3A_574, %get3A_575] {strides = array<i32>} : memref<64x512xf32, #tpu.memory_space<vmem>>, vector<16xf32>,
      %mul3A_577 = arith.mulf %get3A_576, %gather3A : vector<16xf32>
      %add3A_578 = arith.addf %scan3A_470, %mul3A_577 : vector<16xf32>
      %mul3A_579 = arith.mulf %get3A_576, %gather3A_492 : vector<16xf32>
      %add3A_580 = arith.addf %scan3A_471, %mul3A_579 : vector<16xf32>
      %mul3A_581 = arith.mulf %get3A_576, %gather3A_500 : vector<16xf32>
      %add3A_582 = arith.addf %scan3A_472, %mul3A_581 : vector<16xf32>
      %mul3A_583 = arith.mulf %get3A_576, %gather3A_508 : vector<16xf32>
      %add3A_584 = arith.addf %scan3A_473, %mul3A_583 : vector<16xf32>
      %get3A_585 = arith.index_cast %scan3A_445 : i32 to index
      %get3A_586 = arith.constant 240 : index
      %get3A_587 = tpu.vector_load %arg6[%get3A_585, %get3A_586] {strides = array<i32>} : memref<64x512xf32, #tpu.memory_space<vmem>>, vector<16xf32>,
      %mul3A_588 = arith.mulf %get3A_587, %gather3A : vector<16xf32>
      %add3A_589 = arith.addf %scan3A_474, %mul3A_588 : vector<16xf32>
      %mul3A_590 = arith.mulf %get3A_587, %gather3A_492 : vector<16xf32>
      %add3A_591 = arith.addf %scan3A_475, %mul3A_590 : vector<16xf32>
      %mul3A_592 = arith.mulf %get3A_587, %gather3A_500 : vector<16xf32>
      %add3A_593 = arith.addf %scan3A_476, %mul3A_592 : vector<16xf32>
      %mul3A_594 = arith.mulf %get3A_587, %gather3A_508 : vector<16xf32>
      %add3A_595 = arith.addf %scan3A_477, %mul3A_594 : vector<16xf32>
      scf.yield %add3A_512, %add3A_514, %add3A_516, %add3A_518, %add3A_523, %add3A_525, %add3A_527, %add3A_529, %add3A_534, %add3A_536, %add3A_538, %add3A_540, %add3A_545, %add3A_547, %add3A_549, %add3A_551, %add3A_556, %add3A_558, %add3A_560, %add3A_562, %add3A_567, %add3A_569, %add3A_571, %add3A_573, %add3A_578, %add3A_580, %add3A_582, %add3A_584, %add3A_589, %add3A_591, %add3A_593, %add3A_595 : vector<16xf32>, vector<16xf32>, vector<16xf32>, vector<16xf32>, vector<16xf32>, vector<16xf32>, vector<16xf32>, vector<16xf32>, vector<16xf32>, vector<16xf32>, vector<16xf32>, vector<16xf32>, vector<16xf32>, vector<16xf32>, vector<16xf32>, vector<16xf32>, vector<16xf32>, vector<16xf32>, vector<16xf32>, vector<16xf32>, vector<16xf32>, vector<16xf32>, vector<16xf32>, vector<16xf32>, vector<16xf32>, vector<16xf32>, vector<16xf32>, vector<16xf32>, vector<16xf32>, vector<16xf32>, vector<16xf32>, vector<16xf32>
    }
    %scan3A_136 = arith.constant 64 : i32
    %add3A_137 = arith.constant 1024 : i32
    %add3A_138 = vector.broadcast %add3A_137 : i32 to vector<16xi32>
    %add3A_139 = arith.addi %mul3A_5, %add3A_138 : vector<16xi32>
    tpu.vector_store_idx %arg8[%add3A_139], %scan3A_135#0 : memref<4096xf32, #tpu.memory_space<vmem>>[vector<16xi32>], vector<16xf32>,
    %add3A_140 = arith.constant 1025 : i32
    %add3A_141 = vector.broadcast %add3A_140 : i32 to vector<16xi32>
    %add3A_142 = arith.addi %mul3A_5, %add3A_141 : vector<16xi32>
    tpu.vector_store_idx %arg8[%add3A_142], %scan3A_135#1 : memref<4096xf32, #tpu.memory_space<vmem>>[vector<16xi32>], vector<16xf32>,
    %add3A_143 = arith.constant 1026 : i32
    %add3A_144 = vector.broadcast %add3A_143 : i32 to vector<16xi32>
    %add3A_145 = arith.addi %mul3A_5, %add3A_144 : vector<16xi32>
    tpu.vector_store_idx %arg8[%add3A_145], %scan3A_135#2 : memref<4096xf32, #tpu.memory_space<vmem>>[vector<16xi32>], vector<16xf32>,
    %add3A_146 = arith.constant 1027 : i32
    %add3A_147 = vector.broadcast %add3A_146 : i32 to vector<16xi32>
    %add3A_148 = arith.addi %mul3A_5, %add3A_147 : vector<16xi32>
    tpu.vector_store_idx %arg8[%add3A_148], %scan3A_135#3 : memref<4096xf32, #tpu.memory_space<vmem>>[vector<16xi32>], vector<16xf32>,
    %add3A_149 = arith.constant 1152 : i32
    %add3A_150 = vector.broadcast %add3A_149 : i32 to vector<16xi32>
    %add3A_151 = arith.addi %mul3A_5, %add3A_150 : vector<16xi32>
    tpu.vector_store_idx %arg8[%add3A_151], %scan3A_135#4 : memref<4096xf32, #tpu.memory_space<vmem>>[vector<16xi32>], vector<16xf32>,
    %add3A_152 = arith.constant 1153 : i32
    %add3A_153 = vector.broadcast %add3A_152 : i32 to vector<16xi32>
    %add3A_154 = arith.addi %mul3A_5, %add3A_153 : vector<16xi32>
    tpu.vector_store_idx %arg8[%add3A_154], %scan3A_135#5 : memref<4096xf32, #tpu.memory_space<vmem>>[vector<16xi32>], vector<16xf32>,
    %add3A_155 = arith.constant 1154 : i32
    %add3A_156 = vector.broadcast %add3A_155 : i32 to vector<16xi32>
    %add3A_157 = arith.addi %mul3A_5, %add3A_156 : vector<16xi32>
    tpu.vector_store_idx %arg8[%add3A_157], %scan3A_135#6 : memref<4096xf32, #tpu.memory_space<vmem>>[vector<16xi32>], vector<16xf32>,
    %add3A_158 = arith.constant 1155 : i32
    %add3A_159 = vector.broadcast %add3A_158 : i32 to vector<16xi32>
    %add3A_160 = arith.addi %mul3A_5, %add3A_159 : vector<16xi32>
    tpu.vector_store_idx %arg8[%add3A_160], %scan3A_135#7 : memref<4096xf32, #tpu.memory_space<vmem>>[vector<16xi32>], vector<16xf32>,
    %add3A_161 = arith.constant 1280 : i32
    %add3A_162 = vector.broadcast %add3A_161 : i32 to vector<16xi32>
    %add3A_163 = arith.addi %mul3A_5, %add3A_162 : vector<16xi32>
    tpu.vector_store_idx %arg8[%add3A_163], %scan3A_135#8 : memref<4096xf32, #tpu.memory_space<vmem>>[vector<16xi32>], vector<16xf32>,
    %add3A_164 = arith.constant 1281 : i32
    %add3A_165 = vector.broadcast %add3A_164 : i32 to vector<16xi32>
    %add3A_166 = arith.addi %mul3A_5, %add3A_165 : vector<16xi32>
    tpu.vector_store_idx %arg8[%add3A_166], %scan3A_135#9 : memref<4096xf32, #tpu.memory_space<vmem>>[vector<16xi32>], vector<16xf32>,
    %add3A_167 = arith.constant 1282 : i32
    %add3A_168 = vector.broadcast %add3A_167 : i32 to vector<16xi32>
    %add3A_169 = arith.addi %mul3A_5, %add3A_168 : vector<16xi32>
    tpu.vector_store_idx %arg8[%add3A_169], %scan3A_135#10 : memref<4096xf32, #tpu.memory_space<vmem>>[vector<16xi32>], vector<16xf32>,
    %add3A_170 = arith.constant 1283 : i32
    %add3A_171 = vector.broadcast %add3A_170 : i32 to vector<16xi32>
    %add3A_172 = arith.addi %mul3A_5, %add3A_171 : vector<16xi32>
    tpu.vector_store_idx %arg8[%add3A_172], %scan3A_135#11 : memref<4096xf32, #tpu.memory_space<vmem>>[vector<16xi32>], vector<16xf32>,
    %add3A_173 = arith.constant 1408 : i32
    %add3A_174 = vector.broadcast %add3A_173 : i32 to vector<16xi32>
    %add3A_175 = arith.addi %mul3A_5, %add3A_174 : vector<16xi32>
    tpu.vector_store_idx %arg8[%add3A_175], %scan3A_135#12 : memref<4096xf32, #tpu.memory_space<vmem>>[vector<16xi32>], vector<16xf32>,
    %add3A_176 = arith.constant 1409 : i32
    %add3A_177 = vector.broadcast %add3A_176 : i32 to vector<16xi32>
    %add3A_178 = arith.addi %mul3A_5, %add3A_177 : vector<16xi32>
    tpu.vector_store_idx %arg8[%add3A_178], %scan3A_135#13 : memref<4096xf32, #tpu.memory_space<vmem>>[vector<16xi32>], vector<16xf32>,
    %add3A_179 = arith.constant 1410 : i32
    %add3A_180 = vector.broadcast %add3A_179 : i32 to vector<16xi32>
    %add3A_181 = arith.addi %mul3A_5, %add3A_180 : vector<16xi32>
    tpu.vector_store_idx %arg8[%add3A_181], %scan3A_135#14 : memref<4096xf32, #tpu.memory_space<vmem>>[vector<16xi32>], vector<16xf32>,
    %add3A_182 = arith.constant 1411 : i32
    %add3A_183 = vector.broadcast %add3A_182 : i32 to vector<16xi32>
    %add3A_184 = arith.addi %mul3A_5, %add3A_183 : vector<16xi32>
    tpu.vector_store_idx %arg8[%add3A_184], %scan3A_135#15 : memref<4096xf32, #tpu.memory_space<vmem>>[vector<16xi32>], vector<16xf32>,
    %add3A_185 = arith.constant 1536 : i32
    %add3A_186 = vector.broadcast %add3A_185 : i32 to vector<16xi32>
    %add3A_187 = arith.addi %mul3A_5, %add3A_186 : vector<16xi32>
    tpu.vector_store_idx %arg8[%add3A_187], %scan3A_135#16 : memref<4096xf32, #tpu.memory_space<vmem>>[vector<16xi32>], vector<16xf32>,
    %add3A_188 = arith.constant 1537 : i32
    %add3A_189 = vector.broadcast %add3A_188 : i32 to vector<16xi32>
    %add3A_190 = arith.addi %mul3A_5, %add3A_189 : vector<16xi32>
    tpu.vector_store_idx %arg8[%add3A_190], %scan3A_135#17 : memref<4096xf32, #tpu.memory_space<vmem>>[vector<16xi32>], vector<16xf32>,
    %add3A_191 = arith.constant 1538 : i32
    %add3A_192 = vector.broadcast %add3A_191 : i32 to vector<16xi32>
    %add3A_193 = arith.addi %mul3A_5, %add3A_192 : vector<16xi32>
    tpu.vector_store_idx %arg8[%add3A_193], %scan3A_135#18 : memref<4096xf32, #tpu.memory_space<vmem>>[vector<16xi32>], vector<16xf32>,
    %add3A_194 = arith.constant 1539 : i32
    %add3A_195 = vector.broadcast %add3A_194 : i32 to vector<16xi32>
    %add3A_196 = arith.addi %mul3A_5, %add3A_195 : vector<16xi32>
    tpu.vector_store_idx %arg8[%add3A_196], %scan3A_135#19 : memref<4096xf32, #tpu.memory_space<vmem>>[vector<16xi32>], vector<16xf32>,
    %add3A_197 = arith.constant 1664 : i32
    %add3A_198 = vector.broadcast %add3A_197 : i32 to vector<16xi32>
    %add3A_199 = arith.addi %mul3A_5, %add3A_198 : vector<16xi32>
    tpu.vector_store_idx %arg8[%add3A_199], %scan3A_135#20 : memref<4096xf32, #tpu.memory_space<vmem>>[vector<16xi32>], vector<16xf32>,
    %add3A_200 = arith.constant 1665 : i32
    %add3A_201 = vector.broadcast %add3A_200 : i32 to vector<16xi32>
    %add3A_202 = arith.addi %mul3A_5, %add3A_201 : vector<16xi32>
    tpu.vector_store_idx %arg8[%add3A_202], %scan3A_135#21 : memref<4096xf32, #tpu.memory_space<vmem>>[vector<16xi32>], vector<16xf32>,
    %add3A_203 = arith.constant 1666 : i32
    %add3A_204 = vector.broadcast %add3A_203 : i32 to vector<16xi32>
    %add3A_205 = arith.addi %mul3A_5, %add3A_204 : vector<16xi32>
    tpu.vector_store_idx %arg8[%add3A_205], %scan3A_135#22 : memref<4096xf32, #tpu.memory_space<vmem>>[vector<16xi32>], vector<16xf32>,
    %add3A_206 = arith.constant 1667 : i32
    %add3A_207 = vector.broadcast %add3A_206 : i32 to vector<16xi32>
    %add3A_208 = arith.addi %mul3A_5, %add3A_207 : vector<16xi32>
    tpu.vector_store_idx %arg8[%add3A_208], %scan3A_135#23 : memref<4096xf32, #tpu.memory_space<vmem>>[vector<16xi32>], vector<16xf32>,
    %add3A_209 = arith.constant 1792 : i32
    %add3A_210 = vector.broadcast %add3A_209 : i32 to vector<16xi32>
    %add3A_211 = arith.addi %mul3A_5, %add3A_210 : vector<16xi32>
    tpu.vector_store_idx %arg8[%add3A_211], %scan3A_135#24 : memref<4096xf32, #tpu.memory_space<vmem>>[vector<16xi32>], vector<16xf32>,
    %add3A_212 = arith.constant 1793 : i32
    %add3A_213 = vector.broadcast %add3A_212 : i32 to vector<16xi32>
    %add3A_214 = arith.addi %mul3A_5, %add3A_213 : vector<16xi32>
    tpu.vector_store_idx %arg8[%add3A_214], %scan3A_135#25 : memref<4096xf32, #tpu.memory_space<vmem>>[vector<16xi32>], vector<16xf32>,
    %add3A_215 = arith.constant 1794 : i32
    %add3A_216 = vector.broadcast %add3A_215 : i32 to vector<16xi32>
    %add3A_217 = arith.addi %mul3A_5, %add3A_216 : vector<16xi32>
    tpu.vector_store_idx %arg8[%add3A_217], %scan3A_135#26 : memref<4096xf32, #tpu.memory_space<vmem>>[vector<16xi32>], vector<16xf32>,
    %add3A_218 = arith.constant 1795 : i32
    %add3A_219 = vector.broadcast %add3A_218 : i32 to vector<16xi32>
    %add3A_220 = arith.addi %mul3A_5, %add3A_219 : vector<16xi32>
    tpu.vector_store_idx %arg8[%add3A_220], %scan3A_135#27 : memref<4096xf32, #tpu.memory_space<vmem>>[vector<16xi32>], vector<16xf32>,
    %add3A_221 = arith.constant 1920 : i32
    %add3A_222 = vector.broadcast %add3A_221 : i32 to vector<16xi32>
    %add3A_223 = arith.addi %mul3A_5, %add3A_222 : vector<16xi32>
    tpu.vector_store_idx %arg8[%add3A_223], %scan3A_135#28 : memref<4096xf32, #tpu.memory_space<vmem>>[vector<16xi32>], vector<16xf32>,
    %add3A_224 = arith.constant 1921 : i32
    %add3A_225 = vector.broadcast %add3A_224 : i32 to vector<16xi32>
    %add3A_226 = arith.addi %mul3A_5, %add3A_225 : vector<16xi32>
    tpu.vector_store_idx %arg8[%add3A_226], %scan3A_135#29 : memref<4096xf32, #tpu.memory_space<vmem>>[vector<16xi32>], vector<16xf32>,
    %add3A_227 = arith.constant 1922 : i32
    %add3A_228 = vector.broadcast %add3A_227 : i32 to vector<16xi32>
    %add3A_229 = arith.addi %mul3A_5, %add3A_228 : vector<16xi32>
    tpu.vector_store_idx %arg8[%add3A_229], %scan3A_135#30 : memref<4096xf32, #tpu.memory_space<vmem>>[vector<16xi32>], vector<16xf32>,
    %add3A_230 = arith.constant 1923 : i32
    %add3A_231 = vector.broadcast %add3A_230 : i32 to vector<16xi32>
    %add3A_232 = arith.addi %mul3A_5, %add3A_231 : vector<16xi32>
    tpu.vector_store_idx %arg8[%add3A_232], %scan3A_135#31 : memref<4096xf32, #tpu.memory_space<vmem>>[vector<16xi32>], vector<16xf32>,
    %broadcast_in_dim3A_233 = arith.constant 0.000000e+00 : f32
    %broadcast_in_dim3A_234 = vector.broadcast %broadcast_in_dim3A_233 : f32 to vector<16xf32>
    %scan3A_235 = arith.constant 0 : i32
    %scan3A_236 = arith.constant 64 : i32
    %scan3A_237 = arith.addi %scan3A_235, %scan3A_236 : i32
    %scan3A_238 = arith.constant 1 : i32
    %scan3A_239:32 = scf.for %scan3A_445 = %scan3A_235 to %scan3A_237 step %scan3A_238 iter_args(%scan3A_446 = %broadcast_in_dim3A_234, %scan3A_447 = %broadcast_in_dim3A_234, %scan3A_448 = %broadcast_in_dim3A_234, %scan3A_449 = %broadcast_in_dim3A_234, %scan3A_450 = %broadcast_in_dim3A_234, %scan3A_451 = %broadcast_in_dim3A_234, %scan3A_452 = %broadcast_in_dim3A_234, %scan3A_453 = %broadcast_in_dim3A_234, %scan3A_454 = %broadcast_in_dim3A_234, %scan3A_455 = %broadcast_in_dim3A_234, %scan3A_456 = %broadcast_in_dim3A_234, %scan3A_457 = %broadcast_in_dim3A_234, %scan3A_458 = %broadcast_in_dim3A_234, %scan3A_459 = %broadcast_in_dim3A_234, %scan3A_460 = %broadcast_in_dim3A_234, %scan3A_461 = %broadcast_in_dim3A_234, %scan3A_462 = %broadcast_in_dim3A_234, %scan3A_463 = %broadcast_in_dim3A_234, %scan3A_464 = %broadcast_in_dim3A_234, %scan3A_465 = %broadcast_in_dim3A_234, %scan3A_466 = %broadcast_in_dim3A_234, %scan3A_467 = %broadcast_in_dim3A_234, %scan3A_468 = %broadcast_in_dim3A_234, %scan3A_469 = %broadcast_in_dim3A_234, %scan3A_470 = %broadcast_in_dim3A_234, %scan3A_471 = %broadcast_in_dim3A_234, %scan3A_472 = %broadcast_in_dim3A_234, %scan3A_473 = %broadcast_in_dim3A_234, %scan3A_474 = %broadcast_in_dim3A_234, %scan3A_475 = %broadcast_in_dim3A_234, %scan3A_476 = %broadcast_in_dim3A_234, %scan3A_477 = %broadcast_in_dim3A_234) -> (vector<16xf32>, vector<16xf32>, vector<16xf32>, vector<16xf32>, vector<16xf32>, vector<16xf32>, vector<16xf32>, vector<16xf32>, vector<16xf32>, vector<16xf32>, vector<16xf32>, vector<16xf32>, vector<16xf32>, vector<16xf32>, vector<16xf32>, vector<16xf32>, vector<16xf32>, vector<16xf32>, vector<16xf32>, vector<16xf32>, vector<16xf32>, vector<16xf32>, vector<16xf32>, vector<16xf32>, vector<16xf32>, vector<16xf32>, vector<16xf32>, vector<16xf32>, vector<16xf32>, vector<16xf32>, vector<16xf32>, vector<16xf32>)  : i32 {
      %broadcast_in_dim3A_478 = arith.constant 0 : i32
      %broadcast_in_dim3A_479 = vector.broadcast %broadcast_in_dim3A_478 : i32 to vector<16xi32>
      %add3A_480 = arith.constant 0 : i32
      %add3A_481 = vector.broadcast %add3A_480 : i32 to vector<16xi32>
      %add3A_482 = arith.addi %broadcast_in_dim3A_479, %add3A_481 : vector<16xi32>
      %add3A_483 = vector.broadcast %scan3A_445 : i32 to vector<16xi32>
      %add3A_484 = arith.addi %add3A_482, %add3A_483 : vector<16xi32>
      %gather3A = tpu.vector_load_idx %arg5[%add3A_484] : memref<256xf32, #tpu.memory_space<vmem>>[vector<16xi32>], vector<16xf32>,
      %broadcast_in_dim3A_485 = arith.constant 0 : i32
      %broadcast_in_dim3A_486 = vector.broadcast %broadcast_in_dim3A_485 : i32 to vector<16xi32>
      %add3A_487 = arith.constant 64 : i32
      %add3A_488 = vector.broadcast %add3A_487 : i32 to vector<16xi32>
      %add3A_489 = arith.addi %broadcast_in_dim3A_486, %add3A_488 : vector<16xi32>
      %add3A_490 = vector.broadcast %scan3A_445 : i32 to vector<16xi32>
      %add3A_491 = arith.addi %add3A_489, %add3A_490 : vector<16xi32>
      %gather3A_492 = tpu.vector_load_idx %arg5[%add3A_491] : memref<256xf32, #tpu.memory_space<vmem>>[vector<16xi32>], vector<16xf32>,
      %broadcast_in_dim3A_493 = arith.constant 0 : i32
      %broadcast_in_dim3A_494 = vector.broadcast %broadcast_in_dim3A_493 : i32 to vector<16xi32>
      %add3A_495 = arith.constant 128 : i32
      %add3A_496 = vector.broadcast %add3A_495 : i32 to vector<16xi32>
      %add3A_497 = arith.addi %broadcast_in_dim3A_494, %add3A_496 : vector<16xi32>
      %add3A_498 = vector.broadcast %scan3A_445 : i32 to vector<16xi32>
      %add3A_499 = arith.addi %add3A_497, %add3A_498 : vector<16xi32>
      %gather3A_500 = tpu.vector_load_idx %arg5[%add3A_499] : memref<256xf32, #tpu.memory_space<vmem>>[vector<16xi32>], vector<16xf32>,
      %broadcast_in_dim3A_501 = arith.constant 0 : i32
      %broadcast_in_dim3A_502 = vector.broadcast %broadcast_in_dim3A_501 : i32 to vector<16xi32>
      %add3A_503 = arith.constant 192 : i32
      %add3A_504 = vector.broadcast %add3A_503 : i32 to vector<16xi32>
      %add3A_505 = arith.addi %broadcast_in_dim3A_502, %add3A_504 : vector<16xi32>
      %add3A_506 = vector.broadcast %scan3A_445 : i32 to vector<16xi32>
      %add3A_507 = arith.addi %add3A_505, %add3A_506 : vector<16xi32>
      %gather3A_508 = tpu.vector_load_idx %arg5[%add3A_507] : memref<256xf32, #tpu.memory_space<vmem>>[vector<16xi32>], vector<16xf32>,
      %get3A = arith.index_cast %scan3A_445 : i32 to index
      %get3A_509 = arith.constant 256 : index
      %get3A_510 = tpu.vector_load %arg6[%get3A, %get3A_509] {strides = array<i32>} : memref<64x512xf32, #tpu.memory_space<vmem>>, vector<16xf32>,
      %mul3A_511 = arith.mulf %get3A_510, %gather3A : vector<16xf32>
      %add3A_512 = arith.addf %scan3A_446, %mul3A_511 : vector<16xf32>
      %mul3A_513 = arith.mulf %get3A_510, %gather3A_492 : vector<16xf32>
      %add3A_514 = arith.addf %scan3A_447, %mul3A_513 : vector<16xf32>
      %mul3A_515 = arith.mulf %get3A_510, %gather3A_500 : vector<16xf32>
      %add3A_516 = arith.addf %scan3A_448, %mul3A_515 : vector<16xf32>
      %mul3A_517 = arith.mulf %get3A_510, %gather3A_508 : vector<16xf32>
      %add3A_518 = arith.addf %scan3A_449, %mul3A_517 : vector<16xf32>
      %get3A_519 = arith.index_cast %scan3A_445 : i32 to index
      %get3A_520 = arith.constant 272 : index
      %get3A_521 = tpu.vector_load %arg6[%get3A_519, %get3A_520] {strides = array<i32>} : memref<64x512xf32, #tpu.memory_space<vmem>>, vector<16xf32>,
      %mul3A_522 = arith.mulf %get3A_521, %gather3A : vector<16xf32>
      %add3A_523 = arith.addf %scan3A_450, %mul3A_522 : vector<16xf32>
      %mul3A_524 = arith.mulf %get3A_521, %gather3A_492 : vector<16xf32>
      %add3A_525 = arith.addf %scan3A_451, %mul3A_524 : vector<16xf32>
      %mul3A_526 = arith.mulf %get3A_521, %gather3A_500 : vector<16xf32>
      %add3A_527 = arith.addf %scan3A_452, %mul3A_526 : vector<16xf32>
      %mul3A_528 = arith.mulf %get3A_521, %gather3A_508 : vector<16xf32>
      %add3A_529 = arith.addf %scan3A_453, %mul3A_528 : vector<16xf32>
      %get3A_530 = arith.index_cast %scan3A_445 : i32 to index
      %get3A_531 = arith.constant 288 : index
      %get3A_532 = tpu.vector_load %arg6[%get3A_530, %get3A_531] {strides = array<i32>} : memref<64x512xf32, #tpu.memory_space<vmem>>, vector<16xf32>,
      %mul3A_533 = arith.mulf %get3A_532, %gather3A : vector<16xf32>
      %add3A_534 = arith.addf %scan3A_454, %mul3A_533 : vector<16xf32>
      %mul3A_535 = arith.mulf %get3A_532, %gather3A_492 : vector<16xf32>
      %add3A_536 = arith.addf %scan3A_455, %mul3A_535 : vector<16xf32>
      %mul3A_537 = arith.mulf %get3A_532, %gather3A_500 : vector<16xf32>
      %add3A_538 = arith.addf %scan3A_456, %mul3A_537 : vector<16xf32>
      %mul3A_539 = arith.mulf %get3A_532, %gather3A_508 : vector<16xf32>
      %add3A_540 = arith.addf %scan3A_457, %mul3A_539 : vector<16xf32>
      %get3A_541 = arith.index_cast %scan3A_445 : i32 to index
      %get3A_542 = arith.constant 304 : index
      %get3A_543 = tpu.vector_load %arg6[%get3A_541, %get3A_542] {strides = array<i32>} : memref<64x512xf32, #tpu.memory_space<vmem>>, vector<16xf32>,
      %mul3A_544 = arith.mulf %get3A_543, %gather3A : vector<16xf32>
      %add3A_545 = arith.addf %scan3A_458, %mul3A_544 : vector<16xf32>
      %mul3A_546 = arith.mulf %get3A_543, %gather3A_492 : vector<16xf32>
      %add3A_547 = arith.addf %scan3A_459, %mul3A_546 : vector<16xf32>
      %mul3A_548 = arith.mulf %get3A_543, %gather3A_500 : vector<16xf32>
      %add3A_549 = arith.addf %scan3A_460, %mul3A_548 : vector<16xf32>
      %mul3A_550 = arith.mulf %get3A_543, %gather3A_508 : vector<16xf32>
      %add3A_551 = arith.addf %scan3A_461, %mul3A_550 : vector<16xf32>
      %get3A_552 = arith.index_cast %scan3A_445 : i32 to index
      %get3A_553 = arith.constant 320 : index
      %get3A_554 = tpu.vector_load %arg6[%get3A_552, %get3A_553] {strides = array<i32>} : memref<64x512xf32, #tpu.memory_space<vmem>>, vector<16xf32>,
      %mul3A_555 = arith.mulf %get3A_554, %gather3A : vector<16xf32>
      %add3A_556 = arith.addf %scan3A_462, %mul3A_555 : vector<16xf32>
      %mul3A_557 = arith.mulf %get3A_554, %gather3A_492 : vector<16xf32>
      %add3A_558 = arith.addf %scan3A_463, %mul3A_557 : vector<16xf32>
      %mul3A_559 = arith.mulf %get3A_554, %gather3A_500 : vector<16xf32>
      %add3A_560 = arith.addf %scan3A_464, %mul3A_559 : vector<16xf32>
      %mul3A_561 = arith.mulf %get3A_554, %gather3A_508 : vector<16xf32>
      %add3A_562 = arith.addf %scan3A_465, %mul3A_561 : vector<16xf32>
      %get3A_563 = arith.index_cast %scan3A_445 : i32 to index
      %get3A_564 = arith.constant 336 : index
      %get3A_565 = tpu.vector_load %arg6[%get3A_563, %get3A_564] {strides = array<i32>} : memref<64x512xf32, #tpu.memory_space<vmem>>, vector<16xf32>,
      %mul3A_566 = arith.mulf %get3A_565, %gather3A : vector<16xf32>
      %add3A_567 = arith.addf %scan3A_466, %mul3A_566 : vector<16xf32>
      %mul3A_568 = arith.mulf %get3A_565, %gather3A_492 : vector<16xf32>
      %add3A_569 = arith.addf %scan3A_467, %mul3A_568 : vector<16xf32>
      %mul3A_570 = arith.mulf %get3A_565, %gather3A_500 : vector<16xf32>
      %add3A_571 = arith.addf %scan3A_468, %mul3A_570 : vector<16xf32>
      %mul3A_572 = arith.mulf %get3A_565, %gather3A_508 : vector<16xf32>
      %add3A_573 = arith.addf %scan3A_469, %mul3A_572 : vector<16xf32>
      %get3A_574 = arith.index_cast %scan3A_445 : i32 to index
      %get3A_575 = arith.constant 352 : index
      %get3A_576 = tpu.vector_load %arg6[%get3A_574, %get3A_575] {strides = array<i32>} : memref<64x512xf32, #tpu.memory_space<vmem>>, vector<16xf32>,
      %mul3A_577 = arith.mulf %get3A_576, %gather3A : vector<16xf32>
      %add3A_578 = arith.addf %scan3A_470, %mul3A_577 : vector<16xf32>
      %mul3A_579 = arith.mulf %get3A_576, %gather3A_492 : vector<16xf32>
      %add3A_580 = arith.addf %scan3A_471, %mul3A_579 : vector<16xf32>
      %mul3A_581 = arith.mulf %get3A_576, %gather3A_500 : vector<16xf32>
      %add3A_582 = arith.addf %scan3A_472, %mul3A_581 : vector<16xf32>
      %mul3A_583 = arith.mulf %get3A_576, %gather3A_508 : vector<16xf32>
      %add3A_584 = arith.addf %scan3A_473, %mul3A_583 : vector<16xf32>
      %get3A_585 = arith.index_cast %scan3A_445 : i32 to index
      %get3A_586 = arith.constant 368 : index
      %get3A_587 = tpu.vector_load %arg6[%get3A_585, %get3A_586] {strides = array<i32>} : memref<64x512xf32, #tpu.memory_space<vmem>>, vector<16xf32>,
      %mul3A_588 = arith.mulf %get3A_587, %gather3A : vector<16xf32>
      %add3A_589 = arith.addf %scan3A_474, %mul3A_588 : vector<16xf32>
      %mul3A_590 = arith.mulf %get3A_587, %gather3A_492 : vector<16xf32>
      %add3A_591 = arith.addf %scan3A_475, %mul3A_590 : vector<16xf32>
      %mul3A_592 = arith.mulf %get3A_587, %gather3A_500 : vector<16xf32>
      %add3A_593 = arith.addf %scan3A_476, %mul3A_592 : vector<16xf32>
      %mul3A_594 = arith.mulf %get3A_587, %gather3A_508 : vector<16xf32>
      %add3A_595 = arith.addf %scan3A_477, %mul3A_594 : vector<16xf32>
      scf.yield %add3A_512, %add3A_514, %add3A_516, %add3A_518, %add3A_523, %add3A_525, %add3A_527, %add3A_529, %add3A_534, %add3A_536, %add3A_538, %add3A_540, %add3A_545, %add3A_547, %add3A_549, %add3A_551, %add3A_556, %add3A_558, %add3A_560, %add3A_562, %add3A_567, %add3A_569, %add3A_571, %add3A_573, %add3A_578, %add3A_580, %add3A_582, %add3A_584, %add3A_589, %add3A_591, %add3A_593, %add3A_595 : vector<16xf32>, vector<16xf32>, vector<16xf32>, vector<16xf32>, vector<16xf32>, vector<16xf32>, vector<16xf32>, vector<16xf32>, vector<16xf32>, vector<16xf32>, vector<16xf32>, vector<16xf32>, vector<16xf32>, vector<16xf32>, vector<16xf32>, vector<16xf32>, vector<16xf32>, vector<16xf32>, vector<16xf32>, vector<16xf32>, vector<16xf32>, vector<16xf32>, vector<16xf32>, vector<16xf32>, vector<16xf32>, vector<16xf32>, vector<16xf32>, vector<16xf32>, vector<16xf32>, vector<16xf32>, vector<16xf32>, vector<16xf32>
    }
    %scan3A_240 = arith.constant 64 : i32
    %add3A_241 = arith.constant 2048 : i32
    %add3A_242 = vector.broadcast %add3A_241 : i32 to vector<16xi32>
    %add3A_243 = arith.addi %mul3A_5, %add3A_242 : vector<16xi32>
    tpu.vector_store_idx %arg8[%add3A_243], %scan3A_239#0 : memref<4096xf32, #tpu.memory_space<vmem>>[vector<16xi32>], vector<16xf32>,
    %add3A_244 = arith.constant 2049 : i32
    %add3A_245 = vector.broadcast %add3A_244 : i32 to vector<16xi32>
    %add3A_246 = arith.addi %mul3A_5, %add3A_245 : vector<16xi32>
    tpu.vector_store_idx %arg8[%add3A_246], %scan3A_239#1 : memref<4096xf32, #tpu.memory_space<vmem>>[vector<16xi32>], vector<16xf32>,
    %add3A_247 = arith.constant 2050 : i32
    %add3A_248 = vector.broadcast %add3A_247 : i32 to vector<16xi32>
    %add3A_249 = arith.addi %mul3A_5, %add3A_248 : vector<16xi32>
    tpu.vector_store_idx %arg8[%add3A_249], %scan3A_239#2 : memref<4096xf32, #tpu.memory_space<vmem>>[vector<16xi32>], vector<16xf32>,
    %add3A_250 = arith.constant 2051 : i32
    %add3A_251 = vector.broadcast %add3A_250 : i32 to vector<16xi32>
    %add3A_252 = arith.addi %mul3A_5, %add3A_251 : vector<16xi32>
    tpu.vector_store_idx %arg8[%add3A_252], %scan3A_239#3 : memref<4096xf32, #tpu.memory_space<vmem>>[vector<16xi32>], vector<16xf32>,
    %add3A_253 = arith.constant 2176 : i32
    %add3A_254 = vector.broadcast %add3A_253 : i32 to vector<16xi32>
    %add3A_255 = arith.addi %mul3A_5, %add3A_254 : vector<16xi32>
    tpu.vector_store_idx %arg8[%add3A_255], %scan3A_239#4 : memref<4096xf32, #tpu.memory_space<vmem>>[vector<16xi32>], vector<16xf32>,
    %add3A_256 = arith.constant 2177 : i32
    %add3A_257 = vector.broadcast %add3A_256 : i32 to vector<16xi32>
    %add3A_258 = arith.addi %mul3A_5, %add3A_257 : vector<16xi32>
    tpu.vector_store_idx %arg8[%add3A_258], %scan3A_239#5 : memref<4096xf32, #tpu.memory_space<vmem>>[vector<16xi32>], vector<16xf32>,
    %add3A_259 = arith.constant 2178 : i32
    %add3A_260 = vector.broadcast %add3A_259 : i32 to vector<16xi32>
    %add3A_261 = arith.addi %mul3A_5, %add3A_260 : vector<16xi32>
    tpu.vector_store_idx %arg8[%add3A_261], %scan3A_239#6 : memref<4096xf32, #tpu.memory_space<vmem>>[vector<16xi32>], vector<16xf32>,
    %add3A_262 = arith.constant 2179 : i32
    %add3A_263 = vector.broadcast %add3A_262 : i32 to vector<16xi32>
    %add3A_264 = arith.addi %mul3A_5, %add3A_263 : vector<16xi32>
    tpu.vector_store_idx %arg8[%add3A_264], %scan3A_239#7 : memref<4096xf32, #tpu.memory_space<vmem>>[vector<16xi32>], vector<16xf32>,
    %add3A_265 = arith.constant 2304 : i32
    %add3A_266 = vector.broadcast %add3A_265 : i32 to vector<16xi32>
    %add3A_267 = arith.addi %mul3A_5, %add3A_266 : vector<16xi32>
    tpu.vector_store_idx %arg8[%add3A_267], %scan3A_239#8 : memref<4096xf32, #tpu.memory_space<vmem>>[vector<16xi32>], vector<16xf32>,
    %add3A_268 = arith.constant 2305 : i32
    %add3A_269 = vector.broadcast %add3A_268 : i32 to vector<16xi32>
    %add3A_270 = arith.addi %mul3A_5, %add3A_269 : vector<16xi32>
    tpu.vector_store_idx %arg8[%add3A_270], %scan3A_239#9 : memref<4096xf32, #tpu.memory_space<vmem>>[vector<16xi32>], vector<16xf32>,
    %add3A_271 = arith.constant 2306 : i32
    %add3A_272 = vector.broadcast %add3A_271 : i32 to vector<16xi32>
    %add3A_273 = arith.addi %mul3A_5, %add3A_272 : vector<16xi32>
    tpu.vector_store_idx %arg8[%add3A_273], %scan3A_239#10 : memref<4096xf32, #tpu.memory_space<vmem>>[vector<16xi32>], vector<16xf32>,
    %add3A_274 = arith.constant 2307 : i32
    %add3A_275 = vector.broadcast %add3A_274 : i32 to vector<16xi32>
    %add3A_276 = arith.addi %mul3A_5, %add3A_275 : vector<16xi32>
    tpu.vector_store_idx %arg8[%add3A_276], %scan3A_239#11 : memref<4096xf32, #tpu.memory_space<vmem>>[vector<16xi32>], vector<16xf32>,
    %add3A_277 = arith.constant 2432 : i32
    %add3A_278 = vector.broadcast %add3A_277 : i32 to vector<16xi32>
    %add3A_279 = arith.addi %mul3A_5, %add3A_278 : vector<16xi32>
    tpu.vector_store_idx %arg8[%add3A_279], %scan3A_239#12 : memref<4096xf32, #tpu.memory_space<vmem>>[vector<16xi32>], vector<16xf32>,
    %add3A_280 = arith.constant 2433 : i32
    %add3A_281 = vector.broadcast %add3A_280 : i32 to vector<16xi32>
    %add3A_282 = arith.addi %mul3A_5, %add3A_281 : vector<16xi32>
    tpu.vector_store_idx %arg8[%add3A_282], %scan3A_239#13 : memref<4096xf32, #tpu.memory_space<vmem>>[vector<16xi32>], vector<16xf32>,
    %add3A_283 = arith.constant 2434 : i32
    %add3A_284 = vector.broadcast %add3A_283 : i32 to vector<16xi32>
    %add3A_285 = arith.addi %mul3A_5, %add3A_284 : vector<16xi32>
    tpu.vector_store_idx %arg8[%add3A_285], %scan3A_239#14 : memref<4096xf32, #tpu.memory_space<vmem>>[vector<16xi32>], vector<16xf32>,
    %add3A_286 = arith.constant 2435 : i32
    %add3A_287 = vector.broadcast %add3A_286 : i32 to vector<16xi32>
    %add3A_288 = arith.addi %mul3A_5, %add3A_287 : vector<16xi32>
    tpu.vector_store_idx %arg8[%add3A_288], %scan3A_239#15 : memref<4096xf32, #tpu.memory_space<vmem>>[vector<16xi32>], vector<16xf32>,
    %add3A_289 = arith.constant 2560 : i32
    %add3A_290 = vector.broadcast %add3A_289 : i32 to vector<16xi32>
    %add3A_291 = arith.addi %mul3A_5, %add3A_290 : vector<16xi32>
    tpu.vector_store_idx %arg8[%add3A_291], %scan3A_239#16 : memref<4096xf32, #tpu.memory_space<vmem>>[vector<16xi32>], vector<16xf32>,
    %add3A_292 = arith.constant 2561 : i32
    %add3A_293 = vector.broadcast %add3A_292 : i32 to vector<16xi32>
    %add3A_294 = arith.addi %mul3A_5, %add3A_293 : vector<16xi32>
    tpu.vector_store_idx %arg8[%add3A_294], %scan3A_239#17 : memref<4096xf32, #tpu.memory_space<vmem>>[vector<16xi32>], vector<16xf32>,
    %add3A_295 = arith.constant 2562 : i32
    %add3A_296 = vector.broadcast %add3A_295 : i32 to vector<16xi32>
    %add3A_297 = arith.addi %mul3A_5, %add3A_296 : vector<16xi32>
    tpu.vector_store_idx %arg8[%add3A_297], %scan3A_239#18 : memref<4096xf32, #tpu.memory_space<vmem>>[vector<16xi32>], vector<16xf32>,
    %add3A_298 = arith.constant 2563 : i32
    %add3A_299 = vector.broadcast %add3A_298 : i32 to vector<16xi32>
    %add3A_300 = arith.addi %mul3A_5, %add3A_299 : vector<16xi32>
    tpu.vector_store_idx %arg8[%add3A_300], %scan3A_239#19 : memref<4096xf32, #tpu.memory_space<vmem>>[vector<16xi32>], vector<16xf32>,
    %add3A_301 = arith.constant 2688 : i32
    %add3A_302 = vector.broadcast %add3A_301 : i32 to vector<16xi32>
    %add3A_303 = arith.addi %mul3A_5, %add3A_302 : vector<16xi32>
    tpu.vector_store_idx %arg8[%add3A_303], %scan3A_239#20 : memref<4096xf32, #tpu.memory_space<vmem>>[vector<16xi32>], vector<16xf32>,
    %add3A_304 = arith.constant 2689 : i32
    %add3A_305 = vector.broadcast %add3A_304 : i32 to vector<16xi32>
    %add3A_306 = arith.addi %mul3A_5, %add3A_305 : vector<16xi32>
    tpu.vector_store_idx %arg8[%add3A_306], %scan3A_239#21 : memref<4096xf32, #tpu.memory_space<vmem>>[vector<16xi32>], vector<16xf32>,
    %add3A_307 = arith.constant 2690 : i32
    %add3A_308 = vector.broadcast %add3A_307 : i32 to vector<16xi32>
    %add3A_309 = arith.addi %mul3A_5, %add3A_308 : vector<16xi32>
    tpu.vector_store_idx %arg8[%add3A_309], %scan3A_239#22 : memref<4096xf32, #tpu.memory_space<vmem>>[vector<16xi32>], vector<16xf32>,
    %add3A_310 = arith.constant 2691 : i32
    %add3A_311 = vector.broadcast %add3A_310 : i32 to vector<16xi32>
    %add3A_312 = arith.addi %mul3A_5, %add3A_311 : vector<16xi32>
    tpu.vector_store_idx %arg8[%add3A_312], %scan3A_239#23 : memref<4096xf32, #tpu.memory_space<vmem>>[vector<16xi32>], vector<16xf32>,
    %add3A_313 = arith.constant 2816 : i32
    %add3A_314 = vector.broadcast %add3A_313 : i32 to vector<16xi32>
    %add3A_315 = arith.addi %mul3A_5, %add3A_314 : vector<16xi32>
    tpu.vector_store_idx %arg8[%add3A_315], %scan3A_239#24 : memref<4096xf32, #tpu.memory_space<vmem>>[vector<16xi32>], vector<16xf32>,
    %add3A_316 = arith.constant 2817 : i32
    %add3A_317 = vector.broadcast %add3A_316 : i32 to vector<16xi32>
    %add3A_318 = arith.addi %mul3A_5, %add3A_317 : vector<16xi32>
    tpu.vector_store_idx %arg8[%add3A_318], %scan3A_239#25 : memref<4096xf32, #tpu.memory_space<vmem>>[vector<16xi32>], vector<16xf32>,
    %add3A_319 = arith.constant 2818 : i32
    %add3A_320 = vector.broadcast %add3A_319 : i32 to vector<16xi32>
    %add3A_321 = arith.addi %mul3A_5, %add3A_320 : vector<16xi32>
    tpu.vector_store_idx %arg8[%add3A_321], %scan3A_239#26 : memref<4096xf32, #tpu.memory_space<vmem>>[vector<16xi32>], vector<16xf32>,
    %add3A_322 = arith.constant 2819 : i32
    %add3A_323 = vector.broadcast %add3A_322 : i32 to vector<16xi32>
    %add3A_324 = arith.addi %mul3A_5, %add3A_323 : vector<16xi32>
    tpu.vector_store_idx %arg8[%add3A_324], %scan3A_239#27 : memref<4096xf32, #tpu.memory_space<vmem>>[vector<16xi32>], vector<16xf32>,
    %add3A_325 = arith.constant 2944 : i32
    %add3A_326 = vector.broadcast %add3A_325 : i32 to vector<16xi32>
    %add3A_327 = arith.addi %mul3A_5, %add3A_326 : vector<16xi32>
    tpu.vector_store_idx %arg8[%add3A_327], %scan3A_239#28 : memref<4096xf32, #tpu.memory_space<vmem>>[vector<16xi32>], vector<16xf32>,
    %add3A_328 = arith.constant 2945 : i32
    %add3A_329 = vector.broadcast %add3A_328 : i32 to vector<16xi32>
    %add3A_330 = arith.addi %mul3A_5, %add3A_329 : vector<16xi32>
    tpu.vector_store_idx %arg8[%add3A_330], %scan3A_239#29 : memref<4096xf32, #tpu.memory_space<vmem>>[vector<16xi32>], vector<16xf32>,
    %add3A_331 = arith.constant 2946 : i32
    %add3A_332 = vector.broadcast %add3A_331 : i32 to vector<16xi32>
    %add3A_333 = arith.addi %mul3A_5, %add3A_332 : vector<16xi32>
    tpu.vector_store_idx %arg8[%add3A_333], %scan3A_239#30 : memref<4096xf32, #tpu.memory_space<vmem>>[vector<16xi32>], vector<16xf32>,
    %add3A_334 = arith.constant 2947 : i32
    %add3A_335 = vector.broadcast %add3A_334 : i32 to vector<16xi32>
    %add3A_336 = arith.addi %mul3A_5, %add3A_335 : vector<16xi32>
    tpu.vector_store_idx %arg8[%add3A_336], %scan3A_239#31 : memref<4096xf32, #tpu.memory_space<vmem>>[vector<16xi32>], vector<16xf32>,
    %broadcast_in_dim3A_337 = arith.constant 0.000000e+00 : f32
    %broadcast_in_dim3A_338 = vector.broadcast %broadcast_in_dim3A_337 : f32 to vector<16xf32>
    %scan3A_339 = arith.constant 0 : i32
    %scan3A_340 = arith.constant 64 : i32
    %scan3A_341 = arith.addi %scan3A_339, %scan3A_340 : i32
    %scan3A_342 = arith.constant 1 : i32
    %scan3A_343:32 = scf.for %scan3A_445 = %scan3A_339 to %scan3A_341 step %scan3A_342 iter_args(%scan3A_446 = %broadcast_in_dim3A_338, %scan3A_447 = %broadcast_in_dim3A_338, %scan3A_448 = %broadcast_in_dim3A_338, %scan3A_449 = %broadcast_in_dim3A_338, %scan3A_450 = %broadcast_in_dim3A_338, %scan3A_451 = %broadcast_in_dim3A_338, %scan3A_452 = %broadcast_in_dim3A_338, %scan3A_453 = %broadcast_in_dim3A_338, %scan3A_454 = %broadcast_in_dim3A_338, %scan3A_455 = %broadcast_in_dim3A_338, %scan3A_456 = %broadcast_in_dim3A_338, %scan3A_457 = %broadcast_in_dim3A_338, %scan3A_458 = %broadcast_in_dim3A_338, %scan3A_459 = %broadcast_in_dim3A_338, %scan3A_460 = %broadcast_in_dim3A_338, %scan3A_461 = %broadcast_in_dim3A_338, %scan3A_462 = %broadcast_in_dim3A_338, %scan3A_463 = %broadcast_in_dim3A_338, %scan3A_464 = %broadcast_in_dim3A_338, %scan3A_465 = %broadcast_in_dim3A_338, %scan3A_466 = %broadcast_in_dim3A_338, %scan3A_467 = %broadcast_in_dim3A_338, %scan3A_468 = %broadcast_in_dim3A_338, %scan3A_469 = %broadcast_in_dim3A_338, %scan3A_470 = %broadcast_in_dim3A_338, %scan3A_471 = %broadcast_in_dim3A_338, %scan3A_472 = %broadcast_in_dim3A_338, %scan3A_473 = %broadcast_in_dim3A_338, %scan3A_474 = %broadcast_in_dim3A_338, %scan3A_475 = %broadcast_in_dim3A_338, %scan3A_476 = %broadcast_in_dim3A_338, %scan3A_477 = %broadcast_in_dim3A_338) -> (vector<16xf32>, vector<16xf32>, vector<16xf32>, vector<16xf32>, vector<16xf32>, vector<16xf32>, vector<16xf32>, vector<16xf32>, vector<16xf32>, vector<16xf32>, vector<16xf32>, vector<16xf32>, vector<16xf32>, vector<16xf32>, vector<16xf32>, vector<16xf32>, vector<16xf32>, vector<16xf32>, vector<16xf32>, vector<16xf32>, vector<16xf32>, vector<16xf32>, vector<16xf32>, vector<16xf32>, vector<16xf32>, vector<16xf32>, vector<16xf32>, vector<16xf32>, vector<16xf32>, vector<16xf32>, vector<16xf32>, vector<16xf32>)  : i32 {
      %broadcast_in_dim3A_478 = arith.constant 0 : i32
      %broadcast_in_dim3A_479 = vector.broadcast %broadcast_in_dim3A_478 : i32 to vector<16xi32>
      %add3A_480 = arith.constant 0 : i32
      %add3A_481 = vector.broadcast %add3A_480 : i32 to vector<16xi32>
      %add3A_482 = arith.addi %broadcast_in_dim3A_479, %add3A_481 : vector<16xi32>
      %add3A_483 = vector.broadcast %scan3A_445 : i32 to vector<16xi32>
      %add3A_484 = arith.addi %add3A_482, %add3A_483 : vector<16xi32>
      %gather3A = tpu.vector_load_idx %arg5[%add3A_484] : memref<256xf32, #tpu.memory_space<vmem>>[vector<16xi32>], vector<16xf32>,
      %broadcast_in_dim3A_485 = arith.constant 0 : i32
      %broadcast_in_dim3A_486 = vector.broadcast %broadcast_in_dim3A_485 : i32 to vector<16xi32>
      %add3A_487 = arith.constant 64 : i32
      %add3A_488 = vector.broadcast %add3A_487 : i32 to vector<16xi32>
      %add3A_489 = arith.addi %broadcast_in_dim3A_486, %add3A_488 : vector<16xi32>
      %add3A_490 = vector.broadcast %scan3A_445 : i32 to vector<16xi32>
      %add3A_491 = arith.addi %add3A_489, %add3A_490 : vector<16xi32>
      %gather3A_492 = tpu.vector_load_idx %arg5[%add3A_491] : memref<256xf32, #tpu.memory_space<vmem>>[vector<16xi32>], vector<16xf32>,
      %broadcast_in_dim3A_493 = arith.constant 0 : i32
      %broadcast_in_dim3A_494 = vector.broadcast %broadcast_in_dim3A_493 : i32 to vector<16xi32>
      %add3A_495 = arith.constant 128 : i32
      %add3A_496 = vector.broadcast %add3A_495 : i32 to vector<16xi32>
      %add3A_497 = arith.addi %broadcast_in_dim3A_494, %add3A_496 : vector<16xi32>
      %add3A_498 = vector.broadcast %scan3A_445 : i32 to vector<16xi32>
      %add3A_499 = arith.addi %add3A_497, %add3A_498 : vector<16xi32>
      %gather3A_500 = tpu.vector_load_idx %arg5[%add3A_499] : memref<256xf32, #tpu.memory_space<vmem>>[vector<16xi32>], vector<16xf32>,
      %broadcast_in_dim3A_501 = arith.constant 0 : i32
      %broadcast_in_dim3A_502 = vector.broadcast %broadcast_in_dim3A_501 : i32 to vector<16xi32>
      %add3A_503 = arith.constant 192 : i32
      %add3A_504 = vector.broadcast %add3A_503 : i32 to vector<16xi32>
      %add3A_505 = arith.addi %broadcast_in_dim3A_502, %add3A_504 : vector<16xi32>
      %add3A_506 = vector.broadcast %scan3A_445 : i32 to vector<16xi32>
      %add3A_507 = arith.addi %add3A_505, %add3A_506 : vector<16xi32>
      %gather3A_508 = tpu.vector_load_idx %arg5[%add3A_507] : memref<256xf32, #tpu.memory_space<vmem>>[vector<16xi32>], vector<16xf32>,
      %get3A = arith.index_cast %scan3A_445 : i32 to index
      %get3A_509 = arith.constant 384 : index
      %get3A_510 = tpu.vector_load %arg6[%get3A, %get3A_509] {strides = array<i32>} : memref<64x512xf32, #tpu.memory_space<vmem>>, vector<16xf32>,
      %mul3A_511 = arith.mulf %get3A_510, %gather3A : vector<16xf32>
      %add3A_512 = arith.addf %scan3A_446, %mul3A_511 : vector<16xf32>
      %mul3A_513 = arith.mulf %get3A_510, %gather3A_492 : vector<16xf32>
      %add3A_514 = arith.addf %scan3A_447, %mul3A_513 : vector<16xf32>
      %mul3A_515 = arith.mulf %get3A_510, %gather3A_500 : vector<16xf32>
      %add3A_516 = arith.addf %scan3A_448, %mul3A_515 : vector<16xf32>
      %mul3A_517 = arith.mulf %get3A_510, %gather3A_508 : vector<16xf32>
      %add3A_518 = arith.addf %scan3A_449, %mul3A_517 : vector<16xf32>
      %get3A_519 = arith.index_cast %scan3A_445 : i32 to index
      %get3A_520 = arith.constant 400 : index
      %get3A_521 = tpu.vector_load %arg6[%get3A_519, %get3A_520] {strides = array<i32>} : memref<64x512xf32, #tpu.memory_space<vmem>>, vector<16xf32>,
      %mul3A_522 = arith.mulf %get3A_521, %gather3A : vector<16xf32>
      %add3A_523 = arith.addf %scan3A_450, %mul3A_522 : vector<16xf32>
      %mul3A_524 = arith.mulf %get3A_521, %gather3A_492 : vector<16xf32>
      %add3A_525 = arith.addf %scan3A_451, %mul3A_524 : vector<16xf32>
      %mul3A_526 = arith.mulf %get3A_521, %gather3A_500 : vector<16xf32>
      %add3A_527 = arith.addf %scan3A_452, %mul3A_526 : vector<16xf32>
      %mul3A_528 = arith.mulf %get3A_521, %gather3A_508 : vector<16xf32>
      %add3A_529 = arith.addf %scan3A_453, %mul3A_528 : vector<16xf32>
      %get3A_530 = arith.index_cast %scan3A_445 : i32 to index
      %get3A_531 = arith.constant 416 : index
      %get3A_532 = tpu.vector_load %arg6[%get3A_530, %get3A_531] {strides = array<i32>} : memref<64x512xf32, #tpu.memory_space<vmem>>, vector<16xf32>,
      %mul3A_533 = arith.mulf %get3A_532, %gather3A : vector<16xf32>
      %add3A_534 = arith.addf %scan3A_454, %mul3A_533 : vector<16xf32>
      %mul3A_535 = arith.mulf %get3A_532, %gather3A_492 : vector<16xf32>
      %add3A_536 = arith.addf %scan3A_455, %mul3A_535 : vector<16xf32>
      %mul3A_537 = arith.mulf %get3A_532, %gather3A_500 : vector<16xf32>
      %add3A_538 = arith.addf %scan3A_456, %mul3A_537 : vector<16xf32>
      %mul3A_539 = arith.mulf %get3A_532, %gather3A_508 : vector<16xf32>
      %add3A_540 = arith.addf %scan3A_457, %mul3A_539 : vector<16xf32>
      %get3A_541 = arith.index_cast %scan3A_445 : i32 to index
      %get3A_542 = arith.constant 432 : index
      %get3A_543 = tpu.vector_load %arg6[%get3A_541, %get3A_542] {strides = array<i32>} : memref<64x512xf32, #tpu.memory_space<vmem>>, vector<16xf32>,
      %mul3A_544 = arith.mulf %get3A_543, %gather3A : vector<16xf32>
      %add3A_545 = arith.addf %scan3A_458, %mul3A_544 : vector<16xf32>
      %mul3A_546 = arith.mulf %get3A_543, %gather3A_492 : vector<16xf32>
      %add3A_547 = arith.addf %scan3A_459, %mul3A_546 : vector<16xf32>
      %mul3A_548 = arith.mulf %get3A_543, %gather3A_500 : vector<16xf32>
      %add3A_549 = arith.addf %scan3A_460, %mul3A_548 : vector<16xf32>
      %mul3A_550 = arith.mulf %get3A_543, %gather3A_508 : vector<16xf32>
      %add3A_551 = arith.addf %scan3A_461, %mul3A_550 : vector<16xf32>
      %get3A_552 = arith.index_cast %scan3A_445 : i32 to index
      %get3A_553 = arith.constant 448 : index
      %get3A_554 = tpu.vector_load %arg6[%get3A_552, %get3A_553] {strides = array<i32>} : memref<64x512xf32, #tpu.memory_space<vmem>>, vector<16xf32>,
      %mul3A_555 = arith.mulf %get3A_554, %gather3A : vector<16xf32>
      %add3A_556 = arith.addf %scan3A_462, %mul3A_555 : vector<16xf32>
      %mul3A_557 = arith.mulf %get3A_554, %gather3A_492 : vector<16xf32>
      %add3A_558 = arith.addf %scan3A_463, %mul3A_557 : vector<16xf32>
      %mul3A_559 = arith.mulf %get3A_554, %gather3A_500 : vector<16xf32>
      %add3A_560 = arith.addf %scan3A_464, %mul3A_559 : vector<16xf32>
      %mul3A_561 = arith.mulf %get3A_554, %gather3A_508 : vector<16xf32>
      %add3A_562 = arith.addf %scan3A_465, %mul3A_561 : vector<16xf32>
      %get3A_563 = arith.index_cast %scan3A_445 : i32 to index
      %get3A_564 = arith.constant 464 : index
      %get3A_565 = tpu.vector_load %arg6[%get3A_563, %get3A_564] {strides = array<i32>} : memref<64x512xf32, #tpu.memory_space<vmem>>, vector<16xf32>,
      %mul3A_566 = arith.mulf %get3A_565, %gather3A : vector<16xf32>
      %add3A_567 = arith.addf %scan3A_466, %mul3A_566 : vector<16xf32>
      %mul3A_568 = arith.mulf %get3A_565, %gather3A_492 : vector<16xf32>
      %add3A_569 = arith.addf %scan3A_467, %mul3A_568 : vector<16xf32>
      %mul3A_570 = arith.mulf %get3A_565, %gather3A_500 : vector<16xf32>
      %add3A_571 = arith.addf %scan3A_468, %mul3A_570 : vector<16xf32>
      %mul3A_572 = arith.mulf %get3A_565, %gather3A_508 : vector<16xf32>
      %add3A_573 = arith.addf %scan3A_469, %mul3A_572 : vector<16xf32>
      %get3A_574 = arith.index_cast %scan3A_445 : i32 to index
      %get3A_575 = arith.constant 480 : index
      %get3A_576 = tpu.vector_load %arg6[%get3A_574, %get3A_575] {strides = array<i32>} : memref<64x512xf32, #tpu.memory_space<vmem>>, vector<16xf32>,
      %mul3A_577 = arith.mulf %get3A_576, %gather3A : vector<16xf32>
      %add3A_578 = arith.addf %scan3A_470, %mul3A_577 : vector<16xf32>
      %mul3A_579 = arith.mulf %get3A_576, %gather3A_492 : vector<16xf32>
      %add3A_580 = arith.addf %scan3A_471, %mul3A_579 : vector<16xf32>
      %mul3A_581 = arith.mulf %get3A_576, %gather3A_500 : vector<16xf32>
      %add3A_582 = arith.addf %scan3A_472, %mul3A_581 : vector<16xf32>
      %mul3A_583 = arith.mulf %get3A_576, %gather3A_508 : vector<16xf32>
      %add3A_584 = arith.addf %scan3A_473, %mul3A_583 : vector<16xf32>
      %get3A_585 = arith.index_cast %scan3A_445 : i32 to index
      %get3A_586 = arith.constant 496 : index
      %get3A_587 = tpu.vector_load %arg6[%get3A_585, %get3A_586] {strides = array<i32>} : memref<64x512xf32, #tpu.memory_space<vmem>>, vector<16xf32>,
      %mul3A_588 = arith.mulf %get3A_587, %gather3A : vector<16xf32>
      %add3A_589 = arith.addf %scan3A_474, %mul3A_588 : vector<16xf32>
      %mul3A_590 = arith.mulf %get3A_587, %gather3A_492 : vector<16xf32>
      %add3A_591 = arith.addf %scan3A_475, %mul3A_590 : vector<16xf32>
      %mul3A_592 = arith.mulf %get3A_587, %gather3A_500 : vector<16xf32>
      %add3A_593 = arith.addf %scan3A_476, %mul3A_592 : vector<16xf32>
      %mul3A_594 = arith.mulf %get3A_587, %gather3A_508 : vector<16xf32>
      %add3A_595 = arith.addf %scan3A_477, %mul3A_594 : vector<16xf32>
      scf.yield %add3A_512, %add3A_514, %add3A_516, %add3A_518, %add3A_523, %add3A_525, %add3A_527, %add3A_529, %add3A_534, %add3A_536, %add3A_538, %add3A_540, %add3A_545, %add3A_547, %add3A_549, %add3A_551, %add3A_556, %add3A_558, %add3A_560, %add3A_562, %add3A_567, %add3A_569, %add3A_571, %add3A_573, %add3A_578, %add3A_580, %add3A_582, %add3A_584, %add3A_589, %add3A_591, %add3A_593, %add3A_595 : vector<16xf32>, vector<16xf32>, vector<16xf32>, vector<16xf32>, vector<16xf32>, vector<16xf32>, vector<16xf32>, vector<16xf32>, vector<16xf32>, vector<16xf32>, vector<16xf32>, vector<16xf32>, vector<16xf32>, vector<16xf32>, vector<16xf32>, vector<16xf32>, vector<16xf32>, vector<16xf32>, vector<16xf32>, vector<16xf32>, vector<16xf32>, vector<16xf32>, vector<16xf32>, vector<16xf32>, vector<16xf32>, vector<16xf32>, vector<16xf32>, vector<16xf32>, vector<16xf32>, vector<16xf32>, vector<16xf32>, vector<16xf32>
    }
    %scan3A_344 = arith.constant 64 : i32
    %add3A_345 = arith.constant 3072 : i32
    %add3A_346 = vector.broadcast %add3A_345 : i32 to vector<16xi32>
    %add3A_347 = arith.addi %mul3A_5, %add3A_346 : vector<16xi32>
    tpu.vector_store_idx %arg8[%add3A_347], %scan3A_343#0 : memref<4096xf32, #tpu.memory_space<vmem>>[vector<16xi32>], vector<16xf32>,
    %add3A_348 = arith.constant 3073 : i32
    %add3A_349 = vector.broadcast %add3A_348 : i32 to vector<16xi32>
    %add3A_350 = arith.addi %mul3A_5, %add3A_349 : vector<16xi32>
    tpu.vector_store_idx %arg8[%add3A_350], %scan3A_343#1 : memref<4096xf32, #tpu.memory_space<vmem>>[vector<16xi32>], vector<16xf32>,
    %add3A_351 = arith.constant 3074 : i32
    %add3A_352 = vector.broadcast %add3A_351 : i32 to vector<16xi32>
    %add3A_353 = arith.addi %mul3A_5, %add3A_352 : vector<16xi32>
    tpu.vector_store_idx %arg8[%add3A_353], %scan3A_343#2 : memref<4096xf32, #tpu.memory_space<vmem>>[vector<16xi32>], vector<16xf32>,
    %add3A_354 = arith.constant 3075 : i32
    %add3A_355 = vector.broadcast %add3A_354 : i32 to vector<16xi32>
    %add3A_356 = arith.addi %mul3A_5, %add3A_355 : vector<16xi32>
    tpu.vector_store_idx %arg8[%add3A_356], %scan3A_343#3 : memref<4096xf32, #tpu.memory_space<vmem>>[vector<16xi32>], vector<16xf32>,
    %add3A_357 = arith.constant 3200 : i32
    %add3A_358 = vector.broadcast %add3A_357 : i32 to vector<16xi32>
    %add3A_359 = arith.addi %mul3A_5, %add3A_358 : vector<16xi32>
    tpu.vector_store_idx %arg8[%add3A_359], %scan3A_343#4 : memref<4096xf32, #tpu.memory_space<vmem>>[vector<16xi32>], vector<16xf32>,
    %add3A_360 = arith.constant 3201 : i32
    %add3A_361 = vector.broadcast %add3A_360 : i32 to vector<16xi32>
    %add3A_362 = arith.addi %mul3A_5, %add3A_361 : vector<16xi32>
    tpu.vector_store_idx %arg8[%add3A_362], %scan3A_343#5 : memref<4096xf32, #tpu.memory_space<vmem>>[vector<16xi32>], vector<16xf32>,
    %add3A_363 = arith.constant 3202 : i32
    %add3A_364 = vector.broadcast %add3A_363 : i32 to vector<16xi32>
    %add3A_365 = arith.addi %mul3A_5, %add3A_364 : vector<16xi32>
    tpu.vector_store_idx %arg8[%add3A_365], %scan3A_343#6 : memref<4096xf32, #tpu.memory_space<vmem>>[vector<16xi32>], vector<16xf32>,
    %add3A_366 = arith.constant 3203 : i32
    %add3A_367 = vector.broadcast %add3A_366 : i32 to vector<16xi32>
    %add3A_368 = arith.addi %mul3A_5, %add3A_367 : vector<16xi32>
    tpu.vector_store_idx %arg8[%add3A_368], %scan3A_343#7 : memref<4096xf32, #tpu.memory_space<vmem>>[vector<16xi32>], vector<16xf32>,
    %add3A_369 = arith.constant 3328 : i32
    %add3A_370 = vector.broadcast %add3A_369 : i32 to vector<16xi32>
    %add3A_371 = arith.addi %mul3A_5, %add3A_370 : vector<16xi32>
    tpu.vector_store_idx %arg8[%add3A_371], %scan3A_343#8 : memref<4096xf32, #tpu.memory_space<vmem>>[vector<16xi32>], vector<16xf32>,
    %add3A_372 = arith.constant 3329 : i32
    %add3A_373 = vector.broadcast %add3A_372 : i32 to vector<16xi32>
    %add3A_374 = arith.addi %mul3A_5, %add3A_373 : vector<16xi32>
    tpu.vector_store_idx %arg8[%add3A_374], %scan3A_343#9 : memref<4096xf32, #tpu.memory_space<vmem>>[vector<16xi32>], vector<16xf32>,
    %add3A_375 = arith.constant 3330 : i32
    %add3A_376 = vector.broadcast %add3A_375 : i32 to vector<16xi32>
    %add3A_377 = arith.addi %mul3A_5, %add3A_376 : vector<16xi32>
    tpu.vector_store_idx %arg8[%add3A_377], %scan3A_343#10 : memref<4096xf32, #tpu.memory_space<vmem>>[vector<16xi32>], vector<16xf32>,
    %add3A_378 = arith.constant 3331 : i32
    %add3A_379 = vector.broadcast %add3A_378 : i32 to vector<16xi32>
    %add3A_380 = arith.addi %mul3A_5, %add3A_379 : vector<16xi32>
    tpu.vector_store_idx %arg8[%add3A_380], %scan3A_343#11 : memref<4096xf32, #tpu.memory_space<vmem>>[vector<16xi32>], vector<16xf32>,
    %add3A_381 = arith.constant 3456 : i32
    %add3A_382 = vector.broadcast %add3A_381 : i32 to vector<16xi32>
    %add3A_383 = arith.addi %mul3A_5, %add3A_382 : vector<16xi32>
    tpu.vector_store_idx %arg8[%add3A_383], %scan3A_343#12 : memref<4096xf32, #tpu.memory_space<vmem>>[vector<16xi32>], vector<16xf32>,
    %add3A_384 = arith.constant 3457 : i32
    %add3A_385 = vector.broadcast %add3A_384 : i32 to vector<16xi32>
    %add3A_386 = arith.addi %mul3A_5, %add3A_385 : vector<16xi32>
    tpu.vector_store_idx %arg8[%add3A_386], %scan3A_343#13 : memref<4096xf32, #tpu.memory_space<vmem>>[vector<16xi32>], vector<16xf32>,
    %add3A_387 = arith.constant 3458 : i32
    %add3A_388 = vector.broadcast %add3A_387 : i32 to vector<16xi32>
    %add3A_389 = arith.addi %mul3A_5, %add3A_388 : vector<16xi32>
    tpu.vector_store_idx %arg8[%add3A_389], %scan3A_343#14 : memref<4096xf32, #tpu.memory_space<vmem>>[vector<16xi32>], vector<16xf32>,
    %add3A_390 = arith.constant 3459 : i32
    %add3A_391 = vector.broadcast %add3A_390 : i32 to vector<16xi32>
    %add3A_392 = arith.addi %mul3A_5, %add3A_391 : vector<16xi32>
    tpu.vector_store_idx %arg8[%add3A_392], %scan3A_343#15 : memref<4096xf32, #tpu.memory_space<vmem>>[vector<16xi32>], vector<16xf32>,
    %add3A_393 = arith.constant 3584 : i32
    %add3A_394 = vector.broadcast %add3A_393 : i32 to vector<16xi32>
    %add3A_395 = arith.addi %mul3A_5, %add3A_394 : vector<16xi32>
    tpu.vector_store_idx %arg8[%add3A_395], %scan3A_343#16 : memref<4096xf32, #tpu.memory_space<vmem>>[vector<16xi32>], vector<16xf32>,
    %add3A_396 = arith.constant 3585 : i32
    %add3A_397 = vector.broadcast %add3A_396 : i32 to vector<16xi32>
    %add3A_398 = arith.addi %mul3A_5, %add3A_397 : vector<16xi32>
    tpu.vector_store_idx %arg8[%add3A_398], %scan3A_343#17 : memref<4096xf32, #tpu.memory_space<vmem>>[vector<16xi32>], vector<16xf32>,
    %add3A_399 = arith.constant 3586 : i32
    %add3A_400 = vector.broadcast %add3A_399 : i32 to vector<16xi32>
    %add3A_401 = arith.addi %mul3A_5, %add3A_400 : vector<16xi32>
    tpu.vector_store_idx %arg8[%add3A_401], %scan3A_343#18 : memref<4096xf32, #tpu.memory_space<vmem>>[vector<16xi32>], vector<16xf32>,
    %add3A_402 = arith.constant 3587 : i32
    %add3A_403 = vector.broadcast %add3A_402 : i32 to vector<16xi32>
    %add3A_404 = arith.addi %mul3A_5, %add3A_403 : vector<16xi32>
    tpu.vector_store_idx %arg8[%add3A_404], %scan3A_343#19 : memref<4096xf32, #tpu.memory_space<vmem>>[vector<16xi32>], vector<16xf32>,
    %add3A_405 = arith.constant 3712 : i32
    %add3A_406 = vector.broadcast %add3A_405 : i32 to vector<16xi32>
    %add3A_407 = arith.addi %mul3A_5, %add3A_406 : vector<16xi32>
    tpu.vector_store_idx %arg8[%add3A_407], %scan3A_343#20 : memref<4096xf32, #tpu.memory_space<vmem>>[vector<16xi32>], vector<16xf32>,
    %add3A_408 = arith.constant 3713 : i32
    %add3A_409 = vector.broadcast %add3A_408 : i32 to vector<16xi32>
    %add3A_410 = arith.addi %mul3A_5, %add3A_409 : vector<16xi32>
    tpu.vector_store_idx %arg8[%add3A_410], %scan3A_343#21 : memref<4096xf32, #tpu.memory_space<vmem>>[vector<16xi32>], vector<16xf32>,
    %add3A_411 = arith.constant 3714 : i32
    %add3A_412 = vector.broadcast %add3A_411 : i32 to vector<16xi32>
    %add3A_413 = arith.addi %mul3A_5, %add3A_412 : vector<16xi32>
    tpu.vector_store_idx %arg8[%add3A_413], %scan3A_343#22 : memref<4096xf32, #tpu.memory_space<vmem>>[vector<16xi32>], vector<16xf32>,
    %add3A_414 = arith.constant 3715 : i32
    %add3A_415 = vector.broadcast %add3A_414 : i32 to vector<16xi32>
    %add3A_416 = arith.addi %mul3A_5, %add3A_415 : vector<16xi32>
    tpu.vector_store_idx %arg8[%add3A_416], %scan3A_343#23 : memref<4096xf32, #tpu.memory_space<vmem>>[vector<16xi32>], vector<16xf32>,
    %add3A_417 = arith.constant 3840 : i32
    %add3A_418 = vector.broadcast %add3A_417 : i32 to vector<16xi32>
    %add3A_419 = arith.addi %mul3A_5, %add3A_418 : vector<16xi32>
    tpu.vector_store_idx %arg8[%add3A_419], %scan3A_343#24 : memref<4096xf32, #tpu.memory_space<vmem>>[vector<16xi32>], vector<16xf32>,
    %add3A_420 = arith.constant 3841 : i32
    %add3A_421 = vector.broadcast %add3A_420 : i32 to vector<16xi32>
    %add3A_422 = arith.addi %mul3A_5, %add3A_421 : vector<16xi32>
    tpu.vector_store_idx %arg8[%add3A_422], %scan3A_343#25 : memref<4096xf32, #tpu.memory_space<vmem>>[vector<16xi32>], vector<16xf32>,
    %add3A_423 = arith.constant 3842 : i32
    %add3A_424 = vector.broadcast %add3A_423 : i32 to vector<16xi32>
    %add3A_425 = arith.addi %mul3A_5, %add3A_424 : vector<16xi32>
    tpu.vector_store_idx %arg8[%add3A_425], %scan3A_343#26 : memref<4096xf32, #tpu.memory_space<vmem>>[vector<16xi32>], vector<16xf32>,
    %add3A_426 = arith.constant 3843 : i32
    %add3A_427 = vector.broadcast %add3A_426 : i32 to vector<16xi32>
    %add3A_428 = arith.addi %mul3A_5, %add3A_427 : vector<16xi32>
    tpu.vector_store_idx %arg8[%add3A_428], %scan3A_343#27 : memref<4096xf32, #tpu.memory_space<vmem>>[vector<16xi32>], vector<16xf32>,
    %add3A_429 = arith.constant 3968 : i32
    %add3A_430 = vector.broadcast %add3A_429 : i32 to vector<16xi32>
    %add3A_431 = arith.addi %mul3A_5, %add3A_430 : vector<16xi32>
    tpu.vector_store_idx %arg8[%add3A_431], %scan3A_343#28 : memref<4096xf32, #tpu.memory_space<vmem>>[vector<16xi32>], vector<16xf32>,
    %add3A_432 = arith.constant 3969 : i32
    %add3A_433 = vector.broadcast %add3A_432 : i32 to vector<16xi32>
    %add3A_434 = arith.addi %mul3A_5, %add3A_433 : vector<16xi32>
    tpu.vector_store_idx %arg8[%add3A_434], %scan3A_343#29 : memref<4096xf32, #tpu.memory_space<vmem>>[vector<16xi32>], vector<16xf32>,
    %add3A_435 = arith.constant 3970 : i32
    %add3A_436 = vector.broadcast %add3A_435 : i32 to vector<16xi32>
    %add3A_437 = arith.addi %mul3A_5, %add3A_436 : vector<16xi32>
    tpu.vector_store_idx %arg8[%add3A_437], %scan3A_343#30 : memref<4096xf32, #tpu.memory_space<vmem>>[vector<16xi32>], vector<16xf32>,
    %add3A_438 = arith.constant 3971 : i32
    %add3A_439 = vector.broadcast %add3A_438 : i32 to vector<16xi32>
    %add3A_440 = arith.addi %mul3A_5, %add3A_439 : vector<16xi32>
    tpu.vector_store_idx %arg8[%add3A_440], %scan3A_343#31 : memref<4096xf32, #tpu.memory_space<vmem>>[vector<16xi32>], vector<16xf32>,
    %add3A_441 = arith.constant 11264 : i32
    %add3A_442 = arith.addi %mul3A_2, %add3A_441 : i32
    %mul3A_443 = arith.constant 8 : i32
    %mul3A_444 = arith.muli %add3A_442, %mul3A_443 : i32
    "tpu.region"() ({
      %run_scoped3A = tpu.sem_alloc : memref<!tpu.dma_semaphore, #tpu.memory_space<semaphore_mem>>
      %dma_start3A_445 = tpu.memref_slice %arg4[%mul3A_444] : memref<3014656xf32, #tpu.memory_space<hbm>> -> memref<4096xf32, #tpu.memory_space<hbm>>
      %dma_start3A_446 = tpu.memref_slice %arg4[%mul3A_444] : memref<3014656xf32, #tpu.memory_space<hbm>> -> memref<4096xf32, #tpu.memory_space<hbm>>
      tpu.enqueue_dma source(%arg8 : memref<4096xf32, #tpu.memory_space<vmem>>) target(%dma_start3A_446 : memref<4096xf32, #tpu.memory_space<hbm>>) target_semaphore(%run_scoped3A : memref<!tpu.dma_semaphore, #tpu.memory_space<semaphore_mem>>)
      %dma_wait3A_447 = tpu.memref_slice %arg4[%mul3A_444] : memref<3014656xf32, #tpu.memory_space<hbm>> -> memref<4096xf32, #tpu.memory_space<hbm>>
      %dma_wait3A_448 = tpu.memref_slice %arg4[%mul3A_444] : memref<3014656xf32, #tpu.memory_space<hbm>> -> memref<4096xf32, #tpu.memory_space<hbm>>
      tpu.wait_dma2 semaphore(%run_scoped3A : memref<!tpu.dma_semaphore, #tpu.memory_space<semaphore_mem>>) src(%arg8 : memref<4096xf32, #tpu.memory_space<vmem>>) dst(%dma_wait3A_448 : memref<4096xf32, #tpu.memory_space<hbm>>)
      tpu.yield
    }) : () -> ()
    return
  }
}

</mosaic_0001>

<sc_bundles>
// kernel: _sc_class_table.3.cloned.1.call-start
scs
__scs_entry_jumppad:
0x0: {  	(pc) =	sbr.rel $0x88, $3  }
0x1: {  	(tag) =	ssettag $0x0;
	lr =	simm.s32 $0x1  }
0x2: {  	[smem:$0x3F9F] =	sst lr;
	_ =	strace $0xD0000000  }
0x3: {  	_ = 	snop  }
0x4: {  	_ = 	snop  }
0x5: {  	_ = 	snop  }
0x6: {  	_ = 	snop  }
0x7: {  	_ = 	snop  }
__scs_overlays_trampoline_lowered:
0x8: {  	[smem:$0x3FAE] =	sst s0  }
0x9: {  	[smem:$0x3FAF] =	sst s1  }
0xa: {  	[smem:$0x3FB0] =	sst s2  }
0xb: {  	[smem:$0x3FB1] =	sst s3  }
0xc: {  	[smem:$0x3FB2] =	sst s4  }
0xd: {  	[smem:$0x3FB3] =	sst s5  }
0xe: {  	[smem:$0x3FB4] =	sst s6  }
0xf: {  	[smem:$0x3FB5] =	sst s7  }
0x10: {  	[smem:$0x3FB6] =	sst s8  }
0x11: {  	[smem:$0x3FB7] =	sst s9;
	s0 =	simm.s32 @!p0 $0x0  }
0x12: {  	s1 =	sld [smem:$0x3F9D];
	s0 =	simm.s32 @p0 $0x1  }
0x13: {  	[smem:$0x3FB8] =	sst s0;
	s0 =	simm.s32 @!p1 $0x0  }
0x14: {  	s2 =	sld [smem:$0x3F9C];
	s0 =	simm.s32 @p1 $0x1  }
0x15: {  	[smem:$0x3FB9] =	sst s0;
	s0 =	simm.s32 @!p2 $0x0  }
0x16: {  	s3 =	sld [smem:$0x3FDB];
	s0 =	simm.s32 @p2 $0x1  }
0x17: {  	s4 =	simm.s32 $0x1BF5;
	[smem:$0x3FBB] =	sst s0  }
0x18: {  	s0 =	sld [smem:$0x3F9E];
	_ =	swait.ge [sflag:s4], $0x0  }
0x19: {  	s7 =	sld [smem:$0x3F9F]  }
0x1a: {  	s8 =	sadd.s32 $0xFFFFE003, lr  }
0x1b: {  	s9 =	sadd.s32 $0xFFFFFEF7, lr;
	s5 =	simm.s32 $0xFFFFFFFF;
	p2 =	slt.u32 s8, $0xFFFFF086  }
0x1c: {  	p1 =	slt.u32 s9, $0xF7A;
	s5 =	simm.s32 @!p2 $0x0  }
0x1d: {  	s5 =	simm.s32 @p1 $0x1;
	p0 =	seq.s32 s7, s2  }
0x1e: {  	s7 =	smul.u32 @!p0 $0xF7A, s2;
	p2 =	seq.s32 @!p0 s5, $0x0  }
0x1f: {  	s9 =	smul.u32 $0xF7A, s1;
	s8 =	simm.s32 @!p0 $0x1BF5;
	p2 =	por !p2, p0  }
0x20: {  	[sflag:s8] =	ssyncset.s32 @!p0 $0xFFFFF086;
	s6 =	sadd.s32 @!p0 s3, s7;
	s7 =	simm.s32 @!p0 $0x108  }
0x21: {  	s3 =	sadd.s32 s3, s9;
	s6 =	sadd.s32 @!p0 $0x88, s6;
	s7 =	simm.s32 @p2 $0x1082  }
0x22: {  	[simem:s7], [sflag:s8] =	dma.local @!p0 [hbm:s6], $0xF7A  }
0x23: {  	s9 =	sor.u32 $0xD0000000, s2;
	s6 =	simm.s32 $0x108;
	_ =	swait.ge @!p0 [sflag:s8], $0x0  }
0x24: {  	s3 =	sadd.s32 $0x88, s3;
	s6 =	simm.s32 @!p1 $0x1082;
	[sflag:s4] =	ssyncset.s32 $0xFFFFF086  }
0x25: {  	[simem:s6], [sflag:s4] =	dma.local [hbm:s3], $0xF7A  }
0x26: {  	[smem:$0x3F9F] =	sst s1;
	(tag) =	ssettag s2;
	_ =	strace s9  }
0x27: {  	s1 =	sld [smem:$0x3FAF]  }
0x28: {  	s2 =	sld [smem:$0x3FB0]  }
0x29: {  	s4 =	sld [smem:$0x3FB2]  }
0x2a: {  	p0 =	seq.s32 s5, $0x0;
	s5 =	sld [smem:$0x3FB3]  }
0x2b: {  	s6 =	sld [smem:$0x3FB4]  }
0x2c: {  	s7 =	sld [smem:$0x3FB5]  }
0x2d: {  	s3 =	simm.s32 $0x108;
	s8 =	sld [smem:$0x3FB6]  }
0x2e: {  	s3 =	simm.s32 @!p0 $0x1082;
	s9 =	sld [smem:$0x3FB7]  }
0x2f: {  	lr =	sadd.s32 s0, s3;
	s0 =	sld [smem:$0x3FAE]  }
0x30: {  	s3 =	sld [smem:$0x3FB1]  }
0x31: {  	[smem:$0x3FBA] =	sst s10  }
0x32: {  	s10 =	sld [smem:$0x3FB8];
	_ =	sdelay $0x3  }
0x33: {  	p0 =	seq.s32 s10, $0x1;
	s10 =	sld [smem:$0x3FBA];
	_ =	sdelay $0x3  }
0x34: {  	[smem:$0x3FBA] =	sst s10  }
0x35: {  	s10 =	sld [smem:$0x3FB9];
	_ =	sdelay $0x3  }
0x36: {  	p1 =	seq.s32 s10, $0x1;
	s10 =	sld [smem:$0x3FBA];
	_ =	sdelay $0x3  }
0x37: {  	[smem:$0x3FBA] =	sst s10  }
0x38: {  	s10 =	sld [smem:$0x3FBB]  }
0x39: {  	_ = 	snop;
	(pc) =	sbr.ind lr, $3  }
0x3a: {  	_ = 	snop  }
0x3b: {  	_ = 	snop  }
0x3c: {  	p2 =	seq.s32 s10, $0x1;
	s10 =	sld [smem:$0x3FBA]  }
0x3d: {  	_ =	shalt  }
0x3e: {  	_ =	shalt  }
0x3f: {  	_ =	shalt  }
0x40: {  	_ =	shalt  }
0x41: {  	_ =	shalt  }
0x42: {  	_ =	shalt  }
0x43: {  	_ =	shalt  }
0x44: {  	_ =	shalt  }
0x45: {  	_ =	shalt  }
0x46: {  	_ =	shalt  }
0x47: {  	_ =	shalt  }
0x48: {  	_ =	shalt  }
0x49: {  	_ =	shalt  }
0x4a: {  	_ =	shalt  }
0x4b: {  	_ =	shalt  }
0x4c: {  	_ =	shalt  }
0x4d: {  	_ =	shalt  }
0x4e: {  	_ =	shalt  }
0x4f: {  	_ =	shalt  }
0x50: {  	_ =	shalt  }
0x51: {  	_ =	shalt  }
0x52: {  	_ =	shalt  }
0x53: {  	_ =	shalt  }
0x54: {  	_ =	shalt  }
0x55: {  	_ =	shalt  }
0x56: {  	_ =	shalt  }
0x57: {  	_ =	shalt  }
0x58: {  	_ =	shalt  }
0x59: {  	_ =	shalt  }
0x5a: {  	_ =	shalt  }
0x5b: {  	_ =	shalt  }
0x5c: {  	_ =	shalt  }
0x5d: {  	_ =	shalt  }
0x5e: {  	_ =	shalt  }
0x5f: {  	_ =	shalt  }
0x60: {  	_ =	shalt  }
0x61: {  	_ =	shalt  }
0x62: {  	_ =	shalt  }
0x63: {  	_ =	shalt  }
0x64: {  	_ =	shalt  }
0x65: {  	_ =	shalt  }
0x66: {  	_ =	shalt  }
0x67: {  	_ =	shalt  }
0x68: {  	_ =	shalt  }
0x69: {  	_ =	shalt  }
0x6a: {  	_ =	shalt  }
0x6b: {  	_ =	shalt  }
0x6c: {  	_ =	shalt  }
0x6d: {  	_ =	shalt  }
0x6e: {  	_ =	shalt  }
0x6f: {  	_ =	shalt  }
0x70: {  	_ =	shalt  }
0x71: {  	_ =	shalt  }
0x72: {  	_ =	shalt  }
0x73: {  	_ =	shalt  }
0x74: {  	_ =	shalt  }
0x75: {  	_ =	shalt  }
0x76: {  	_ =	shalt  }
0x77: {  	_ =	shalt  }
0x78: {  	_ =	shalt  }
0x79: {  	_ =	shalt  }
0x7a: {  	_ =	shalt  }
0x7b: {  	_ =	shalt  }
0x7c: {  	_ =	shalt  }
0x7d: {  	_ =	shalt  }
0x7e: {  	_ =	shalt  }
0x7f: {  	_ =	shalt  }
0x80: {  	_ =	shalt  }
0x81: {  	_ =	shalt  }
0x82: {  	_ =	shalt  }
0x83: {  	_ =	shalt  }
0x84: {  	_ =	shalt  }
0x85: {  	_ =	shalt  }
0x86: {  	_ =	shalt  }
0x87: {  	_ =	shalt  }
.Lfunc_end0:
.L_simem_size_0:
called_computation_lowered:
.L_overlay_start_0:
0x88: {  	s2 =	sld [smem:$0x3FD9]  }
0x89: {  	s3 =	sld [smem:$0x3FFE];
	_ =	sdelay $0x1  }
0x8a: {  	s1 =	srdreg.scid  }
0x8b: {  	s0 =	sand.u32 $0x1, s1  }
0x8c: {  	s17 =	sshll.u32 s0, $0xA;
	s2 =	sadd.s32 s3, s2  }
0x8d: {  	s2 =	sadd.s32 s2, s17  }
0x8e: {  	[smem:$0x3FC6] =	sst s2  }
0x8f: {  	_ = 	snop  }
0x90: {  	s2 =	sld [smem:$0x3FC9]  }
0x91: {  	s18 =	sld [smem:$0x3FD0];
	(tm) =	ssettm $0x1  }
0x92: {  	s4 =	sld [smem:$0x3FFB];
	_ =	sdelay $0x3  }
0x93: {  	_ =	strace s4  }
0x94: {  	s4 =	sld [smem:$0x3FFC];
	_ =	sdelay $0x3  }
0x95: {  	_ =	strace s4  }
0x96: {  	s4 =	sld [smem:$0x3FFD];
	_ =	sdelay $0x3  }
0x97: {  	_ =	strace s4  }
0x98: {  	_ =	strace $0x8FFFFFFF  }
0x99: {  	s19 =	sld [smem:$0x3FDB];
	_ =	sdelay $0x1  }
0x9a: {  	s5 =	simm.s32 $_scs_section_size  }
0x9b: {  	s6 =	simm.s32 $_size__tile_overlayer_lowered;
	s7 =	simm.s32 $_tile_overlayer_lowered  }
0x9c: {  	s22 =	simm.s32 $0x1BFF;
	s21 =	sshll.u32 s7, $0x1;
	s4 =	sadd.s32 s5, s19  }
0x9d: {  	s8 =	simm.s32 $0x0;
	s20 =	sshll.u32 s6, $0x1;
	s6 =	sadd.s32 s21, s4  }
0x9e: {  	[timem:s8], [sflag:s22] =	dma.local [hbm:s6], s20  }
0x9f: {  	_ =	swait.ge [sflag:s22], s20  }
0xa0: {  	s5 =	ssub.s32 $0x0, s20;
	[sflag:s22] =	ssyncset.done $0x0  }
0xa1: {  	[sflag:s22] =	ssyncadd.s32 s5;
	_ =	sdelay $0x1  }
0xa2: {  	s23 =	simm.s32 $0x1B8B  }
0xa3: {  	_ =	swait.ge [sflag:s23], $0x1  }
0xa4: {  	[sflag:s23] =	ssyncset.done $0x0  }
0xa5: {  	s25 =	simm.s32 $0x1B8E;
	s24 =	sld [smem:$0x3FFE];
	[sflag:s23] =	ssyncadd.s32 $0xFFFFFFFF  }
0xa6: {  	s26 =	simm.s32 $execute0_lowered;
	[smem:$0x3FD2] =	sst s25  }
0xa7: {  	s6 =	sshll.u32 s26, $0x1;
	_ =	strace $0x80000046;
	[dreg:$0x1] =	wrdreg $0xFFFFFFFF  }
0xa8: {  	s28 =	simm.s32 $_size_execute0_lowered;
	s4 =	sadd.s32 s4, s6;
	[dreg:$0x0] =	wrdreg $0x0  }
0xa9: {  	s6 =	sshll.u32 s28, $0x1;
	[dreg:$0x2] =	wrdreg s4  }
0xaa: {  	[dreg:$0x3] =	wrdreg s6  }
0xab: {  	[dreg:$0x4] =	wrdreg $0xC0  }
0xac: {  	_ =	task [dreg:s8], $0x5FFFF  }
0xad: {  	[dreg:$0x1] =	wrdreg $0xFFFFFFFF  }
0xae: {  	[dreg:$0x0] =	wrdreg $0x60  }
0xaf: {  	[dreg:$0x2] =	wrdreg s2  }
0xb0: {  	[dreg:$0x3] =	wrdreg s24  }
0xb1: {  	[dreg:$0x4] =	wrdreg s18  }
0xb2: {  	[dreg:$0x5] =	wrdreg $0x9  }
0xb3: {  	_ =	task.clear_ibuf [dreg:s8], $0x6FFFF;
	_ =	strace $0x90000046  }
0xb4: {  	s29 =	simm.s32 $0x9;
	_ =	strace $0x80000048  }
0xb5: {  	_ =	swait.ge [sflag:s29], $0x1  }
0xb6: {  	[sflag:s29] =	ssyncadd.s32 $0xFFFFFFFF  }
0xb7: {  	_ =	strace $0x90000048  }
0xb8: {  	_ =	sfence  }
0xb9: {  	s30 =	sld [smem:$0x0];
	_ =	sdelay $0x2  }
0xba: {  	s31 =	sshll.u32 s1, $0xD;
	s1 =	sshrl.u32 s1, $0x2  }
0xbb: {  	s3 =	sand.u32 $0x4000, s31;
	s1 =	sadd.s32 s1, s30  }
0xbc: {  	s0 =	sor.u32 s3, s0;
	s1 =	sshll.u32 s1, $0x11  }
0xbd: {  	s0 =	sor.u32 s1, s0  }
0xbe: {  	s0 =	sadd.s32 $0x8F2B, s0  }
0xbf: {  	[sflag:s0] =	ssyncadd.remote.s32 $0x1  }
0xc0: {  	_ =	sfence.sel $0xFFFF  }
0xc1: {  	[dreg:$0x0] =	wrdreg $0xFFFFFFFF;
	(pc) =	sbr.abs _section_cstart, $3  }
0xc2: {  	[dreg:$0x1] =	wrdreg $0xFFFFFFFF  }
0xc3: {  	_ =	task.clear_ibuf [dreg:s8], $0x2FFFF;
	_ =	strace $0x9FFFFFFF  }
0xc4: {  	(tm) =	ssettm $0x7FFFFFFF  }
0xc5: {  	_ =	shalt  }
tec
execute0_lowered:
.L_overlay_start_1:
0x0: {  	(tag) =	ssettag $0x1  }
0x1: {  	s1 =	rddreg [dreg:$0x0];
	v0 =	vlaneseq.u32  }
0x2: {  	s6 =	rddreg [dreg:$0x1];
	v0 =	vmul.u32 $0x8, v0  }
0x3: {  	s3 =	rddreg [dreg:$0x2];
	s4 =	simm.s32 $0x0  }
0x4: {  	s2 =	srdreg.scid;
	[smem:$0x7FF] =	sst s4;
	v1 =	vor.u32 $0x1, v0  }
0x5: {  	s7 =	sand.u32 $0x1, s2;
	s2 =	rddreg [dreg:$0x3];
	_ =	strace $0x80000047;
	[tilespmem:$0x1FEF0] =	vst v1;
	v1 =	vor.u32 $0x2, v0  }
0x6: {  	[tilespmem:$0x1FF00] =	vst v1;
	v1 =	vor.u32 $0x3, v0  }
0x7: {  	[tilespmem:$0x1FF10] =	vst v1;
	v1 =	vor.u32 $0x80, v0  }
0x8: {  	[tilespmem:$0x1FF20] =	vst v1;
	v1 =	vor.u32 $0x81, v0  }
0x9: {  	[tilespmem:$0x1FF30] =	vst v1;
	v1 =	vor.u32 $0x82, v0  }
0xa: {  	[tilespmem:$0x1FF40] =	vst v1;
	v1 =	vor.u32 $0x83, v0  }
0xb: {  	[tilespmem:$0x1FF50] =	vst v1;
	v1 =	vor.u32 $0x100, v0  }
0xc: {  	[tilespmem:$0x1FF60] =	vst v1;
	v1 =	vor.u32 $0x101, v0  }
0xd: {  	[tilespmem:$0x1FF70] =	vst v1;
	v1 =	vor.u32 $0x102, v0  }
0xe: {  	s0 =	stileid.u32;
	s12 =	simm.s32 $0x1000;
	s13 =	simm.s32 $0x7A1400;
	[tilespmem:$0x1FF80] =	vst v1;
	v1 =	vor.u32 $0x103, v0  }
0xf: {  	s14 =	simm.s32 $0x100;
	s15 =	simm.s32 $0x8100;
	s5 =	sshll.u32 s0, $0x1;
	[tilespmem:$0x1FF90] =	vst v1;
	v1 =	vor.u32 $0x180, v0  }
0x10: {  	s16 =	simm.s32 $0x1;
	s17 =	simm.s32 $0x10100;
	s8 =	sor.u32 s7, s5;
	[tilespmem:$0x1FFA0] =	vst v1;
	v1 =	vor.u32 $0x181, v0  }
0x11: {  	s18 =	simm.s32 $0x2;
	s7 =	ssub.s32 $0x2, s7;
	s5 =	smul.u32 $0x17000, s8;
	[tilespmem:$0x1FFB0] =	vst v1;
	v1 =	vor.u32 $0x182, v0  }
0x12: {  	s19 =	simm.s32 $0x0;
	s8 =	smul.u32 $0x2E00, s8;
	s9 =	sshrl.u32 s7, $0x1;
	[tilespmem:$0x1FFC0] =	vst v1;
	v1 =	vor.u32 $0x183, v0  }
0x13: {  	s6 =	sadd.s32 $0x400, s6;
	s11 =	ssub.s32 s7, s9;
	s10 =	sshrl.u32 s5, $0x3;
	[tilespmem:$0x1FFD0] =	vst v1;
	v1 =	vor.u32 $0x200, v0  }
0x14: {  	s7 =	sadd.s32 s1, s8;
	s8 =	sadd.s32 $0x2000, s5;
	s31 =	sadd.s32 s3, s10;
	[tilespmem:$0x1FFE0] =	vst v1;
	v1 =	vor.u32 $0x201, v0  }
0x15: {  	s10 =	smax.u32 s11, $0x1;
	s11 =	simm.s32 $0x3;
	s9 =	sadd.s32 $0x2C00, s31;
	[tilespmem:$0x1FFF0] =	vst v1  }
.LBB2_1:
0x16: {  	[tilespmem:s4], [sflag:$0x3] =	stream.linear.gather [hbm4b:s6+s4], $0x100, $0x38;
	[tilespmem:$0x11100] =	vst v63  }
0x17: {  	_ =	swait.ge [sflag:s11], $0x100  }
0x18: {  	[sflag:s11] =	ssyncset.done $0x0  }
0x19: {  	s20 =	simm.s32 $0x0;
	[sflag:s11] =	ssyncadd.s32 $0xFFFFFF00  }
0x1a: {  	[tilespmem:s14], [sflag:$0x1] =	stream.strided.gather [hbm4b:s7+s12], $0x8000, s13, s12, $0x38;
	[tilespmem:$0x11100] =	vst v63  }
.LBB2_2:
0x1b: {  	s22 =	sshll.u32 s20, $0xD  }
0x1c: {  	s21 =	sadd.s32 s22, s5  }
0x1d: {  	s21 =	sadd.s32 $0x1000, s21  }
0x1e: {  	s23 =	simm.s32 $0x0;
	s21 =	sshrl.u32 s21, $0x3  }
0x1f: {  	v1 =	vmov s23;
	s24 =	sadd.s32 s1, s21  }
0x20: {  	[tilespmem:s15], [sflag:$0x2] =	stream.strided.gather [hbm4b:s24+s12], $0x8000, s13, s12, $0x38;
	[tilespmem:$0x11100] =	vst v63  }
0x21: {  	_ =	swait.ge [sflag:s16], $0x8000  }
0x22: {  	[sflag:s16] =	ssyncset.done $0x0  }
0x23: {  	s30 =	sand.u32 $0x7000, s23;
	s23 =	sand.u32 $0x380, s23;
	v2 =	vor.u32 $0x80, v1;
	[sflag:s16] =	ssyncadd.s32 $0xFFFF8000  }
0x24: {  	s23 =	sor.u32 s23, s30;
	v3 =	vld.idx.msk [tilespmem:v1+s4+$0x0], $0xffff  }
0x25: {  	v7 =	vld [tilespmem:s23+$0x150]  }
0x26: {  	v4 =	vor.u32 $0xC0, v1;
	v8 =	vld [tilespmem:s23+$0x120]  }
0x27: {  	v14 =	vld [tilespmem:s23+$0x100]  }
0x28: {  	v17 =	vld.idx.msk [tilespmem:v2+s4+$0x0], $0xffff  }
0x29: {  	v16 =	vld [tilespmem:s23+$0x160]  }
0x2a: {  	v1 =	vor.u32 $0x40, v1;
	v12 =	vld [tilespmem:s23+$0x130]  }
0x2b: {  	v18 =	vld.idx.msk [tilespmem:v4+s4+$0x0], $0xffff  }
0x2c: {  	v28 =	vld [tilespmem:s23+$0x140]  }
0x2d: {  	v19 =	vld [tilespmem:s23+$0x110];
	v2 =	vmul.f32 v8, v3  }
0x2e: {  	v35 =	vld [tilespmem:s23+$0x170];
	v5 =	vmul.f32 v7, v3;
	v4 =	vmul.f32 v14, v3  }
0x2f: {  	v22 =	vimm.f32 $0.0e+00;
	s31 =	simm.s32 $0x1;
	v32 =	vld.idx.msk [tilespmem:v1+s4+$0x0], $0xffff;
	v1 =	vmul.f32 v8, v17;
	v9 =	vmul.f32 v16, v3  }
0x30: {  	v27 =	vmov s31;
	v6 =	vmul.f32 v7, v17;
	v24 =	vmul.f32 v14, v18  }
0x31: {  	v41 =	vor.u32 $0x40, v27;
	v26 =	vmul.f32 v8, v18;
	v15 =	vmul.f32 v16, v17  }
0x32: {  	v38 =	vor.u32 $0x80, v27;
	v20 =	vmul.f32 v19, v3;
	v37 =	vmul.f32 v19, v18  }
0x33: {  	v39 =	vor.u32 $0xC0, v27;
	v21 =	vmul.f32 v28, v17;
	v25 =	vmul.f32 v35, v17  }
0x34: {  	v31 =	vmul.f32 v19, v17;
	v47 =	vmul.f32 v12, v18;
	v13 =	vadd.f32 v2, v22  }
0x35: {  	v42 =	vmul.f32 v35, v18;
	v23 =	vadd.f32 v4, v22;
	v10 =	vadd.f32 v1, v22  }
0x36: {  	v43 =	vmul.f32 v16, v18;
	v4 =	vadd.f32 v6, v22;
	v6 =	vadd.f32 v5, v22  }
0x37: {  	v2 =	vmul.f32 v12, v3;
	v5 =	vadd.f32 v9, v22;
	v29 =	vadd.f32 v20, v22  }
0x38: {  	v46 =	vmul.f32 v7, v18;
	v31 =	vadd.f32 v31, v22;
	v33 =	vadd.f32 v24, v22  }
0x39: {  	s24 =	simm.s32 $0x200;
	s23 =	simm.s32 $0x80;
	v1 =	vmul.f32 v28, v3;
	v37 =	vadd.f32 v37, v22;
	v11 =	vadd.f32 v2, v22  }
0x3a: {  	s25 =	sand.u32 $0x7000, s24;
	s26 =	sand.u32 $0x380, s23;
	v2 =	vmul.f32 v35, v3;
	v3 =	vadd.f32 v15, v22;
	v15 =	vmul.f32 v12, v17  }
0x3b: {  	s26 =	sor.u32 s26, s25;
	v9 =	vadd.f32 v1, v22;
	v34 =	vmul.f32 v12, v32;
	v30 =	vmul.f32 v28, v32  }
0x3c: {  	v36 =	vld [tilespmem:s26+$0x120];
	v1 =	vadd.f32 v25, v22;
	v8 =	vmul.f32 v8, v32;
	v40 =	vmul.f32 v7, v32  }
0x3d: {  	v12 =	vld.idx.msk [tilespmem:v27+s4+$0x0], $0xffff;
	v27 =	vadd.f32 v26, v22;
	v45 =	vmul.f32 v14, v32;
	v7 =	vadd.f32 v42, v22  }
0x3e: {  	v44 =	vld [tilespmem:s26+$0x100];
	v63 =	vmul.f32 v19, v32;
	v42 =	vmul.f32 v28, v18;
	v18 =	vadd.f32 v46, v22  }
0x3f: {  	v24 =	vld [tilespmem:s26+$0x150];
	v48 =	vmul.f32 v16, v32;
	v2 =	vadd.f32 v2, v22;
	v20 =	vadd.f32 v15, v22  }
0x40: {  	v16 =	vld [tilespmem:s26+$0x160];
	v46 =	vmul.f32 v14, v17;
	v15 =	vadd.f32 v21, v22;
	v21 =	vadd.f32 v30, v22  }
0x41: {  	v14 =	vld.idx.msk [tilespmem:v39+s4+$0x0], $0xffff;
	v28 =	vimm.f32 $0.0e+00;
	v30 =	vadd.f32 v8, v22;
	v26 =	vadd.f32 v34, v22  }
0x42: {  	v39 =	vimm.f32 $0.0e+00;
	v8 =	vadd.f32 v43, v22;
	v19 =	vadd.f32 v40, v22;
	v34 =	vld.idx.msk [tilespmem:v38+s4+$0x0], $0xffff  }
0x43: {  	v25 =	vld [tilespmem:s26+$0x130];
	v40 =	vadd.f32 v45, v22;
	v38 =	vadd.f32 v63, v22;
	v43 =	vmul.f32 v35, v32  }
0x44: {  	s25 =	simm.s32 $0x2;
	v17 =	vadd.f32 v48, v22;
	v35 =	vld [tilespmem:s26+$0x140];
	v32 =	vadd.f32 v47, v22;
	v45 =	vmul.f32 v36, v12  }
.LBB2_3:
0x45: {  	p0 =	sne.s32 s25, $0x3F;
	v47 =	vld [tilespmem:s26+$0x110];
	v48 =	vmul.f32 v24, v12;
	s23 =	sadd.s32 $0x80, s23;
	s24 =	sadd.s32 $0x200, s24;
	v22 =	vadd.f32 v46, v22;
	v28 =	vadd.f32 v43, v28;
	v43 =	vmovc v44  }
0x46: {  	v39 =	vadd.f32 v42, v39;
	s28 =	smov.u32 s25;
	s25 =	sadd.s32 $0x1, s25;
	v49 =	vld.idx.msk [tilespmem:v41+s4+$0x0], $0xffff;
	v41 =	vmul.f32 v43, v12;
	v13 =	vadd.f32 v45, v13  }
0x47: {  	v42 =	vmul.f32 v36, v34;
	v46 =	vmov v34;
	v44 =	vmul.f32 v16, v12;
	v45 =	vld [tilespmem:s26+$0x170]  }
0x48: {  	v34 =	vmul.f32 v25, v12;
	v23 =	vadd.f32 v41, v23;
	v41 =	vmul.f32 v24, v46  }
0x49: {  	v50 =	vmul.f32 v43, v14;
	v10 =	vadd.f32 v42, v10;
	v42 =	vmul.f32 v36, v14  }
0x4a: {  	v51 =	vmul.f32 v35, v12;
	v4 =	vadd.f32 v41, v4;
	v41 =	vmul.f32 v16, v46  }
0x4b: {  	v11 =	vadd.f32 v34, v11;
	v52 =	vmul.f32 v47, v12;
	v53 =	vmul.f32 v47, v14  }
0x4c: {  	v6 =	vadd.f32 v48, v6;
	v34 =	vmul.f32 v25, v49;
	v12 =	vmul.f32 v45, v12  }
0x4d: {  	v48 =	vmul.f32 v35, v46;
	v5 =	vadd.f32 v44, v5;
	v44 =	vmul.f32 v45, v46  }
0x4e: {  	v54 =	vmov s28;
	v9 =	vadd.f32 v51, v9;
	v3 =	vadd.f32 v41, v3  }
0x4f: {  	v51 =	vor.u32 $0x80, v54;
	v41 =	vor.u32 $0x40, v54;
	v2 =	vadd.f32 v12, v2  }
0x50: {  	v55 =	vor.u32 $0xC0, v54;
	v56 =	vmul.f32 v35, v49;
	v12 =	vmul.f32 v25, v46  }
0x51: {  	v57 =	vmul.f32 v47, v46;
	v58 =	vmul.f32 v36, v49;
	v1 =	vadd.f32 v44, v1  }
0x52: {  	s28 =	sand.u32 $0x380, s23;
	s26 =	sand.u32 $0x7000, s24;
	v29 =	vadd.f32 v52, v29;
	v52 =	vmul.f32 v24, v49;
	v20 =	vadd.f32 v12, v20  }
0x53: {  	s26 =	sor.u32 s28, s26;
	v15 =	vadd.f32 v48, v15;
	v48 =	vmul.f32 v45, v14;
	v12 =	vld.idx.msk [tilespmem:v54+s4+$0x0], $0xffff;
	v54 =	vmul.f32 v25, v14  }
0x54: {  	v31 =	vadd.f32 v57, v31;
	v21 =	vadd.f32 v56, v21;
	v56 =	vmul.f32 v16, v14;
	v25 =	vld [tilespmem:s26+$0x130]  }
0x55: {  	v33 =	vadd.f32 v50, v33;
	v27 =	vadd.f32 v42, v27;
	v59 =	vmul.f32 v43, v49;
	v57 =	vld [tilespmem:s26+$0x150]  }
0x56: {  	v42 =	vmul.f32 v35, v14;
	v30 =	vadd.f32 v58, v30;
	v26 =	vadd.f32 v34, v26;
	v36 =	vld [tilespmem:s26+$0x120]  }
.Ltmp0:
0x57: {  	v7 =	vadd.f32 v48, v7;
	v8 =	vadd.f32 v56, v8;
	v14 =	vmul.f32 v24, v14;
	v44 =	vld [tilespmem:s26+$0x100];
	(pc) =	sbr.rel @p0 .LBB2_3-.Ltmp0, $4  }
0x58: {  	v47 =	vmul.f32 v47, v49;
	v35 =	vmul.f32 v16, v49;
	v19 =	vadd.f32 v52, v19;
	v34 =	vld.idx.msk [tilespmem:v51+s4+$0x0], $0xffff  }
0x59: {  	v40 =	vadd.f32 v59, v40;
	v46 =	vmul.f32 v43, v46;
	v18 =	vadd.f32 v14, v18;
	v16 =	vld [tilespmem:s26+$0x160]  }
0x5a: {  	v38 =	vadd.f32 v47, v38;
	v17 =	vadd.f32 v35, v17;
	v43 =	vmul.f32 v45, v49;
	v14 =	vld.idx.msk [tilespmem:v55+s4+$0x0], $0xffff  }
0x5b: {  	v37 =	vadd.f32 v53, v37;
	v32 =	vadd.f32 v54, v32;
	v24 =	vmovc v57;
	v45 =	vmul.f32 v36, v12;
	v35 =	vld [tilespmem:s26+$0x140]  }
0x5c: {  	_ =	sdelay $0x3  }
0x5d: {  	v41 =	vld.idx.msk [tilespmem:v41+s4+$0x0], $0xffff  }
0x5e: {  	v61 =	vld [tilespmem:$0x1FEF0]  }
0x5f: {  	v63 =	vld [tilespmem:$0x1FF00];
	_ =	sdelay $0x1  }
0x60: {  	v47 =	vld [tilespmem:s26+$0x110];
	v48 =	vmul.f32 v44, v12  }
0x61: {  	v49 =	vmul.f32 v44, v41  }
0x62: {  	v22 =	vadd.f32 v46, v22;
	v56 =	vmul.f32 v44, v34;
	v23 =	vadd.f32 v48, v23  }
0x63: {  	v40 =	vadd.f32 v49, v40  }
0x64: {  	v50 =	vld [tilespmem:s26+$0x170];
	v22 =	vadd.f32 v56, v22;
	[tilespmem:v0+s17+$0x0] =	vst.idx.msk $0xffff, v23  }
0x65: {  	v59 =	vmul.f32 v47, v12;
	v60 =	vmul.f32 v47, v41;
	[tilespmem:v61+s17+$0x0] =	vst.idx.msk $0xffff, v40  }
0x66: {  	v62 =	vmul.f32 v47, v34;
	[tilespmem:v63+s17+$0x0] =	vst.idx.msk $0xffff, v22;
	v22 =	vmul.f32 v47, v14;
	v47 =	vld [tilespmem:$0x1FF10];
	_ =	sdelay $0x3  }
0x67: {  	v58 =	vmul.f32 v44, v14;
	_ =	sdelay $0x1  }
0x68: {  	v23 =	vadd.f32 v58, v33;
	_ =	sdelay $0x1  }
0x69: {  	[tilespmem:v47+s17+$0x0] =	vst.idx.msk $0xffff, v23;
	v23 =	vadd.f32 v62, v31;
	v31 =	vld [tilespmem:$0x1FF20];
	_ =	sdelay $0x5  }
0x6a: {  	v29 =	vadd.f32 v59, v29;
	_ =	sdelay $0x1  }
0x6b: {  	[tilespmem:v31+s17+$0x0] =	vst.idx.msk $0xffff, v29;
	v29 =	vmul.f32 v36, v41;
	v31 =	vld [tilespmem:$0x1FF30]  }
0x6c: {  	v51 =	vld [tilespmem:$0x1FF40]  }
0x6d: {  	v29 =	vadd.f32 v29, v30;
	v30 =	vld [tilespmem:$0x1FF50];
	_ =	sdelay $0x3  }
0x6e: {  	v33 =	vadd.f32 v60, v38;
	_ =	sdelay $0x1  }
0x6f: {  	v22 =	vadd.f32 v22, v37;
	[tilespmem:v31+s17+$0x0] =	vst.idx.msk $0xffff, v33  }
0x70: {  	[tilespmem:v51+s17+$0x0] =	vst.idx.msk $0xffff, v23;
	v23 =	vmul.f32 v36, v14  }
0x71: {  	[tilespmem:v30+s17+$0x0] =	vst.idx.msk $0xffff, v22;
	v30 =	vld [tilespmem:$0x1FF60]  }
0x72: {  	v23 =	vadd.f32 v23, v27;
	v27 =	vld [tilespmem:$0x1FF70];
	_ =	sdelay $0x4  }
0x73: {  	v13 =	vadd.f32 v45, v13;
	_ =	sdelay $0x1  }
0x74: {  	[tilespmem:v30+s17+$0x0] =	vst.idx.msk $0xffff, v13  }
0x75: {  	[tilespmem:v27+s17+$0x0] =	vst.idx.msk $0xffff, v29;
	v27 =	vld [tilespmem:$0x1FF80];
	_ =	sdelay $0x3  }
0x76: {  	v49 =	vmul.f32 v36, v34  }
0x77: {  	v22 =	vmul.f32 v25, v12  }
0x78: {  	v10 =	vadd.f32 v49, v10  }
0x79: {  	v11 =	vadd.f32 v22, v11;
	v22 =	vmul.f32 v25, v34  }
0x7a: {  	v13 =	vmul.f32 v25, v41;
	[tilespmem:v27+s17+$0x0] =	vst.idx.msk $0xffff, v10;
	v10 =	vmul.f32 v25, v14;
	v25 =	vld [tilespmem:$0x1FF90]  }
0x7b: {  	v20 =	vadd.f32 v22, v20;
	v22 =	vld [tilespmem:$0x1FFA0];
	_ =	sdelay $0x6  }
0x7c: {  	[tilespmem:v25+s17+$0x0] =	vst.idx.msk $0xffff, v23  }
0x7d: {  	[tilespmem:v22+s17+$0x0] =	vst.idx.msk $0xffff, v11;
	v22 =	vld [tilespmem:$0x1FFB0];
	_ =	sdelay $0x5  }
0x7e: {  	v13 =	vadd.f32 v13, v26  }
0x7f: {  	v11 =	vmul.f32 v35, v41  }
0x80: {  	[tilespmem:v22+s17+$0x0] =	vst.idx.msk $0xffff, v13;
	v13 =	vmul.f32 v35, v34;
	v22 =	vld [tilespmem:$0x1FFC0]  }
0x81: {  	v11 =	vadd.f32 v11, v21;
	v21 =	vld [tilespmem:$0x1FFD0]  }
0x82: {  	v13 =	vadd.f32 v13, v15;
	v15 =	vld [tilespmem:$0x1FFE0];
	_ =	sdelay $0x3  }
0x83: {  	v23 =	vmul.f32 v35, v12  }
0x84: {  	v31 =	vadd.f32 v42, v39;
	v10 =	vadd.f32 v10, v32  }
0x85: {  	v9 =	vadd.f32 v23, v9;
	[tilespmem:v22+s17+$0x0] =	vst.idx.msk $0xffff, v20;
	v20 =	vmul.f32 v35, v14  }
0x86: {  	[tilespmem:v21+s17+$0x0] =	vst.idx.msk $0xffff, v10  }
0x87: {  	[tilespmem:v15+s17+$0x0] =	vst.idx.msk $0xffff, v9;
	v15 =	vadd.f32 v20, v31;
	v20 =	vld [tilespmem:$0x1FFF0];
	_ =	sdelay $0x3  }
0x88: {  	v25 =	vor.u32 $0x202, v0  }
0x89: {  	v22 =	vor.u32 $0x203, v0  }
0x8a: {  	v57 =	vmul.f32 v24, v12;
	[tilespmem:$0x1FE10] =	vst v25;
	v21 =	vor.u32 $0x280, v0  }
0x8b: {  	v23 =	vor.u32 $0x281, v0;
	[tilespmem:$0x1FE30] =	vst v21  }
0x8c: {  	v6 =	vadd.f32 v57, v6;
	v9 =	vmul.f32 v24, v41;
	[tilespmem:v20+s17+$0x0] =	vst.idx.msk $0xffff, v11;
	v20 =	vor.u32 $0x282, v0  }
0x8d: {  	v10 =	vadd.f32 v43, v28;
	v11 =	vmul.f32 v24, v34;
	[tilespmem:v25+s17+$0x0] =	vst.idx.msk $0xffff, v13;
	v25 =	vor.u32 $0x283, v0  }
0x8e: {  	v9 =	vadd.f32 v9, v19;
	v19 =	vor.u32 $0x300, v0;
	v13 =	vmul.f32 v24, v14;
	[tilespmem:v22+s17+$0x0] =	vst.idx.msk $0xffff, v15  }
0x8f: {  	v15 =	vmul.f32 v16, v12;
	v4 =	vadd.f32 v11, v4;
	[tilespmem:v21+s17+$0x0] =	vst.idx.msk $0xffff, v6;
	v21 =	vor.u32 $0x301, v0  }
0x90: {  	v6 =	vmul.f32 v16, v41;
	v11 =	vadd.f32 v13, v18;
	v13 =	vor.u32 $0x302, v0;
	[tilespmem:v23+s17+$0x0] =	vst.idx.msk $0xffff, v9  }
0x91: {  	v9 =	vmul.f32 v16, v34;
	v5 =	vadd.f32 v15, v5;
	v15 =	vor.u32 $0x303, v0;
	[tilespmem:v20+s17+$0x0] =	vst.idx.msk $0xffff, v4  }
0x92: {  	v4 =	vmul.f32 v16, v14;
	v6 =	vadd.f32 v6, v17;
	v16 =	vor.u32 $0x380, v0;
	[tilespmem:v25+s17+$0x0] =	vst.idx.msk $0xffff, v11  }
0x93: {  	v11 =	vmul.f32 v50, v12;
	v3 =	vadd.f32 v9, v3;
	v9 =	vor.u32 $0x381, v0;
	[tilespmem:v19+s17+$0x0] =	vst.idx.msk $0xffff, v5  }
0x94: {  	v4 =	vadd.f32 v4, v8;
	v5 =	vmul.f32 v50, v41;
	v8 =	vor.u32 $0x382, v0;
	[tilespmem:v21+s17+$0x0] =	vst.idx.msk $0xffff, v6  }
0x95: {  	s23 =	simm.s32 $0x0;
	v6 =	vmul.f32 v50, v34;
	v2 =	vadd.f32 v11, v2;
	v11 =	vor.u32 $0x383, v0;
	[tilespmem:v13+s17+$0x0] =	vst.idx.msk $0xffff, v3  }
0x96: {  	v3 =	vmul.f32 v50, v14;
	v5 =	vadd.f32 v5, v10;
	[tilespmem:v15+s17+$0x0] =	vst.idx.msk $0xffff, v4;
	v4 =	vmov s23  }
0x97: {  	v1 =	vadd.f32 v6, v1;
	[tilespmem:v16+s17+$0x0] =	vst.idx.msk $0xffff, v2  }
0x98: {  	v2 =	vadd.f32 v3, v7;
	[tilespmem:v9+s17+$0x0] =	vst.idx.msk $0xffff, v5  }
0x99: {  	[tilespmem:v8+s17+$0x0] =	vst.idx.msk $0xffff, v1  }
0x9a: {  	s24 =	sand.u32 $0x7000, s23;
	s23 =	sand.u32 $0x380, s23;
	[tilespmem:v11+s17+$0x0] =	vst.idx.msk $0xffff, v2  }
0x9b: {  	s23 =	sor.u32 s23, s24;
	v2 =	vld.idx.msk [tilespmem:v4+s4+$0x0], $0xffff  }
0x9c: {  	v7 =	vld [tilespmem:s23+$0x550]  }
0x9d: {  	[tilespmem:$0x1FED0] =	vst v8;
	v3 =	vor.u32 $0xC0, v4;
	v8 =	vld [tilespmem:s23+$0x520]  }
0x9e: {  	[tilespmem:$0x1FE90] =	vst v13;
	v13 =	vld [tilespmem:s23+$0x500]  }
0x9f: {  	[tilespmem:$0x1FEA0] =	vst v15;
	v15 =	vld [tilespmem:s23+$0x560]  }
0xa0: {  	[tilespmem:$0x1FEE0] =	vst v11;
	v1 =	vor.u32 $0x80, v4;
	v11 =	vld [tilespmem:s23+$0x530]  }
0xa1: {  	[tilespmem:$0x1FE70] =	vst v19;
	v19 =	vld [tilespmem:s23+$0x510]  }
0xa2: {  	v17 =	vld.idx.msk [tilespmem:v3+s4+$0x0], $0xffff  }
0xa3: {  	[tilespmem:$0x1FE20] =	vst v22;
	v28 =	vld [tilespmem:s23+$0x540]  }
0xa4: {  	[tilespmem:$0x1FE50] =	vst v20;
	v34 =	vld [tilespmem:s23+$0x570];
	v3 =	vmul.f32 v8, v2  }
0xa5: {  	s30 =	simm.s32 $0x1;
	[tilespmem:$0x1FEB0] =	vst v16;
	v16 =	vld.idx.msk [tilespmem:v1+s4+$0x0], $0xffff;
	v1 =	vor.u32 $0x40, v4;
	v5 =	vmul.f32 v7, v2;
	v4 =	vmul.f32 v13, v2  }
0xa6: {  	v27 =	vmov s30;
	[tilespmem:$0x1FEC0] =	vst v9;
	v9 =	vmul.f32 v15, v2;
	v20 =	vmul.f32 v19, v2  }
0xa7: {  	v53 =	vor.u32 $0x80, v27;
	[tilespmem:$0x1FE60] =	vst v25;
	v22 =	vmul.f32 v13, v17;
	v25 =	vmul.f32 v8, v17  }
0xa8: {  	v54 =	vor.u32 $0xC0, v27;
	v37 =	vmul.f32 v19, v17;
	v57 =	vmul.f32 v11, v17  }
0xa9: {  	[tilespmem:$0x1FE40] =	vst v23;
	v23 =	vimm.f32 $0.0e+00;
	v58 =	vmul.f32 v34, v17;
	v59 =	vmul.f32 v15, v17  }
0xaa: {  	v61 =	vmul.f32 v7, v17;
	v43 =	vmul.f32 v28, v17;
	v18 =	vadd.f32 v3, v23  }
0xab: {  	v3 =	vmul.f32 v11, v2;
	v26 =	vadd.f32 v4, v23;
	v30 =	vld.idx.msk [tilespmem:v1+s4+$0x0], $0xffff;
	v1 =	vmul.f32 v8, v16  }
0xac: {  	v31 =	vadd.f32 v20, v23;
	v6 =	vmul.f32 v7, v16;
	v14 =	vmul.f32 v15, v16  }
0xad: {  	[tilespmem:$0x1FE80] =	vst v21;
	v21 =	vmul.f32 v34, v16;
	v35 =	vadd.f32 v22, v23;
	v17 =	vadd.f32 v61, v23  }
0xae: {  	v55 =	vmul.f32 v19, v16;
	v37 =	vadd.f32 v37, v23;
	v10 =	vadd.f32 v3, v23  }
0xaf: {  	v12 =	vadd.f32 v1, v23;
	v1 =	vmul.f32 v28, v2;
	v4 =	vadd.f32 v6, v23  }
0xb0: {  	v6 =	vadd.f32 v5, v23;
	v2 =	vmul.f32 v34, v2;
	v5 =	vadd.f32 v9, v23  }
0xb1: {  	s24 =	simm.s32 $0x200;
	s23 =	simm.s32 $0x80;
	v3 =	vadd.f32 v14, v23;
	v14 =	vmul.f32 v11, v16;
	v32 =	vadd.f32 v55, v23  }
0xb2: {  	s25 =	sand.u32 $0x7000, s24;
	s31 =	sand.u32 $0x380, s23;
	v24 =	vmul.f32 v28, v16;
	v9 =	vadd.f32 v1, v23;
	v2 =	vadd.f32 v2, v23  }
0xb3: {  	v41 =	vor.u32 $0x40, v27;
	v33 =	vld.idx.msk [tilespmem:v53+s4+$0x0], $0xffff;
	s26 =	sor.u32 s31, s25;
	v1 =	vadd.f32 v21, v23;
	v21 =	vadd.f32 v14, v23  }
0xb4: {  	v36 =	vld [tilespmem:s26+$0x520];
	v14 =	vadd.f32 v24, v23;
	v52 =	vmul.f32 v11, v30;
	v29 =	vmul.f32 v28, v30  }
0xb5: {  	v8 =	vmul.f32 v8, v30;
	v56 =	vmul.f32 v7, v30;
	v11 =	vld.idx.msk [tilespmem:v27+s4+$0x0], $0xffff;
	v27 =	vadd.f32 v25, v23  }
0xb6: {  	v44 =	vld [tilespmem:s26+$0x500];
	v60 =	vmul.f32 v13, v30;
	v7 =	vadd.f32 v58, v23;
	v62 =	vmul.f32 v19, v30  }
0xb7: {  	v22 =	vld [tilespmem:s26+$0x550];
	v63 =	vmul.f32 v15, v30;
	v42 =	vmul.f32 v34, v30;
	v30 =	vadd.f32 v57, v23  }
0xb8: {  	v38 =	vimm.f32 $0.0e+00;
	v24 =	vld [tilespmem:s26+$0x530];
	v20 =	vadd.f32 v29, v23;
	v29 =	vadd.f32 v8, v23  }
0xb9: {  	v46 =	vmul.f32 v13, v16;
	v15 =	vld [tilespmem:s26+$0x560];
	v25 =	vadd.f32 v52, v23;
	v8 =	vadd.f32 v59, v23  }
0xba: {  	v13 =	vld.idx.msk [tilespmem:v54+s4+$0x0], $0xffff;
	v28 =	vimm.f32 $0.0e+00;
	v19 =	vadd.f32 v56, v23;
	v40 =	vadd.f32 v60, v23  }
0xbb: {  	s25 =	simm.s32 $0x2;
	v34 =	vld [tilespmem:s26+$0x540];
	v39 =	vadd.f32 v62, v23;
	v16 =	vadd.f32 v63, v23;
	v45 =	vmul.f32 v36, v11  }
.LBB2_5:
0xbc: {  	p0 =	sne.s32 s25, $0x3F;
	v47 =	vld [tilespmem:s26+$0x510];
	v48 =	vmul.f32 v22, v11;
	s23 =	sadd.s32 $0x80, s23;
	s24 =	sadd.s32 $0x200, s24;
	v23 =	vadd.f32 v46, v23;
	v28 =	vadd.f32 v42, v28;
	v42 =	vmovc v44  }
0xbd: {  	v38 =	vadd.f32 v43, v38;
	s28 =	smov.u32 s25;
	s25 =	sadd.s32 $0x1, s25;
	v49 =	vld.idx.msk [tilespmem:v41+s4+$0x0], $0xffff;
	v41 =	vmul.f32 v42, v11;
	v18 =	vadd.f32 v45, v18  }
0xbe: {  	v43 =	vmul.f32 v36, v33;
	v46 =	vmov v33;
	v44 =	vmul.f32 v15, v11;
	v45 =	vld [tilespmem:s26+$0x570]  }
0xbf: {  	v33 =	vmul.f32 v24, v11;
	v26 =	vadd.f32 v41, v26;
	v41 =	vmul.f32 v22, v46  }
0xc0: {  	v50 =	vmul.f32 v42, v13;
	v12 =	vadd.f32 v43, v12;
	v43 =	vmul.f32 v36, v13  }
0xc1: {  	v51 =	vmul.f32 v34, v11;
	v4 =	vadd.f32 v41, v4;
	v41 =	vmul.f32 v15, v46  }
0xc2: {  	v10 =	vadd.f32 v33, v10;
	v52 =	vmul.f32 v47, v11;
	v53 =	vmul.f32 v47, v13  }
0xc3: {  	v6 =	vadd.f32 v48, v6;
	v33 =	vmul.f32 v24, v49;
	v11 =	vmul.f32 v45, v11  }
0xc4: {  	v48 =	vmul.f32 v34, v46;
	v5 =	vadd.f32 v44, v5;
	v44 =	vmul.f32 v45, v46  }
0xc5: {  	v54 =	vmov s28;
	v9 =	vadd.f32 v51, v9;
	v3 =	vadd.f32 v41, v3  }
0xc6: {  	v51 =	vor.u32 $0x80, v54;
	v41 =	vor.u32 $0x40, v54;
	v2 =	vadd.f32 v11, v2  }
0xc7: {  	v55 =	vor.u32 $0xC0, v54;
	v56 =	vmul.f32 v34, v49;
	v11 =	vmul.f32 v24, v46  }
0xc8: {  	v57 =	vmul.f32 v47, v46;
	v58 =	vmul.f32 v36, v49;
	v1 =	vadd.f32 v44, v1  }
0xc9: {  	s28 =	sand.u32 $0x380, s23;
	s26 =	sand.u32 $0x7000, s24;
	v31 =	vadd.f32 v52, v31;
	v52 =	vmul.f32 v22, v49;
	v21 =	vadd.f32 v11, v21  }
0xca: {  	s26 =	sor.u32 s28, s26;
	v14 =	vadd.f32 v48, v14;
	v48 =	vmul.f32 v45, v13;
	v11 =	vld.idx.msk [tilespmem:v54+s4+$0x0], $0xffff;
	v54 =	vmul.f32 v24, v13  }
0xcb: {  	v32 =	vadd.f32 v57, v32;
	v20 =	vadd.f32 v56, v20;
	v56 =	vmul.f32 v15, v13;
	v24 =	vld [tilespmem:s26+$0x530]  }
0xcc: {  	v35 =	vadd.f32 v50, v35;
	v27 =	vadd.f32 v43, v27;
	v59 =	vmul.f32 v42, v49;
	v57 =	vld [tilespmem:s26+$0x550]  }
0xcd: {  	v43 =	vmul.f32 v34, v13;
	v29 =	vadd.f32 v58, v29;
	v25 =	vadd.f32 v33, v25;
	v36 =	vld [tilespmem:s26+$0x520]  }
.Ltmp1:
0xce: {  	v7 =	vadd.f32 v48, v7;
	v8 =	vadd.f32 v56, v8;
	v13 =	vmul.f32 v22, v13;
	v44 =	vld [tilespmem:s26+$0x500];
	(pc) =	sbr.rel @p0 .LBB2_5-.Ltmp1, $4  }
0xcf: {  	v47 =	vmul.f32 v47, v49;
	v34 =	vmul.f32 v15, v49;
	v19 =	vadd.f32 v52, v19;
	v33 =	vld.idx.msk [tilespmem:v51+s4+$0x0], $0xffff  }
0xd0: {  	v40 =	vadd.f32 v59, v40;
	v46 =	vmul.f32 v42, v46;
	v17 =	vadd.f32 v13, v17;
	v15 =	vld [tilespmem:s26+$0x560]  }
0xd1: {  	v39 =	vadd.f32 v47, v39;
	v16 =	vadd.f32 v34, v16;
	v42 =	vmul.f32 v45, v49;
	v13 =	vld.idx.msk [tilespmem:v55+s4+$0x0], $0xffff  }
0xd2: {  	v37 =	vadd.f32 v53, v37;
	v30 =	vadd.f32 v54, v30;
	v22 =	vmovc v57;
	v45 =	vmul.f32 v36, v11;
	v34 =	vld [tilespmem:s26+$0x540]  }
0xd3: {  	_ =	sdelay $0x3  }
0xd4: {  	v41 =	vld.idx.msk [tilespmem:v41+s4+$0x0], $0xffff;
	_ =	sdelay $0x2  }
0xd5: {  	v47 =	vld [tilespmem:s26+$0x510];
	v51 =	vor.u32 $0x400, v0  }
0xd6: {  	v49 =	vmul.f32 v44, v11;
	v52 =	vor.u32 $0x401, v0;
	[tilespmem:$0x1FC10] =	vst v51  }
0xd7: {  	v23 =	vadd.f32 v46, v23;
	v53 =	vor.u32 $0x402, v0;
	[tilespmem:$0x1FC20] =	vst v52;
	v61 =	vmul.f32 v44, v41  }
0xd8: {  	v54 =	vor.u32 $0x403, v0;
	v62 =	vmul.f32 v44, v33;
	[tilespmem:$0x1FC30] =	vst v53;
	v26 =	vadd.f32 v49, v26  }
0xd9: {  	v55 =	vor.u32 $0x480, v0;
	[tilespmem:$0x1FC40] =	vst v54;
	v63 =	vmul.f32 v44, v13;
	v40 =	vadd.f32 v61, v40  }
0xda: {  	v50 =	vld [tilespmem:s26+$0x570];
	v58 =	vor.u32 $0x481, v0;
	v23 =	vadd.f32 v62, v23;
	v57 =	vmul.f32 v47, v11;
	[tilespmem:v51+s17+$0x0] =	vst.idx.msk $0xffff, v26  }
0xdb: {  	v60 =	vor.u32 $0x482, v0;
	v26 =	vadd.f32 v63, v35;
	v59 =	vmul.f32 v47, v41;
	[tilespmem:v52+s17+$0x0] =	vst.idx.msk $0xffff, v40  }
0xdc: {  	v62 =	vor.u32 $0x483, v0;
	v61 =	vmul.f32 v47, v33;
	v31 =	vadd.f32 v57, v31;
	[tilespmem:v53+s17+$0x0] =	vst.idx.msk $0xffff, v23  }
0xdd: {  	v63 =	vor.u32 $0x500, v0;
	v35 =	vadd.f32 v59, v39;
	v23 =	vmul.f32 v47, v13;
	[tilespmem:v54+s17+$0x0] =	vst.idx.msk $0xffff, v26  }
0xde: {  	v47 =	vor.u32 $0x501, v0;
	v26 =	vadd.f32 v61, v32;
	[tilespmem:v55+s17+$0x0] =	vst.idx.msk $0xffff, v31  }
0xdf: {  	v49 =	vor.u32 $0x502, v0;
	v31 =	vmul.f32 v36, v41;
	v23 =	vadd.f32 v23, v37;
	[tilespmem:v58+s17+$0x0] =	vst.idx.msk $0xffff, v35  }
0xe0: {  	v18 =	vadd.f32 v45, v18;
	v52 =	vmul.f32 v36, v33;
	v53 =	vor.u32 $0x503, v0;
	[tilespmem:v60+s17+$0x0] =	vst.idx.msk $0xffff, v26  }
0xe1: {  	v26 =	vmul.f32 v36, v13;
	v29 =	vadd.f32 v31, v29;
	[tilespmem:v62+s17+$0x0] =	vst.idx.msk $0xffff, v23  }
0xe2: {  	v12 =	vadd.f32 v52, v12;
	v31 =	vor.u32 $0x580, v0;
	v23 =	vmul.f32 v24, v11;
	[tilespmem:v63+s17+$0x0] =	vst.idx.msk $0xffff, v18  }
0xe3: {  	v18 =	vmul.f32 v24, v41;
	v26 =	vadd.f32 v26, v27;
	[tilespmem:v47+s17+$0x0] =	vst.idx.msk $0xffff, v29  }
0xe4: {  	v54 =	vor.u32 $0x581, v0;
	v29 =	vor.u32 $0x582, v0;
	v10 =	vadd.f32 v23, v10;
	[tilespmem:v49+s17+$0x0] =	vst.idx.msk $0xffff, v12  }
0xe5: {  	v23 =	vmul.f32 v24, v33;
	v18 =	vadd.f32 v18, v25;
	v25 =	vor.u32 $0x600, v0;
	[tilespmem:v53+s17+$0x0] =	vst.idx.msk $0xffff, v26  }
0xe6: {  	v27 =	vor.u32 $0x583, v0;
	[tilespmem:$0x1FD10] =	vst v25  }
0xe7: {  	v12 =	vmul.f32 v24, v13;
	v21 =	vadd.f32 v23, v21;
	v23 =	vor.u32 $0x601, v0;
	[tilespmem:v31+s17+$0x0] =	vst.idx.msk $0xffff, v10  }
0xe8: {  	v48 =	vmul.f32 v22, v11;
	[tilespmem:$0x1FD20] =	vst v23  }
0xe9: {  	v24 =	vmul.f32 v34, v11;
	v12 =	vadd.f32 v12, v30;
	[tilespmem:v54+s17+$0x0] =	vst.idx.msk $0xffff, v18  }
0xea: {  	v51 =	vadd.f32 v43, v38;
	v26 =	vor.u32 $0x602, v0;
	v10 =	vmul.f32 v34, v41;
	[tilespmem:v29+s17+$0x0] =	vst.idx.msk $0xffff, v21  }
0xeb: {  	v9 =	vadd.f32 v24, v9;
	v18 =	vmul.f32 v34, v33;
	v21 =	vor.u32 $0x603, v0;
	[tilespmem:v27+s17+$0x0] =	vst.idx.msk $0xffff, v12  }
0xec: {  	v24 =	vor.u32 $0x680, v0;
	v10 =	vadd.f32 v10, v20;
	v20 =	vmul.f32 v34, v13;
	[tilespmem:$0x1FD40] =	vst v21  }
0xed: {  	v6 =	vadd.f32 v48, v6;
	v14 =	vadd.f32 v18, v14;
	[tilespmem:v25+s17+$0x0] =	vst.idx.msk $0xffff, v9;
	v25 =	vor.u32 $0x681, v0  }
0xee: {  	v9 =	vmul.f32 v22, v41;
	v18 =	vadd.f32 v20, v51;
	v20 =	vor.u32 $0x682, v0;
	[tilespmem:v23+s17+$0x0] =	vst.idx.msk $0xffff, v10  }
0xef: {  	v12 =	vadd.f32 v42, v28;
	v10 =	vmul.f32 v22, v33;
	v23 =	vor.u32 $0x683, v0;
	[tilespmem:v26+s17+$0x0] =	vst.idx.msk $0xffff, v14  }
0xf0: {  	v14 =	vmul.f32 v22, v13;
	v9 =	vadd.f32 v9, v19;
	v19 =	vor.u32 $0x700, v0;
	[tilespmem:v21+s17+$0x0] =	vst.idx.msk $0xffff, v18  }
0xf1: {  	v18 =	vmul.f32 v15, v11;
	v4 =	vadd.f32 v10, v4;
	v21 =	vor.u32 $0x701, v0;
	[tilespmem:v24+s17+$0x0] =	vst.idx.msk $0xffff, v6  }
0xf2: {  	v6 =	vmul.f32 v15, v41;
	v10 =	vadd.f32 v14, v17;
	v14 =	vor.u32 $0x702, v0;
	[tilespmem:v25+s17+$0x0] =	vst.idx.msk $0xffff, v9  }
0xf3: {  	v17 =	vor.u32 $0x703, v0;
	v9 =	vmul.f32 v15, v33;
	v5 =	vadd.f32 v18, v5;
	[tilespmem:v20+s17+$0x0] =	vst.idx.msk $0xffff, v4  }
0xf4: {  	v4 =	vmul.f32 v15, v13;
	v6 =	vadd.f32 v6, v16;
	v15 =	vor.u32 $0x780, v0;
	[tilespmem:v23+s17+$0x0] =	vst.idx.msk $0xffff, v10  }
0xf5: {  	v10 =	vmul.f32 v50, v11;
	v3 =	vadd.f32 v9, v3;
	v9 =	vor.u32 $0x781, v0;
	[tilespmem:v19+s17+$0x0] =	vst.idx.msk $0xffff, v5  }
0xf6: {  	v4 =	vadd.f32 v4, v8;
	v5 =	vmul.f32 v50, v41;
	v8 =	vor.u32 $0x782, v0;
	[tilespmem:v21+s17+$0x0] =	vst.idx.msk $0xffff, v6  }
0xf7: {  	s23 =	simm.s32 $0x0;
	v6 =	vmul.f32 v50, v33;
	v2 =	vadd.f32 v10, v2;
	v10 =	vor.u32 $0x783, v0;
	[tilespmem:v14+s17+$0x0] =	vst.idx.msk $0xffff, v3  }
0xf8: {  	v3 =	vmul.f32 v50, v13;
	v5 =	vadd.f32 v5, v12;
	[tilespmem:v17+s17+$0x0] =	vst.idx.msk $0xffff, v4;
	v4 =	vmov s23  }
0xf9: {  	v1 =	vadd.f32 v6, v1;
	[tilespmem:v15+s17+$0x0] =	vst.idx.msk $0xffff, v2  }
0xfa: {  	v2 =	vadd.f32 v3, v7;
	[tilespmem:v9+s17+$0x0] =	vst.idx.msk $0xffff, v5  }
0xfb: {  	[tilespmem:v8+s17+$0x0] =	vst.idx.msk $0xffff, v1  }
0xfc: {  	s24 =	sand.u32 $0x7000, s23;
	s23 =	sand.u32 $0x380, s23;
	[tilespmem:v10+s17+$0x0] =	vst.idx.msk $0xffff, v2  }
0xfd: {  	s23 =	sor.u32 s23, s24;
	v2 =	vld.idx.msk [tilespmem:v4+s4+$0x0], $0xffff  }
0xfe: {  	[tilespmem:$0x1FC50] =	vst v55;
	v3 =	vld [tilespmem:s23+$0x930]  }
0xff: {  	[tilespmem:$0x1FDE0] =	vst v9;
	v9 =	vld [tilespmem:s23+$0x950]  }
0x100: {  	[tilespmem:$0x1FC70] =	vst v60;
	v6 =	vld [tilespmem:s23+$0x920]  }
0x101: {  	[tilespmem:$0x1FD90] =	vst v19;
	v5 =	vor.u32 $0xC0, v4;
	v19 =	vld [tilespmem:s23+$0x900]  }
0x102: {  	[tilespmem:$0x1FD80] =	vst v23;
	v1 =	vor.u32 $0x80, v4;
	v23 =	vld [tilespmem:s23+$0x960]  }
0x103: {  	[tilespmem:$0x1FDB0] =	vst v14;
	v4 =	vor.u32 $0x40, v4;
	v14 =	vld [tilespmem:s23+$0x940]  }
0x104: {  	[tilespmem:$0x1FD60] =	vst v25;
	v25 =	vld [tilespmem:s23+$0x910]  }
0x105: {  	s30 =	simm.s32 $0x1;
	[tilespmem:$0x1FCD0] =	vst v31;
	v31 =	vld [tilespmem:s23+$0x970]  }
0x106: {  	v55 =	vmov s30;
	[tilespmem:$0x1FCF0] =	vst v29;
	v11 =	vld.idx.msk [tilespmem:v5+s4+$0x0], $0xffff  }
0x107: {  	v37 =	vimm.f32 $0.0e+00;
	v56 =	vor.u32 $0xC0, v55;
	[tilespmem:$0x1FD70] =	vst v20;
	v20 =	vld.idx.msk [tilespmem:v1+s4+$0x0], $0xffff  }
0x108: {  	v43 =	vor.u32 $0x40, v55;
	[tilespmem:$0x1FDC0] =	vst v17;
	v1 =	vmul.f32 v6, v2;
	v29 =	vld.idx.msk [tilespmem:v4+s4+$0x0], $0xffff;
	v4 =	vmul.f32 v19, v2  }
0x109: {  	[tilespmem:$0x1FDF0] =	vst v8;
	v12 =	vimm.f32 $0.0e+00;
	v5 =	vmul.f32 v9, v2;
	v8 =	vmul.f32 v23, v2  }
0x10a: {  	[tilespmem:$0x1FE00] =	vst v10;
	v7 =	vmul.f32 v3, v2;
	v16 =	vmul.f32 v25, v2;
	v10 =	vadd.f32 v1, v12  }
0x10b: {  	[tilespmem:$0x1FDD0] =	vst v15;
	v15 =	vadd.f32 v4, v12;
	v17 =	vmul.f32 v6, v11;
	v59 =	vmul.f32 v3, v11  }
0x10c: {  	[tilespmem:$0x1FC80] =	vst v62;
	v7 =	vadd.f32 v7, v12;
	v41 =	vmul.f32 v14, v11;
	v60 =	vmul.f32 v25, v11  }
0x10d: {  	[tilespmem:$0x1FD50] =	vst v24;
	v24 =	vadd.f32 v5, v12;
	v61 =	vmul.f32 v31, v11;
	v62 =	vmul.f32 v9, v11  }
0x10e: {  	v28 =	vadd.f32 v8, v12;
	v1 =	vmul.f32 v6, v20;
	v4 =	vmul.f32 v9, v20  }
0x10f: {  	[tilespmem:$0x1FD30] =	vst v26;
	v22 =	vadd.f32 v16, v12;
	v18 =	vmul.f32 v14, v20;
	v8 =	vmul.f32 v31, v20  }
0x110: {  	[tilespmem:$0x1FDA0] =	vst v21;
	v21 =	vmul.f32 v3, v20;
	v26 =	vadd.f32 v4, v12;
	v4 =	vmul.f32 v23, v20  }
0x111: {  	v46 =	vmul.f32 v19, v20;
	v17 =	vadd.f32 v17, v12;
	v13 =	vadd.f32 v1, v12  }
0x112: {  	s24 =	simm.s32 $0x200;
	s23 =	simm.s32 $0x80;
	v1 =	vmul.f32 v14, v2;
	v30 =	vadd.f32 v4, v12;
	v4 =	vor.u32 $0x80, v55  }
0x113: {  	[tilespmem:$0x1FD00] =	vst v27;
	s25 =	sand.u32 $0x7000, s24;
	s31 =	sand.u32 $0x380, s23;
	v33 =	vadd.f32 v61, v12;
	v27 =	vmul.f32 v3, v29;
	v2 =	vmul.f32 v31, v2  }
0x114: {  	[tilespmem:$0x1FC60] =	vst v58;
	s26 =	sor.u32 s31, s25;
	v36 =	vadd.f32 v60, v12;
	v57 =	vmul.f32 v14, v29;
	v58 =	vmul.f32 v6, v29  }
0x115: {  	v38 =	vld [tilespmem:s26+$0x920];
	v16 =	vadd.f32 v21, v12;
	v6 =	vadd.f32 v18, v12;
	v3 =	vmul.f32 v19, v11  }
0x116: {  	[tilespmem:$0x1FC90] =	vst v63;
	v44 =	vld [tilespmem:s26+$0x900];
	v9 =	vmul.f32 v9, v29;
	v63 =	vmul.f32 v25, v29;
	v5 =	vadd.f32 v1, v12  }
0x117: {  	v2 =	vadd.f32 v2, v12;
	v1 =	vadd.f32 v8, v12;
	v8 =	vmul.f32 v25, v20;
	v18 =	vld.idx.msk [tilespmem:v4+s4+$0x0], $0xffff  }
0x118: {  	v34 =	vadd.f32 v3, v12;
	v32 =	vadd.f32 v58, v12;
	v4 =	vmul.f32 v23, v11;
	v11 =	vld.idx.msk [tilespmem:v55+s4+$0x0], $0xffff  }
0x119: {  	[tilespmem:$0x1FCB0] =	vst v49;
	v14 =	vadd.f32 v27, v12;
	v27 =	vmul.f32 v19, v29;
	v9 =	vadd.f32 v9, v12;
	v19 =	vld [tilespmem:s26+$0x950]  }
0x11a: {  	[tilespmem:$0x1FCA0] =	vst v47;
	v35 =	vld [tilespmem:s26+$0x940];
	v42 =	vmul.f32 v31, v29;
	v39 =	vadd.f32 v63, v12;
	v21 =	vadd.f32 v8, v12  }
0x11b: {  	[tilespmem:$0x1FCC0] =	vst v53;
	v31 =	vld [tilespmem:s26+$0x960];
	v8 =	vadd.f32 v57, v12;
	v40 =	vadd.f32 v27, v12;
	v23 =	vmul.f32 v23, v29  }
0x11c: {  	[tilespmem:$0x1FCE0] =	vst v54;
	v25 =	vld [tilespmem:s26+$0x930];
	v20 =	vimm.f32 $0.0e+00;
	v27 =	vadd.f32 v62, v12;
	v4 =	vadd.f32 v4, v12  }
0x11d: {  	s25 =	simm.s32 $0x2;
	v3 =	vld.idx.msk [tilespmem:v56+s4+$0x0], $0xffff;
	v29 =	vadd.f32 v23, v12;
	v23 =	vadd.f32 v59, v12;
	v45 =	vmul.f32 v38, v11  }
.LBB2_7:
0x11e: {  	p0 =	sne.s32 s25, $0x3F;
	v47 =	vld [tilespmem:s26+$0x910];
	v48 =	vmul.f32 v19, v11;
	s23 =	sadd.s32 $0x80, s23;
	s24 =	sadd.s32 $0x200, s24;
	v12 =	vadd.f32 v46, v12;
	v20 =	vadd.f32 v42, v20;
	v42 =	vmovc v44  }
0x11f: {  	v37 =	vadd.f32 v41, v37;
	s28 =	smov.u32 s25;
	s25 =	sadd.s32 $0x1, s25;
	v49 =	vld.idx.msk [tilespmem:v43+s4+$0x0], $0xffff;
	v43 =	vmul.f32 v42, v11;
	v10 =	vadd.f32 v45, v10  }
0x120: {  	v41 =	vmul.f32 v38, v18;
	v46 =	vmov v18;
	v44 =	vmul.f32 v31, v11;
	v45 =	vld [tilespmem:s26+$0x970]  }
0x121: {  	v18 =	vmul.f32 v25, v11;
	v15 =	vadd.f32 v43, v15;
	v43 =	vmul.f32 v19, v46  }
0x122: {  	v50 =	vmul.f32 v42, v3;
	v13 =	vadd.f32 v41, v13;
	v41 =	vmul.f32 v38, v3  }
0x123: {  	v51 =	vmul.f32 v35, v11;
	v26 =	vadd.f32 v43, v26;
	v43 =	vmul.f32 v31, v46  }
0x124: {  	v7 =	vadd.f32 v18, v7;
	v52 =	vmul.f32 v47, v11;
	v53 =	vmul.f32 v47, v3  }
0x125: {  	v24 =	vadd.f32 v48, v24;
	v18 =	vmul.f32 v25, v49;
	v11 =	vmul.f32 v45, v11  }
0x126: {  	v48 =	vmul.f32 v35, v46;
	v28 =	vadd.f32 v44, v28;
	v44 =	vmul.f32 v45, v46  }
0x127: {  	v54 =	vmov s28;
	v5 =	vadd.f32 v51, v5;
	v30 =	vadd.f32 v43, v30  }
0x128: {  	v51 =	vor.u32 $0x80, v54;
	v43 =	vor.u32 $0x40, v54;
	v2 =	vadd.f32 v11, v2  }
0x129: {  	v55 =	vor.u32 $0xC0, v54;
	v56 =	vmul.f32 v35, v49;
	v11 =	vmul.f32 v25, v46  }
0x12a: {  	v57 =	vmul.f32 v47, v46;
	v58 =	vmul.f32 v38, v49;
	v1 =	vadd.f32 v44, v1  }
0x12b: {  	s28 =	sand.u32 $0x380, s23;
	s26 =	sand.u32 $0x7000, s24;
	v22 =	vadd.f32 v52, v22;
	v52 =	vmul.f32 v19, v49;
	v16 =	vadd.f32 v11, v16  }
0x12c: {  	s26 =	sor.u32 s28, s26;
	v6 =	vadd.f32 v48, v6;
	v48 =	vmul.f32 v45, v3;
	v11 =	vld.idx.msk [tilespmem:v54+s4+$0x0], $0xffff;
	v54 =	vmul.f32 v25, v3  }
0x12d: {  	v21 =	vadd.f32 v57, v21;
	v8 =	vadd.f32 v56, v8;
	v56 =	vmul.f32 v31, v3;
	v25 =	vld [tilespmem:s26+$0x930]  }
0x12e: {  	v34 =	vadd.f32 v50, v34;
	v17 =	vadd.f32 v41, v17;
	v59 =	vmul.f32 v42, v49;
	v57 =	vld [tilespmem:s26+$0x950]  }
0x12f: {  	v41 =	vmul.f32 v35, v3;
	v32 =	vadd.f32 v58, v32;
	v14 =	vadd.f32 v18, v14;
	v38 =	vld [tilespmem:s26+$0x920]  }
.Ltmp2:
0x130: {  	v33 =	vadd.f32 v48, v33;
	v4 =	vadd.f32 v56, v4;
	v3 =	vmul.f32 v19, v3;
	v44 =	vld [tilespmem:s26+$0x900];
	(pc) =	sbr.rel @p0 .LBB2_7-.Ltmp2, $4  }
0x131: {  	v47 =	vmul.f32 v47, v49;
	v35 =	vmul.f32 v31, v49;
	v9 =	vadd.f32 v52, v9;
	v18 =	vld.idx.msk [tilespmem:v51+s4+$0x0], $0xffff  }
0x132: {  	v40 =	vadd.f32 v59, v40;
	v46 =	vmul.f32 v42, v46;
	v27 =	vadd.f32 v3, v27;
	v31 =	vld [tilespmem:s26+$0x960]  }
0x133: {  	v39 =	vadd.f32 v47, v39;
	v29 =	vadd.f32 v35, v29;
	v42 =	vmul.f32 v45, v49;
	v3 =	vld.idx.msk [tilespmem:v55+s4+$0x0], $0xffff  }
0x134: {  	v36 =	vadd.f32 v53, v36;
	v23 =	vadd.f32 v54, v23;
	v19 =	vmovc v57;
	v45 =	vmul.f32 v38, v11;
	v35 =	vld [tilespmem:s26+$0x940]  }
0x135: {  	_ =	sdelay $0x3  }
0x136: {  	v43 =	vld.idx.msk [tilespmem:v43+s4+$0x0], $0xffff;
	_ =	sdelay $0x2  }
0x137: {  	v47 =	vld [tilespmem:s26+$0x910];
	v51 =	vor.u32 $0x800, v0  }
0x138: {  	v49 =	vmul.f32 v44, v11;
	v52 =	vor.u32 $0x801, v0;
	[tilespmem:$0x1FA10] =	vst v51  }
0x139: {  	v12 =	vadd.f32 v46, v12;
	v53 =	vor.u32 $0x802, v0;
	[tilespmem:$0x1FA20] =	vst v52;
	v61 =	vmul.f32 v44, v43  }
0x13a: {  	v54 =	vor.u32 $0x803, v0;
	v62 =	vmul.f32 v44, v18;
	[tilespmem:$0x1FA30] =	vst v53;
	v15 =	vadd.f32 v49, v15  }
0x13b: {  	v55 =	vor.u32 $0x880, v0;
	[tilespmem:$0x1FA40] =	vst v54;
	v63 =	vmul.f32 v44, v3;
	v40 =	vadd.f32 v61, v40  }
0x13c: {  	v50 =	vld [tilespmem:s26+$0x970];
	v58 =	vor.u32 $0x881, v0;
	v12 =	vadd.f32 v62, v12;
	v57 =	vmul.f32 v47, v11;
	[tilespmem:v51+s17+$0x0] =	vst.idx.msk $0xffff, v15  }
0x13d: {  	v60 =	vor.u32 $0x882, v0;
	v15 =	vadd.f32 v63, v34;
	v59 =	vmul.f32 v47, v43;
	[tilespmem:v52+s17+$0x0] =	vst.idx.msk $0xffff, v40  }
0x13e: {  	v62 =	vor.u32 $0x883, v0;
	v61 =	vmul.f32 v47, v18;
	v22 =	vadd.f32 v57, v22;
	[tilespmem:v53+s17+$0x0] =	vst.idx.msk $0xffff, v12  }
0x13f: {  	v63 =	vor.u32 $0x900, v0;
	v34 =	vadd.f32 v59, v39;
	v12 =	vmul.f32 v47, v3;
	[tilespmem:v54+s17+$0x0] =	vst.idx.msk $0xffff, v15  }
0x140: {  	v10 =	vadd.f32 v45, v10;
	v45 =	vor.u32 $0x901, v0;
	v15 =	vadd.f32 v61, v21;
	[tilespmem:v55+s17+$0x0] =	vst.idx.msk $0xffff, v22  }
0x141: {  	v21 =	vmul.f32 v38, v43;
	v12 =	vadd.f32 v12, v36;
	[tilespmem:v58+s17+$0x0] =	vst.idx.msk $0xffff, v34  }
0x142: {  	v49 =	vmul.f32 v38, v18;
	v47 =	vor.u32 $0x902, v0;
	[tilespmem:v60+s17+$0x0] =	vst.idx.msk $0xffff, v15  }
0x143: {  	v51 =	vor.u32 $0x903, v0;
	v21 =	vadd.f32 v21, v32;
	v15 =	vmul.f32 v38, v3;
	[tilespmem:v62+s17+$0x0] =	vst.idx.msk $0xffff, v12  }
0x144: {  	v13 =	vadd.f32 v49, v13;
	v52 =	vor.u32 $0x980, v0;
	[tilespmem:v63+s17+$0x0] =	vst.idx.msk $0xffff, v10  }
0x145: {  	v12 =	vmul.f32 v25, v11;
	v15 =	vadd.f32 v15, v17;
	v17 =	vor.u32 $0x983, v0;
	[tilespmem:v45+s17+$0x0] =	vst.idx.msk $0xffff, v21  }
0x146: {  	[tilespmem:$0x1FB00] =	vst v17  }
0x147: {  	v53 =	vor.u32 $0x981, v0;
	v10 =	vmul.f32 v25, v43;
	v7 =	vadd.f32 v12, v7;
	[tilespmem:v47+s17+$0x0] =	vst.idx.msk $0xffff, v13  }
0x148: {  	v12 =	vmul.f32 v25, v18;
	[tilespmem:v51+s17+$0x0] =	vst.idx.msk $0xffff, v15  }
0x149: {  	v54 =	vor.u32 $0x982, v0;
	v10 =	vadd.f32 v10, v14;
	v15 =	vor.u32 $0xA00, v0;
	[tilespmem:v52+s17+$0x0] =	vst.idx.msk $0xffff, v7  }
0x14a: {  	v14 =	vmul.f32 v35, v11;
	v12 =	vadd.f32 v12, v16;
	v16 =	vor.u32 $0xA01, v0;
	[tilespmem:$0x1FB10] =	vst v15  }
0x14b: {  	v13 =	vmul.f32 v25, v3;
	[tilespmem:$0x1FB20] =	vst v16  }
0x14c: {  	v5 =	vadd.f32 v14, v5;
	v14 =	vor.u32 $0xA03, v0;
	[tilespmem:v53+s17+$0x0] =	vst.idx.msk $0xffff, v10  }
0x14d: {  	v13 =	vadd.f32 v13, v23;
	[tilespmem:$0x1FB40] =	vst v14  }
0x14e: {  	v7 =	vmul.f32 v35, v43;
	[tilespmem:v54+s17+$0x0] =	vst.idx.msk $0xffff, v12  }
0x14f: {  	v21 =	vor.u32 $0xA02, v0;
	[tilespmem:v17+s17+$0x0] =	vst.idx.msk $0xffff, v13  }
0x150: {  	v10 =	vmul.f32 v35, v18;
	v7 =	vadd.f32 v7, v8;
	v13 =	vor.u32 $0xA80, v0;
	[tilespmem:v15+s17+$0x0] =	vst.idx.msk $0xffff, v5  }
0x151: {  	v22 =	vadd.f32 v41, v37;
	[tilespmem:$0x1FB50] =	vst v13  }
0x152: {  	v8 =	vmul.f32 v35, v3;
	v6 =	vadd.f32 v10, v6;
	v15 =	vor.u32 $0xA81, v0;
	[tilespmem:v16+s17+$0x0] =	vst.idx.msk $0xffff, v7  }
0x153: {  	v48 =	vmul.f32 v19, v11;
	v12 =	vadd.f32 v42, v20;
	[tilespmem:$0x1FB60] =	vst v15  }
0x154: {  	v5 =	vmul.f32 v19, v43;
	v8 =	vadd.f32 v8, v22;
	v16 =	vor.u32 $0xA82, v0;
	[tilespmem:v21+s17+$0x0] =	vst.idx.msk $0xffff, v6  }
0x155: {  	v10 =	vadd.f32 v48, v24;
	v17 =	vor.u32 $0xA83, v0;
	v7 =	vmul.f32 v19, v18;
	[tilespmem:$0x1FB70] =	vst v16  }
0x156: {  	v6 =	vmul.f32 v19, v3;
	v5 =	vadd.f32 v5, v9;
	[tilespmem:v14+s17+$0x0] =	vst.idx.msk $0xffff, v8;
	v14 =	vor.u32 $0xB00, v0  }
0x157: {  	v8 =	vmul.f32 v31, v11;
	v7 =	vadd.f32 v7, v26;
	[tilespmem:v13+s17+$0x0] =	vst.idx.msk $0xffff, v10;
	v10 =	vor.u32 $0xB01, v0  }
0x158: {  	v9 =	vmul.f32 v31, v43;
	v6 =	vadd.f32 v6, v27;
	v13 =	vor.u32 $0xB02, v0;
	[tilespmem:v15+s17+$0x0] =	vst.idx.msk $0xffff, v5  }
0x159: {  	v5 =	vmul.f32 v31, v18;
	v8 =	vadd.f32 v8, v28;
	v15 =	vor.u32 $0xB03, v0;
	[tilespmem:v16+s17+$0x0] =	vst.idx.msk $0xffff, v7  }
0x15a: {  	v9 =	vadd.f32 v9, v29;
	v7 =	vmul.f32 v31, v3;
	v16 =	vor.u32 $0xB80, v0;
	[tilespmem:v17+s17+$0x0] =	vst.idx.msk $0xffff, v6  }
0x15b: {  	v6 =	vmul.f32 v50, v11;
	v5 =	vadd.f32 v5, v30;
	v11 =	vor.u32 $0xB81, v0;
	[tilespmem:v14+s17+$0x0] =	vst.idx.msk $0xffff, v8  }
0x15c: {  	v4 =	vadd.f32 v7, v4;
	v7 =	vmul.f32 v50, v43;
	[tilespmem:v10+s17+$0x0] =	vst.idx.msk $0xffff, v9;
	v9 =	vor.u32 $0xB82, v0  }
0x15d: {  	s23 =	simm.s32 $0x0;
	v8 =	vmul.f32 v50, v18;
	v2 =	vadd.f32 v6, v2;
	v6 =	vor.u32 $0xB83, v0;
	[tilespmem:v13+s17+$0x0] =	vst.idx.msk $0xffff, v5  }
0x15e: {  	v3 =	vmul.f32 v50, v3;
	v5 =	vadd.f32 v7, v12;
	[tilespmem:v15+s17+$0x0] =	vst.idx.msk $0xffff, v4;
	v4 =	vmov s23  }
0x15f: {  	v1 =	vadd.f32 v8, v1;
	[tilespmem:v16+s17+$0x0] =	vst.idx.msk $0xffff, v2  }
0x160: {  	v2 =	vadd.f32 v3, v33;
	[tilespmem:v11+s17+$0x0] =	vst.idx.msk $0xffff, v5  }
0x161: {  	[tilespmem:v9+s17+$0x0] =	vst.idx.msk $0xffff, v1  }
0x162: {  	s24 =	sand.u32 $0x7000, s23;
	s23 =	sand.u32 $0x380, s23;
	[tilespmem:v6+s17+$0x0] =	vst.idx.msk $0xffff, v2  }
0x163: {  	s23 =	sor.u32 s23, s24;
	v2 =	vld.idx.msk [tilespmem:v4+s4+$0x0], $0xffff  }
0x164: {  	v3 =	vld [tilespmem:s23+$0xD30]  }
0x165: {  	[tilespmem:$0x1FBF0] =	vst v9;
	v5 =	vor.u32 $0xC0, v4;
	v9 =	vld [tilespmem:s23+$0xD50]  }
0x166: {  	v7 =	vld [tilespmem:s23+$0xD20]  }
0x167: {  	[tilespmem:$0x1FBA0] =	vst v10;
	v1 =	vor.u32 $0x80, v4;
	v10 =	vld [tilespmem:s23+$0xD00]  }
0x168: {  	[tilespmem:$0x1FA50] =	vst v55;
	v4 =	vor.u32 $0x40, v4;
	v18 =	vld [tilespmem:s23+$0xD60]  }
0x169: {  	[tilespmem:$0x1FB30] =	vst v21;
	v21 =	vld [tilespmem:s23+$0xD10]  }
0x16a: {  	s30 =	simm.s32 $0x1;
	[tilespmem:$0x1FB80] =	vst v17;
	v5 =	vld.idx.msk [tilespmem:v5+s4+$0x0], $0xffff  }
0x16b: {  	v27 =	vmov s30;
	[tilespmem:$0x1FBE0] =	vst v11;
	v11 =	vld [tilespmem:s23+$0xD40]  }
0x16c: {  	[tilespmem:$0x1FBB0] =	vst v13;
	v22 =	vor.u32 $0xC0, v27;
	v17 =	vld.idx.msk [tilespmem:v1+s4+$0x0], $0xffff;
	v1 =	vmul.f32 v7, v2  }
0x16d: {  	[tilespmem:$0x1FC00] =	vst v6;
	v12 =	vimm.f32 $0.0e+00;
	v25 =	vld.idx.msk [tilespmem:v4+s4+$0x0], $0xffff;
	v4 =	vmul.f32 v10, v2;
	v6 =	vmul.f32 v9, v2  }
0x16e: {  	[tilespmem:$0x1FBC0] =	vst v15;
	v33 =	vor.u32 $0x40, v27;
	v8 =	vmul.f32 v18, v2;
	v13 =	vmul.f32 v3, v2  }
0x16f: {  	[tilespmem:$0x1FBD0] =	vst v16;
	v26 =	vld [tilespmem:s23+$0xD70];
	v16 =	vmul.f32 v21, v2;
	v42 =	vadd.f32 v1, v12;
	v15 =	vmul.f32 v7, v5  }
0x170: {  	[tilespmem:$0x1FB90] =	vst v14;
	v14 =	vadd.f32 v4, v12;
	v55 =	vmul.f32 v3, v5;
	v31 =	vmul.f32 v11, v5  }
0x171: {  	v48 =	vadd.f32 v13, v12;
	v57 =	vmul.f32 v21, v5;
	v29 =	vmul.f32 v18, v5  }
0x172: {  	[tilespmem:$0x1FA90] =	vst v63;
	v56 =	vadd.f32 v6, v12;
	v63 =	vmul.f32 v9, v5;
	v1 =	vmul.f32 v7, v17  }
0x173: {  	v59 =	vadd.f32 v8, v12;
	v4 =	vmul.f32 v9, v17;
	v19 =	vmul.f32 v11, v17  }
0x174: {  	v20 =	vadd.f32 v16, v12;
	v8 =	vmul.f32 v26, v17;
	v23 =	vmul.f32 v3, v17  }
0x175: {  	v36 =	vmul.f32 v10, v17;
	v15 =	vadd.f32 v15, v12;
	v46 =	vadd.f32 v1, v12  }
0x176: {  	[tilespmem:$0x1FA60] =	vst v58;
	v1 =	vmul.f32 v11, v2;
	v58 =	vadd.f32 v4, v12;
	v4 =	vmul.f32 v18, v17  }
0x177: {  	s24 =	simm.s32 $0x200;
	s23 =	simm.s32 $0x80;
	v63 =	vadd.f32 v63, v12;
	v13 =	vmul.f32 v3, v25;
	v2 =	vmul.f32 v26, v2  }
0x178: {  	s25 =	sand.u32 $0x7000, s24;
	s31 =	sand.u32 $0x380, s23;
	v24 =	vmul.f32 v11, v25;
	v28 =	vmul.f32 v7, v25;
	v49 =	vadd.f32 v23, v12  }
0x179: {  	[tilespmem:$0x1FA80] =	vst v62;
	s26 =	sor.u32 s31, s25;
	v6 =	vadd.f32 v1, v12;
	v62 =	vadd.f32 v4, v12;
	v4 =	vor.u32 $0x80, v27  }
0x17a: {  	[tilespmem:$0x1FA70] =	vst v60;
	v34 =	vld [tilespmem:s26+$0xD00];
	v1 =	vadd.f32 v2, v12;
	v2 =	vadd.f32 v8, v12;
	v8 =	vmul.f32 v21, v17  }
0x17b: {  	v7 =	vadd.f32 v19, v12;
	v3 =	vmul.f32 v10, v5;
	v9 =	vmul.f32 v9, v25;
	v11 =	vld.idx.msk [tilespmem:v27+s4+$0x0], $0xffff  }
0x17c: {  	[tilespmem:$0x1FAA0] =	vst v45;
	v18 =	vmul.f32 v18, v25;
	v23 =	vadd.f32 v28, v12;
	v28 =	vld [tilespmem:s26+$0xD20];
	v19 =	vadd.f32 v8, v12  }
0x17d: {  	[tilespmem:$0x1FAC0] =	vst v51;
	v32 =	vmul.f32 v26, v25;
	v17 =	vld [tilespmem:s26+$0xD50];
	v8 =	vadd.f32 v24, v12;
	v24 =	vadd.f32 v3, v12  }
0x17e: {  	[tilespmem:$0x1FAD0] =	vst v52;
	v3 =	vmul.f32 v26, v5;
	v5 =	vadd.f32 v29, v12;
	v29 =	vmul.f32 v10, v25;
	v10 =	vld [tilespmem:s26+$0xD60]  }
0x17f: {  	v13 =	vadd.f32 v13, v12;
	v21 =	vmul.f32 v21, v25;
	v9 =	vadd.f32 v9, v12;
	v16 =	vld.idx.msk [tilespmem:v4+s4+$0x0], $0xffff  }
0x180: {  	[tilespmem:$0x1FAB0] =	vst v47;
	v61 =	vadd.f32 v18, v12;
	v18 =	vimm.f32 $0.0e+00;
	v26 =	vadd.f32 v57, v12;
	v4 =	vld.idx.msk [tilespmem:v22+s4+$0x0], $0xffff  }
0x181: {  	[tilespmem:$0x1FAE0] =	vst v53;
	v27 =	vimm.f32 $0.0e+00;
	v3 =	vadd.f32 v3, v12;
	v30 =	vadd.f32 v29, v12;
	v22 =	vld [tilespmem:s26+$0xD30]  }
0x182: {  	[tilespmem:$0x1FAF0] =	vst v54;
	s25 =	simm.s32 $0x2;
	v25 =	vld [tilespmem:s26+$0xD40];
	v29 =	vadd.f32 v21, v12;
	v21 =	vadd.f32 v55, v12;
	v35 =	vmul.f32 v28, v11  }
.LBB2_9:
0x183: {  	p0 =	sne.s32 s25, $0x3F;
	v37 =	vld [tilespmem:s26+$0xD10];
	v38 =	vmul.f32 v17, v11;
	s23 =	sadd.s32 $0x80, s23;
	s24 =	sadd.s32 $0x200, s24;
	v12 =	vadd.f32 v36, v12;
	v18 =	vadd.f32 v32, v18;
	v32 =	vmovc v34  }
0x184: {  	v27 =	vadd.f32 v31, v27;
	s28 =	smov.u32 s25;
	s25 =	sadd.s32 $0x1, s25;
	v39 =	vld.idx.msk [tilespmem:v33+s4+$0x0], $0xffff;
	v33 =	vmul.f32 v32, v11;
	v42 =	vadd.f32 v35, v42  }
0x185: {  	v31 =	vmul.f32 v28, v16;
	v36 =	vmov v16;
	v34 =	vmul.f32 v10, v11;
	v35 =	vld [tilespmem:s26+$0xD70]  }
0x186: {  	v16 =	vmul.f32 v22, v11;
	v14 =	vadd.f32 v33, v14;
	v33 =	vmul.f32 v17, v36  }
0x187: {  	v40 =	vmul.f32 v32, v4;
	v46 =	vadd.f32 v31, v46;
	v31 =	vmul.f32 v28, v4  }
0x188: {  	v41 =	vmul.f32 v25, v11;
	v58 =	vadd.f32 v33, v58;
	v33 =	vmul.f32 v10, v36  }
0x189: {  	v48 =	vadd.f32 v16, v48;
	v43 =	vmul.f32 v37, v11;
	v44 =	vmul.f32 v37, v4  }
0x18a: {  	v56 =	vadd.f32 v38, v56;
	v16 =	vmul.f32 v22, v39;
	v11 =	vmul.f32 v35, v11  }
0x18b: {  	v38 =	vmul.f32 v25, v36;
	v59 =	vadd.f32 v34, v59;
	v34 =	vmul.f32 v35, v36  }
0x18c: {  	v45 =	vmov s28;
	v6 =	vadd.f32 v41, v6;
	v62 =	vadd.f32 v33, v62  }
0x18d: {  	v41 =	vor.u32 $0x80, v45;
	v33 =	vor.u32 $0x40, v45;
	v1 =	vadd.f32 v11, v1  }
0x18e: {  	v47 =	vor.u32 $0xC0, v45;
	v50 =	vmul.f32 v25, v39;
	v11 =	vmul.f32 v22, v36  }
0x18f: {  	v51 =	vmul.f32 v37, v36;
	v52 =	vmul.f32 v28, v39;
	v2 =	vadd.f32 v34, v2  }
0x190: {  	s28 =	sand.u32 $0x380, s23;
	s26 =	sand.u32 $0x7000, s24;
	v20 =	vadd.f32 v43, v20;
	v43 =	vmul.f32 v17, v39;
	v49 =	vadd.f32 v11, v49  }
0x191: {  	s26 =	sor.u32 s28, s26;
	v7 =	vadd.f32 v38, v7;
	v38 =	vmul.f32 v35, v4;
	v11 =	vld.idx.msk [tilespmem:v45+s4+$0x0], $0xffff;
	v45 =	vmul.f32 v22, v4  }
0x192: {  	v19 =	vadd.f32 v51, v19;
	v8 =	vadd.f32 v50, v8;
	v50 =	vmul.f32 v10, v4;
	v22 =	vld [tilespmem:s26+$0xD30]  }
0x193: {  	v24 =	vadd.f32 v40, v24;
	v15 =	vadd.f32 v31, v15;
	v53 =	vmul.f32 v32, v39;
	v51 =	vld [tilespmem:s26+$0xD50]  }
0x194: {  	v31 =	vmul.f32 v25, v4;
	v23 =	vadd.f32 v52, v23;
	v13 =	vadd.f32 v16, v13;
	v28 =	vld [tilespmem:s26+$0xD20]  }
.Ltmp3:
0x195: {  	v3 =	vadd.f32 v38, v3;
	v5 =	vadd.f32 v50, v5;
	v4 =	vmul.f32 v17, v4;
	v34 =	vld [tilespmem:s26+$0xD00];
	(pc) =	sbr.rel @p0 .LBB2_9-.Ltmp3, $4  }
0x196: {  	v37 =	vmul.f32 v37, v39;
	v25 =	vmul.f32 v10, v39;
	v9 =	vadd.f32 v43, v9;
	v16 =	vld.idx.msk [tilespmem:v41+s4+$0x0], $0xffff  }
0x197: {  	v30 =	vadd.f32 v53, v30;
	v36 =	vmul.f32 v32, v36;
	v63 =	vadd.f32 v4, v63;
	v10 =	vld [tilespmem:s26+$0xD60]  }
0x198: {  	v29 =	vadd.f32 v37, v29;
	v61 =	vadd.f32 v25, v61;
	v32 =	vmul.f32 v35, v39;
	v4 =	vld.idx.msk [tilespmem:v47+s4+$0x0], $0xffff  }
0x199: {  	v26 =	vadd.f32 v44, v26;
	v21 =	vadd.f32 v45, v21;
	v17 =	vmovc v51;
	v35 =	vmul.f32 v28, v11;
	v25 =	vld [tilespmem:s26+$0xD40]  }
0x19a: {  	_ =	sdelay $0x2  }
0x19b: {  	v41 =	vor.u32 $0xC00, v0  }
0x19c: {  	v33 =	vld.idx.msk [tilespmem:v33+s4+$0x0], $0xffff;
	v43 =	vor.u32 $0xC01, v0;
	[tilespmem:$0x1F850] =	vst v41  }
0x19d: {  	v37 =	vld [tilespmem:s26+$0xD10];
	v44 =	vor.u32 $0xC02, v0;
	[tilespmem:$0x1F860] =	vst v43  }
0x19e: {  	v39 =	vmul.f32 v34, v11;
	v45 =	vor.u32 $0xC03, v0;
	[tilespmem:$0x1F870] =	vst v44  }
0x19f: {  	v47 =	vor.u32 $0xC80, v0;
	[tilespmem:$0x1F880] =	vst v45  }
0x1a0: {  	v60 =	vor.u32 $0xC81, v0;
	[tilespmem:$0x1F890] =	vst v47;
	v14 =	vadd.f32 v39, v14;
	v55 =	vmul.f32 v34, v4  }
0x1a1: {  	[tilespmem:$0x1F8A0] =	vst v60;
	v53 =	vmul.f32 v34, v33  }
0x1a2: {  	v40 =	vld [tilespmem:s26+$0xD70];
	v50 =	vor.u32 $0xC83, v0;
	[tilespmem:v41+s17+$0x0] =	vst.idx.msk $0xffff, v14;
	v14 =	vadd.f32 v55, v24;
	v24 =	vmul.f32 v37, v33  }
0x1a3: {  	v12 =	vadd.f32 v36, v12;
	v51 =	vor.u32 $0xD02, v0;
	v54 =	vmul.f32 v34, v16;
	[tilespmem:$0x1F8C0] =	vst v50  }
0x1a4: {  	[tilespmem:$0x1F8F0] =	vst v51;
	v30 =	vadd.f32 v53, v30;
	v24 =	vadd.f32 v24, v29;
	v29 =	vor.u32 $0xD00, v0  }
0x1a5: {  	v12 =	vadd.f32 v54, v12;
	[tilespmem:$0x1F8D0] =	vst v29  }
0x1a6: {  	v57 =	vmul.f32 v37, v11;
	[tilespmem:v43+s17+$0x0] =	vst.idx.msk $0xffff, v30  }
0x1a7: {  	v43 =	vor.u32 $0xC82, v0;
	[tilespmem:v44+s17+$0x0] =	vst.idx.msk $0xffff, v12  }
0x1a8: {  	v20 =	vadd.f32 v57, v20;
	v30 =	vmul.f32 v37, v16;
	[tilespmem:$0x1F8B0] =	vst v43  }
0x1a9: {  	[tilespmem:v45+s17+$0x0] =	vst.idx.msk $0xffff, v14  }
0x1aa: {  	v19 =	vadd.f32 v30, v19;
	v30 =	vor.u32 $0xD01, v0;
	[tilespmem:v47+s17+$0x0] =	vst.idx.msk $0xffff, v20  }
0x1ab: {  	v12 =	vmul.f32 v37, v4;
	[tilespmem:$0x1F8E0] =	vst v30  }
0x1ac: {  	[tilespmem:v60+s17+$0x0] =	vst.idx.msk $0xffff, v24  }
0x1ad: {  	v12 =	vadd.f32 v12, v26;
	v24 =	vadd.f32 v31, v27;
	v27 =	vor.u32 $0xD03, v0;
	[tilespmem:v43+s17+$0x0] =	vst.idx.msk $0xffff, v19  }
0x1ae: {  	v20 =	vmul.f32 v28, v33;
	v26 =	vmul.f32 v28, v16;
	[tilespmem:$0x1F900] =	vst v27  }
0x1af: {  	v14 =	vadd.f32 v35, v42;
	v19 =	vmul.f32 v28, v4;
	v28 =	vor.u32 $0xD80, v0;
	[tilespmem:v50+s17+$0x0] =	vst.idx.msk $0xffff, v12  }
0x1b0: {  	v20 =	vadd.f32 v20, v23;
	v23 =	vadd.f32 v26, v46;
	v26 =	vor.u32 $0xD81, v0;
	[tilespmem:$0x1F910] =	vst v28  }
0x1b1: {  	[tilespmem:$0x1F920] =	vst v26  }
0x1b2: {  	[tilespmem:v29+s17+$0x0] =	vst.idx.msk $0xffff, v14  }
0x1b3: {  	v29 =	vor.u32 $0xD82, v0;
	[tilespmem:v30+s17+$0x0] =	vst.idx.msk $0xffff, v20  }
0x1b4: {  	v12 =	vmul.f32 v22, v11;
	[tilespmem:$0x1F930] =	vst v29  }
0x1b5: {  	v14 =	vmul.f32 v22, v33;
	v15 =	vadd.f32 v19, v15;
	v30 =	vor.u32 $0xD83, v0;
	[tilespmem:v51+s17+$0x0] =	vst.idx.msk $0xffff, v23  }
0x1b6: {  	v19 =	vmul.f32 v22, v16;
	v20 =	vmul.f32 v22, v4;
	v22 =	vor.u32 $0xE00, v0;
	[tilespmem:$0x1F940] =	vst v30  }
0x1b7: {  	[tilespmem:$0x1F950] =	vst v22  }
0x1b8: {  	v12 =	vadd.f32 v12, v48;
	v23 =	vor.u32 $0xE01, v0;
	[tilespmem:v27+s17+$0x0] =	vst.idx.msk $0xffff, v15  }
0x1b9: {  	[tilespmem:$0x1F960] =	vst v23  }
0x1ba: {  	v15 =	vadd.f32 v19, v49;
	v19 =	vadd.f32 v20, v21;
	v20 =	vor.u32 $0xE02, v0;
	[tilespmem:v28+s17+$0x0] =	vst.idx.msk $0xffff, v12  }
0x1bb: {  	v13 =	vadd.f32 v14, v13;
	v14 =	vmul.f32 v25, v11;
	v21 =	vor.u32 $0xE82, v0;
	[tilespmem:$0x1F970] =	vst v20  }
0x1bc: {  	[tilespmem:$0x1F9B0] =	vst v21  }
0x1bd: {  	v6 =	vadd.f32 v14, v6;
	v14 =	vadd.f32 v32, v18;
	v18 =	vor.u32 $0xE81, v0;
	[tilespmem:v26+s17+$0x0] =	vst.idx.msk $0xffff, v13  }
0x1be: {  	[tilespmem:$0x1F9A0] =	vst v18  }
0x1bf: {  	[tilespmem:v29+s17+$0x0] =	vst.idx.msk $0xffff, v15  }
0x1c0: {  	v12 =	vmul.f32 v25, v33;
	v15 =	vor.u32 $0xE03, v0;
	[tilespmem:v30+s17+$0x0] =	vst.idx.msk $0xffff, v19  }
0x1c1: {  	v13 =	vmul.f32 v25, v16;
	[tilespmem:$0x1F980] =	vst v15  }
0x1c2: {  	v8 =	vadd.f32 v12, v8;
	v12 =	vmul.f32 v25, v4;
	v19 =	vor.u32 $0xE80, v0;
	[tilespmem:v22+s17+$0x0] =	vst.idx.msk $0xffff, v6  }
0x1c3: {  	v7 =	vadd.f32 v13, v7;
	[tilespmem:$0x1F990] =	vst v19  }
0x1c4: {  	v38 =	vmul.f32 v17, v11;
	v12 =	vadd.f32 v12, v24;
	[tilespmem:v23+s17+$0x0] =	vst.idx.msk $0xffff, v8  }
0x1c5: {  	[tilespmem:v20+s17+$0x0] =	vst.idx.msk $0xffff, v7  }
0x1c6: {  	v13 =	vadd.f32 v38, v56;
	v6 =	vmul.f32 v17, v33;
	v20 =	vor.u32 $0xE83, v0;
	[tilespmem:v15+s17+$0x0] =	vst.idx.msk $0xffff, v12  }
0x1c7: {  	v8 =	vmul.f32 v17, v16;
	v7 =	vmul.f32 v17, v4;
	v17 =	vor.u32 $0xF03, v0;
	[tilespmem:$0x1F9C0] =	vst v20  }
0x1c8: {  	[tilespmem:$0x1FA00] =	vst v17  }
0x1c9: {  	v6 =	vadd.f32 v6, v9;
	v15 =	vor.u32 $0xF00, v0;
	[tilespmem:v19+s17+$0x0] =	vst.idx.msk $0xffff, v13  }
0x1ca: {  	[tilespmem:$0x1F9D0] =	vst v15  }
0x1cb: {  	v19 =	vor.u32 $0xF01, v0;
	[tilespmem:v18+s17+$0x0] =	vst.idx.msk $0xffff, v6  }
0x1cc: {  	v9 =	vmul.f32 v10, v11;
	v8 =	vadd.f32 v8, v58;
	v13 =	vor.u32 $0xF02, v0;
	[tilespmem:$0x1F9E0] =	vst v19  }
0x1cd: {  	v12 =	vmul.f32 v10, v33;
	v7 =	vadd.f32 v7, v63;
	[tilespmem:$0x1F9F0] =	vst v13  }
0x1ce: {  	v9 =	vadd.f32 v9, v59;
	v6 =	vmul.f32 v10, v16;
	[tilespmem:v21+s17+$0x0] =	vst.idx.msk $0xffff, v8  }
0x1cf: {  	v8 =	vmul.f32 v10, v4;
	v10 =	vadd.f32 v12, v61;
	v61 =	vor.u32 $0xF80, v0;
	[tilespmem:v20+s17+$0x0] =	vst.idx.msk $0xffff, v7  }
0x1d0: {  	v7 =	vmul.f32 v40, v11;
	v6 =	vadd.f32 v6, v62;
	v62 =	vor.u32 $0xF81, v0;
	[tilespmem:v15+s17+$0x0] =	vst.idx.msk $0xffff, v9  }
0x1d1: {  	v63 =	vor.u32 $0xF82, v0;
	v5 =	vadd.f32 v8, v5;
	v8 =	vmul.f32 v40, v33;
	[tilespmem:v19+s17+$0x0] =	vst.idx.msk $0xffff, v10  }
0x1d2: {  	v9 =	vmul.f32 v40, v16;
	v7 =	vadd.f32 v7, v1;
	v1 =	vor.u32 $0xF83, v0;
	[tilespmem:v13+s17+$0x0] =	vst.idx.msk $0xffff, v6  }
0x1d3: {  	v4 =	vmul.f32 v40, v4;
	v6 =	vadd.f32 v8, v14;
	[tilespmem:v17+s17+$0x0] =	vst.idx.msk $0xffff, v5  }
0x1d4: {  	v2 =	vadd.f32 v9, v2;
	[tilespmem:v61+s17+$0x0] =	vst.idx.msk $0xffff, v7  }
0x1d5: {  	s23 =	sadd.s32 s5, s22;
	v3 =	vadd.f32 v4, v3;
	[tilespmem:v62+s17+$0x0] =	vst.idx.msk $0xffff, v6  }
0x1d6: {  	s23 =	sshrl.u32 s23, $0x3;
	[tilespmem:v63+s17+$0x0] =	vst.idx.msk $0xffff, v2  }
0x1d7: {  	s24 =	simm.s32 $0x0;
	s23 =	sadd.s32 s3, s23;
	[tilespmem:v1+s17+$0x0] =	vst.idx.msk $0xffff, v3  }
0x1d8: {  	[hbm4b:s23+s24] =	stream.linear.scatter [tilespmem:s17], [sflag:$0x3], $0x1000, $0x38;
	[tilespmem:$0x11100] =	vst v63  }
0x1d9: {  	s26 =	sadd.s32 s8, s22;
	_ =	swait.ge [sflag:s11], $0x1000  }
0x1da: {  	s22 =	sshrl.u32 s26, $0x3;
	[sflag:s11] =	ssyncset.done $0x0  }
0x1db: {  	s22 =	sadd.s32 s1, s22;
	v2 =	vmov s24;
	[sflag:s11] =	ssyncadd.s32 $0xFFFFF000  }
0x1dc: {  	[tilespmem:s14], [sflag:$0x1] =	stream.strided.gather [hbm4b:s22+s12], $0x8000, s13, s12, $0x38;
	[tilespmem:$0x11100] =	vst v63  }
0x1dd: {  	_ =	swait.ge [sflag:s18], $0x8000  }
0x1de: {  	[sflag:s18] =	ssyncset.done $0x0  }
0x1df: {  	s28 =	sand.u32 $0x7000, s24;
	s29 =	sand.u32 $0x380, s24;
	[sflag:s18] =	ssyncadd.s32 $0xFFFF8000  }
0x1e0: {  	v3 =	vor.u32 $0x80, v2;
	s22 =	sor.u32 s29, s28;
	v5 =	vld.idx.msk [tilespmem:v2+s4+$0x0], $0xffff  }
0x1e1: {  	v8 =	vld [tilespmem:s22+$0x8130]  }
0x1e2: {  	v4 =	vor.u32 $0xC0, v2;
	v11 =	vld [tilespmem:s22+$0x8150]  }
0x1e3: {  	v12 =	vld [tilespmem:s22+$0x8120]  }
0x1e4: {  	v18 =	vld [tilespmem:s22+$0x8100]  }
0x1e5: {  	v19 =	vld.idx.msk [tilespmem:v3+s4+$0x0], $0xffff  }
0x1e6: {  	v2 =	vor.u32 $0x40, v2;
	v22 =	vld [tilespmem:s22+$0x8160]  }
0x1e7: {  	v21 =	vld.idx.msk [tilespmem:v4+s4+$0x0], $0xffff  }
0x1e8: {  	v29 =	vld [tilespmem:s22+$0x8110]  }
0x1e9: {  	v53 =	vld [tilespmem:s22+$0x8170]  }
0x1ea: {  	v24 =	vld [tilespmem:s22+$0x8140]  }
0x1eb: {  	s30 =	simm.s32 $0x1;
	v39 =	vimm.f32 $0.0e+00;
	v3 =	vmul.f32 v12, v5;
	v52 =	vld.idx.msk [tilespmem:v2+s4+$0x0], $0xffff;
	v2 =	vmul.f32 v18, v5  }
0x1ec: {  	v54 =	vmov s30;
	v6 =	vmul.f32 v11, v5;
	v9 =	vmul.f32 v22, v5  }
0x1ed: {  	v44 =	vor.u32 $0x40, v54;
	v7 =	vmul.f32 v8, v5;
	v25 =	vmul.f32 v12, v21  }
0x1ee: {  	v31 =	vor.u32 $0xC0, v54;
	v14 =	vmul.f32 v29, v5;
	v16 =	vmul.f32 v53, v5  }
0x1ef: {  	v30 =	vor.u32 $0x80, v54;
	v27 =	vmul.f32 v24, v19;
	v17 =	vmul.f32 v53, v19  }
0x1f0: {  	v20 =	vimm.f32 $0.0e+00;
	v57 =	vmul.f32 v8, v21;
	v42 =	vmul.f32 v24, v21  }
0x1f1: {  	v58 =	vmul.f32 v29, v21;
	v59 =	vmul.f32 v22, v21;
	v15 =	vadd.f32 v3, v20  }
0x1f2: {  	v60 =	vmul.f32 v11, v21;
	v23 =	vadd.f32 v2, v20;
	v13 =	vadd.f32 v7, v20  }
0x1f3: {  	v3 =	vmul.f32 v12, v19;
	v7 =	vadd.f32 v6, v20;
	v6 =	vadd.f32 v9, v20  }
0x1f4: {  	v2 =	vmul.f32 v11, v19;
	v28 =	vadd.f32 v14, v20;
	v14 =	vadd.f32 v27, v20  }
0x1f5: {  	v47 =	vmul.f32 v18, v19;
	v25 =	vadd.f32 v25, v20;
	v10 =	vadd.f32 v3, v20  }
0x1f6: {  	s23 =	simm.s32 $0x200;
	s22 =	simm.s32 $0x80;
	v3 =	vmul.f32 v24, v5;
	v4 =	vadd.f32 v2, v20;
	v2 =	vmul.f32 v22, v19  }
0x1f7: {  	s31 =	sand.u32 $0x7000, s23;
	s25 =	sand.u32 $0x380, s22;
	v37 =	vadd.f32 v58, v20;
	v26 =	vmul.f32 v8, v52;
	v55 =	vmul.f32 v24, v52  }
0x1f8: {  	v34 =	vld.idx.msk [tilespmem:v30+s4+$0x0], $0xffff;
	s25 =	sor.u32 s25, s31;
	v33 =	vadd.f32 v57, v20;
	v56 =	vmul.f32 v12, v52;
	v12 =	vmul.f32 v29, v19  }
0x1f9: {  	v40 =	vld [tilespmem:s25+$0x8120];
	v29 =	vmul.f32 v29, v52;
	v9 =	vadd.f32 v3, v20;
	v5 =	vadd.f32 v2, v20  }
0x1fa: {  	v45 =	vld [tilespmem:s25+$0x8100];
	v3 =	vadd.f32 v16, v20;
	v16 =	vmul.f32 v8, v19;
	v2 =	vadd.f32 v17, v20  }
0x1fb: {  	v19 =	vadd.f32 v60, v20;
	v27 =	vadd.f32 v12, v20;
	v12 =	vld.idx.msk [tilespmem:v31+s4+$0x0], $0xffff;
	v31 =	vmul.f32 v18, v52  }
0x1fc: {  	v24 =	vld.idx.msk [tilespmem:v54+s4+$0x0], $0xffff;
	v22 =	vmul.f32 v22, v52;
	v30 =	vadd.f32 v56, v20;
	v26 =	vadd.f32 v26, v20  }
0x1fd: {  	v8 =	vmul.f32 v18, v21;
	v38 =	vadd.f32 v29, v20;
	v41 =	vadd.f32 v31, v20;
	v31 =	vld [tilespmem:s25+$0x8150]  }
0x1fe: {  	v43 =	vmul.f32 v53, v52;
	v18 =	vadd.f32 v22, v20;
	v17 =	vadd.f32 v16, v20  }
0x1ff: {  	v22 =	vld [tilespmem:s25+$0x8160];
	v35 =	vadd.f32 v8, v20;
	v8 =	vmul.f32 v53, v21;
	v21 =	vmul.f32 v11, v52  }
0x200: {  	v32 =	vld [tilespmem:s25+$0x8130];
	v29 =	vimm.f32 $0.0e+00;
	v16 =	vadd.f32 v55, v20;
	v11 =	vadd.f32 v59, v20  }
0x201: {  	s24 =	simm.s32 $0x2;
	v36 =	vld [tilespmem:s25+$0x8140];
	v8 =	vadd.f32 v8, v20;
	v21 =	vadd.f32 v21, v20;
	v46 =	vmul.f32 v40, v24  }
.LBB2_11:
0x202: {  	p0 =	sne.s32 s24, $0x3F;
	v48 =	vld [tilespmem:s25+$0x8110];
	v49 =	vmul.f32 v31, v24;
	s22 =	sadd.s32 $0x80, s22;
	s23 =	sadd.s32 $0x200, s23;
	v20 =	vadd.f32 v47, v20;
	v29 =	vadd.f32 v43, v29;
	v43 =	vmovc v45  }
0x203: {  	v39 =	vadd.f32 v42, v39;
	s26 =	smov.u32 s24;
	s24 =	sadd.s32 $0x1, s24;
	v50 =	vld.idx.msk [tilespmem:v44+s4+$0x0], $0xffff;
	v44 =	vmul.f32 v43, v24;
	v15 =	vadd.f32 v46, v15  }
0x204: {  	v42 =	vmul.f32 v40, v34;
	v47 =	vmov v34;
	v45 =	vmul.f32 v22, v24;
	v46 =	vld [tilespmem:s25+$0x8170]  }
0x205: {  	v34 =	vmul.f32 v32, v24;
	v23 =	vadd.f32 v44, v23;
	v44 =	vmul.f32 v31, v47  }
0x206: {  	v51 =	vmul.f32 v43, v12;
	v10 =	vadd.f32 v42, v10;
	v42 =	vmul.f32 v40, v12  }
0x207: {  	v52 =	vmul.f32 v36, v24;
	v4 =	vadd.f32 v44, v4;
	v44 =	vmul.f32 v22, v47  }
0x208: {  	v13 =	vadd.f32 v34, v13;
	v53 =	vmul.f32 v48, v24;
	v54 =	vmul.f32 v48, v12  }
0x209: {  	v7 =	vadd.f32 v49, v7;
	v34 =	vmul.f32 v32, v50;
	v24 =	vmul.f32 v46, v24  }
0x20a: {  	v49 =	vmul.f32 v36, v47;
	v6 =	vadd.f32 v45, v6;
	v45 =	vmul.f32 v46, v47  }
0x20b: {  	v55 =	vmov s26;
	v9 =	vadd.f32 v52, v9;
	v5 =	vadd.f32 v44, v5  }
0x20c: {  	v52 =	vor.u32 $0x80, v55;
	v44 =	vor.u32 $0x40, v55;
	v3 =	vadd.f32 v24, v3  }
0x20d: {  	v56 =	vor.u32 $0xC0, v55;
	v57 =	vmul.f32 v36, v50;
	v24 =	vmul.f32 v32, v47  }
0x20e: {  	v58 =	vmul.f32 v48, v47;
	v59 =	vmul.f32 v40, v50;
	v2 =	vadd.f32 v45, v2  }
0x20f: {  	s26 =	sand.u32 $0x380, s22;
	s25 =	sand.u32 $0x7000, s23;
	v28 =	vadd.f32 v53, v28;
	v53 =	vmul.f32 v31, v50;
	v17 =	vadd.f32 v24, v17  }
0x210: {  	s25 =	sor.u32 s26, s25;
	v14 =	vadd.f32 v49, v14;
	v49 =	vmul.f32 v46, v12;
	v24 =	vld.idx.msk [tilespmem:v55+s4+$0x0], $0xffff;
	v55 =	vmul.f32 v32, v12  }
0x211: {  	v27 =	vadd.f32 v58, v27;
	v16 =	vadd.f32 v57, v16;
	v57 =	vmul.f32 v22, v12;
	v32 =	vld [tilespmem:s25+$0x8130]  }
0x212: {  	v35 =	vadd.f32 v51, v35;
	v25 =	vadd.f32 v42, v25;
	v60 =	vmul.f32 v43, v50;
	v58 =	vld [tilespmem:s25+$0x8150]  }
0x213: {  	v42 =	vmul.f32 v36, v12;
	v30 =	vadd.f32 v59, v30;
	v26 =	vadd.f32 v34, v26;
	v40 =	vld [tilespmem:s25+$0x8120]  }
.Ltmp4:
0x214: {  	v8 =	vadd.f32 v49, v8;
	v11 =	vadd.f32 v57, v11;
	v12 =	vmul.f32 v31, v12;
	v45 =	vld [tilespmem:s25+$0x8100];
	(pc) =	sbr.rel @p0 .LBB2_11-.Ltmp4, $4  }
0x215: {  	v48 =	vmul.f32 v48, v50;
	v36 =	vmul.f32 v22, v50;
	v21 =	vadd.f32 v53, v21;
	v34 =	vld.idx.msk [tilespmem:v52+s4+$0x0], $0xffff  }
0x216: {  	v41 =	vadd.f32 v60, v41;
	v47 =	vmul.f32 v43, v47;
	v19 =	vadd.f32 v12, v19;
	v22 =	vld [tilespmem:s25+$0x8160]  }
0x217: {  	v38 =	vadd.f32 v48, v38;
	v18 =	vadd.f32 v36, v18;
	v43 =	vmul.f32 v46, v50;
	v12 =	vld.idx.msk [tilespmem:v56+s4+$0x0], $0xffff  }
0x218: {  	v37 =	vadd.f32 v54, v37;
	v33 =	vadd.f32 v55, v33;
	v31 =	vmovc v58;
	v46 =	vmul.f32 v40, v24;
	v36 =	vld [tilespmem:s25+$0x8140]  }
0x219: {  	_ =	sdelay $0x3  }
0x21a: {  	v44 =	vld.idx.msk [tilespmem:v44+s4+$0x0], $0xffff  }
0x21b: {  	v53 =	vld [tilespmem:$0x1FEF0]  }
0x21c: {  	v55 =	vld [tilespmem:$0x1FF00]  }
0x21d: {  	v57 =	vld [tilespmem:$0x1FF10]  }
0x21e: {  	v49 =	vmul.f32 v45, v24  }
0x21f: {  	v58 =	vmul.f32 v45, v44  }
0x220: {  	v20 =	vadd.f32 v47, v20;
	v50 =	vmul.f32 v45, v34;
	v23 =	vadd.f32 v49, v23  }
0x221: {  	v48 =	vld [tilespmem:s25+$0x8110];
	v51 =	vmul.f32 v45, v12;
	v41 =	vadd.f32 v58, v41  }
0x222: {  	v60 =	vld [tilespmem:s25+$0x8170];
	v20 =	vadd.f32 v50, v20;
	[tilespmem:v0+s17+$0x0] =	vst.idx.msk $0xffff, v23  }
0x223: {  	v23 =	vadd.f32 v51, v35;
	[tilespmem:v53+s17+$0x0] =	vst.idx.msk $0xffff, v41  }
0x224: {  	[tilespmem:v55+s17+$0x0] =	vst.idx.msk $0xffff, v20  }
0x225: {  	[tilespmem:v57+s17+$0x0] =	vst.idx.msk $0xffff, v23;
	v23 =	vld [tilespmem:$0x1FF20];
	_ =	sdelay $0x3  }
0x226: {  	v59 =	vmul.f32 v48, v24;
	_ =	sdelay $0x1  }
0x227: {  	v28 =	vadd.f32 v59, v28;
	_ =	sdelay $0x1  }
0x228: {  	[tilespmem:v23+s17+$0x0] =	vst.idx.msk $0xffff, v28;
	v23 =	vmul.f32 v40, v44;
	v28 =	vld [tilespmem:$0x1FF30]  }
0x229: {  	v59 =	vld [tilespmem:$0x1FF40]  }
0x22a: {  	v23 =	vadd.f32 v23, v30;
	v30 =	vld [tilespmem:$0x1FF50];
	_ =	sdelay $0x1  }
0x22b: {  	v52 =	vmul.f32 v48, v44  }
0x22c: {  	v20 =	vmul.f32 v48, v34  }
0x22d: {  	v56 =	vmul.f32 v48, v12;
	v35 =	vadd.f32 v52, v38  }
0x22e: {  	v20 =	vadd.f32 v20, v27  }
0x22f: {  	v27 =	vadd.f32 v56, v37;
	[tilespmem:v28+s17+$0x0] =	vst.idx.msk $0xffff, v35  }
0x230: {  	[tilespmem:v59+s17+$0x0] =	vst.idx.msk $0xffff, v20;
	v20 =	vmul.f32 v40, v12  }
0x231: {  	[tilespmem:v30+s17+$0x0] =	vst.idx.msk $0xffff, v27;
	v30 =	vld [tilespmem:$0x1FF60]  }
0x232: {  	v20 =	vadd.f32 v20, v25;
	v25 =	vld [tilespmem:$0x1FF70];
	_ =	sdelay $0x4  }
0x233: {  	v15 =	vadd.f32 v46, v15;
	_ =	sdelay $0x1  }
0x234: {  	[tilespmem:v30+s17+$0x0] =	vst.idx.msk $0xffff, v15  }
0x235: {  	[tilespmem:v25+s17+$0x0] =	vst.idx.msk $0xffff, v23;
	v25 =	vld [tilespmem:$0x1FF80];
	_ =	sdelay $0x3  }
0x236: {  	v58 =	vmul.f32 v40, v34;
	_ =	sdelay $0x1  }
0x237: {  	v10 =	vadd.f32 v58, v10  }
0x238: {  	v23 =	vmul.f32 v32, v34  }
0x239: {  	[tilespmem:v25+s17+$0x0] =	vst.idx.msk $0xffff, v10;
	v25 =	vld [tilespmem:$0x1FF90]  }
0x23a: {  	v17 =	vadd.f32 v23, v17;
	v23 =	vld [tilespmem:$0x1FFA0];
	_ =	sdelay $0x3  }
0x23b: {  	v27 =	vmul.f32 v32, v24;
	_ =	sdelay $0x1  }
0x23c: {  	v13 =	vadd.f32 v27, v13  }
0x23d: {  	[tilespmem:v25+s17+$0x0] =	vst.idx.msk $0xffff, v20;
	v20 =	vmul.f32 v36, v24  }
0x23e: {  	[tilespmem:v23+s17+$0x0] =	vst.idx.msk $0xffff, v13;
	v23 =	vld [tilespmem:$0x1FFB0]  }
0x23f: {  	v9 =	vadd.f32 v20, v9;
	v20 =	vld [tilespmem:$0x1FFC0];
	_ =	sdelay $0x2  }
0x240: {  	v15 =	vmul.f32 v32, v44;
	_ =	sdelay $0x1  }
0x241: {  	v15 =	vadd.f32 v15, v26;
	_ =	sdelay $0x1  }
0x242: {  	[tilespmem:v23+s17+$0x0] =	vst.idx.msk $0xffff, v15;
	v15 =	vmul.f32 v36, v34  }
0x243: {  	[tilespmem:v20+s17+$0x0] =	vst.idx.msk $0xffff, v17;
	v17 =	vld [tilespmem:$0x1FFD0]  }
0x244: {  	v14 =	vadd.f32 v15, v14;
	v15 =	vld [tilespmem:$0x1FFE0];
	_ =	sdelay $0x2  }
0x245: {  	v10 =	vmul.f32 v32, v12  }
0x246: {  	v13 =	vmul.f32 v36, v44  }
0x247: {  	v10 =	vadd.f32 v10, v33  }
0x248: {  	v28 =	vadd.f32 v42, v39;
	v13 =	vadd.f32 v13, v16;
	v16 =	vmul.f32 v36, v12  }
0x249: {  	[tilespmem:v17+s17+$0x0] =	vst.idx.msk $0xffff, v10  }
0x24a: {  	[tilespmem:v15+s17+$0x0] =	vst.idx.msk $0xffff, v9;
	v15 =	vadd.f32 v16, v28;
	v16 =	vld [tilespmem:$0x1FFF0];
	_ =	sdelay $0x7  }
0x24b: {  	[tilespmem:v16+s17+$0x0] =	vst.idx.msk $0xffff, v13;
	v16 =	vld [tilespmem:$0x1FE10];
	_ =	sdelay $0x6  }
0x24c: {  	v13 =	vmul.f32 v31, v34  }
0x24d: {  	[tilespmem:v16+s17+$0x0] =	vst.idx.msk $0xffff, v14;
	v16 =	vld [tilespmem:$0x1FE20]  }
0x24e: {  	v4 =	vadd.f32 v13, v4;
	v13 =	vld [tilespmem:$0x1FE30];
	_ =	sdelay $0x3  }
0x24f: {  	v54 =	vmul.f32 v31, v24;
	_ =	sdelay $0x1  }
0x250: {  	v7 =	vadd.f32 v54, v7;
	v14 =	vmul.f32 v31, v12  }
0x251: {  	[tilespmem:v16+s17+$0x0] =	vst.idx.msk $0xffff, v15  }
0x252: {  	[tilespmem:v13+s17+$0x0] =	vst.idx.msk $0xffff, v7;
	v13 =	vadd.f32 v14, v19;
	v14 =	vld [tilespmem:$0x1FE40];
	_ =	sdelay $0x3  }
0x253: {  	v9 =	vmul.f32 v31, v44;
	_ =	sdelay $0x1  }
0x254: {  	v9 =	vadd.f32 v9, v21;
	_ =	sdelay $0x1  }
0x255: {  	[tilespmem:v14+s17+$0x0] =	vst.idx.msk $0xffff, v9;
	v14 =	vld [tilespmem:$0x1FE50];
	_ =	sdelay $0x6  }
0x256: {  	v9 =	vmul.f32 v22, v34  }
0x257: {  	[tilespmem:v14+s17+$0x0] =	vst.idx.msk $0xffff, v4;
	v14 =	vld [tilespmem:$0x1FE60]  }
0x258: {  	v5 =	vadd.f32 v9, v5;
	v9 =	vld [tilespmem:$0x1FE70];
	_ =	sdelay $0x3  }
0x259: {  	v15 =	vmul.f32 v22, v24;
	_ =	sdelay $0x1  }
0x25a: {  	v6 =	vadd.f32 v15, v6  }
0x25b: {  	[tilespmem:v14+s17+$0x0] =	vst.idx.msk $0xffff, v13  }
0x25c: {  	[tilespmem:v9+s17+$0x0] =	vst.idx.msk $0xffff, v6;
	v9 =	vld [tilespmem:$0x1FE80];
	_ =	sdelay $0x3  }
0x25d: {  	v7 =	vmul.f32 v22, v44;
	_ =	sdelay $0x1  }
0x25e: {  	v7 =	vadd.f32 v7, v18;
	_ =	sdelay $0x1  }
0x25f: {  	[tilespmem:v9+s17+$0x0] =	vst.idx.msk $0xffff, v7;
	v9 =	vld [tilespmem:$0x1FE90];
	_ =	sdelay $0x6  }
0x260: {  	v7 =	vmul.f32 v60, v34  }
0x261: {  	[tilespmem:v9+s17+$0x0] =	vst.idx.msk $0xffff, v5;
	v9 =	vld [tilespmem:$0x1FEA0]  }
0x262: {  	v2 =	vadd.f32 v7, v2;
	v7 =	vld [tilespmem:$0x1FEB0];
	_ =	sdelay $0x2  }
0x263: {  	v4 =	vmul.f32 v22, v12  }
0x264: {  	v13 =	vmul.f32 v60, v24  }
0x265: {  	v4 =	vadd.f32 v4, v11  }
0x266: {  	v3 =	vadd.f32 v13, v3;
	v5 =	vmul.f32 v60, v12  }
0x267: {  	[tilespmem:v9+s17+$0x0] =	vst.idx.msk $0xffff, v4  }
0x268: {  	[tilespmem:v7+s17+$0x0] =	vst.idx.msk $0xffff, v3;
	v3 =	vadd.f32 v5, v8;
	v5 =	vld [tilespmem:$0x1FEC0];
	_ =	sdelay $0x3  }
0x269: {  	v10 =	vadd.f32 v43, v29;
	v6 =	vmul.f32 v60, v44;
	_ =	sdelay $0x1  }
0x26a: {  	v6 =	vadd.f32 v6, v10;
	_ =	sdelay $0x1  }
0x26b: {  	[tilespmem:v5+s17+$0x0] =	vst.idx.msk $0xffff, v6;
	v5 =	vld [tilespmem:$0x1FED0];
	_ =	sdelay $0x7  }
0x26c: {  	[tilespmem:v5+s17+$0x0] =	vst.idx.msk $0xffff, v2;
	v2 =	vld [tilespmem:$0x1FEE0];
	_ =	sdelay $0x2  }
0x26d: {  	s22 =	simm.s32 $0x0  }
0x26e: {  	v4 =	vmov s22;
	_ =	sdelay $0x3  }
0x26f: {  	s23 =	sand.u32 $0x7000, s22;
	s22 =	sand.u32 $0x380, s22;
	[tilespmem:v2+s17+$0x0] =	vst.idx.msk $0xffff, v3  }
0x270: {  	s22 =	sor.u32 s22, s23;
	v3 =	vld.idx.msk [tilespmem:v4+s4+$0x0], $0xffff  }
0x271: {  	v5 =	vor.u32 $0xC0, v4;
	v8 =	vld [tilespmem:s22+$0x8550]  }
0x272: {  	v11 =	vld [tilespmem:s22+$0x8520]  }
0x273: {  	v18 =	vld [tilespmem:s22+$0x8500]  }
0x274: {  	v2 =	vor.u32 $0x80, v4;
	v17 =	vld [tilespmem:s22+$0x8560]  }
0x275: {  	v14 =	vld [tilespmem:s22+$0x8530]  }
0x276: {  	v20 =	vld.idx.msk [tilespmem:v5+s4+$0x0], $0xffff  }
0x277: {  	v22 =	vld [tilespmem:s22+$0x8510]  }
0x278: {  	v40 =	vimm.f32 $0.0e+00;
	v35 =	vld [tilespmem:s22+$0x8570]  }
0x279: {  	s30 =	simm.s32 $0x1;
	v23 =	vimm.f32 $0.0e+00;
	v21 =	vld.idx.msk [tilespmem:v2+s4+$0x0], $0xffff;
	v2 =	vor.u32 $0x40, v4;
	v4 =	vmul.f32 v11, v3  }
0x27a: {  	v28 =	vmov s30;
	v5 =	vmul.f32 v8, v3;
	v6 =	vmul.f32 v18, v3  }
0x27b: {  	v42 =	vor.u32 $0x40, v28;
	v9 =	vmul.f32 v17, v3;
	v7 =	vmul.f32 v14, v3  }
0x27c: {  	v39 =	vor.u32 $0x80, v28;
	v29 =	vld [tilespmem:s22+$0x8540];
	v26 =	vmul.f32 v18, v20;
	v27 =	vmul.f32 v11, v20  }
0x27d: {  	v52 =	vor.u32 $0xC0, v28;
	v16 =	vmul.f32 v22, v3;
	v37 =	vmul.f32 v22, v20  }
0x27e: {  	v54 =	vmul.f32 v14, v20;
	v55 =	vmul.f32 v35, v20;
	v13 =	vadd.f32 v4, v23  }
0x27f: {  	v56 =	vmul.f32 v17, v20;
	v24 =	vadd.f32 v6, v23;
	v12 =	vadd.f32 v7, v23  }
0x280: {  	v58 =	vmul.f32 v8, v20;
	v7 =	vadd.f32 v5, v23;
	v6 =	vadd.f32 v9, v23  }
0x281: {  	v43 =	vmul.f32 v29, v20;
	v32 =	vadd.f32 v16, v23;
	v34 =	vadd.f32 v26, v23  }
0x282: {  	v20 =	vadd.f32 v58, v23;
	v33 =	vld.idx.msk [tilespmem:v2+s4+$0x0], $0xffff;
	v2 =	vmul.f32 v11, v21;
	v4 =	vmul.f32 v8, v21  }
0x283: {  	v37 =	vadd.f32 v37, v23;
	v15 =	vmul.f32 v17, v21;
	v19 =	vmul.f32 v29, v21  }
0x284: {  	v25 =	vmul.f32 v35, v21;
	v31 =	vmul.f32 v22, v21;
	v10 =	vadd.f32 v2, v23  }
0x285: {  	s23 =	simm.s32 $0x200;
	s22 =	simm.s32 $0x80;
	v2 =	vmul.f32 v29, v3;
	v4 =	vadd.f32 v4, v23;
	v3 =	vmul.f32 v35, v3  }
0x286: {  	s24 =	sand.u32 $0x7000, s23;
	s31 =	sand.u32 $0x380, s22;
	v5 =	vadd.f32 v15, v23;
	v15 =	vmul.f32 v14, v21;
	v31 =	vadd.f32 v31, v23  }
0x287: {  	v39 =	vld.idx.msk [tilespmem:v39+s4+$0x0], $0xffff;
	s25 =	sor.u32 s31, s24;
	v47 =	vmul.f32 v18, v21;
	v9 =	vadd.f32 v2, v23;
	v3 =	vadd.f32 v3, v23  }
0x288: {  	v36 =	vld [tilespmem:s25+$0x8520];
	v2 =	vadd.f32 v25, v23;
	v16 =	vadd.f32 v15, v23;
	v60 =	vmul.f32 v14, v33  }
0x289: {  	v15 =	vld.idx.msk [tilespmem:v28+s4+$0x0], $0xffff;
	v28 =	vadd.f32 v27, v23;
	v30 =	vmul.f32 v29, v33;
	v11 =	vmul.f32 v11, v33  }
0x28a: {  	v45 =	vld [tilespmem:s25+$0x8500];
	v53 =	vmul.f32 v8, v33;
	v14 =	vadd.f32 v19, v23;
	v57 =	vmul.f32 v18, v33  }
0x28b: {  	v27 =	vld [tilespmem:s25+$0x8550];
	v8 =	vadd.f32 v55, v23;
	v59 =	vmul.f32 v22, v33;
	v19 =	vadd.f32 v30, v23  }
0x28c: {  	v21 =	vld.idx.msk [tilespmem:v52+s4+$0x0], $0xffff;
	v44 =	vmul.f32 v35, v33;
	v30 =	vadd.f32 v11, v23;
	v26 =	vadd.f32 v60, v23  }
0x28d: {  	v11 =	vadd.f32 v56, v23;
	v22 =	vadd.f32 v53, v23;
	v60 =	vmul.f32 v17, v33;
	v17 =	vld [tilespmem:s25+$0x8560]  }
0x28e: {  	v25 =	vld [tilespmem:s25+$0x8530];
	v29 =	vimm.f32 $0.0e+00;
	v41 =	vadd.f32 v57, v23;
	v38 =	vadd.f32 v59, v23  }
0x28f: {  	s24 =	simm.s32 $0x2;
	v35 =	vld [tilespmem:s25+$0x8540];
	v33 =	vadd.f32 v54, v23;
	v18 =	vadd.f32 v60, v23;
	v46 =	vmul.f32 v36, v15  }
.LBB2_13:
0x290: {  	p0 =	sne.s32 s24, $0x3F;
	v48 =	vld [tilespmem:s25+$0x8510];
	v49 =	vmul.f32 v27, v15;
	s22 =	sadd.s32 $0x80, s22;
	s23 =	sadd.s32 $0x200, s23;
	v23 =	vadd.f32 v47, v23;
	v29 =	vadd.f32 v44, v29;
	v44 =	vmovc v45  }
0x291: {  	v40 =	vadd.f32 v43, v40;
	s26 =	smov.u32 s24;
	s24 =	sadd.s32 $0x1, s24;
	v50 =	vld.idx.msk [tilespmem:v42+s4+$0x0], $0xffff;
	v42 =	vmul.f32 v44, v15;
	v13 =	vadd.f32 v46, v13  }
0x292: {  	v43 =	vmul.f32 v36, v39;
	v47 =	vmov v39;
	v45 =	vmul.f32 v17, v15;
	v46 =	vld [tilespmem:s25+$0x8570]  }
0x293: {  	v39 =	vmul.f32 v25, v15;
	v24 =	vadd.f32 v42, v24;
	v42 =	vmul.f32 v27, v47  }
0x294: {  	v51 =	vmul.f32 v44, v21;
	v10 =	vadd.f32 v43, v10;
	v43 =	vmul.f32 v36, v21  }
0x295: {  	v52 =	vmul.f32 v35, v15;
	v4 =	vadd.f32 v42, v4;
	v42 =	vmul.f32 v17, v47  }
0x296: {  	v12 =	vadd.f32 v39, v12;
	v53 =	vmul.f32 v48, v15;
	v54 =	vmul.f32 v48, v21  }
0x297: {  	v7 =	vadd.f32 v49, v7;
	v39 =	vmul.f32 v25, v50;
	v15 =	vmul.f32 v46, v15  }
0x298: {  	v49 =	vmul.f32 v35, v47;
	v6 =	vadd.f32 v45, v6;
	v45 =	vmul.f32 v46, v47  }
0x299: {  	v55 =	vmov s26;
	v9 =	vadd.f32 v52, v9;
	v5 =	vadd.f32 v42, v5  }
0x29a: {  	v52 =	vor.u32 $0x80, v55;
	v42 =	vor.u32 $0x40, v55;
	v3 =	vadd.f32 v15, v3  }
0x29b: {  	v56 =	vor.u32 $0xC0, v55;
	v57 =	vmul.f32 v35, v50;
	v15 =	vmul.f32 v25, v47  }
0x29c: {  	v58 =	vmul.f32 v48, v47;
	v59 =	vmul.f32 v36, v50;
	v2 =	vadd.f32 v45, v2  }
0x29d: {  	s26 =	sand.u32 $0x380, s22;
	s25 =	sand.u32 $0x7000, s23;
	v32 =	vadd.f32 v53, v32;
	v53 =	vmul.f32 v27, v50;
	v16 =	vadd.f32 v15, v16  }
0x29e: {  	s25 =	sor.u32 s26, s25;
	v14 =	vadd.f32 v49, v14;
	v49 =	vmul.f32 v46, v21;
	v15 =	vld.idx.msk [tilespmem:v55+s4+$0x0], $0xffff;
	v55 =	vmul.f32 v25, v21  }
0x29f: {  	v31 =	vadd.f32 v58, v31;
	v19 =	vadd.f32 v57, v19;
	v57 =	vmul.f32 v17, v21;
	v25 =	vld [tilespmem:s25+$0x8530]  }
0x2a0: {  	v34 =	vadd.f32 v51, v34;
	v28 =	vadd.f32 v43, v28;
	v60 =	vmul.f32 v44, v50;
	v58 =	vld [tilespmem:s25+$0x8550]  }
0x2a1: {  	v43 =	vmul.f32 v35, v21;
	v30 =	vadd.f32 v59, v30;
	v26 =	vadd.f32 v39, v26;
	v36 =	vld [tilespmem:s25+$0x8520]  }
.Ltmp5:
0x2a2: {  	v8 =	vadd.f32 v49, v8;
	v11 =	vadd.f32 v57, v11;
	v21 =	vmul.f32 v27, v21;
	v45 =	vld [tilespmem:s25+$0x8500];
	(pc) =	sbr.rel @p0 .LBB2_13-.Ltmp5, $4  }
0x2a3: {  	v48 =	vmul.f32 v48, v50;
	v35 =	vmul.f32 v17, v50;
	v22 =	vadd.f32 v53, v22;
	v39 =	vld.idx.msk [tilespmem:v52+s4+$0x0], $0xffff  }
0x2a4: {  	v41 =	vadd.f32 v60, v41;
	v47 =	vmul.f32 v44, v47;
	v20 =	vadd.f32 v21, v20;
	v17 =	vld [tilespmem:s25+$0x8560]  }
0x2a5: {  	v38 =	vadd.f32 v48, v38;
	v18 =	vadd.f32 v35, v18;
	v44 =	vmul.f32 v46, v50;
	v21 =	vld.idx.msk [tilespmem:v56+s4+$0x0], $0xffff  }
0x2a6: {  	v37 =	vadd.f32 v54, v37;
	v33 =	vadd.f32 v55, v33;
	v27 =	vmovc v58;
	v46 =	vmul.f32 v36, v15;
	v35 =	vld [tilespmem:s25+$0x8540]  }
0x2a7: {  	_ =	sdelay $0x3  }
0x2a8: {  	v42 =	vld.idx.msk [tilespmem:v42+s4+$0x0], $0xffff  }
0x2a9: {  	v60 =	vld [tilespmem:$0x1FC10]  }
0x2aa: {  	v51 =	vld [tilespmem:$0x1FC20]  }
0x2ab: {  	v53 =	vld [tilespmem:$0x1FC30]  }
0x2ac: {  	v55 =	vld [tilespmem:$0x1FC40]  }
0x2ad: {  	v49 =	vmul.f32 v45, v15  }
0x2ae: {  	v57 =	vmul.f32 v45, v42  }
0x2af: {  	v23 =	vadd.f32 v47, v23;
	v50 =	vmul.f32 v45, v39;
	v24 =	vadd.f32 v49, v24  }
0x2b0: {  	v48 =	vld [tilespmem:s25+$0x8510];
	v59 =	vmul.f32 v45, v21;
	v41 =	vadd.f32 v57, v41  }
0x2b1: {  	v47 =	vld [tilespmem:s25+$0x8570];
	v23 =	vadd.f32 v50, v23;
	[tilespmem:v60+s17+$0x0] =	vst.idx.msk $0xffff, v24  }
0x2b2: {  	v24 =	vadd.f32 v59, v34;
	[tilespmem:v51+s17+$0x0] =	vst.idx.msk $0xffff, v41  }
0x2b3: {  	[tilespmem:v53+s17+$0x0] =	vst.idx.msk $0xffff, v23  }
0x2b4: {  	[tilespmem:v55+s17+$0x0] =	vst.idx.msk $0xffff, v24;
	v24 =	vld [tilespmem:$0x1FC50];
	_ =	sdelay $0x3  }
0x2b5: {  	v58 =	vmul.f32 v48, v15;
	_ =	sdelay $0x1  }
0x2b6: {  	v32 =	vadd.f32 v58, v32;
	_ =	sdelay $0x1  }
0x2b7: {  	v56 =	vld [tilespmem:$0x1FC60];
	[tilespmem:v24+s17+$0x0] =	vst.idx.msk $0xffff, v32;
	v24 =	vmul.f32 v36, v42  }
0x2b8: {  	v59 =	vld [tilespmem:$0x1FC70]  }
0x2b9: {  	v24 =	vadd.f32 v24, v30;
	v30 =	vld [tilespmem:$0x1FC80];
	_ =	sdelay $0x1  }
0x2ba: {  	v50 =	vmul.f32 v48, v42  }
0x2bb: {  	v23 =	vmul.f32 v48, v39  }
0x2bc: {  	v54 =	vmul.f32 v48, v21;
	v34 =	vadd.f32 v50, v38  }
0x2bd: {  	v23 =	vadd.f32 v23, v31  }
0x2be: {  	v31 =	vadd.f32 v54, v37;
	[tilespmem:v56+s17+$0x0] =	vst.idx.msk $0xffff, v34  }
0x2bf: {  	[tilespmem:v59+s17+$0x0] =	vst.idx.msk $0xffff, v23;
	v23 =	vmul.f32 v36, v21  }
0x2c0: {  	[tilespmem:v30+s17+$0x0] =	vst.idx.msk $0xffff, v31;
	v31 =	vld [tilespmem:$0x1FC90]  }
0x2c1: {  	v23 =	vadd.f32 v23, v28;
	v28 =	vld [tilespmem:$0x1FCA0];
	_ =	sdelay $0x4  }
0x2c2: {  	v13 =	vadd.f32 v46, v13;
	_ =	sdelay $0x1  }
0x2c3: {  	[tilespmem:v31+s17+$0x0] =	vst.idx.msk $0xffff, v13  }
0x2c4: {  	[tilespmem:v28+s17+$0x0] =	vst.idx.msk $0xffff, v24;
	v28 =	vld [tilespmem:$0x1FCB0];
	_ =	sdelay $0x3  }
0x2c5: {  	v58 =	vmul.f32 v36, v39;
	_ =	sdelay $0x1  }
0x2c6: {  	v10 =	vadd.f32 v58, v10  }
0x2c7: {  	v30 =	vmul.f32 v25, v15;
	v24 =	vmul.f32 v25, v39  }
0x2c8: {  	v13 =	vmul.f32 v25, v42;
	[tilespmem:v28+s17+$0x0] =	vst.idx.msk $0xffff, v10;
	v10 =	vmul.f32 v25, v21;
	v25 =	vld [tilespmem:$0x1FCC0]  }
0x2c9: {  	v16 =	vadd.f32 v24, v16;
	v24 =	vld [tilespmem:$0x1FCD0];
	_ =	sdelay $0x5  }
0x2ca: {  	v12 =	vadd.f32 v30, v12  }
0x2cb: {  	[tilespmem:v25+s17+$0x0] =	vst.idx.msk $0xffff, v23  }
0x2cc: {  	[tilespmem:v24+s17+$0x0] =	vst.idx.msk $0xffff, v12;
	v24 =	vld [tilespmem:$0x1FCE0];
	_ =	sdelay $0x5  }
0x2cd: {  	v13 =	vadd.f32 v13, v26;
	v23 =	vmul.f32 v35, v15  }
0x2ce: {  	v12 =	vmul.f32 v35, v42  }
0x2cf: {  	v9 =	vadd.f32 v23, v9;
	v23 =	vld [tilespmem:$0x1FCF0];
	[tilespmem:v24+s17+$0x0] =	vst.idx.msk $0xffff, v13;
	v13 =	vmul.f32 v35, v39  }
0x2d0: {  	v12 =	vadd.f32 v12, v19;
	v19 =	vld [tilespmem:$0x1FD00]  }
0x2d1: {  	v13 =	vadd.f32 v13, v14;
	v14 =	vld [tilespmem:$0x1FD10];
	_ =	sdelay $0x4  }
0x2d2: {  	v10 =	vadd.f32 v10, v33  }
0x2d3: {  	v57 =	vadd.f32 v43, v40;
	[tilespmem:v23+s17+$0x0] =	vst.idx.msk $0xffff, v16;
	v16 =	vmul.f32 v35, v21  }
0x2d4: {  	[tilespmem:v19+s17+$0x0] =	vst.idx.msk $0xffff, v10  }
0x2d5: {  	[tilespmem:v14+s17+$0x0] =	vst.idx.msk $0xffff, v9;
	v14 =	vadd.f32 v16, v57;
	v16 =	vld [tilespmem:$0x1FD20];
	_ =	sdelay $0x7  }
0x2d6: {  	[tilespmem:v16+s17+$0x0] =	vst.idx.msk $0xffff, v12;
	v16 =	vld [tilespmem:$0x1FD30];
	_ =	sdelay $0x6  }
0x2d7: {  	v12 =	vmul.f32 v27, v39  }
0x2d8: {  	[tilespmem:v16+s17+$0x0] =	vst.idx.msk $0xffff, v13;
	v16 =	vld [tilespmem:$0x1FD40]  }
0x2d9: {  	v4 =	vadd.f32 v12, v4;
	v12 =	vld [tilespmem:$0x1FD50];
	_ =	sdelay $0x3  }
0x2da: {  	v52 =	vmul.f32 v27, v15;
	_ =	sdelay $0x1  }
0x2db: {  	v7 =	vadd.f32 v52, v7;
	v13 =	vmul.f32 v27, v21  }
0x2dc: {  	[tilespmem:v16+s17+$0x0] =	vst.idx.msk $0xffff, v14  }
0x2dd: {  	[tilespmem:v12+s17+$0x0] =	vst.idx.msk $0xffff, v7;
	v12 =	vadd.f32 v13, v20;
	v13 =	vld [tilespmem:$0x1FD60];
	_ =	sdelay $0x3  }
0x2de: {  	v9 =	vmul.f32 v27, v42;
	_ =	sdelay $0x1  }
0x2df: {  	v9 =	vadd.f32 v9, v22;
	_ =	sdelay $0x1  }
0x2e0: {  	[tilespmem:v13+s17+$0x0] =	vst.idx.msk $0xffff, v9;
	v13 =	vld [tilespmem:$0x1FD70];
	_ =	sdelay $0x6  }
0x2e1: {  	v9 =	vmul.f32 v17, v39  }
0x2e2: {  	[tilespmem:v13+s17+$0x0] =	vst.idx.msk $0xffff, v4;
	v13 =	vld [tilespmem:$0x1FD80]  }
0x2e3: {  	v5 =	vadd.f32 v9, v5;
	v9 =	vld [tilespmem:$0x1FD90];
	_ =	sdelay $0x3  }
0x2e4: {  	v14 =	vmul.f32 v17, v15;
	_ =	sdelay $0x1  }
0x2e5: {  	v6 =	vadd.f32 v14, v6  }
0x2e6: {  	[tilespmem:v13+s17+$0x0] =	vst.idx.msk $0xffff, v12  }
0x2e7: {  	[tilespmem:v9+s17+$0x0] =	vst.idx.msk $0xffff, v6;
	v9 =	vld [tilespmem:$0x1FDA0];
	_ =	sdelay $0x3  }
0x2e8: {  	v7 =	vmul.f32 v17, v42;
	_ =	sdelay $0x1  }
0x2e9: {  	v7 =	vadd.f32 v7, v18;
	_ =	sdelay $0x1  }
0x2ea: {  	[tilespmem:v9+s17+$0x0] =	vst.idx.msk $0xffff, v7;
	v9 =	vld [tilespmem:$0x1FDB0];
	_ =	sdelay $0x6  }
0x2eb: {  	v7 =	vmul.f32 v47, v39  }
0x2ec: {  	[tilespmem:v9+s17+$0x0] =	vst.idx.msk $0xffff, v5;
	v9 =	vld [tilespmem:$0x1FDC0]  }
0x2ed: {  	v2 =	vadd.f32 v7, v2;
	v7 =	vld [tilespmem:$0x1FDD0];
	_ =	sdelay $0x2  }
0x2ee: {  	v4 =	vmul.f32 v17, v21  }
0x2ef: {  	v12 =	vmul.f32 v47, v15  }
0x2f0: {  	v4 =	vadd.f32 v4, v11  }
0x2f1: {  	v3 =	vadd.f32 v12, v3;
	v5 =	vmul.f32 v47, v21  }
0x2f2: {  	[tilespmem:v9+s17+$0x0] =	vst.idx.msk $0xffff, v4  }
0x2f3: {  	[tilespmem:v7+s17+$0x0] =	vst.idx.msk $0xffff, v3;
	v3 =	vadd.f32 v5, v8;
	v5 =	vld [tilespmem:$0x1FDE0];
	_ =	sdelay $0x3  }
0x2f4: {  	v10 =	vadd.f32 v44, v29;
	v6 =	vmul.f32 v47, v42;
	_ =	sdelay $0x1  }
0x2f5: {  	v6 =	vadd.f32 v6, v10;
	_ =	sdelay $0x1  }
0x2f6: {  	[tilespmem:v5+s17+$0x0] =	vst.idx.msk $0xffff, v6;
	v5 =	vld [tilespmem:$0x1FDF0];
	_ =	sdelay $0x7  }
0x2f7: {  	[tilespmem:v5+s17+$0x0] =	vst.idx.msk $0xffff, v2;
	v2 =	vld [tilespmem:$0x1FE00];
	_ =	sdelay $0x2  }
0x2f8: {  	s22 =	simm.s32 $0x0  }
0x2f9: {  	v4 =	vmov s22;
	_ =	sdelay $0x3  }
0x2fa: {  	s23 =	sand.u32 $0x7000, s22;
	s22 =	sand.u32 $0x380, s22;
	[tilespmem:v2+s17+$0x0] =	vst.idx.msk $0xffff, v3  }
0x2fb: {  	s22 =	sor.u32 s22, s23;
	v3 =	vld.idx.msk [tilespmem:v4+s4+$0x0], $0xffff  }
0x2fc: {  	v5 =	vor.u32 $0xC0, v4;
	v8 =	vld [tilespmem:s22+$0x8950]  }
0x2fd: {  	v11 =	vld [tilespmem:s22+$0x8920]  }
0x2fe: {  	v18 =	vld [tilespmem:s22+$0x8900]  }
0x2ff: {  	v2 =	vor.u32 $0x80, v4;
	v17 =	vld [tilespmem:s22+$0x8960]  }
0x300: {  	v14 =	vld [tilespmem:s22+$0x8930]  }
0x301: {  	v20 =	vld.idx.msk [tilespmem:v5+s4+$0x0], $0xffff  }
0x302: {  	v22 =	vld [tilespmem:s22+$0x8910]  }
0x303: {  	s30 =	simm.s32 $0x1;
	v40 =	vimm.f32 $0.0e+00;
	v35 =	vld [tilespmem:s22+$0x8970]  }
0x304: {  	v28 =	vmov s30;
	v21 =	vld.idx.msk [tilespmem:v2+s4+$0x0], $0xffff;
	v2 =	vor.u32 $0x40, v4;
	v4 =	vmul.f32 v11, v3  }
0x305: {  	v52 =	vor.u32 $0xC0, v28;
	v5 =	vmul.f32 v8, v3;
	v6 =	vmul.f32 v18, v3  }
0x306: {  	v23 =	vimm.f32 $0.0e+00;
	v9 =	vmul.f32 v17, v3;
	v7 =	vmul.f32 v14, v3  }
0x307: {  	v42 =	vor.u32 $0x40, v28;
	v29 =	vld [tilespmem:s22+$0x8940];
	v26 =	vmul.f32 v18, v20;
	v27 =	vmul.f32 v11, v20  }
0x308: {  	v39 =	vor.u32 $0x80, v28;
	v16 =	vmul.f32 v22, v3;
	v37 =	vmul.f32 v22, v20  }
0x309: {  	v54 =	vmul.f32 v14, v20;
	v55 =	vmul.f32 v35, v20;
	v13 =	vadd.f32 v4, v23  }
0x30a: {  	v56 =	vmul.f32 v17, v20;
	v24 =	vadd.f32 v6, v23;
	v12 =	vadd.f32 v7, v23  }
0x30b: {  	v58 =	vmul.f32 v8, v20;
	v7 =	vadd.f32 v5, v23;
	v6 =	vadd.f32 v9, v23  }
0x30c: {  	v43 =	vmul.f32 v29, v20;
	v32 =	vadd.f32 v16, v23;
	v34 =	vadd.f32 v26, v23  }
0x30d: {  	v20 =	vadd.f32 v58, v23;
	v33 =	vld.idx.msk [tilespmem:v2+s4+$0x0], $0xffff;
	v2 =	vmul.f32 v11, v21;
	v4 =	vmul.f32 v8, v21  }
0x30e: {  	v37 =	vadd.f32 v37, v23;
	v15 =	vmul.f32 v17, v21;
	v19 =	vmul.f32 v29, v21  }
0x30f: {  	v25 =	vmul.f32 v35, v21;
	v31 =	vmul.f32 v22, v21;
	v10 =	vadd.f32 v2, v23  }
0x310: {  	s23 =	simm.s32 $0x200;
	s22 =	simm.s32 $0x80;
	v2 =	vmul.f32 v29, v3;
	v4 =	vadd.f32 v4, v23;
	v3 =	vmul.f32 v35, v3  }
0x311: {  	s24 =	sand.u32 $0x7000, s23;
	s31 =	sand.u32 $0x380, s22;
	v5 =	vadd.f32 v15, v23;
	v15 =	vmul.f32 v14, v21;
	v31 =	vadd.f32 v31, v23  }
0x312: {  	v39 =	vld.idx.msk [tilespmem:v39+s4+$0x0], $0xffff;
	s25 =	sor.u32 s31, s24;
	v47 =	vmul.f32 v18, v21;
	v9 =	vadd.f32 v2, v23;
	v3 =	vadd.f32 v3, v23  }
0x313: {  	v36 =	vld [tilespmem:s25+$0x8920];
	v2 =	vadd.f32 v25, v23;
	v16 =	vadd.f32 v15, v23;
	v60 =	vmul.f32 v14, v33  }
0x314: {  	v15 =	vld.idx.msk [tilespmem:v28+s4+$0x0], $0xffff;
	v28 =	vadd.f32 v27, v23;
	v30 =	vmul.f32 v29, v33;
	v11 =	vmul.f32 v11, v33  }
0x315: {  	v45 =	vld [tilespmem:s25+$0x8900];
	v53 =	vmul.f32 v8, v33;
	v14 =	vadd.f32 v19, v23;
	v57 =	vmul.f32 v18, v33  }
0x316: {  	v27 =	vld [tilespmem:s25+$0x8950];
	v8 =	vadd.f32 v55, v23;
	v59 =	vmul.f32 v22, v33;
	v19 =	vadd.f32 v30, v23  }
0x317: {  	v21 =	vld.idx.msk [tilespmem:v52+s4+$0x0], $0xffff;
	v44 =	vmul.f32 v35, v33;
	v30 =	vadd.f32 v11, v23;
	v26 =	vadd.f32 v60, v23  }
0x318: {  	v11 =	vadd.f32 v56, v23;
	v22 =	vadd.f32 v53, v23;
	v60 =	vmul.f32 v17, v33;
	v17 =	vld [tilespmem:s25+$0x8960]  }
0x319: {  	v25 =	vld [tilespmem:s25+$0x8930];
	v29 =	vimm.f32 $0.0e+00;
	v41 =	vadd.f32 v57, v23;
	v38 =	vadd.f32 v59, v23  }
0x31a: {  	s24 =	simm.s32 $0x2;
	v35 =	vld [tilespmem:s25+$0x8940];
	v33 =	vadd.f32 v54, v23;
	v18 =	vadd.f32 v60, v23;
	v46 =	vmul.f32 v36, v15  }
.LBB2_15:
0x31b: {  	p0 =	sne.s32 s24, $0x3F;
	v48 =	vld [tilespmem:s25+$0x8910];
	v49 =	vmul.f32 v27, v15;
	s22 =	sadd.s32 $0x80, s22;
	s23 =	sadd.s32 $0x200, s23;
	v23 =	vadd.f32 v47, v23;
	v29 =	vadd.f32 v44, v29;
	v44 =	vmovc v45  }
0x31c: {  	v40 =	vadd.f32 v43, v40;
	s26 =	smov.u32 s24;
	s24 =	sadd.s32 $0x1, s24;
	v50 =	vld.idx.msk [tilespmem:v42+s4+$0x0], $0xffff;
	v42 =	vmul.f32 v44, v15;
	v13 =	vadd.f32 v46, v13  }
0x31d: {  	v43 =	vmul.f32 v36, v39;
	v47 =	vmov v39;
	v45 =	vmul.f32 v17, v15;
	v46 =	vld [tilespmem:s25+$0x8970]  }
0x31e: {  	v39 =	vmul.f32 v25, v15;
	v24 =	vadd.f32 v42, v24;
	v42 =	vmul.f32 v27, v47  }
0x31f: {  	v51 =	vmul.f32 v44, v21;
	v10 =	vadd.f32 v43, v10;
	v43 =	vmul.f32 v36, v21  }
0x320: {  	v52 =	vmul.f32 v35, v15;
	v4 =	vadd.f32 v42, v4;
	v42 =	vmul.f32 v17, v47  }
0x321: {  	v12 =	vadd.f32 v39, v12;
	v53 =	vmul.f32 v48, v15;
	v54 =	vmul.f32 v48, v21  }
0x322: {  	v7 =	vadd.f32 v49, v7;
	v39 =	vmul.f32 v25, v50;
	v15 =	vmul.f32 v46, v15  }
0x323: {  	v49 =	vmul.f32 v35, v47;
	v6 =	vadd.f32 v45, v6;
	v45 =	vmul.f32 v46, v47  }
0x324: {  	v55 =	vmov s26;
	v9 =	vadd.f32 v52, v9;
	v5 =	vadd.f32 v42, v5  }
0x325: {  	v52 =	vor.u32 $0x80, v55;
	v42 =	vor.u32 $0x40, v55;
	v3 =	vadd.f32 v15, v3  }
0x326: {  	v56 =	vor.u32 $0xC0, v55;
	v57 =	vmul.f32 v35, v50;
	v15 =	vmul.f32 v25, v47  }
0x327: {  	v58 =	vmul.f32 v48, v47;
	v59 =	vmul.f32 v36, v50;
	v2 =	vadd.f32 v45, v2  }
0x328: {  	s26 =	sand.u32 $0x380, s22;
	s25 =	sand.u32 $0x7000, s23;
	v32 =	vadd.f32 v53, v32;
	v53 =	vmul.f32 v27, v50;
	v16 =	vadd.f32 v15, v16  }
0x329: {  	s25 =	sor.u32 s26, s25;
	v14 =	vadd.f32 v49, v14;
	v49 =	vmul.f32 v46, v21;
	v15 =	vld.idx.msk [tilespmem:v55+s4+$0x0], $0xffff;
	v55 =	vmul.f32 v25, v21  }
0x32a: {  	v31 =	vadd.f32 v58, v31;
	v19 =	vadd.f32 v57, v19;
	v57 =	vmul.f32 v17, v21;
	v25 =	vld [tilespmem:s25+$0x8930]  }
0x32b: {  	v34 =	vadd.f32 v51, v34;
	v28 =	vadd.f32 v43, v28;
	v60 =	vmul.f32 v44, v50;
	v58 =	vld [tilespmem:s25+$0x8950]  }
0x32c: {  	v43 =	vmul.f32 v35, v21;
	v30 =	vadd.f32 v59, v30;
	v26 =	vadd.f32 v39, v26;
	v36 =	vld [tilespmem:s25+$0x8920]  }
.Ltmp6:
0x32d: {  	v8 =	vadd.f32 v49, v8;
	v11 =	vadd.f32 v57, v11;
	v21 =	vmul.f32 v27, v21;
	v45 =	vld [tilespmem:s25+$0x8900];
	(pc) =	sbr.rel @p0 .LBB2_15-.Ltmp6, $4  }
0x32e: {  	v48 =	vmul.f32 v48, v50;
	v35 =	vmul.f32 v17, v50;
	v22 =	vadd.f32 v53, v22;
	v39 =	vld.idx.msk [tilespmem:v52+s4+$0x0], $0xffff  }
0x32f: {  	v41 =	vadd.f32 v60, v41;
	v47 =	vmul.f32 v44, v47;
	v20 =	vadd.f32 v21, v20;
	v17 =	vld [tilespmem:s25+$0x8960]  }
0x330: {  	v38 =	vadd.f32 v48, v38;
	v18 =	vadd.f32 v35, v18;
	v44 =	vmul.f32 v46, v50;
	v21 =	vld.idx.msk [tilespmem:v56+s4+$0x0], $0xffff  }
0x331: {  	v37 =	vadd.f32 v54, v37;
	v33 =	vadd.f32 v55, v33;
	v27 =	vmovc v58;
	v46 =	vmul.f32 v36, v15;
	v35 =	vld [tilespmem:s25+$0x8940]  }
0x332: {  	_ =	sdelay $0x3  }
0x333: {  	v42 =	vld.idx.msk [tilespmem:v42+s4+$0x0], $0xffff  }
0x334: {  	v60 =	vld [tilespmem:$0x1FA10]  }
0x335: {  	v51 =	vld [tilespmem:$0x1FA20]  }
0x336: {  	v53 =	vld [tilespmem:$0x1FA30]  }
0x337: {  	v55 =	vld [tilespmem:$0x1FA40]  }
0x338: {  	v49 =	vmul.f32 v45, v15  }
0x339: {  	v57 =	vmul.f32 v45, v42  }
0x33a: {  	v23 =	vadd.f32 v47, v23;
	v50 =	vmul.f32 v45, v39;
	v24 =	vadd.f32 v49, v24  }
0x33b: {  	v48 =	vld [tilespmem:s25+$0x8910];
	v59 =	vmul.f32 v45, v21;
	v41 =	vadd.f32 v57, v41  }
0x33c: {  	v47 =	vld [tilespmem:s25+$0x8970];
	v23 =	vadd.f32 v50, v23;
	[tilespmem:v60+s17+$0x0] =	vst.idx.msk $0xffff, v24  }
0x33d: {  	v24 =	vadd.f32 v59, v34;
	[tilespmem:v51+s17+$0x0] =	vst.idx.msk $0xffff, v41  }
0x33e: {  	[tilespmem:v53+s17+$0x0] =	vst.idx.msk $0xffff, v23  }
0x33f: {  	[tilespmem:v55+s17+$0x0] =	vst.idx.msk $0xffff, v24;
	v24 =	vld [tilespmem:$0x1FA50];
	_ =	sdelay $0x3  }
0x340: {  	v58 =	vmul.f32 v48, v15;
	_ =	sdelay $0x1  }
0x341: {  	v32 =	vadd.f32 v58, v32;
	_ =	sdelay $0x1  }
0x342: {  	v56 =	vld [tilespmem:$0x1FA60];
	[tilespmem:v24+s17+$0x0] =	vst.idx.msk $0xffff, v32;
	v24 =	vmul.f32 v36, v42  }
0x343: {  	v59 =	vld [tilespmem:$0x1FA70]  }
0x344: {  	v24 =	vadd.f32 v24, v30;
	v30 =	vld [tilespmem:$0x1FA80];
	_ =	sdelay $0x1  }
0x345: {  	v50 =	vmul.f32 v48, v42  }
0x346: {  	v23 =	vmul.f32 v48, v39  }
0x347: {  	v54 =	vmul.f32 v48, v21;
	v34 =	vadd.f32 v50, v38  }
0x348: {  	v23 =	vadd.f32 v23, v31  }
0x349: {  	v31 =	vadd.f32 v54, v37;
	[tilespmem:v56+s17+$0x0] =	vst.idx.msk $0xffff, v34  }
0x34a: {  	[tilespmem:v59+s17+$0x0] =	vst.idx.msk $0xffff, v23;
	v23 =	vmul.f32 v36, v21  }
0x34b: {  	[tilespmem:v30+s17+$0x0] =	vst.idx.msk $0xffff, v31;
	v31 =	vld [tilespmem:$0x1FA90]  }
0x34c: {  	v23 =	vadd.f32 v23, v28;
	v28 =	vld [tilespmem:$0x1FAA0];
	_ =	sdelay $0x4  }
0x34d: {  	v13 =	vadd.f32 v46, v13;
	_ =	sdelay $0x1  }
0x34e: {  	[tilespmem:v31+s17+$0x0] =	vst.idx.msk $0xffff, v13  }
0x34f: {  	[tilespmem:v28+s17+$0x0] =	vst.idx.msk $0xffff, v24;
	v28 =	vld [tilespmem:$0x1FAB0];
	_ =	sdelay $0x3  }
0x350: {  	v58 =	vmul.f32 v36, v39;
	_ =	sdelay $0x1  }
0x351: {  	v10 =	vadd.f32 v58, v10  }
0x352: {  	v30 =	vmul.f32 v25, v15;
	v24 =	vmul.f32 v25, v39  }
0x353: {  	v13 =	vmul.f32 v25, v42;
	[tilespmem:v28+s17+$0x0] =	vst.idx.msk $0xffff, v10;
	v10 =	vmul.f32 v25, v21;
	v25 =	vld [tilespmem:$0x1FAC0]  }
0x354: {  	v16 =	vadd.f32 v24, v16;
	v24 =	vld [tilespmem:$0x1FAD0];
	_ =	sdelay $0x5  }
0x355: {  	v12 =	vadd.f32 v30, v12  }
0x356: {  	[tilespmem:v25+s17+$0x0] =	vst.idx.msk $0xffff, v23  }
0x357: {  	[tilespmem:v24+s17+$0x0] =	vst.idx.msk $0xffff, v12;
	v24 =	vld [tilespmem:$0x1FAE0];
	_ =	sdelay $0x5  }
0x358: {  	v13 =	vadd.f32 v13, v26;
	v23 =	vmul.f32 v35, v15  }
0x359: {  	v12 =	vmul.f32 v35, v42  }
0x35a: {  	v9 =	vadd.f32 v23, v9;
	v23 =	vld [tilespmem:$0x1FAF0];
	[tilespmem:v24+s17+$0x0] =	vst.idx.msk $0xffff, v13;
	v13 =	vmul.f32 v35, v39  }
0x35b: {  	v12 =	vadd.f32 v12, v19;
	v19 =	vld [tilespmem:$0x1FB00]  }
0x35c: {  	v13 =	vadd.f32 v13, v14;
	v14 =	vld [tilespmem:$0x1FB10];
	_ =	sdelay $0x4  }
0x35d: {  	v10 =	vadd.f32 v10, v33  }
0x35e: {  	v57 =	vadd.f32 v43, v40;
	[tilespmem:v23+s17+$0x0] =	vst.idx.msk $0xffff, v16;
	v16 =	vmul.f32 v35, v21  }
0x35f: {  	[tilespmem:v19+s17+$0x0] =	vst.idx.msk $0xffff, v10  }
0x360: {  	[tilespmem:v14+s17+$0x0] =	vst.idx.msk $0xffff, v9;
	v14 =	vadd.f32 v16, v57;
	v16 =	vld [tilespmem:$0x1FB20];
	_ =	sdelay $0x7  }
0x361: {  	[tilespmem:v16+s17+$0x0] =	vst.idx.msk $0xffff, v12;
	v16 =	vld [tilespmem:$0x1FB30];
	_ =	sdelay $0x6  }
0x362: {  	v12 =	vmul.f32 v27, v39  }
0x363: {  	[tilespmem:v16+s17+$0x0] =	vst.idx.msk $0xffff, v13;
	v16 =	vld [tilespmem:$0x1FB40]  }
0x364: {  	v4 =	vadd.f32 v12, v4;
	v12 =	vld [tilespmem:$0x1FB50];
	_ =	sdelay $0x3  }
0x365: {  	v52 =	vmul.f32 v27, v15;
	_ =	sdelay $0x1  }
0x366: {  	v7 =	vadd.f32 v52, v7;
	v13 =	vmul.f32 v27, v21  }
0x367: {  	[tilespmem:v16+s17+$0x0] =	vst.idx.msk $0xffff, v14  }
0x368: {  	[tilespmem:v12+s17+$0x0] =	vst.idx.msk $0xffff, v7;
	v12 =	vadd.f32 v13, v20;
	v13 =	vld [tilespmem:$0x1FB60];
	_ =	sdelay $0x3  }
0x369: {  	v9 =	vmul.f32 v27, v42;
	_ =	sdelay $0x1  }
0x36a: {  	v9 =	vadd.f32 v9, v22;
	_ =	sdelay $0x1  }
0x36b: {  	[tilespmem:v13+s17+$0x0] =	vst.idx.msk $0xffff, v9;
	v13 =	vld [tilespmem:$0x1FB70];
	_ =	sdelay $0x6  }
0x36c: {  	v9 =	vmul.f32 v17, v39  }
0x36d: {  	[tilespmem:v13+s17+$0x0] =	vst.idx.msk $0xffff, v4;
	v13 =	vld [tilespmem:$0x1FB80]  }
0x36e: {  	v5 =	vadd.f32 v9, v5;
	v9 =	vld [tilespmem:$0x1FB90];
	_ =	sdelay $0x3  }
0x36f: {  	v14 =	vmul.f32 v17, v15;
	_ =	sdelay $0x1  }
0x370: {  	v6 =	vadd.f32 v14, v6  }
0x371: {  	[tilespmem:v13+s17+$0x0] =	vst.idx.msk $0xffff, v12  }
0x372: {  	[tilespmem:v9+s17+$0x0] =	vst.idx.msk $0xffff, v6;
	v9 =	vld [tilespmem:$0x1FBA0];
	_ =	sdelay $0x3  }
0x373: {  	v7 =	vmul.f32 v17, v42;
	_ =	sdelay $0x1  }
0x374: {  	v7 =	vadd.f32 v7, v18;
	_ =	sdelay $0x1  }
0x375: {  	[tilespmem:v9+s17+$0x0] =	vst.idx.msk $0xffff, v7;
	v9 =	vld [tilespmem:$0x1FBB0];
	_ =	sdelay $0x6  }
0x376: {  	v7 =	vmul.f32 v47, v39  }
0x377: {  	[tilespmem:v9+s17+$0x0] =	vst.idx.msk $0xffff, v5;
	v9 =	vld [tilespmem:$0x1FBC0]  }
0x378: {  	v2 =	vadd.f32 v7, v2;
	v7 =	vld [tilespmem:$0x1FBD0];
	_ =	sdelay $0x2  }
0x379: {  	v4 =	vmul.f32 v17, v21  }
0x37a: {  	v12 =	vmul.f32 v47, v15  }
0x37b: {  	v4 =	vadd.f32 v4, v11  }
0x37c: {  	v3 =	vadd.f32 v12, v3;
	v5 =	vmul.f32 v47, v21  }
0x37d: {  	[tilespmem:v9+s17+$0x0] =	vst.idx.msk $0xffff, v4  }
0x37e: {  	[tilespmem:v7+s17+$0x0] =	vst.idx.msk $0xffff, v3;
	v3 =	vadd.f32 v5, v8;
	v5 =	vld [tilespmem:$0x1FBE0];
	_ =	sdelay $0x3  }
0x37f: {  	v10 =	vadd.f32 v44, v29;
	v6 =	vmul.f32 v47, v42;
	_ =	sdelay $0x1  }
0x380: {  	v6 =	vadd.f32 v6, v10;
	_ =	sdelay $0x1  }
0x381: {  	[tilespmem:v5+s17+$0x0] =	vst.idx.msk $0xffff, v6;
	v5 =	vld [tilespmem:$0x1FBF0];
	_ =	sdelay $0x7  }
0x382: {  	[tilespmem:v5+s17+$0x0] =	vst.idx.msk $0xffff, v2;
	v2 =	vld [tilespmem:$0x1FC00];
	_ =	sdelay $0x2  }
0x383: {  	s22 =	simm.s32 $0x0  }
0x384: {  	v4 =	vmov s22;
	_ =	sdelay $0x3  }
0x385: {  	s23 =	sand.u32 $0x7000, s22;
	s22 =	sand.u32 $0x380, s22;
	[tilespmem:v2+s17+$0x0] =	vst.idx.msk $0xffff, v3  }
0x386: {  	s22 =	sor.u32 s22, s23;
	v3 =	vld.idx.msk [tilespmem:v4+s4+$0x0], $0xffff  }
0x387: {  	v5 =	vor.u32 $0xC0, v4;
	v8 =	vld [tilespmem:s22+$0x8D50]  }
0x388: {  	v10 =	vld [tilespmem:s22+$0x8D20]  }
0x389: {  	v19 =	vld [tilespmem:s22+$0x8D00]  }
0x38a: {  	v2 =	vor.u32 $0x80, v4;
	v16 =	vld [tilespmem:s22+$0x8D60]  }
0x38b: {  	v14 =	vld [tilespmem:s22+$0x8D30]  }
0x38c: {  	v21 =	vld.idx.msk [tilespmem:v5+s4+$0x0], $0xffff  }
0x38d: {  	s30 =	simm.s32 $0x1;
	v23 =	vld [tilespmem:s22+$0x8D10]  }
0x38e: {  	v28 =	vmov s30;
	v37 =	vld [tilespmem:s22+$0x8D70]  }
0x38f: {  	v22 =	vld.idx.msk [tilespmem:v2+s4+$0x0], $0xffff;
	v2 =	vor.u32 $0x40, v4;
	v4 =	vmul.f32 v10, v3;
	v5 =	vmul.f32 v8, v3  }
0x390: {  	v41 =	vor.u32 $0x40, v28;
	v6 =	vmul.f32 v19, v3;
	v9 =	vmul.f32 v16, v3  }
0x391: {  	v38 =	vor.u32 $0x80, v28;
	v32 =	vld [tilespmem:s22+$0x8D40];
	v7 =	vmul.f32 v14, v3;
	v26 =	vmul.f32 v19, v21  }
0x392: {  	v52 =	vor.u32 $0xC0, v28;
	v27 =	vmul.f32 v10, v21;
	v17 =	vmul.f32 v23, v3  }
0x393: {  	v20 =	vimm.f32 $0.0e+00;
	v39 =	vmul.f32 v23, v21;
	v54 =	vmul.f32 v14, v21  }
0x394: {  	v42 =	vimm.f32 $0.0e+00;
	v55 =	vmul.f32 v37, v21;
	v56 =	vmul.f32 v16, v21  }
0x395: {  	v58 =	vmul.f32 v8, v21;
	v13 =	vadd.f32 v4, v20;
	v24 =	vadd.f32 v6, v20  }
0x396: {  	v43 =	vmul.f32 v32, v21;
	v12 =	vadd.f32 v7, v20;
	v7 =	vadd.f32 v5, v20  }
0x397: {  	v6 =	vadd.f32 v9, v20;
	v29 =	vadd.f32 v17, v20;
	v34 =	vld.idx.msk [tilespmem:v2+s4+$0x0], $0xffff;
	v2 =	vmul.f32 v10, v22  }
0x398: {  	v33 =	vadd.f32 v26, v20;
	v4 =	vmul.f32 v8, v22;
	v15 =	vmul.f32 v16, v22  }
0x399: {  	v21 =	vadd.f32 v58, v20;
	v18 =	vmul.f32 v32, v22;
	v25 =	vmul.f32 v37, v22  }
0x39a: {  	v30 =	vmul.f32 v23, v22;
	v11 =	vadd.f32 v2, v20;
	v2 =	vmul.f32 v32, v3  }
0x39b: {  	s23 =	simm.s32 $0x200;
	s22 =	simm.s32 $0x80;
	v4 =	vadd.f32 v4, v20;
	v3 =	vmul.f32 v37, v3;
	v5 =	vadd.f32 v15, v20  }
0x39c: {  	s24 =	sand.u32 $0x7000, s23;
	s31 =	sand.u32 $0x380, s22;
	v15 =	vmul.f32 v14, v22;
	v30 =	vadd.f32 v30, v20;
	v9 =	vadd.f32 v2, v20  }
0x39d: {  	v36 =	vld.idx.msk [tilespmem:v38+s4+$0x0], $0xffff;
	s25 =	sor.u32 s31, s24;
	v46 =	vmul.f32 v19, v22;
	v3 =	vadd.f32 v3, v20;
	v2 =	vadd.f32 v25, v20  }
0x39e: {  	v35 =	vld [tilespmem:s25+$0x8D20];
	v17 =	vadd.f32 v15, v20;
	v60 =	vmul.f32 v14, v34;
	v31 =	vmul.f32 v32, v34  }
0x39f: {  	v15 =	vld.idx.msk [tilespmem:v28+s4+$0x0], $0xffff;
	v28 =	vadd.f32 v27, v20;
	v10 =	vmul.f32 v10, v34;
	v53 =	vmul.f32 v8, v34  }
0x3a0: {  	v44 =	vld [tilespmem:s25+$0x8D00];
	v14 =	vadd.f32 v18, v20;
	v57 =	vmul.f32 v19, v34;
	v8 =	vadd.f32 v55, v20  }
0x3a1: {  	v26 =	vld [tilespmem:s25+$0x8D50];
	v47 =	vmul.f32 v37, v34;
	v37 =	vadd.f32 v39, v20;
	v32 =	vadd.f32 v54, v20  }
0x3a2: {  	v22 =	vld.idx.msk [tilespmem:v52+s4+$0x0], $0xffff;
	v59 =	vmul.f32 v23, v34;
	v18 =	vadd.f32 v31, v20;
	v31 =	vadd.f32 v10, v20  }
0x3a3: {  	v27 =	vadd.f32 v60, v20;
	v10 =	vadd.f32 v56, v20;
	v60 =	vmul.f32 v16, v34;
	v16 =	vld [tilespmem:s25+$0x8D60]  }
0x3a4: {  	v25 =	vld [tilespmem:s25+$0x8D30];
	v39 =	vimm.f32 $0.0e+00;
	v23 =	vadd.f32 v53, v20;
	v40 =	vadd.f32 v57, v20  }
0x3a5: {  	s24 =	simm.s32 $0x2;
	v38 =	vadd.f32 v59, v20;
	v34 =	vld [tilespmem:s25+$0x8D40];
	v19 =	vadd.f32 v60, v20;
	v45 =	vmul.f32 v35, v15  }
.LBB2_17:
0x3a6: {  	p0 =	sne.s32 s24, $0x3F;
	v48 =	vld [tilespmem:s25+$0x8D10];
	v49 =	vmul.f32 v26, v15;
	s22 =	sadd.s32 $0x80, s22;
	s23 =	sadd.s32 $0x200, s23;
	v20 =	vadd.f32 v46, v20;
	v42 =	vadd.f32 v47, v42;
	v46 =	vmovc v44  }
0x3a7: {  	v39 =	vadd.f32 v43, v39;
	s26 =	smov.u32 s24;
	s24 =	sadd.s32 $0x1, s24;
	v47 =	vld.idx.msk [tilespmem:v41+s4+$0x0], $0xffff;
	v41 =	vmul.f32 v46, v15;
	v13 =	vadd.f32 v45, v13  }
0x3a8: {  	v43 =	vmul.f32 v35, v36;
	v50 =	vmov v36;
	v44 =	vmul.f32 v16, v15;
	v45 =	vld [tilespmem:s25+$0x8D70]  }
0x3a9: {  	v36 =	vmul.f32 v25, v15;
	v24 =	vadd.f32 v41, v24;
	v41 =	vmul.f32 v26, v50  }
0x3aa: {  	v51 =	vmul.f32 v46, v22;
	v11 =	vadd.f32 v43, v11;
	v43 =	vmul.f32 v35, v22  }
0x3ab: {  	v52 =	vmul.f32 v34, v15;
	v4 =	vadd.f32 v41, v4;
	v41 =	vmul.f32 v16, v50  }
0x3ac: {  	v12 =	vadd.f32 v36, v12;
	v53 =	vmul.f32 v48, v15;
	v54 =	vmul.f32 v48, v22  }
0x3ad: {  	v7 =	vadd.f32 v49, v7;
	v36 =	vmul.f32 v25, v47;
	v15 =	vmul.f32 v45, v15  }
0x3ae: {  	v49 =	vmul.f32 v34, v50;
	v6 =	vadd.f32 v44, v6;
	v44 =	vmul.f32 v45, v50  }
0x3af: {  	v55 =	vmov s26;
	v9 =	vadd.f32 v52, v9;
	v5 =	vadd.f32 v41, v5  }
0x3b0: {  	v52 =	vor.u32 $0x80, v55;
	v41 =	vor.u32 $0x40, v55;
	v3 =	vadd.f32 v15, v3  }
0x3b1: {  	v56 =	vor.u32 $0xC0, v55;
	v57 =	vmul.f32 v34, v47;
	v15 =	vmul.f32 v25, v50  }
0x3b2: {  	v58 =	vmul.f32 v48, v50;
	v59 =	vmul.f32 v35, v47;
	v2 =	vadd.f32 v44, v2  }
0x3b3: {  	s26 =	sand.u32 $0x380, s22;
	s25 =	sand.u32 $0x7000, s23;
	v29 =	vadd.f32 v53, v29;
	v53 =	vmul.f32 v26, v47;
	v17 =	vadd.f32 v15, v17  }
0x3b4: {  	s25 =	sor.u32 s26, s25;
	v14 =	vadd.f32 v49, v14;
	v49 =	vmul.f32 v45, v22;
	v15 =	vld.idx.msk [tilespmem:v55+s4+$0x0], $0xffff;
	v55 =	vmul.f32 v25, v22  }
0x3b5: {  	v30 =	vadd.f32 v58, v30;
	v18 =	vadd.f32 v57, v18;
	v57 =	vmul.f32 v16, v22;
	v25 =	vld [tilespmem:s25+$0x8D30]  }
0x3b6: {  	v33 =	vadd.f32 v51, v33;
	v28 =	vadd.f32 v43, v28;
	v60 =	vmul.f32 v46, v47;
	v58 =	vld [tilespmem:s25+$0x8D50]  }
0x3b7: {  	v43 =	vmul.f32 v34, v22;
	v31 =	vadd.f32 v59, v31;
	v27 =	vadd.f32 v36, v27;
	v35 =	vld [tilespmem:s25+$0x8D20]  }
.Ltmp7:
0x3b8: {  	v8 =	vadd.f32 v49, v8;
	v10 =	vadd.f32 v57, v10;
	v22 =	vmul.f32 v26, v22;
	v44 =	vld [tilespmem:s25+$0x8D00];
	(pc) =	sbr.rel @p0 .LBB2_17-.Ltmp7, $4  }
0x3b9: {  	v48 =	vmul.f32 v48, v47;
	v34 =	vmul.f32 v16, v47;
	v23 =	vadd.f32 v53, v23;
	v36 =	vld.idx.msk [tilespmem:v52+s4+$0x0], $0xffff  }
0x3ba: {  	v46 =	vmul.f32 v46, v50;
	v40 =	vadd.f32 v60, v40;
	v21 =	vadd.f32 v22, v21;
	v16 =	vld [tilespmem:s25+$0x8D60]  }
0x3bb: {  	v47 =	vmul.f32 v45, v47;
	v38 =	vadd.f32 v48, v38;
	v19 =	vadd.f32 v34, v19;
	v22 =	vld.idx.msk [tilespmem:v56+s4+$0x0], $0xffff  }
0x3bc: {  	v37 =	vadd.f32 v54, v37;
	v32 =	vadd.f32 v55, v32;
	v26 =	vmovc v58;
	v45 =	vmul.f32 v35, v15;
	v34 =	vld [tilespmem:s25+$0x8D40]  }
0x3bd: {  	_ =	sdelay $0x3  }
0x3be: {  	v41 =	vld.idx.msk [tilespmem:v41+s4+$0x0], $0xffff;
	_ =	sdelay $0x4  }
0x3bf: {  	v48 =	vld [tilespmem:s25+$0x8D10];
	v50 =	vmul.f32 v44, v41  }
0x3c0: {  	v60 =	vld [tilespmem:$0x1F850]  }
0x3c1: {  	v40 =	vadd.f32 v50, v40;
	v50 =	vld [tilespmem:$0x1F860];
	_ =	sdelay $0x1  }
0x3c2: {  	v42 =	vadd.f32 v47, v42;
	v47 =	vld [tilespmem:s25+$0x8D70]  }
0x3c3: {  	v49 =	vmul.f32 v44, v15;
	v52 =	vld [tilespmem:$0x1F870]  }
0x3c4: {  	v55 =	vld [tilespmem:$0x1F880];
	v59 =	vmul.f32 v44, v22  }
0x3c5: {  	v57 =	vld [tilespmem:$0x1F890];
	v24 =	vadd.f32 v49, v24;
	v51 =	vmul.f32 v48, v41  }
0x3c6: {  	v20 =	vadd.f32 v46, v20;
	v33 =	vadd.f32 v59, v33;
	v59 =	vld [tilespmem:$0x1F8A0]  }
0x3c7: {  	v58 =	vmul.f32 v44, v36;
	v54 =	vadd.f32 v51, v38;
	v38 =	vld [tilespmem:$0x1F8B0];
	[tilespmem:v60+s17+$0x0] =	vst.idx.msk $0xffff, v24  }
0x3c8: {  	[tilespmem:v50+s17+$0x0] =	vst.idx.msk $0xffff, v40;
	v40 =	vld [tilespmem:$0x1F8C0]  }
0x3c9: {  	v20 =	vadd.f32 v58, v20;
	v49 =	vmul.f32 v48, v15;
	_ =	sdelay $0x1  }
0x3ca: {  	v53 =	vmul.f32 v48, v36;
	v44 =	vld [tilespmem:$0x1F8D0];
	v24 =	vadd.f32 v49, v29;
	[tilespmem:v52+s17+$0x0] =	vst.idx.msk $0xffff, v20  }
0x3cb: {  	v56 =	vmul.f32 v48, v22;
	v48 =	vld [tilespmem:$0x1F8E0];
	[tilespmem:v55+s17+$0x0] =	vst.idx.msk $0xffff, v33  }
0x3cc: {  	v50 =	vld [tilespmem:$0x1F8F0];
	v20 =	vadd.f32 v53, v30;
	[tilespmem:v57+s17+$0x0] =	vst.idx.msk $0xffff, v24  }
0x3cd: {  	v13 =	vadd.f32 v45, v13;
	v58 =	vadd.f32 v56, v37;
	v53 =	vld [tilespmem:$0x1F900];
	[tilespmem:v59+s17+$0x0] =	vst.idx.msk $0xffff, v54  }
0x3ce: {  	v45 =	vmul.f32 v25, v15;
	v60 =	vmul.f32 v35, v41;
	v55 =	vld [tilespmem:$0x1F910];
	[tilespmem:v38+s17+$0x0] =	vst.idx.msk $0xffff, v20  }
0x3cf: {  	v37 =	vadd.f32 v43, v39;
	v39 =	vmul.f32 v35, v36;
	[tilespmem:v40+s17+$0x0] =	vst.idx.msk $0xffff, v58;
	v58 =	vld [tilespmem:$0x1F920]  }
0x3d0: {  	v43 =	vmul.f32 v35, v22;
	v51 =	vmul.f32 v25, v36;
	v29 =	vadd.f32 v60, v31;
	v60 =	vld [tilespmem:$0x1F930]  }
0x3d1: {  	v49 =	vmul.f32 v25, v41;
	v54 =	vmul.f32 v25, v22;
	v25 =	vld [tilespmem:$0x1F940]  }
0x3d2: {  	v11 =	vadd.f32 v39, v11;
	v46 =	vadd.f32 v43, v28;
	v28 =	vld [tilespmem:$0x1F950];
	[tilespmem:v44+s17+$0x0] =	vst.idx.msk $0xffff, v13  }
0x3d3: {  	v31 =	vld [tilespmem:$0x1F960];
	v52 =	vadd.f32 v49, v27;
	v27 =	vmul.f32 v34, v22;
	[tilespmem:v48+s17+$0x0] =	vst.idx.msk $0xffff, v29  }
0x3d4: {  	v12 =	vadd.f32 v45, v12;
	v33 =	vld [tilespmem:$0x1F970];
	[tilespmem:v50+s17+$0x0] =	vst.idx.msk $0xffff, v11  }
0x3d5: {  	v13 =	vadd.f32 v27, v37;
	v37 =	vld [tilespmem:$0x1F980];
	[tilespmem:v53+s17+$0x0] =	vst.idx.msk $0xffff, v46  }
0x3d6: {  	v56 =	vmul.f32 v34, v15;
	v39 =	vld [tilespmem:$0x1F990];
	v11 =	vadd.f32 v51, v17;
	[tilespmem:v55+s17+$0x0] =	vst.idx.msk $0xffff, v12  }
0x3d7: {  	v59 =	vmul.f32 v34, v41;
	v57 =	vadd.f32 v54, v32;
	v44 =	vld [tilespmem:$0x1F9A0];
	[tilespmem:v58+s17+$0x0] =	vst.idx.msk $0xffff, v52  }
0x3d8: {  	v9 =	vadd.f32 v56, v9;
	v20 =	vmul.f32 v34, v36;
	v46 =	vld [tilespmem:$0x1F9B0];
	[tilespmem:v60+s17+$0x0] =	vst.idx.msk $0xffff, v11  }
0x3d9: {  	v24 =	vadd.f32 v59, v18;
	v50 =	vld [tilespmem:$0x1F9C0];
	[tilespmem:v25+s17+$0x0] =	vst.idx.msk $0xffff, v57  }
0x3da: {  	v29 =	vmul.f32 v26, v15;
	v52 =	vld [tilespmem:$0x1F9D0];
	v11 =	vadd.f32 v20, v14;
	[tilespmem:v28+s17+$0x0] =	vst.idx.msk $0xffff, v9  }
0x3db: {  	v32 =	vmul.f32 v26, v41;
	v55 =	vld [tilespmem:$0x1F9E0];
	[tilespmem:v31+s17+$0x0] =	vst.idx.msk $0xffff, v24  }
0x3dc: {  	v34 =	vmul.f32 v26, v36;
	v7 =	vadd.f32 v29, v7;
	v57 =	vld [tilespmem:$0x1F9F0];
	[tilespmem:v33+s17+$0x0] =	vst.idx.msk $0xffff, v11  }
0x3dd: {  	v38 =	vmul.f32 v26, v22;
	v35 =	vadd.f32 v32, v23;
	v60 =	vld [tilespmem:$0x1FA00];
	[tilespmem:v37+s17+$0x0] =	vst.idx.msk $0xffff, v13  }
0x3de: {  	v4 =	vadd.f32 v34, v4;
	v40 =	vmul.f32 v16, v15;
	[tilespmem:v39+s17+$0x0] =	vst.idx.msk $0xffff, v7  }
0x3df: {  	v45 =	vmul.f32 v16, v41;
	v43 =	vadd.f32 v38, v21;
	[tilespmem:v44+s17+$0x0] =	vst.idx.msk $0xffff, v35  }
0x3e0: {  	v6 =	vadd.f32 v40, v6;
	v48 =	vmul.f32 v16, v36;
	[tilespmem:v46+s17+$0x0] =	vst.idx.msk $0xffff, v4  }
0x3e1: {  	v49 =	vadd.f32 v45, v19;
	v51 =	vmul.f32 v16, v22;
	[tilespmem:v50+s17+$0x0] =	vst.idx.msk $0xffff, v43  }
0x3e2: {  	v53 =	vmul.f32 v47, v15;
	v4 =	vadd.f32 v48, v5;
	[tilespmem:v52+s17+$0x0] =	vst.idx.msk $0xffff, v6  }
0x3e3: {  	v56 =	vmul.f32 v47, v41;
	v54 =	vadd.f32 v51, v10;
	[tilespmem:v55+s17+$0x0] =	vst.idx.msk $0xffff, v49  }
0x3e4: {  	v3 =	vadd.f32 v53, v3;
	v58 =	vmul.f32 v47, v36;
	[tilespmem:v57+s17+$0x0] =	vst.idx.msk $0xffff, v4  }
0x3e5: {  	v59 =	vmul.f32 v47, v22;
	v7 =	vadd.f32 v56, v42;
	[tilespmem:v60+s17+$0x0] =	vst.idx.msk $0xffff, v54  }
0x3e6: {  	v2 =	vadd.f32 v58, v2;
	[tilespmem:v61+s17+$0x0] =	vst.idx.msk $0xffff, v3  }
0x3e7: {  	s20 =	sadd.s32 $0x1, s20;
	v3 =	vadd.f32 v59, v8;
	[tilespmem:v62+s17+$0x0] =	vst.idx.msk $0xffff, v7  }
0x3e8: {  	p0 =	sne.s32 s20, $0xB;
	[tilespmem:v63+s17+$0x0] =	vst.idx.msk $0xffff, v2  }
.Ltmp8:
0x3e9: {  	s21 =	sadd.s32 s3, s21;
	[tilespmem:v1+s17+$0x0] =	vst.idx.msk $0xffff, v3;
	(pc) =	sbr.rel @p0 .LBB2_2-.Ltmp8, $4  }
0x3ea: {  	[hbm4b:s21+s4] =	stream.linear.scatter [tilespmem:s17], [sflag:$0x3], $0x1000, $0x38;
	[tilespmem:$0x11100] =	vst v63  }
0x3eb: {  	_ =	swait.ge [sflag:s11], $0x1000  }
0x3ec: {  	[sflag:s11] =	ssyncset.done $0x0  }
0x3ed: {  	[sflag:s11] =	ssyncadd.s32 $0xFFFFF000  }
0x3ee: {  	s20 =	simm.s32 $0x0;
	_ =	swait.ge [sflag:s16], $0x8000  }
0x3ef: {  	v2 =	vmov s20;
	[sflag:s16] =	ssyncset.done $0x0;
	s21 =	sand.u32 $0x7000, s20;
	s20 =	sand.u32 $0x380, s20  }
0x3f0: {  	[sflag:s16] =	ssyncadd.s32 $0xFFFF8000;
	s20 =	sor.u32 s20, s21  }
0x3f1: {  	v8 =	vld [tilespmem:s20+$0x150]  }
0x3f2: {  	v3 =	vor.u32 $0x80, v2;
	v10 =	vld [tilespmem:s20+$0x120]  }
0x3f3: {  	v4 =	vor.u32 $0xC0, v2;
	v17 =	vld [tilespmem:s20+$0x100]  }
0x3f4: {  	v15 =	vld [tilespmem:s20+$0x160]  }
0x3f5: {  	v5 =	vld.idx.msk [tilespmem:v2+s4+$0x0], $0xffff  }
0x3f6: {  	v22 =	vld [tilespmem:s20+$0x110]  }
0x3f7: {  	v2 =	vor.u32 $0x40, v2;
	v21 =	vld.idx.msk [tilespmem:v3+s4+$0x0], $0xffff  }
0x3f8: {  	v19 =	vld.idx.msk [tilespmem:v4+s4+$0x0], $0xffff  }
0x3f9: {  	v13 =	vld [tilespmem:s20+$0x130]  }
0x3fa: {  	v30 =	vld [tilespmem:s20+$0x140];
	v3 =	vmul.f32 v10, v5;
	v6 =	vmul.f32 v8, v5  }
0x3fb: {  	v35 =	vld [tilespmem:s20+$0x170];
	v4 =	vmul.f32 v17, v5;
	v9 =	vmul.f32 v15, v5  }
0x3fc: {  	v33 =	vld.idx.msk [tilespmem:v2+s4+$0x0], $0xffff;
	v16 =	vmul.f32 v22, v5;
	v2 =	vmul.f32 v10, v21  }
0x3fd: {  	v20 =	vimm.f32 $0.0e+00;
	s31 =	simm.s32 $0x1;
	v7 =	vmul.f32 v8, v21;
	v26 =	vmul.f32 v17, v19  }
0x3fe: {  	v31 =	vmov s31;
	v27 =	vmul.f32 v10, v19;
	v14 =	vmul.f32 v15, v21  }
0x3ff: {  	v42 =	vor.u32 $0x40, v31;
	v37 =	vmul.f32 v22, v19;
	v18 =	vmul.f32 v30, v21  }
0x400: {  	v38 =	vor.u32 $0x80, v31;
	v25 =	vmul.f32 v35, v21;
	v34 =	vmul.f32 v22, v21  }
0x401: {  	v40 =	vor.u32 $0xC0, v31;
	v48 =	vmul.f32 v13, v19;
	v41 =	vmul.f32 v35, v19  }
0x402: {  	v43 =	vmul.f32 v15, v19;
	v23 =	vadd.f32 v3, v20;
	v24 =	vadd.f32 v4, v20  }
0x403: {  	v46 =	vmul.f32 v8, v19;
	v29 =	vadd.f32 v16, v20;
	v11 =	vadd.f32 v2, v20  }
0x404: {  	v3 =	vmul.f32 v13, v5;
	v4 =	vadd.f32 v7, v20;
	v7 =	vadd.f32 v6, v20  }
0x405: {  	v2 =	vmul.f32 v30, v5;
	v6 =	vadd.f32 v9, v20;
	v27 =	vadd.f32 v27, v20  }
0x406: {  	s21 =	simm.s32 $0x200;
	s20 =	simm.s32 $0x80;
	v37 =	vadd.f32 v37, v20;
	v12 =	vadd.f32 v3, v20;
	v3 =	vmul.f32 v35, v5  }
0x407: {  	s22 =	sand.u32 $0x7000, s21;
	s23 =	sand.u32 $0x380, s20;
	v5 =	vadd.f32 v14, v20;
	v14 =	vmul.f32 v13, v21;
	v28 =	vmul.f32 v13, v33  }
0x408: {  	s23 =	sor.u32 s23, s22;
	v9 =	vadd.f32 v2, v20;
	v32 =	vmul.f32 v30, v33;
	v2 =	vadd.f32 v25, v20  }
0x409: {  	v36 =	vld [tilespmem:s23+$0x120];
	v39 =	vmul.f32 v8, v33;
	v13 =	vadd.f32 v18, v20;
	v8 =	vadd.f32 v41, v20  }
0x40a: {  	v45 =	vld [tilespmem:s23+$0x100];
	v10 =	vmul.f32 v10, v33;
	v3 =	vadd.f32 v3, v20;
	v16 =	vadd.f32 v14, v20  }
0x40b: {  	v44 =	vmul.f32 v17, v33;
	v14 =	vld.idx.msk [tilespmem:v31+s4+$0x0], $0xffff;
	v31 =	vadd.f32 v34, v20;
	v34 =	vadd.f32 v26, v20  }
0x40c: {  	v38 =	vld.idx.msk [tilespmem:v38+s4+$0x0], $0xffff;
	v47 =	vmul.f32 v22, v33;
	v18 =	vadd.f32 v32, v20;
	v32 =	vadd.f32 v10, v20  }
0x40d: {  	v49 =	vmul.f32 v15, v33;
	v26 =	vld [tilespmem:s23+$0x150];
	v28 =	vadd.f32 v28, v20;
	v10 =	vadd.f32 v43, v20  }
0x40e: {  	v25 =	vld [tilespmem:s23+$0x130];
	v22 =	vadd.f32 v39, v20;
	v43 =	vmul.f32 v30, v19;
	v41 =	vadd.f32 v44, v20  }
0x40f: {  	v15 =	vld [tilespmem:s23+$0x160];
	v19 =	vadd.f32 v46, v20;
	v46 =	vmul.f32 v17, v21;
	v39 =	vadd.f32 v47, v20  }
0x410: {  	v17 =	vadd.f32 v49, v20;
	v21 =	vld.idx.msk [tilespmem:v40+s4+$0x0], $0xffff;
	v44 =	vmul.f32 v35, v33;
	v33 =	vadd.f32 v48, v20  }
0x411: {  	s22 =	simm.s32 $0x2;
	v35 =	vld [tilespmem:s23+$0x140];
	v30 =	vimm.f32 $0.0e+00;
	v40 =	vimm.f32 $0.0e+00;
	v47 =	vmul.f32 v36, v14  }
.LBB2_20:
0x412: {  	p0 =	sne.s32 s22, $0x3F;
	v48 =	vld [tilespmem:s23+$0x110];
	v49 =	vmul.f32 v26, v14;
	s20 =	sadd.s32 $0x80, s20;
	s21 =	sadd.s32 $0x200, s21;
	v20 =	vadd.f32 v46, v20;
	v30 =	vadd.f32 v44, v30;
	v44 =	vmovc v45  }
0x413: {  	v40 =	vadd.f32 v43, v40;
	s24 =	smov.u32 s22;
	s22 =	sadd.s32 $0x1, s22;
	v50 =	vld.idx.msk [tilespmem:v42+s4+$0x0], $0xffff;
	v42 =	vmul.f32 v44, v14;
	v23 =	vadd.f32 v47, v23  }
0x414: {  	v43 =	vmul.f32 v36, v38;
	v46 =	vmov v38;
	v45 =	vmul.f32 v15, v14;
	v47 =	vld [tilespmem:s23+$0x170]  }
0x415: {  	v38 =	vmul.f32 v25, v14;
	v24 =	vadd.f32 v42, v24;
	v42 =	vmul.f32 v26, v46  }
0x416: {  	v51 =	vmul.f32 v44, v21;
	v11 =	vadd.f32 v43, v11;
	v43 =	vmul.f32 v36, v21  }
0x417: {  	v52 =	vmul.f32 v35, v14;
	v4 =	vadd.f32 v42, v4;
	v42 =	vmul.f32 v15, v46  }
0x418: {  	v12 =	vadd.f32 v38, v12;
	v53 =	vmul.f32 v48, v14;
	v54 =	vmul.f32 v48, v21  }
0x419: {  	v7 =	vadd.f32 v49, v7;
	v38 =	vmul.f32 v25, v50;
	v14 =	vmul.f32 v47, v14  }
0x41a: {  	v49 =	vmul.f32 v35, v46;
	v6 =	vadd.f32 v45, v6;
	v45 =	vmul.f32 v47, v46  }
0x41b: {  	v55 =	vmov s24;
	v9 =	vadd.f32 v52, v9;
	v5 =	vadd.f32 v42, v5  }
0x41c: {  	v52 =	vor.u32 $0x80, v55;
	v42 =	vor.u32 $0x40, v55;
	v3 =	vadd.f32 v14, v3  }
0x41d: {  	v56 =	vor.u32 $0xC0, v55;
	v57 =	vmul.f32 v35, v50;
	v14 =	vmul.f32 v25, v46  }
0x41e: {  	v58 =	vmul.f32 v48, v46;
	v59 =	vmul.f32 v36, v50;
	v2 =	vadd.f32 v45, v2  }
0x41f: {  	s24 =	sand.u32 $0x380, s20;
	s23 =	sand.u32 $0x7000, s21;
	v29 =	vadd.f32 v53, v29;
	v53 =	vmul.f32 v26, v50;
	v16 =	vadd.f32 v14, v16  }
0x420: {  	s23 =	sor.u32 s24, s23;
	v13 =	vadd.f32 v49, v13;
	v49 =	vmul.f32 v47, v21;
	v14 =	vld.idx.msk [tilespmem:v55+s4+$0x0], $0xffff;
	v55 =	vmul.f32 v25, v21  }
0x421: {  	v31 =	vadd.f32 v58, v31;
	v18 =	vadd.f32 v57, v18;
	v57 =	vmul.f32 v15, v21;
	v25 =	vld [tilespmem:s23+$0x130]  }
0x422: {  	v34 =	vadd.f32 v51, v34;
	v27 =	vadd.f32 v43, v27;
	v60 =	vmul.f32 v44, v50;
	v58 =	vld [tilespmem:s23+$0x150]  }
0x423: {  	v43 =	vmul.f32 v35, v21;
	v32 =	vadd.f32 v59, v32;
	v28 =	vadd.f32 v38, v28;
	v36 =	vld [tilespmem:s23+$0x120]  }
.Ltmp9:
0x424: {  	v8 =	vadd.f32 v49, v8;
	v10 =	vadd.f32 v57, v10;
	v21 =	vmul.f32 v26, v21;
	v45 =	vld [tilespmem:s23+$0x100];
	(pc) =	sbr.rel @p0 .LBB2_20-.Ltmp9, $4  }
0x425: {  	v48 =	vmul.f32 v48, v50;
	v35 =	vmul.f32 v15, v50;
	v22 =	vadd.f32 v53, v22;
	v38 =	vld.idx.msk [tilespmem:v52+s4+$0x0], $0xffff  }
0x426: {  	v41 =	vadd.f32 v60, v41;
	v46 =	vmul.f32 v44, v46;
	v19 =	vadd.f32 v21, v19;
	v15 =	vld [tilespmem:s23+$0x160]  }
0x427: {  	v39 =	vadd.f32 v48, v39;
	v17 =	vadd.f32 v35, v17;
	v44 =	vmul.f32 v47, v50;
	v21 =	vld.idx.msk [tilespmem:v56+s4+$0x0], $0xffff  }
0x428: {  	v37 =	vadd.f32 v54, v37;
	v33 =	vadd.f32 v55, v33;
	v26 =	vmovc v58;
	v47 =	vmul.f32 v36, v14;
	v35 =	vld [tilespmem:s23+$0x140]  }
0x429: {  	v48 =	vld [tilespmem:s23+$0x110]  }
0x42a: {  	v49 =	vmul.f32 v45, v14;
	_ =	sdelay $0x1  }
0x42b: {  	v24 =	vadd.f32 v49, v24  }
0x42c: {  	v42 =	vld.idx.msk [tilespmem:v42+s4+$0x0], $0xffff  }
0x42d: {  	v52 =	vld [tilespmem:s23+$0x170];
	[tilespmem:v0+s17+$0x0] =	vst.idx.msk $0xffff, v24;
	v24 =	vmul.f32 v48, v14  }
0x42e: {  	v54 =	vld [tilespmem:$0x1FEF0]  }
0x42f: {  	v24 =	vadd.f32 v24, v29;
	v29 =	vld [tilespmem:$0x1FF00];
	_ =	sdelay $0x2  }
0x430: {  	v50 =	vmul.f32 v45, v42  }
0x431: {  	v20 =	vadd.f32 v46, v20;
	v51 =	vmul.f32 v45, v38  }
0x432: {  	v41 =	vadd.f32 v50, v41  }
0x433: {  	v20 =	vadd.f32 v51, v20  }
0x434: {  	[tilespmem:v54+s17+$0x0] =	vst.idx.msk $0xffff, v41  }
0x435: {  	[tilespmem:v29+s17+$0x0] =	vst.idx.msk $0xffff, v20;
	v20 =	vmul.f32 v48, v38  }
0x436: {  	v56 =	vld [tilespmem:$0x1FF10]  }
0x437: {  	v20 =	vadd.f32 v20, v31;
	v31 =	vld [tilespmem:$0x1FF20]  }
0x438: {  	v58 =	vld [tilespmem:$0x1FF30];
	_ =	sdelay $0x1  }
0x439: {  	v53 =	vmul.f32 v45, v21;
	_ =	sdelay $0x1  }
0x43a: {  	v34 =	vadd.f32 v53, v34;
	v55 =	vmul.f32 v48, v42;
	_ =	sdelay $0x1  }
0x43b: {  	v29 =	vadd.f32 v55, v39;
	[tilespmem:v56+s17+$0x0] =	vst.idx.msk $0xffff, v34  }
0x43c: {  	[tilespmem:v31+s17+$0x0] =	vst.idx.msk $0xffff, v24  }
0x43d: {  	[tilespmem:v58+s17+$0x0] =	vst.idx.msk $0xffff, v29;
	v29 =	vld [tilespmem:$0x1FF40];
	_ =	sdelay $0x7  }
0x43e: {  	[tilespmem:v29+s17+$0x0] =	vst.idx.msk $0xffff, v20;
	v20 =	vmul.f32 v36, v38  }
0x43f: {  	v29 =	vld [tilespmem:$0x1FF50]  }
0x440: {  	v11 =	vadd.f32 v20, v11;
	v20 =	vld [tilespmem:$0x1FF60];
	_ =	sdelay $0x2  }
0x441: {  	v57 =	vmul.f32 v48, v21;
	_ =	sdelay $0x1  }
0x442: {  	v34 =	vadd.f32 v57, v37  }
0x443: {  	v23 =	vadd.f32 v47, v23;
	v59 =	vmul.f32 v36, v21  }
0x444: {  	[tilespmem:v29+s17+$0x0] =	vst.idx.msk $0xffff, v34  }
0x445: {  	[tilespmem:v20+s17+$0x0] =	vst.idx.msk $0xffff, v23;
	v23 =	vadd.f32 v59, v27;
	v27 =	vld [tilespmem:$0x1FF70];
	_ =	sdelay $0x3  }
0x446: {  	v24 =	vmul.f32 v36, v42;
	_ =	sdelay $0x1  }
0x447: {  	v24 =	vadd.f32 v24, v32;
	_ =	sdelay $0x1  }
0x448: {  	[tilespmem:v27+s17+$0x0] =	vst.idx.msk $0xffff, v24;
	v24 =	vld [tilespmem:$0x1FF80];
	_ =	sdelay $0x7  }
0x449: {  	[tilespmem:v24+s17+$0x0] =	vst.idx.msk $0xffff, v11;
	v24 =	vld [tilespmem:$0x1FF90];
	_ =	sdelay $0x6  }
0x44a: {  	v29 =	vmul.f32 v25, v14;
	v20 =	vmul.f32 v25, v42  }
0x44b: {  	v11 =	vmul.f32 v25, v38;
	[tilespmem:v24+s17+$0x0] =	vst.idx.msk $0xffff, v23;
	v24 =	vmul.f32 v25, v21;
	v25 =	vld [tilespmem:$0x1FFA0];
	_ =	sdelay $0x5  }
0x44c: {  	v12 =	vadd.f32 v29, v12  }
0x44d: {  	v11 =	vadd.f32 v11, v16;
	v16 =	vmul.f32 v35, v14  }
0x44e: {  	[tilespmem:v25+s17+$0x0] =	vst.idx.msk $0xffff, v12;
	v25 =	vld [tilespmem:$0x1FFB0]  }
0x44f: {  	v9 =	vadd.f32 v16, v9;
	v16 =	vld [tilespmem:$0x1FFC0];
	_ =	sdelay $0x4  }
0x450: {  	v20 =	vadd.f32 v20, v28;
	_ =	sdelay $0x1  }
0x451: {  	v12 =	vmul.f32 v35, v42;
	[tilespmem:v25+s17+$0x0] =	vst.idx.msk $0xffff, v20  }
0x452: {  	[tilespmem:v16+s17+$0x0] =	vst.idx.msk $0xffff, v11;
	v16 =	vld [tilespmem:$0x1FFD0]  }
0x453: {  	v11 =	vadd.f32 v12, v18;
	v18 =	vld [tilespmem:$0x1FFE0];
	_ =	sdelay $0x4  }
0x454: {  	v24 =	vadd.f32 v24, v33;
	_ =	sdelay $0x1  }
0x455: {  	[tilespmem:v16+s17+$0x0] =	vst.idx.msk $0xffff, v24  }
0x456: {  	[tilespmem:v18+s17+$0x0] =	vst.idx.msk $0xffff, v9;
	v18 =	vld [tilespmem:$0x1FFF0];
	_ =	sdelay $0x7  }
0x457: {  	[tilespmem:v18+s17+$0x0] =	vst.idx.msk $0xffff, v11;
	v18 =	vld [tilespmem:$0x1FE10];
	_ =	sdelay $0x3  }
0x458: {  	v20 =	vmul.f32 v35, v38;
	_ =	sdelay $0x1  }
0x459: {  	v13 =	vadd.f32 v20, v13  }
0x45a: {  	v11 =	vmul.f32 v26, v38  }
0x45b: {  	[tilespmem:v18+s17+$0x0] =	vst.idx.msk $0xffff, v13;
	v18 =	vld [tilespmem:$0x1FE20]  }
0x45c: {  	v4 =	vadd.f32 v11, v4;
	v11 =	vld [tilespmem:$0x1FE30];
	_ =	sdelay $0x2  }
0x45d: {  	v31 =	vadd.f32 v43, v40;
	v12 =	vmul.f32 v35, v21  }
0x45e: {  	v23 =	vmul.f32 v26, v14  }
0x45f: {  	v12 =	vadd.f32 v12, v31  }
0x460: {  	v7 =	vadd.f32 v23, v7;
	v13 =	vmul.f32 v26, v21  }
0x461: {  	[tilespmem:v18+s17+$0x0] =	vst.idx.msk $0xffff, v12;
	v12 =	vmul.f32 v15, v14  }
0x462: {  	[tilespmem:v11+s17+$0x0] =	vst.idx.msk $0xffff, v7;
	v11 =	vadd.f32 v13, v19;
	v13 =	vld [tilespmem:$0x1FE40]  }
0x463: {  	v6 =	vadd.f32 v12, v6;
	v12 =	vld [tilespmem:$0x1FE50];
	_ =	sdelay $0x2  }
0x464: {  	v9 =	vmul.f32 v26, v42;
	_ =	sdelay $0x1  }
0x465: {  	v9 =	vadd.f32 v9, v22;
	_ =	sdelay $0x1  }
0x466: {  	[tilespmem:v13+s17+$0x0] =	vst.idx.msk $0xffff, v9;
	v9 =	vmul.f32 v15, v38  }
0x467: {  	[tilespmem:v12+s17+$0x0] =	vst.idx.msk $0xffff, v4;
	v12 =	vld [tilespmem:$0x1FE60]  }
0x468: {  	v5 =	vadd.f32 v9, v5;
	v9 =	vld [tilespmem:$0x1FE70];
	_ =	sdelay $0x6  }
0x469: {  	[tilespmem:v12+s17+$0x0] =	vst.idx.msk $0xffff, v11  }
0x46a: {  	[tilespmem:v9+s17+$0x0] =	vst.idx.msk $0xffff, v6;
	v9 =	vld [tilespmem:$0x1FE80];
	_ =	sdelay $0x3  }
0x46b: {  	v7 =	vmul.f32 v15, v42;
	_ =	sdelay $0x1  }
0x46c: {  	v7 =	vadd.f32 v7, v17;
	_ =	sdelay $0x1  }
0x46d: {  	[tilespmem:v9+s17+$0x0] =	vst.idx.msk $0xffff, v7;
	v9 =	vld [tilespmem:$0x1FE90];
	_ =	sdelay $0x6  }
0x46e: {  	v7 =	vmul.f32 v52, v38  }
0x46f: {  	[tilespmem:v9+s17+$0x0] =	vst.idx.msk $0xffff, v5;
	v9 =	vld [tilespmem:$0x1FEA0]  }
0x470: {  	v2 =	vadd.f32 v7, v2;
	v7 =	vld [tilespmem:$0x1FEB0];
	_ =	sdelay $0x2  }
0x471: {  	v4 =	vmul.f32 v15, v21  }
0x472: {  	v11 =	vmul.f32 v52, v14  }
0x473: {  	v4 =	vadd.f32 v4, v10  }
0x474: {  	v3 =	vadd.f32 v11, v3;
	v5 =	vmul.f32 v52, v21  }
0x475: {  	[tilespmem:v9+s17+$0x0] =	vst.idx.msk $0xffff, v4  }
0x476: {  	[tilespmem:v7+s17+$0x0] =	vst.idx.msk $0xffff, v3;
	v3 =	vadd.f32 v5, v8;
	v5 =	vld [tilespmem:$0x1FEC0];
	_ =	sdelay $0x3  }
0x477: {  	v16 =	vadd.f32 v44, v30;
	v6 =	vmul.f32 v52, v42;
	_ =	sdelay $0x1  }
0x478: {  	v6 =	vadd.f32 v6, v16;
	_ =	sdelay $0x1  }
0x479: {  	[tilespmem:v5+s17+$0x0] =	vst.idx.msk $0xffff, v6;
	v5 =	vld [tilespmem:$0x1FED0];
	_ =	sdelay $0x7  }
0x47a: {  	[tilespmem:v5+s17+$0x0] =	vst.idx.msk $0xffff, v2;
	v2 =	vld [tilespmem:$0x1FEE0];
	_ =	sdelay $0x2  }
0x47b: {  	s20 =	simm.s32 $0x0  }
0x47c: {  	v4 =	vmov s20;
	_ =	sdelay $0x3  }
0x47d: {  	s21 =	sand.u32 $0x7000, s20;
	s20 =	sand.u32 $0x380, s20;
	[tilespmem:v2+s17+$0x0] =	vst.idx.msk $0xffff, v3  }
0x47e: {  	s20 =	sor.u32 s20, s21;
	v3 =	vld.idx.msk [tilespmem:v4+s4+$0x0], $0xffff  }
0x47f: {  	v5 =	vor.u32 $0xC0, v4;
	v8 =	vld [tilespmem:s20+$0x550]  }
0x480: {  	v10 =	vld [tilespmem:s20+$0x520]  }
0x481: {  	v17 =	vld [tilespmem:s20+$0x500]  }
0x482: {  	v2 =	vor.u32 $0x80, v4;
	v16 =	vld [tilespmem:s20+$0x560]  }
0x483: {  	v14 =	vld [tilespmem:s20+$0x530]  }
0x484: {  	v20 =	vld.idx.msk [tilespmem:v5+s4+$0x0], $0xffff  }
0x485: {  	v23 =	vld [tilespmem:s20+$0x510]  }
0x486: {  	v34 =	vld [tilespmem:s20+$0x570]  }
0x487: {  	v22 =	vld.idx.msk [tilespmem:v2+s4+$0x0], $0xffff;
	v2 =	vor.u32 $0x40, v4;
	v4 =	vmul.f32 v10, v3  }
0x488: {  	s30 =	simm.s32 $0x1;
	v5 =	vmul.f32 v8, v3;
	v6 =	vmul.f32 v17, v3  }
0x489: {  	v28 =	vmov s30;
	v30 =	vld [tilespmem:s20+$0x540];
	v9 =	vmul.f32 v16, v3;
	v7 =	vmul.f32 v14, v3  }
0x48a: {  	v39 =	vor.u32 $0x80, v28;
	v26 =	vmul.f32 v17, v20;
	v27 =	vmul.f32 v10, v20  }
0x48b: {  	v40 =	vor.u32 $0xC0, v28;
	v18 =	vmul.f32 v23, v3;
	v36 =	vmul.f32 v23, v20  }
0x48c: {  	v21 =	vimm.f32 $0.0e+00;
	v54 =	vmul.f32 v14, v20;
	v55 =	vmul.f32 v34, v20  }
0x48d: {  	v56 =	vmul.f32 v16, v20;
	v58 =	vmul.f32 v8, v20;
	v11 =	vadd.f32 v4, v21  }
0x48e: {  	v43 =	vmul.f32 v30, v20;
	v24 =	vadd.f32 v6, v21;
	v13 =	vadd.f32 v7, v21  }
0x48f: {  	v7 =	vadd.f32 v5, v21;
	v6 =	vadd.f32 v9, v21;
	v33 =	vld.idx.msk [tilespmem:v2+s4+$0x0], $0xffff;
	v2 =	vmul.f32 v10, v22  }
0x490: {  	v29 =	vadd.f32 v18, v21;
	v4 =	vmul.f32 v8, v22;
	v15 =	vmul.f32 v16, v22  }
0x491: {  	v35 =	vadd.f32 v26, v21;
	v25 =	vmul.f32 v30, v22;
	v19 =	vmul.f32 v34, v22  }
0x492: {  	v20 =	vadd.f32 v58, v21;
	v31 =	vmul.f32 v23, v22;
	v47 =	vmul.f32 v17, v22  }
0x493: {  	v12 =	vadd.f32 v2, v21;
	v2 =	vmul.f32 v30, v3;
	v4 =	vadd.f32 v4, v21  }
0x494: {  	s21 =	simm.s32 $0x200;
	s20 =	simm.s32 $0x80;
	v3 =	vmul.f32 v34, v3;
	v5 =	vadd.f32 v15, v21;
	v31 =	vadd.f32 v31, v21  }
0x495: {  	s22 =	sand.u32 $0x7000, s21;
	s31 =	sand.u32 $0x380, s20;
	v15 =	vmul.f32 v14, v22;
	v22 =	vld.idx.msk [tilespmem:v40+s4+$0x0], $0xffff;
	v40 =	vadd.f32 v36, v21;
	v9 =	vadd.f32 v2, v21  }
0x496: {  	v42 =	vor.u32 $0x40, v28;
	s23 =	sor.u32 s31, s22;
	v3 =	vadd.f32 v3, v21;
	v2 =	vadd.f32 v19, v21  }
0x497: {  	v37 =	vld [tilespmem:s23+$0x520];
	v19 =	vadd.f32 v15, v21;
	v60 =	vmul.f32 v14, v33;
	v52 =	vmul.f32 v30, v33  }
0x498: {  	v15 =	vld.idx.msk [tilespmem:v28+s4+$0x0], $0xffff;
	v28 =	vadd.f32 v27, v21;
	v10 =	vmul.f32 v10, v33;
	v53 =	vmul.f32 v8, v33  }
0x499: {  	v45 =	vld [tilespmem:s23+$0x500];
	v14 =	vadd.f32 v25, v21;
	v57 =	vmul.f32 v17, v33;
	v8 =	vadd.f32 v55, v21  }
0x49a: {  	v26 =	vld [tilespmem:s23+$0x550];
	v59 =	vmul.f32 v23, v33;
	v44 =	vmul.f32 v34, v33;
	v18 =	vadd.f32 v52, v21  }
0x49b: {  	v38 =	vld.idx.msk [tilespmem:v39+s4+$0x0], $0xffff;
	v30 =	vimm.f32 $0.0e+00;
	v32 =	vadd.f32 v10, v21;
	v27 =	vadd.f32 v60, v21  }
0x49c: {  	v10 =	vadd.f32 v56, v21;
	v23 =	vadd.f32 v53, v21;
	v60 =	vmul.f32 v16, v33;
	v16 =	vld [tilespmem:s23+$0x560]  }
0x49d: {  	v25 =	vld [tilespmem:s23+$0x530];
	v34 =	vimm.f32 $0.0e+00;
	v41 =	vadd.f32 v57, v21;
	v39 =	vadd.f32 v59, v21  }
0x49e: {  	s22 =	simm.s32 $0x2;
	v36 =	vld [tilespmem:s23+$0x540];
	v33 =	vadd.f32 v54, v21;
	v17 =	vadd.f32 v60, v21;
	v46 =	vmul.f32 v37, v15  }
.LBB2_22:
0x49f: {  	p0 =	sne.s32 s22, $0x3F;
	v48 =	vld [tilespmem:s23+$0x510];
	v49 =	vmul.f32 v26, v15;
	s20 =	sadd.s32 $0x80, s20;
	s21 =	sadd.s32 $0x200, s21;
	v21 =	vadd.f32 v47, v21;
	v30 =	vadd.f32 v44, v30;
	v44 =	vmovc v45  }
0x4a0: {  	v34 =	vadd.f32 v43, v34;
	s24 =	smov.u32 s22;
	s22 =	sadd.s32 $0x1, s22;
	v50 =	vld.idx.msk [tilespmem:v42+s4+$0x0], $0xffff;
	v42 =	vmul.f32 v44, v15;
	v11 =	vadd.f32 v46, v11  }
0x4a1: {  	v43 =	vmul.f32 v37, v38;
	v47 =	vmov v38;
	v45 =	vmul.f32 v16, v15;
	v46 =	vld [tilespmem:s23+$0x570]  }
0x4a2: {  	v38 =	vmul.f32 v25, v15;
	v24 =	vadd.f32 v42, v24;
	v42 =	vmul.f32 v26, v47  }
0x4a3: {  	v51 =	vmul.f32 v44, v22;
	v12 =	vadd.f32 v43, v12;
	v43 =	vmul.f32 v37, v22  }
0x4a4: {  	v52 =	vmul.f32 v36, v15;
	v4 =	vadd.f32 v42, v4;
	v42 =	vmul.f32 v16, v47  }
0x4a5: {  	v13 =	vadd.f32 v38, v13;
	v53 =	vmul.f32 v48, v15;
	v54 =	vmul.f32 v48, v22  }
0x4a6: {  	v7 =	vadd.f32 v49, v7;
	v38 =	vmul.f32 v25, v50;
	v15 =	vmul.f32 v46, v15  }
0x4a7: {  	v49 =	vmul.f32 v36, v47;
	v6 =	vadd.f32 v45, v6;
	v45 =	vmul.f32 v46, v47  }
0x4a8: {  	v55 =	vmov s24;
	v9 =	vadd.f32 v52, v9;
	v5 =	vadd.f32 v42, v5  }
0x4a9: {  	v52 =	vor.u32 $0x80, v55;
	v42 =	vor.u32 $0x40, v55;
	v3 =	vadd.f32 v15, v3  }
0x4aa: {  	v56 =	vor.u32 $0xC0, v55;
	v57 =	vmul.f32 v36, v50;
	v15 =	vmul.f32 v25, v47  }
0x4ab: {  	v58 =	vmul.f32 v48, v47;
	v59 =	vmul.f32 v37, v50;
	v2 =	vadd.f32 v45, v2  }
0x4ac: {  	s24 =	sand.u32 $0x380, s20;
	s23 =	sand.u32 $0x7000, s21;
	v29 =	vadd.f32 v53, v29;
	v53 =	vmul.f32 v26, v50;
	v19 =	vadd.f32 v15, v19  }
0x4ad: {  	s23 =	sor.u32 s24, s23;
	v14 =	vadd.f32 v49, v14;
	v49 =	vmul.f32 v46, v22;
	v15 =	vld.idx.msk [tilespmem:v55+s4+$0x0], $0xffff;
	v55 =	vmul.f32 v25, v22  }
0x4ae: {  	v31 =	vadd.f32 v58, v31;
	v18 =	vadd.f32 v57, v18;
	v57 =	vmul.f32 v16, v22;
	v25 =	vld [tilespmem:s23+$0x530]  }
0x4af: {  	v35 =	vadd.f32 v51, v35;
	v28 =	vadd.f32 v43, v28;
	v60 =	vmul.f32 v44, v50;
	v58 =	vld [tilespmem:s23+$0x550]  }
0x4b0: {  	v43 =	vmul.f32 v36, v22;
	v32 =	vadd.f32 v59, v32;
	v27 =	vadd.f32 v38, v27;
	v37 =	vld [tilespmem:s23+$0x520]  }
.Ltmp10:
0x4b1: {  	v8 =	vadd.f32 v49, v8;
	v10 =	vadd.f32 v57, v10;
	v22 =	vmul.f32 v26, v22;
	v45 =	vld [tilespmem:s23+$0x500];
	(pc) =	sbr.rel @p0 .LBB2_22-.Ltmp10, $4  }
0x4b2: {  	v48 =	vmul.f32 v48, v50;
	v36 =	vmul.f32 v16, v50;
	v23 =	vadd.f32 v53, v23;
	v38 =	vld.idx.msk [tilespmem:v52+s4+$0x0], $0xffff  }
0x4b3: {  	v41 =	vadd.f32 v60, v41;
	v47 =	vmul.f32 v44, v47;
	v20 =	vadd.f32 v22, v20;
	v16 =	vld [tilespmem:s23+$0x560]  }
0x4b4: {  	v39 =	vadd.f32 v48, v39;
	v17 =	vadd.f32 v36, v17;
	v44 =	vmul.f32 v46, v50;
	v22 =	vld.idx.msk [tilespmem:v56+s4+$0x0], $0xffff  }
0x4b5: {  	v40 =	vadd.f32 v54, v40;
	v33 =	vadd.f32 v55, v33;
	v26 =	vmovc v58;
	v46 =	vmul.f32 v37, v15;
	v36 =	vld [tilespmem:s23+$0x540]  }
0x4b6: {  	_ =	sdelay $0x3  }
0x4b7: {  	v42 =	vld.idx.msk [tilespmem:v42+s4+$0x0], $0xffff  }
0x4b8: {  	v54 =	vld [tilespmem:$0x1FC10]  }
0x4b9: {  	v55 =	vld [tilespmem:$0x1FC20]  }
0x4ba: {  	v57 =	vld [tilespmem:$0x1FC30]  }
0x4bb: {  	v48 =	vld [tilespmem:s23+$0x510]  }
0x4bc: {  	v49 =	vmul.f32 v45, v15  }
0x4bd: {  	v50 =	vmul.f32 v45, v42  }
0x4be: {  	v21 =	vadd.f32 v47, v21;
	v60 =	vmul.f32 v45, v38;
	v24 =	vadd.f32 v49, v24  }
0x4bf: {  	v41 =	vadd.f32 v50, v41  }
0x4c0: {  	v53 =	vld [tilespmem:s23+$0x570];
	v21 =	vadd.f32 v60, v21;
	[tilespmem:v54+s17+$0x0] =	vst.idx.msk $0xffff, v24;
	v24 =	vmul.f32 v48, v15  }
0x4c1: {  	[tilespmem:v55+s17+$0x0] =	vst.idx.msk $0xffff, v41  }
0x4c2: {  	[tilespmem:v57+s17+$0x0] =	vst.idx.msk $0xffff, v21;
	v21 =	vadd.f32 v24, v29;
	v29 =	vld [tilespmem:$0x1FC40]  }
0x4c3: {  	v59 =	vld [tilespmem:$0x1FC50];
	_ =	sdelay $0x2  }
0x4c4: {  	v52 =	vmul.f32 v45, v22;
	_ =	sdelay $0x1  }
0x4c5: {  	v35 =	vadd.f32 v52, v35  }
0x4c6: {  	v24 =	vmul.f32 v48, v38  }
0x4c7: {  	[tilespmem:v29+s17+$0x0] =	vst.idx.msk $0xffff, v35  }
0x4c8: {  	[tilespmem:v59+s17+$0x0] =	vst.idx.msk $0xffff, v21;
	v21 =	vadd.f32 v24, v31;
	v24 =	vld [tilespmem:$0x1FC60]  }
0x4c9: {  	v31 =	vld [tilespmem:$0x1FC70];
	_ =	sdelay $0x2  }
0x4ca: {  	v56 =	vmul.f32 v48, v42;
	_ =	sdelay $0x1  }
0x4cb: {  	v29 =	vadd.f32 v56, v39;
	_ =	sdelay $0x1  }
0x4cc: {  	[tilespmem:v24+s17+$0x0] =	vst.idx.msk $0xffff, v29  }
0x4cd: {  	[tilespmem:v31+s17+$0x0] =	vst.idx.msk $0xffff, v21;
	v31 =	vld [tilespmem:$0x1FC80];
	_ =	sdelay $0x3  }
0x4ce: {  	v58 =	vmul.f32 v48, v22;
	_ =	sdelay $0x1  }
0x4cf: {  	v24 =	vadd.f32 v58, v40;
	_ =	sdelay $0x1  }
0x4d0: {  	[tilespmem:v31+s17+$0x0] =	vst.idx.msk $0xffff, v24;
	v31 =	vld [tilespmem:$0x1FC90];
	_ =	sdelay $0x5  }
0x4d1: {  	v11 =	vadd.f32 v46, v11;
	v21 =	vmul.f32 v37, v38;
	_ =	sdelay $0x1  }
0x4d2: {  	[tilespmem:v31+s17+$0x0] =	vst.idx.msk $0xffff, v11;
	v11 =	vadd.f32 v21, v12;
	v21 =	vld [tilespmem:$0x1FCA0];
	_ =	sdelay $0x3  }
0x4d3: {  	v29 =	vmul.f32 v37, v42;
	_ =	sdelay $0x1  }
0x4d4: {  	v24 =	vadd.f32 v29, v32;
	v29 =	vmul.f32 v37, v22;
	_ =	sdelay $0x1  }
0x4d5: {  	[tilespmem:v21+s17+$0x0] =	vst.idx.msk $0xffff, v24;
	v21 =	vadd.f32 v29, v28;
	v28 =	vld [tilespmem:$0x1FCB0];
	_ =	sdelay $0x5  }
0x4d6: {  	v12 =	vmul.f32 v25, v15;
	_ =	sdelay $0x1  }
0x4d7: {  	[tilespmem:v28+s17+$0x0] =	vst.idx.msk $0xffff, v11;
	v11 =	vadd.f32 v12, v13;
	v13 =	vld [tilespmem:$0x1FCC0];
	_ =	sdelay $0x7  }
0x4d8: {  	[tilespmem:v13+s17+$0x0] =	vst.idx.msk $0xffff, v21;
	v21 =	vld [tilespmem:$0x1FCD0];
	_ =	sdelay $0x5  }
0x4d9: {  	v12 =	vmul.f32 v25, v38;
	_ =	sdelay $0x1  }
0x4da: {  	[tilespmem:v21+s17+$0x0] =	vst.idx.msk $0xffff, v11;
	v11 =	vadd.f32 v12, v19;
	v12 =	vld [tilespmem:$0x1FCE0];
	_ =	sdelay $0x3  }
0x4db: {  	v24 =	vmul.f32 v25, v42;
	_ =	sdelay $0x1  }
0x4dc: {  	v13 =	vadd.f32 v24, v27;
	_ =	sdelay $0x1  }
0x4dd: {  	[tilespmem:v12+s17+$0x0] =	vst.idx.msk $0xffff, v13;
	v13 =	vld [tilespmem:$0x1FCF0];
	_ =	sdelay $0x7  }
0x4de: {  	[tilespmem:v13+s17+$0x0] =	vst.idx.msk $0xffff, v11;
	v11 =	vmul.f32 v36, v15;
	_ =	sdelay $0x1  }
0x4df: {  	v9 =	vadd.f32 v11, v9;
	v11 =	vmul.f32 v36, v38  }
0x4e0: {  	v24 =	vld [tilespmem:$0x1FD00]  }
0x4e1: {  	v11 =	vadd.f32 v11, v14;
	v14 =	vld [tilespmem:$0x1FD10];
	_ =	sdelay $0x2  }
0x4e2: {  	v12 =	vmul.f32 v25, v22;
	_ =	sdelay $0x1  }
0x4e3: {  	v12 =	vadd.f32 v12, v33;
	_ =	sdelay $0x1  }
0x4e4: {  	[tilespmem:v24+s17+$0x0] =	vst.idx.msk $0xffff, v12  }
0x4e5: {  	[tilespmem:v14+s17+$0x0] =	vst.idx.msk $0xffff, v9;
	v14 =	vld [tilespmem:$0x1FD20];
	_ =	sdelay $0x3  }
0x4e6: {  	v19 =	vmul.f32 v36, v42;
	_ =	sdelay $0x1  }
0x4e7: {  	v18 =	vadd.f32 v19, v18;
	_ =	sdelay $0x1  }
0x4e8: {  	[tilespmem:v14+s17+$0x0] =	vst.idx.msk $0xffff, v18;
	v18 =	vld [tilespmem:$0x1FD30];
	_ =	sdelay $0x6  }
0x4e9: {  	v14 =	vmul.f32 v26, v38  }
0x4ea: {  	[tilespmem:v18+s17+$0x0] =	vst.idx.msk $0xffff, v11;
	v18 =	vld [tilespmem:$0x1FD40]  }
0x4eb: {  	v4 =	vadd.f32 v14, v4;
	v14 =	vld [tilespmem:$0x1FD50];
	_ =	sdelay $0x2  }
0x4ec: {  	v19 =	vmul.f32 v36, v22;
	v13 =	vadd.f32 v43, v34  }
0x4ed: {  	v21 =	vmul.f32 v26, v15  }
0x4ee: {  	v13 =	vadd.f32 v19, v13  }
0x4ef: {  	v7 =	vadd.f32 v21, v7  }
0x4f0: {  	[tilespmem:v18+s17+$0x0] =	vst.idx.msk $0xffff, v13;
	v13 =	vmul.f32 v16, v15  }
0x4f1: {  	[tilespmem:v14+s17+$0x0] =	vst.idx.msk $0xffff, v7;
	v14 =	vld [tilespmem:$0x1FD60]  }
0x4f2: {  	v6 =	vadd.f32 v13, v6;
	v13 =	vld [tilespmem:$0x1FD70];
	_ =	sdelay $0x2  }
0x4f3: {  	v9 =	vmul.f32 v26, v42;
	_ =	sdelay $0x1  }
0x4f4: {  	v9 =	vadd.f32 v9, v23;
	_ =	sdelay $0x1  }
0x4f5: {  	[tilespmem:v14+s17+$0x0] =	vst.idx.msk $0xffff, v9;
	v9 =	vmul.f32 v16, v38  }
0x4f6: {  	[tilespmem:v13+s17+$0x0] =	vst.idx.msk $0xffff, v4;
	v13 =	vld [tilespmem:$0x1FD80]  }
0x4f7: {  	v5 =	vadd.f32 v9, v5;
	v9 =	vld [tilespmem:$0x1FD90];
	_ =	sdelay $0x2  }
0x4f8: {  	v11 =	vmul.f32 v26, v22;
	_ =	sdelay $0x1  }
0x4f9: {  	v11 =	vadd.f32 v11, v20;
	_ =	sdelay $0x1  }
0x4fa: {  	[tilespmem:v13+s17+$0x0] =	vst.idx.msk $0xffff, v11  }
0x4fb: {  	[tilespmem:v9+s17+$0x0] =	vst.idx.msk $0xffff, v6;
	v9 =	vld [tilespmem:$0x1FDA0];
	_ =	sdelay $0x3  }
0x4fc: {  	v7 =	vmul.f32 v16, v42;
	_ =	sdelay $0x1  }
0x4fd: {  	v7 =	vadd.f32 v7, v17;
	_ =	sdelay $0x1  }
0x4fe: {  	[tilespmem:v9+s17+$0x0] =	vst.idx.msk $0xffff, v7;
	v9 =	vld [tilespmem:$0x1FDB0];
	_ =	sdelay $0x6  }
0x4ff: {  	v7 =	vmul.f32 v53, v38  }
0x500: {  	[tilespmem:v9+s17+$0x0] =	vst.idx.msk $0xffff, v5;
	v9 =	vld [tilespmem:$0x1FDC0]  }
0x501: {  	v2 =	vadd.f32 v7, v2;
	v7 =	vld [tilespmem:$0x1FDD0];
	_ =	sdelay $0x2  }
0x502: {  	v4 =	vmul.f32 v16, v22  }
0x503: {  	v11 =	vmul.f32 v53, v15  }
0x504: {  	v4 =	vadd.f32 v4, v10  }
0x505: {  	v3 =	vadd.f32 v11, v3;
	v5 =	vmul.f32 v53, v22  }
0x506: {  	[tilespmem:v9+s17+$0x0] =	vst.idx.msk $0xffff, v4  }
0x507: {  	[tilespmem:v7+s17+$0x0] =	vst.idx.msk $0xffff, v3;
	v3 =	vadd.f32 v5, v8;
	v5 =	vld [tilespmem:$0x1FDE0];
	_ =	sdelay $0x3  }
0x508: {  	v12 =	vadd.f32 v44, v30;
	v6 =	vmul.f32 v53, v42;
	_ =	sdelay $0x1  }
0x509: {  	v6 =	vadd.f32 v6, v12;
	_ =	sdelay $0x1  }
0x50a: {  	[tilespmem:v5+s17+$0x0] =	vst.idx.msk $0xffff, v6;
	v5 =	vld [tilespmem:$0x1FDF0];
	_ =	sdelay $0x7  }
0x50b: {  	[tilespmem:v5+s17+$0x0] =	vst.idx.msk $0xffff, v2;
	v2 =	vld [tilespmem:$0x1FE00];
	_ =	sdelay $0x2  }
0x50c: {  	s20 =	simm.s32 $0x0  }
0x50d: {  	v4 =	vmov s20;
	_ =	sdelay $0x3  }
0x50e: {  	s21 =	sand.u32 $0x7000, s20;
	s20 =	sand.u32 $0x380, s20;
	[tilespmem:v2+s17+$0x0] =	vst.idx.msk $0xffff, v3  }
0x50f: {  	s20 =	sor.u32 s20, s21;
	v3 =	vld.idx.msk [tilespmem:v4+s4+$0x0], $0xffff  }
0x510: {  	v5 =	vor.u32 $0xC0, v4;
	v8 =	vld [tilespmem:s20+$0x950]  }
0x511: {  	v10 =	vld [tilespmem:s20+$0x920]  }
0x512: {  	v17 =	vld [tilespmem:s20+$0x900]  }
0x513: {  	v2 =	vor.u32 $0x80, v4;
	v16 =	vld [tilespmem:s20+$0x960]  }
0x514: {  	v14 =	vld [tilespmem:s20+$0x930]  }
0x515: {  	v20 =	vld.idx.msk [tilespmem:v5+s4+$0x0], $0xffff  }
0x516: {  	v23 =	vld [tilespmem:s20+$0x910]  }
0x517: {  	v34 =	vld [tilespmem:s20+$0x970]  }
0x518: {  	v22 =	vld.idx.msk [tilespmem:v2+s4+$0x0], $0xffff;
	v2 =	vor.u32 $0x40, v4;
	v4 =	vmul.f32 v10, v3  }
0x519: {  	s30 =	simm.s32 $0x1;
	v5 =	vmul.f32 v8, v3;
	v6 =	vmul.f32 v17, v3  }
0x51a: {  	v28 =	vmov s30;
	v30 =	vld [tilespmem:s20+$0x940];
	v9 =	vmul.f32 v16, v3;
	v7 =	vmul.f32 v14, v3  }
0x51b: {  	v39 =	vor.u32 $0x80, v28;
	v26 =	vmul.f32 v17, v20;
	v27 =	vmul.f32 v10, v20  }
0x51c: {  	v40 =	vor.u32 $0xC0, v28;
	v18 =	vmul.f32 v23, v3;
	v36 =	vmul.f32 v23, v20  }
0x51d: {  	v21 =	vimm.f32 $0.0e+00;
	v54 =	vmul.f32 v14, v20;
	v55 =	vmul.f32 v34, v20  }
0x51e: {  	v56 =	vmul.f32 v16, v20;
	v58 =	vmul.f32 v8, v20;
	v11 =	vadd.f32 v4, v21  }
0x51f: {  	v43 =	vmul.f32 v30, v20;
	v24 =	vadd.f32 v6, v21;
	v13 =	vadd.f32 v7, v21  }
0x520: {  	v7 =	vadd.f32 v5, v21;
	v6 =	vadd.f32 v9, v21;
	v33 =	vld.idx.msk [tilespmem:v2+s4+$0x0], $0xffff;
	v2 =	vmul.f32 v10, v22  }
0x521: {  	v29 =	vadd.f32 v18, v21;
	v4 =	vmul.f32 v8, v22;
	v15 =	vmul.f32 v16, v22  }
0x522: {  	v35 =	vadd.f32 v26, v21;
	v25 =	vmul.f32 v30, v22;
	v19 =	vmul.f32 v34, v22  }
0x523: {  	v20 =	vadd.f32 v58, v21;
	v31 =	vmul.f32 v23, v22;
	v47 =	vmul.f32 v17, v22  }
0x524: {  	v12 =	vadd.f32 v2, v21;
	v2 =	vmul.f32 v30, v3;
	v4 =	vadd.f32 v4, v21  }
0x525: {  	s21 =	simm.s32 $0x200;
	s20 =	simm.s32 $0x80;
	v3 =	vmul.f32 v34, v3;
	v5 =	vadd.f32 v15, v21;
	v31 =	vadd.f32 v31, v21  }
0x526: {  	s22 =	sand.u32 $0x7000, s21;
	s31 =	sand.u32 $0x380, s20;
	v15 =	vmul.f32 v14, v22;
	v22 =	vld.idx.msk [tilespmem:v40+s4+$0x0], $0xffff;
	v40 =	vadd.f32 v36, v21;
	v9 =	vadd.f32 v2, v21  }
0x527: {  	v42 =	vor.u32 $0x40, v28;
	s23 =	sor.u32 s31, s22;
	v3 =	vadd.f32 v3, v21;
	v2 =	vadd.f32 v19, v21  }
0x528: {  	v37 =	vld [tilespmem:s23+$0x920];
	v19 =	vadd.f32 v15, v21;
	v60 =	vmul.f32 v14, v33;
	v52 =	vmul.f32 v30, v33  }
0x529: {  	v15 =	vld.idx.msk [tilespmem:v28+s4+$0x0], $0xffff;
	v28 =	vadd.f32 v27, v21;
	v10 =	vmul.f32 v10, v33;
	v53 =	vmul.f32 v8, v33  }
0x52a: {  	v45 =	vld [tilespmem:s23+$0x900];
	v14 =	vadd.f32 v25, v21;
	v57 =	vmul.f32 v17, v33;
	v8 =	vadd.f32 v55, v21  }
0x52b: {  	v26 =	vld [tilespmem:s23+$0x950];
	v59 =	vmul.f32 v23, v33;
	v44 =	vmul.f32 v34, v33;
	v18 =	vadd.f32 v52, v21  }
0x52c: {  	v38 =	vld.idx.msk [tilespmem:v39+s4+$0x0], $0xffff;
	v30 =	vimm.f32 $0.0e+00;
	v32 =	vadd.f32 v10, v21;
	v27 =	vadd.f32 v60, v21  }
0x52d: {  	v10 =	vadd.f32 v56, v21;
	v23 =	vadd.f32 v53, v21;
	v60 =	vmul.f32 v16, v33;
	v16 =	vld [tilespmem:s23+$0x960]  }
0x52e: {  	v25 =	vld [tilespmem:s23+$0x930];
	v34 =	vimm.f32 $0.0e+00;
	v41 =	vadd.f32 v57, v21;
	v39 =	vadd.f32 v59, v21  }
0x52f: {  	s22 =	simm.s32 $0x2;
	v36 =	vld [tilespmem:s23+$0x940];
	v33 =	vadd.f32 v54, v21;
	v17 =	vadd.f32 v60, v21;
	v46 =	vmul.f32 v37, v15  }
.LBB2_24:
0x530: {  	p0 =	sne.s32 s22, $0x3F;
	v48 =	vld [tilespmem:s23+$0x910];
	v49 =	vmul.f32 v26, v15;
	s20 =	sadd.s32 $0x80, s20;
	s21 =	sadd.s32 $0x200, s21;
	v21 =	vadd.f32 v47, v21;
	v30 =	vadd.f32 v44, v30;
	v44 =	vmovc v45  }
0x531: {  	v34 =	vadd.f32 v43, v34;
	s24 =	smov.u32 s22;
	s22 =	sadd.s32 $0x1, s22;
	v50 =	vld.idx.msk [tilespmem:v42+s4+$0x0], $0xffff;
	v42 =	vmul.f32 v44, v15;
	v11 =	vadd.f32 v46, v11  }
0x532: {  	v43 =	vmul.f32 v37, v38;
	v47 =	vmov v38;
	v45 =	vmul.f32 v16, v15;
	v46 =	vld [tilespmem:s23+$0x970]  }
0x533: {  	v38 =	vmul.f32 v25, v15;
	v24 =	vadd.f32 v42, v24;
	v42 =	vmul.f32 v26, v47  }
0x534: {  	v51 =	vmul.f32 v44, v22;
	v12 =	vadd.f32 v43, v12;
	v43 =	vmul.f32 v37, v22  }
0x535: {  	v52 =	vmul.f32 v36, v15;
	v4 =	vadd.f32 v42, v4;
	v42 =	vmul.f32 v16, v47  }
0x536: {  	v13 =	vadd.f32 v38, v13;
	v53 =	vmul.f32 v48, v15;
	v54 =	vmul.f32 v48, v22  }
0x537: {  	v7 =	vadd.f32 v49, v7;
	v38 =	vmul.f32 v25, v50;
	v15 =	vmul.f32 v46, v15  }
0x538: {  	v49 =	vmul.f32 v36, v47;
	v6 =	vadd.f32 v45, v6;
	v45 =	vmul.f32 v46, v47  }
0x539: {  	v55 =	vmov s24;
	v9 =	vadd.f32 v52, v9;
	v5 =	vadd.f32 v42, v5  }
0x53a: {  	v52 =	vor.u32 $0x80, v55;
	v42 =	vor.u32 $0x40, v55;
	v3 =	vadd.f32 v15, v3  }
0x53b: {  	v56 =	vor.u32 $0xC0, v55;
	v57 =	vmul.f32 v36, v50;
	v15 =	vmul.f32 v25, v47  }
0x53c: {  	v58 =	vmul.f32 v48, v47;
	v59 =	vmul.f32 v37, v50;
	v2 =	vadd.f32 v45, v2  }
0x53d: {  	s24 =	sand.u32 $0x380, s20;
	s23 =	sand.u32 $0x7000, s21;
	v29 =	vadd.f32 v53, v29;
	v53 =	vmul.f32 v26, v50;
	v19 =	vadd.f32 v15, v19  }
0x53e: {  	s23 =	sor.u32 s24, s23;
	v14 =	vadd.f32 v49, v14;
	v49 =	vmul.f32 v46, v22;
	v15 =	vld.idx.msk [tilespmem:v55+s4+$0x0], $0xffff;
	v55 =	vmul.f32 v25, v22  }
0x53f: {  	v31 =	vadd.f32 v58, v31;
	v18 =	vadd.f32 v57, v18;
	v57 =	vmul.f32 v16, v22;
	v25 =	vld [tilespmem:s23+$0x930]  }
0x540: {  	v35 =	vadd.f32 v51, v35;
	v28 =	vadd.f32 v43, v28;
	v60 =	vmul.f32 v44, v50;
	v58 =	vld [tilespmem:s23+$0x950]  }
0x541: {  	v43 =	vmul.f32 v36, v22;
	v32 =	vadd.f32 v59, v32;
	v27 =	vadd.f32 v38, v27;
	v37 =	vld [tilespmem:s23+$0x920]  }
.Ltmp11:
0x542: {  	v8 =	vadd.f32 v49, v8;
	v10 =	vadd.f32 v57, v10;
	v22 =	vmul.f32 v26, v22;
	v45 =	vld [tilespmem:s23+$0x900];
	(pc) =	sbr.rel @p0 .LBB2_24-.Ltmp11, $4  }
0x543: {  	v48 =	vmul.f32 v48, v50;
	v36 =	vmul.f32 v16, v50;
	v23 =	vadd.f32 v53, v23;
	v38 =	vld.idx.msk [tilespmem:v52+s4+$0x0], $0xffff  }
0x544: {  	v41 =	vadd.f32 v60, v41;
	v47 =	vmul.f32 v44, v47;
	v20 =	vadd.f32 v22, v20;
	v16 =	vld [tilespmem:s23+$0x960]  }
0x545: {  	v39 =	vadd.f32 v48, v39;
	v17 =	vadd.f32 v36, v17;
	v44 =	vmul.f32 v46, v50;
	v22 =	vld.idx.msk [tilespmem:v56+s4+$0x0], $0xffff  }
0x546: {  	v40 =	vadd.f32 v54, v40;
	v33 =	vadd.f32 v55, v33;
	v26 =	vmovc v58;
	v46 =	vmul.f32 v37, v15;
	v36 =	vld [tilespmem:s23+$0x940]  }
0x547: {  	_ =	sdelay $0x3  }
0x548: {  	v42 =	vld.idx.msk [tilespmem:v42+s4+$0x0], $0xffff  }
0x549: {  	v54 =	vld [tilespmem:$0x1FA10]  }
0x54a: {  	v55 =	vld [tilespmem:$0x1FA20]  }
0x54b: {  	v57 =	vld [tilespmem:$0x1FA30]  }
0x54c: {  	v48 =	vld [tilespmem:s23+$0x910]  }
0x54d: {  	v49 =	vmul.f32 v45, v15  }
0x54e: {  	v50 =	vmul.f32 v45, v42  }
0x54f: {  	v21 =	vadd.f32 v47, v21;
	v60 =	vmul.f32 v45, v38;
	v24 =	vadd.f32 v49, v24  }
0x550: {  	v41 =	vadd.f32 v50, v41  }
0x551: {  	v53 =	vld [tilespmem:s23+$0x970];
	v21 =	vadd.f32 v60, v21;
	[tilespmem:v54+s17+$0x0] =	vst.idx.msk $0xffff, v24;
	v24 =	vmul.f32 v48, v15  }
0x552: {  	[tilespmem:v55+s17+$0x0] =	vst.idx.msk $0xffff, v41  }
0x553: {  	[tilespmem:v57+s17+$0x0] =	vst.idx.msk $0xffff, v21;
	v21 =	vadd.f32 v24, v29;
	v29 =	vld [tilespmem:$0x1FA40]  }
0x554: {  	v59 =	vld [tilespmem:$0x1FA50];
	_ =	sdelay $0x2  }
0x555: {  	v52 =	vmul.f32 v45, v22;
	_ =	sdelay $0x1  }
0x556: {  	v35 =	vadd.f32 v52, v35  }
0x557: {  	v24 =	vmul.f32 v48, v38  }
0x558: {  	[tilespmem:v29+s17+$0x0] =	vst.idx.msk $0xffff, v35  }
0x559: {  	[tilespmem:v59+s17+$0x0] =	vst.idx.msk $0xffff, v21;
	v21 =	vadd.f32 v24, v31;
	v24 =	vld [tilespmem:$0x1FA60]  }
0x55a: {  	v31 =	vld [tilespmem:$0x1FA70];
	_ =	sdelay $0x2  }
0x55b: {  	v56 =	vmul.f32 v48, v42;
	_ =	sdelay $0x1  }
0x55c: {  	v29 =	vadd.f32 v56, v39;
	_ =	sdelay $0x1  }
0x55d: {  	[tilespmem:v24+s17+$0x0] =	vst.idx.msk $0xffff, v29  }
0x55e: {  	[tilespmem:v31+s17+$0x0] =	vst.idx.msk $0xffff, v21;
	v31 =	vld [tilespmem:$0x1FA80];
	_ =	sdelay $0x3  }
0x55f: {  	v58 =	vmul.f32 v48, v22;
	_ =	sdelay $0x1  }
0x560: {  	v24 =	vadd.f32 v58, v40;
	_ =	sdelay $0x1  }
0x561: {  	[tilespmem:v31+s17+$0x0] =	vst.idx.msk $0xffff, v24;
	v31 =	vld [tilespmem:$0x1FA90];
	_ =	sdelay $0x5  }
0x562: {  	v11 =	vadd.f32 v46, v11;
	v21 =	vmul.f32 v37, v38;
	_ =	sdelay $0x1  }
0x563: {  	[tilespmem:v31+s17+$0x0] =	vst.idx.msk $0xffff, v11;
	v11 =	vadd.f32 v21, v12;
	v21 =	vld [tilespmem:$0x1FAA0];
	_ =	sdelay $0x3  }
0x564: {  	v29 =	vmul.f32 v37, v42;
	_ =	sdelay $0x1  }
0x565: {  	v24 =	vadd.f32 v29, v32;
	v29 =	vmul.f32 v37, v22;
	_ =	sdelay $0x1  }
0x566: {  	[tilespmem:v21+s17+$0x0] =	vst.idx.msk $0xffff, v24;
	v21 =	vadd.f32 v29, v28;
	v28 =	vld [tilespmem:$0x1FAB0];
	_ =	sdelay $0x5  }
0x567: {  	v12 =	vmul.f32 v25, v15;
	_ =	sdelay $0x1  }
0x568: {  	[tilespmem:v28+s17+$0x0] =	vst.idx.msk $0xffff, v11;
	v11 =	vadd.f32 v12, v13;
	v13 =	vld [tilespmem:$0x1FAC0];
	_ =	sdelay $0x7  }
0x569: {  	[tilespmem:v13+s17+$0x0] =	vst.idx.msk $0xffff, v21;
	v21 =	vld [tilespmem:$0x1FAD0];
	_ =	sdelay $0x5  }
0x56a: {  	v12 =	vmul.f32 v25, v38;
	_ =	sdelay $0x1  }
0x56b: {  	[tilespmem:v21+s17+$0x0] =	vst.idx.msk $0xffff, v11;
	v11 =	vadd.f32 v12, v19;
	v12 =	vld [tilespmem:$0x1FAE0];
	_ =	sdelay $0x3  }
0x56c: {  	v24 =	vmul.f32 v25, v42;
	_ =	sdelay $0x1  }
0x56d: {  	v13 =	vadd.f32 v24, v27;
	_ =	sdelay $0x1  }
0x56e: {  	[tilespmem:v12+s17+$0x0] =	vst.idx.msk $0xffff, v13;
	v13 =	vld [tilespmem:$0x1FAF0];
	_ =	sdelay $0x7  }
0x56f: {  	[tilespmem:v13+s17+$0x0] =	vst.idx.msk $0xffff, v11;
	v11 =	vmul.f32 v36, v15;
	_ =	sdelay $0x1  }
0x570: {  	v9 =	vadd.f32 v11, v9;
	v11 =	vmul.f32 v36, v38  }
0x571: {  	v24 =	vld [tilespmem:$0x1FB00]  }
0x572: {  	v11 =	vadd.f32 v11, v14;
	v14 =	vld [tilespmem:$0x1FB10];
	_ =	sdelay $0x2  }
0x573: {  	v12 =	vmul.f32 v25, v22;
	_ =	sdelay $0x1  }
0x574: {  	v12 =	vadd.f32 v12, v33;
	_ =	sdelay $0x1  }
0x575: {  	[tilespmem:v24+s17+$0x0] =	vst.idx.msk $0xffff, v12  }
0x576: {  	[tilespmem:v14+s17+$0x0] =	vst.idx.msk $0xffff, v9;
	v14 =	vld [tilespmem:$0x1FB20];
	_ =	sdelay $0x3  }
0x577: {  	v19 =	vmul.f32 v36, v42;
	_ =	sdelay $0x1  }
0x578: {  	v18 =	vadd.f32 v19, v18;
	_ =	sdelay $0x1  }
0x579: {  	[tilespmem:v14+s17+$0x0] =	vst.idx.msk $0xffff, v18;
	v18 =	vld [tilespmem:$0x1FB30];
	_ =	sdelay $0x6  }
0x57a: {  	v14 =	vmul.f32 v26, v38  }
0x57b: {  	[tilespmem:v18+s17+$0x0] =	vst.idx.msk $0xffff, v11;
	v18 =	vld [tilespmem:$0x1FB40]  }
0x57c: {  	v4 =	vadd.f32 v14, v4;
	v14 =	vld [tilespmem:$0x1FB50];
	_ =	sdelay $0x2  }
0x57d: {  	v19 =	vmul.f32 v36, v22;
	v13 =	vadd.f32 v43, v34  }
0x57e: {  	v21 =	vmul.f32 v26, v15  }
0x57f: {  	v13 =	vadd.f32 v19, v13  }
0x580: {  	v7 =	vadd.f32 v21, v7  }
0x581: {  	[tilespmem:v18+s17+$0x0] =	vst.idx.msk $0xffff, v13;
	v13 =	vmul.f32 v16, v15  }
0x582: {  	[tilespmem:v14+s17+$0x0] =	vst.idx.msk $0xffff, v7;
	v14 =	vld [tilespmem:$0x1FB60]  }
0x583: {  	v6 =	vadd.f32 v13, v6;
	v13 =	vld [tilespmem:$0x1FB70];
	_ =	sdelay $0x2  }
0x584: {  	v9 =	vmul.f32 v26, v42;
	_ =	sdelay $0x1  }
0x585: {  	v9 =	vadd.f32 v9, v23;
	_ =	sdelay $0x1  }
0x586: {  	[tilespmem:v14+s17+$0x0] =	vst.idx.msk $0xffff, v9;
	v9 =	vmul.f32 v16, v38  }
0x587: {  	[tilespmem:v13+s17+$0x0] =	vst.idx.msk $0xffff, v4;
	v13 =	vld [tilespmem:$0x1FB80]  }
0x588: {  	v5 =	vadd.f32 v9, v5;
	v9 =	vld [tilespmem:$0x1FB90];
	_ =	sdelay $0x2  }
0x589: {  	v11 =	vmul.f32 v26, v22;
	_ =	sdelay $0x1  }
0x58a: {  	v11 =	vadd.f32 v11, v20;
	_ =	sdelay $0x1  }
0x58b: {  	[tilespmem:v13+s17+$0x0] =	vst.idx.msk $0xffff, v11  }
0x58c: {  	[tilespmem:v9+s17+$0x0] =	vst.idx.msk $0xffff, v6;
	v9 =	vld [tilespmem:$0x1FBA0];
	_ =	sdelay $0x3  }
0x58d: {  	v7 =	vmul.f32 v16, v42;
	_ =	sdelay $0x1  }
0x58e: {  	v7 =	vadd.f32 v7, v17;
	_ =	sdelay $0x1  }
0x58f: {  	[tilespmem:v9+s17+$0x0] =	vst.idx.msk $0xffff, v7;
	v9 =	vld [tilespmem:$0x1FBB0];
	_ =	sdelay $0x6  }
0x590: {  	v7 =	vmul.f32 v53, v38  }
0x591: {  	[tilespmem:v9+s17+$0x0] =	vst.idx.msk $0xffff, v5;
	v9 =	vld [tilespmem:$0x1FBC0]  }
0x592: {  	v2 =	vadd.f32 v7, v2;
	v7 =	vld [tilespmem:$0x1FBD0];
	_ =	sdelay $0x2  }
0x593: {  	v4 =	vmul.f32 v16, v22  }
0x594: {  	v11 =	vmul.f32 v53, v15  }
0x595: {  	v4 =	vadd.f32 v4, v10  }
0x596: {  	v3 =	vadd.f32 v11, v3;
	v5 =	vmul.f32 v53, v22  }
0x597: {  	[tilespmem:v9+s17+$0x0] =	vst.idx.msk $0xffff, v4  }
0x598: {  	[tilespmem:v7+s17+$0x0] =	vst.idx.msk $0xffff, v3;
	v3 =	vadd.f32 v5, v8;
	v5 =	vld [tilespmem:$0x1FBE0];
	_ =	sdelay $0x3  }
0x599: {  	v12 =	vadd.f32 v44, v30;
	v6 =	vmul.f32 v53, v42;
	_ =	sdelay $0x1  }
0x59a: {  	v6 =	vadd.f32 v6, v12;
	_ =	sdelay $0x1  }
0x59b: {  	[tilespmem:v5+s17+$0x0] =	vst.idx.msk $0xffff, v6;
	v5 =	vld [tilespmem:$0x1FBF0];
	_ =	sdelay $0x7  }
0x59c: {  	[tilespmem:v5+s17+$0x0] =	vst.idx.msk $0xffff, v2;
	v2 =	vld [tilespmem:$0x1FC00];
	_ =	sdelay $0x2  }
0x59d: {  	s20 =	simm.s32 $0x0  }
0x59e: {  	v4 =	vmov s20;
	_ =	sdelay $0x3  }
0x59f: {  	s21 =	sand.u32 $0x7000, s20;
	s20 =	sand.u32 $0x380, s20;
	[tilespmem:v2+s17+$0x0] =	vst.idx.msk $0xffff, v3  }
0x5a0: {  	s20 =	sor.u32 s20, s21;
	v3 =	vld.idx.msk [tilespmem:v4+s4+$0x0], $0xffff  }
0x5a1: {  	v5 =	vor.u32 $0xC0, v4;
	v8 =	vld [tilespmem:s20+$0xD50]  }
0x5a2: {  	v10 =	vld [tilespmem:s20+$0xD20]  }
0x5a3: {  	v19 =	vld [tilespmem:s20+$0xD00]  }
0x5a4: {  	v2 =	vor.u32 $0x80, v4;
	v16 =	vld [tilespmem:s20+$0xD60]  }
0x5a5: {  	v14 =	vld [tilespmem:s20+$0xD30]  }
0x5a6: {  	v22 =	vld.idx.msk [tilespmem:v5+s4+$0x0], $0xffff  }
0x5a7: {  	s30 =	simm.s32 $0x1;
	v24 =	vld [tilespmem:s20+$0xD10]  }
0x5a8: {  	v29 =	vmov s30;
	v34 =	vld [tilespmem:s20+$0xD70]  }
0x5a9: {  	v21 =	vld.idx.msk [tilespmem:v2+s4+$0x0], $0xffff;
	v2 =	vor.u32 $0x40, v4;
	v4 =	vmul.f32 v10, v3;
	v5 =	vmul.f32 v8, v3  }
0x5aa: {  	v39 =	vor.u32 $0x80, v29;
	v6 =	vmul.f32 v19, v3;
	v9 =	vmul.f32 v16, v3  }
0x5ab: {  	v40 =	vor.u32 $0xC0, v29;
	v23 =	vld [tilespmem:s20+$0xD40];
	v7 =	vmul.f32 v14, v3;
	v27 =	vmul.f32 v19, v22  }
0x5ac: {  	v20 =	vimm.f32 $0.0e+00;
	v28 =	vmul.f32 v10, v22;
	v17 =	vmul.f32 v24, v3  }
0x5ad: {  	v42 =	vor.u32 $0x40, v29;
	v36 =	vmul.f32 v24, v22;
	v54 =	vmul.f32 v14, v22  }
0x5ae: {  	v55 =	vmul.f32 v34, v22;
	v56 =	vmul.f32 v16, v22;
	v11 =	vadd.f32 v4, v20  }
0x5af: {  	v58 =	vmul.f32 v8, v22;
	v25 =	vadd.f32 v6, v20;
	v13 =	vadd.f32 v7, v20  }
0x5b0: {  	v43 =	vmul.f32 v23, v22;
	v7 =	vadd.f32 v5, v20;
	v6 =	vadd.f32 v9, v20  }
0x5b1: {  	v30 =	vadd.f32 v17, v20;
	v35 =	vadd.f32 v27, v20;
	v33 =	vld.idx.msk [tilespmem:v2+s4+$0x0], $0xffff;
	v2 =	vmul.f32 v10, v21  }
0x5b2: {  	v22 =	vld.idx.msk [tilespmem:v40+s4+$0x0], $0xffff;
	v40 =	vadd.f32 v36, v20;
	v4 =	vmul.f32 v8, v21;
	v15 =	vmul.f32 v16, v21  }
0x5b3: {  	v26 =	vmul.f32 v34, v21;
	v31 =	vmul.f32 v24, v21;
	v12 =	vadd.f32 v2, v20  }
0x5b4: {  	v2 =	vmul.f32 v23, v3;
	v4 =	vadd.f32 v4, v20;
	v3 =	vmul.f32 v34, v3  }
0x5b5: {  	v5 =	vadd.f32 v15, v20;
	v15 =	vmul.f32 v14, v21;
	v31 =	vadd.f32 v31, v20  }
0x5b6: {  	s21 =	simm.s32 $0x200;
	s20 =	simm.s32 $0x80;
	v18 =	vmul.f32 v23, v21;
	v9 =	vadd.f32 v2, v20;
	v3 =	vadd.f32 v3, v20  }
0x5b7: {  	s22 =	sand.u32 $0x7000, s21;
	s31 =	sand.u32 $0x380, s20;
	v47 =	vmul.f32 v19, v21;
	v2 =	vadd.f32 v26, v20;
	v17 =	vadd.f32 v15, v20  }
0x5b8: {  	s23 =	sor.u32 s31, s22;
	v15 =	vld.idx.msk [tilespmem:v29+s4+$0x0], $0xffff;
	v29 =	vadd.f32 v28, v20;
	v60 =	vmul.f32 v14, v33;
	v52 =	vmul.f32 v23, v33  }
0x5b9: {  	v37 =	vld [tilespmem:s23+$0xD20];
	v10 =	vmul.f32 v10, v33;
	v53 =	vmul.f32 v8, v33;
	v14 =	vadd.f32 v18, v20  }
0x5ba: {  	v45 =	vld [tilespmem:s23+$0xD00];
	v57 =	vmul.f32 v19, v33;
	v8 =	vadd.f32 v55, v20;
	v23 =	vadd.f32 v58, v20  }
0x5bb: {  	v27 =	vld [tilespmem:s23+$0xD50];
	v44 =	vmul.f32 v34, v33;
	v34 =	vadd.f32 v54, v20;
	v18 =	vadd.f32 v52, v20  }
0x5bc: {  	v38 =	vld.idx.msk [tilespmem:v39+s4+$0x0], $0xffff;
	v59 =	vmul.f32 v24, v33;
	v32 =	vadd.f32 v10, v20;
	v28 =	vadd.f32 v60, v20  }
0x5bd: {  	v10 =	vadd.f32 v56, v20;
	v24 =	vadd.f32 v53, v20;
	v60 =	vmul.f32 v16, v33;
	v16 =	vld [tilespmem:s23+$0xD60]  }
0x5be: {  	v21 =	vimm.f32 $0.0e+00;
	v26 =	vld [tilespmem:s23+$0xD30];
	v41 =	vadd.f32 v57, v20;
	v39 =	vadd.f32 v59, v20  }
0x5bf: {  	s22 =	simm.s32 $0x2;
	v36 =	vld [tilespmem:s23+$0xD40];
	v33 =	vimm.f32 $0.0e+00;
	v19 =	vadd.f32 v60, v20;
	v46 =	vmul.f32 v37, v15  }
.LBB2_26:
0x5c0: {  	p0 =	sne.s32 s22, $0x3F;
	v48 =	vld [tilespmem:s23+$0xD10];
	v49 =	vmul.f32 v27, v15;
	s20 =	sadd.s32 $0x80, s20;
	s21 =	sadd.s32 $0x200, s21;
	v20 =	vadd.f32 v47, v20;
	v21 =	vadd.f32 v44, v21;
	v44 =	vmovc v45  }
0x5c1: {  	v33 =	vadd.f32 v43, v33;
	s24 =	smov.u32 s22;
	s22 =	sadd.s32 $0x1, s22;
	v50 =	vld.idx.msk [tilespmem:v42+s4+$0x0], $0xffff;
	v42 =	vmul.f32 v44, v15;
	v11 =	vadd.f32 v46, v11  }
0x5c2: {  	v43 =	vmul.f32 v37, v38;
	v47 =	vmov v38;
	v45 =	vmul.f32 v16, v15;
	v46 =	vld [tilespmem:s23+$0xD70]  }
0x5c3: {  	v38 =	vmul.f32 v26, v15;
	v25 =	vadd.f32 v42, v25;
	v42 =	vmul.f32 v27, v47  }
0x5c4: {  	v51 =	vmul.f32 v44, v22;
	v12 =	vadd.f32 v43, v12;
	v43 =	vmul.f32 v37, v22  }
0x5c5: {  	v52 =	vmul.f32 v36, v15;
	v4 =	vadd.f32 v42, v4;
	v42 =	vmul.f32 v16, v47  }
0x5c6: {  	v13 =	vadd.f32 v38, v13;
	v53 =	vmul.f32 v48, v15;
	v54 =	vmul.f32 v48, v22  }
0x5c7: {  	v7 =	vadd.f32 v49, v7;
	v38 =	vmul.f32 v26, v50;
	v15 =	vmul.f32 v46, v15  }
0x5c8: {  	v49 =	vmul.f32 v36, v47;
	v6 =	vadd.f32 v45, v6;
	v45 =	vmul.f32 v46, v47  }
0x5c9: {  	v55 =	vmov s24;
	v9 =	vadd.f32 v52, v9;
	v5 =	vadd.f32 v42, v5  }
0x5ca: {  	v52 =	vor.u32 $0x80, v55;
	v42 =	vor.u32 $0x40, v55;
	v3 =	vadd.f32 v15, v3  }
0x5cb: {  	v56 =	vor.u32 $0xC0, v55;
	v57 =	vmul.f32 v36, v50;
	v15 =	vmul.f32 v26, v47  }
0x5cc: {  	v58 =	vmul.f32 v48, v47;
	v59 =	vmul.f32 v37, v50;
	v2 =	vadd.f32 v45, v2  }
0x5cd: {  	s24 =	sand.u32 $0x380, s20;
	s23 =	sand.u32 $0x7000, s21;
	v30 =	vadd.f32 v53, v30;
	v53 =	vmul.f32 v27, v50;
	v17 =	vadd.f32 v15, v17  }
0x5ce: {  	s23 =	sor.u32 s24, s23;
	v14 =	vadd.f32 v49, v14;
	v49 =	vmul.f32 v46, v22;
	v15 =	vld.idx.msk [tilespmem:v55+s4+$0x0], $0xffff;
	v55 =	vmul.f32 v26, v22  }
0x5cf: {  	v31 =	vadd.f32 v58, v31;
	v18 =	vadd.f32 v57, v18;
	v57 =	vmul.f32 v16, v22;
	v26 =	vld [tilespmem:s23+$0xD30]  }
0x5d0: {  	v35 =	vadd.f32 v51, v35;
	v29 =	vadd.f32 v43, v29;
	v60 =	vmul.f32 v44, v50;
	v58 =	vld [tilespmem:s23+$0xD50]  }
0x5d1: {  	v43 =	vmul.f32 v36, v22;
	v32 =	vadd.f32 v59, v32;
	v28 =	vadd.f32 v38, v28;
	v37 =	vld [tilespmem:s23+$0xD20]  }
.Ltmp12:
0x5d2: {  	v8 =	vadd.f32 v49, v8;
	v10 =	vadd.f32 v57, v10;
	v22 =	vmul.f32 v27, v22;
	v45 =	vld [tilespmem:s23+$0xD00];
	(pc) =	sbr.rel @p0 .LBB2_26-.Ltmp12, $4  }
0x5d3: {  	v48 =	vmul.f32 v48, v50;
	v36 =	vmul.f32 v16, v50;
	v24 =	vadd.f32 v53, v24;
	v38 =	vld.idx.msk [tilespmem:v52+s4+$0x0], $0xffff  }
0x5d4: {  	v41 =	vadd.f32 v60, v41;
	v47 =	vmul.f32 v44, v47;
	v23 =	vadd.f32 v22, v23;
	v16 =	vld [tilespmem:s23+$0xD60]  }
0x5d5: {  	v39 =	vadd.f32 v48, v39;
	v19 =	vadd.f32 v36, v19;
	v44 =	vmul.f32 v46, v50;
	v22 =	vld.idx.msk [tilespmem:v56+s4+$0x0], $0xffff  }
0x5d6: {  	v40 =	vadd.f32 v54, v40;
	v34 =	vadd.f32 v55, v34;
	v27 =	vmovc v58;
	v46 =	vmul.f32 v37, v15;
	v36 =	vld [tilespmem:s23+$0xD40]  }
0x5d7: {  	_ =	sdelay $0x3  }
0x5d8: {  	v42 =	vld.idx.msk [tilespmem:v42+s4+$0x0], $0xffff  }
0x5d9: {  	v48 =	vld [tilespmem:s23+$0xD10]  }
0x5da: {  	v52 =	vld [tilespmem:$0x1F850]  }
0x5db: {  	v54 =	vld [tilespmem:$0x1F860]  }
0x5dc: {  	v20 =	vadd.f32 v47, v20;
	v56 =	vld [tilespmem:$0x1F870];
	v59 =	vmul.f32 v45, v38  }
0x5dd: {  	v49 =	vmul.f32 v45, v15;
	v47 =	vld [tilespmem:$0x1F890]  }
0x5de: {  	v20 =	vadd.f32 v59, v20;
	v59 =	vld [tilespmem:$0x1F880];
	v50 =	vmul.f32 v45, v42  }
0x5df: {  	v25 =	vadd.f32 v49, v25;
	v49 =	vld [tilespmem:s23+$0xD70];
	v60 =	vmul.f32 v45, v22;
	v53 =	vmul.f32 v48, v15  }
0x5e0: {  	v55 =	vmul.f32 v48, v42;
	v41 =	vadd.f32 v50, v41;
	v50 =	vld [tilespmem:$0x1F8A0]  }
0x5e1: {  	v35 =	vadd.f32 v60, v35;
	v58 =	vmul.f32 v48, v38;
	v57 =	vadd.f32 v53, v30;
	v53 =	vld [tilespmem:$0x1F8B0]  }
0x5e2: {  	v60 =	vadd.f32 v55, v39;
	v55 =	vld [tilespmem:$0x1F8C0];
	[tilespmem:v52+s17+$0x0] =	vst.idx.msk $0xffff, v25;
	v52 =	vmul.f32 v37, v42  }
0x5e3: {  	v45 =	vmul.f32 v48, v22;
	v48 =	vadd.f32 v58, v31;
	v58 =	vld [tilespmem:$0x1F8D0];
	[tilespmem:v54+s17+$0x0] =	vst.idx.msk $0xffff, v41  }
0x5e4: {  	[tilespmem:v56+s17+$0x0] =	vst.idx.msk $0xffff, v20;
	v56 =	vadd.f32 v52, v32;
	v32 =	vld [tilespmem:$0x1F8E0];
	_ =	sdelay $0x1  }
0x5e5: {  	[tilespmem:v59+s17+$0x0] =	vst.idx.msk $0xffff, v35  }
0x5e6: {  	v39 =	vld [tilespmem:$0x1F8F0];
	[tilespmem:v47+s17+$0x0] =	vst.idx.msk $0xffff, v57  }
0x5e7: {  	v51 =	vadd.f32 v45, v40;
	v45 =	vld [tilespmem:$0x1F900];
	[tilespmem:v50+s17+$0x0] =	vst.idx.msk $0xffff, v60  }
0x5e8: {  	v11 =	vadd.f32 v46, v11;
	v54 =	vmul.f32 v37, v38;
	[tilespmem:v53+s17+$0x0] =	vst.idx.msk $0xffff, v48;
	v48 =	vld [tilespmem:$0x1F910]  }
0x5e9: {  	[tilespmem:v55+s17+$0x0] =	vst.idx.msk $0xffff, v51;
	v51 =	vld [tilespmem:$0x1F920]  }
0x5ea: {  	v59 =	vadd.f32 v54, v12;
	v54 =	vld [tilespmem:$0x1F930];
	v60 =	vmul.f32 v26, v15;
	[tilespmem:v58+s17+$0x0] =	vst.idx.msk $0xffff, v11  }
0x5eb: {  	v57 =	vmul.f32 v37, v22;
	v37 =	vmul.f32 v26, v42;
	[tilespmem:v32+s17+$0x0] =	vst.idx.msk $0xffff, v56;
	v56 =	vld [tilespmem:$0x1F940]  }
0x5ec: {  	v41 =	vmul.f32 v26, v38;
	v40 =	vadd.f32 v60, v13;
	v60 =	vld [tilespmem:$0x1F950]  }
0x5ed: {  	v47 =	vmul.f32 v26, v22;
	v35 =	vadd.f32 v57, v29;
	v46 =	vadd.f32 v37, v28;
	v28 =	vld [tilespmem:$0x1F960]  }
0x5ee: {  	v31 =	vld [tilespmem:$0x1F970];
	v57 =	vmul.f32 v36, v38;
	v50 =	vadd.f32 v41, v17;
	[tilespmem:v39+s17+$0x0] =	vst.idx.msk $0xffff, v59  }
0x5ef: {  	v53 =	vmul.f32 v36, v15;
	v58 =	vadd.f32 v43, v33;
	v33 =	vld [tilespmem:$0x1F980];
	[tilespmem:v45+s17+$0x0] =	vst.idx.msk $0xffff, v35  }
0x5f0: {  	v55 =	vmul.f32 v36, v42;
	v59 =	vmul.f32 v36, v22;
	v36 =	vld [tilespmem:$0x1F990];
	[tilespmem:v48+s17+$0x0] =	vst.idx.msk $0xffff, v40  }
0x5f1: {  	v52 =	vadd.f32 v47, v34;
	v39 =	vld [tilespmem:$0x1F9A0];
	[tilespmem:v51+s17+$0x0] =	vst.idx.msk $0xffff, v46  }
0x5f2: {  	v9 =	vadd.f32 v53, v9;
	v43 =	vld [tilespmem:$0x1F9B0];
	[tilespmem:v54+s17+$0x0] =	vst.idx.msk $0xffff, v50  }
0x5f3: {  	v30 =	vmul.f32 v27, v42;
	v11 =	vadd.f32 v55, v18;
	v46 =	vld [tilespmem:$0x1F9C0];
	[tilespmem:v56+s17+$0x0] =	vst.idx.msk $0xffff, v52  }
0x5f4: {  	v26 =	vmul.f32 v27, v15;
	v25 =	vadd.f32 v57, v14;
	v50 =	vld [tilespmem:$0x1F9D0];
	[tilespmem:v60+s17+$0x0] =	vst.idx.msk $0xffff, v9  }
0x5f5: {  	v34 =	vadd.f32 v30, v24;
	v29 =	vadd.f32 v59, v58;
	v52 =	vld [tilespmem:$0x1F9E0];
	[tilespmem:v28+s17+$0x0] =	vst.idx.msk $0xffff, v11  }
0x5f6: {  	v7 =	vadd.f32 v26, v7;
	v32 =	vmul.f32 v27, v38;
	v56 =	vld [tilespmem:$0x1F9F0];
	[tilespmem:v31+s17+$0x0] =	vst.idx.msk $0xffff, v25  }
0x5f7: {  	v41 =	vmul.f32 v16, v42;
	v35 =	vmul.f32 v27, v22;
	v58 =	vld [tilespmem:$0x1FA00];
	[tilespmem:v33+s17+$0x0] =	vst.idx.msk $0xffff, v29  }
0x5f8: {  	v37 =	vmul.f32 v16, v15;
	v4 =	vadd.f32 v32, v4;
	[tilespmem:v36+s17+$0x0] =	vst.idx.msk $0xffff, v7  }
0x5f9: {  	v47 =	vadd.f32 v41, v19;
	v40 =	vadd.f32 v35, v23;
	[tilespmem:v39+s17+$0x0] =	vst.idx.msk $0xffff, v34  }
0x5fa: {  	v45 =	vadd.f32 v37, v6;
	v48 =	vmul.f32 v16, v38;
	[tilespmem:v43+s17+$0x0] =	vst.idx.msk $0xffff, v4  }
0x5fb: {  	v53 =	vmul.f32 v49, v15;
	v51 =	vmul.f32 v16, v22;
	[tilespmem:v46+s17+$0x0] =	vst.idx.msk $0xffff, v40  }
0x5fc: {  	v55 =	vmul.f32 v49, v42;
	v5 =	vadd.f32 v48, v5;
	[tilespmem:v50+s17+$0x0] =	vst.idx.msk $0xffff, v45  }
0x5fd: {  	v54 =	vadd.f32 v44, v21;
	v4 =	vadd.f32 v51, v10;
	[tilespmem:v52+s17+$0x0] =	vst.idx.msk $0xffff, v47  }
0x5fe: {  	v57 =	vmul.f32 v49, v38;
	v3 =	vadd.f32 v53, v3;
	[tilespmem:v56+s17+$0x0] =	vst.idx.msk $0xffff, v5  }
0x5ff: {  	v59 =	vmul.f32 v49, v22;
	v60 =	vadd.f32 v55, v54;
	[tilespmem:v58+s17+$0x0] =	vst.idx.msk $0xffff, v4  }
0x600: {  	v2 =	vadd.f32 v57, v2;
	[tilespmem:v61+s17+$0x0] =	vst.idx.msk $0xffff, v3  }
0x601: {  	s19 =	sadd.s32 $0x1, s19;
	v3 =	vadd.f32 v59, v8;
	[tilespmem:v62+s17+$0x0] =	vst.idx.msk $0xffff, v60  }
0x602: {  	p0 =	sne.s32 s19, s10;
	[tilespmem:v63+s17+$0x0] =	vst.idx.msk $0xffff, v2  }
.Ltmp13:
0x603: {  	[tilespmem:v1+s17+$0x0] =	vst.idx.msk $0xffff, v3;
	(pc) =	sbr.rel @p0 .LBB2_1-.Ltmp13, $4  }
0x604: {  	[hbm4b:s9+s4] =	stream.linear.scatter [tilespmem:s17], [sflag:$0x3], $0x1000, $0x38;
	[tilespmem:$0x11100] =	vst v63  }
0x605: {  	_ =	swait.ge [sflag:s11], $0x1000  }
0x606: {  	[sflag:s11] =	ssyncset.done $0x0  }
0x607: {  	[sflag:s11] =	ssyncadd.s32 $0xFFFFF000  }
0x608: {  	_ =	sfence.sel $0x180000  }
0x609: {  	[bflag:$0x0] =	sbarrier.arrive $0xFFFF  }
0x60a: {  	p0 =	sne.s32 s0, $0x0;
	_ =	strace $0x90000047  }
0x60b: {  	s0 =	sadd.s32 @!p0 $0x100000, s2;
	[bflag:$0x2] =	sbarrier.arrive $0xFFFF  }
0x60c: {  	[sflag:s0] =	ssyncadd.tile.s32 @!p0 $0x1;
	_ =	shalt  }
.Lfunc_end2:
_tile_overlayer_lowered:
.L_overlay_start_2:
0x60d: {  	(tag) =	ssettag $0x2  }
0x60e: {  	s0 =	rddreg [dreg:$0x0];
	s2 =	stileid.u32  }
0x60f: {  	s1 =	rddreg [dreg:$0x1];
	p0 =	sne.s32 s2, $0x0  }
0x610: {  	s3 =	rddreg [dreg:$0x2];
	[bflag:$0x3] =	sbarrier.arrive $0xFFFF;
	s2 =	simm.s32 @!p0 $0x1C03  }
0x611: {  	[timem:s3], [sflag:s2] =	dma.local @!p0 [hbm:s0], s1  }
0x612: {  	s0 =	simm.s32 @!p0 $0x3  }
0x613: {  	_ =	swait.ge @!p0 [sflag:s0], s1  }
0x614: {  	s1 =	ssub.s32 @!p0 $0x0, s1;
	[sflag:s0] =	ssyncset.done @!p0 $0x0  }
0x615: {  	[sflag:s0] =	ssyncadd.s32 @!p0 s1  }
0x616: {  	[bflag:$0x3] =	sbarrier.arrive $0xFFFF  }
0x617: {  	_ =	shalt  }

</sc_bundles>
